<compile_context>
chip_gen: v7x
topology: tpu7x:2x2x1
jax: 0.10.2.dev20260603
libtpu: 0.0.44.dev20260713+nightly
codegen_flags: <defaults>
</compile_context>

<pallas_src>
import functools

import jax
import jax.numpy as jnp
from jax import lax
from jax.experimental import pallas as pl
from jax.experimental.pallas import tpu as pltpu
from jax.experimental.pallas import tpu_sc as plsc

N = 10000
D = 128
E = 320000

NC = 2
NS = 16
NW = NC * NS
CPT = D // NW
ROWS_PAD = 10240
L = 6400
NCHK = E // L
NPAIR = NCHK // 2


@functools.cache
def _build_sc_agg():
    mesh = plsc.VectorSubcoreMesh(
        core_axis_name="c", subcore_axis_name="s",
        num_cores=NC, num_subcores=NS)

    @functools.partial(
        pl.kernel,
        out_type=jax.ShapeDtypeStruct((NW, CPT, ROWS_PAD), jnp.float32),
        mesh=mesh,
        scratch_types=[
            pltpu.VMEM((CPT * ROWS_PAD,), jnp.float32),
            pltpu.VMEM((CPT * ROWS_PAD,), jnp.float32),
            pltpu.VMEM((2, L), jnp.int32),
            pltpu.VMEM((2, L), jnp.int32),
            [pltpu.SemaphoreType.DMA] * 2,
            [pltpu.SemaphoreType.DMA] * 2,
        ],
        compiler_params=pltpu.CompilerParams(needs_layout_passes=False),
    )
    def sc_agg(ht_hbm, src_hbm, dst_hbm, zeros_hbm, out_hbm,
               h_v, agg_v, sv, dv, sems_s, sems_d):
        c = lax.axis_index("c")
        s = lax.axis_index("s")
        w = c * NS + s

        for j in range(CPT):
            pltpu.sync_copy(ht_hbm.at[w, j],
                            h_v.at[pl.ds(j * ROWS_PAD, ROWS_PAD)])
        pltpu.sync_copy(zeros_hbm, agg_v)

        def pair(p, carry):
            descs = []
            for b in range(2):
                ch = p * 2 + b
                descs.append(pltpu.async_copy(
                    src_hbm.at[pl.ds(ch * L, L)], sv.at[b], sems_s[b]))
                descs.append(pltpu.async_copy(
                    dst_hbm.at[pl.ds(ch * L, L)], dv.at[b], sems_d[b]))
            for b in range(2):
                descs[2 * b].wait()
                descs[2 * b + 1].wait()

                @plsc.parallel_loop(0, L // 64, unroll=4)
                def _group(g):
                    for u in range(4):
                        k = (g * 4 + u) * 16
                        srcg = sv[b, pl.ds(k, 16)]
                        dstg = dv[b, pl.ds(k, 16)]
                        for j in range(CPT):
                            off = jnp.int32(j * ROWS_PAD)
                            v = plsc.load_gather(h_v, [srcg + off])
                            plsc.addupdate_scatter(agg_v, [dstg + off], v)
            return carry

        lax.fori_loop(0, NPAIR, pair, 0)

        for j in range(CPT):
            pltpu.sync_copy(agg_v.at[pl.ds(j * ROWS_PAD, ROWS_PAD)],
                            out_hbm.at[w, j])

    return sc_agg


def _sc_agg(ht, src, dst, zeros):
    return _build_sc_agg()(ht, src, dst, zeros)


BRT = 1024
NB = ROWS_PAD // BRT


def _colmask(k, x):
    col = lax.broadcasted_iota(jnp.int32, (D, BRT), 1)
    return jnp.where(col < N - k * BRT, x, 0.0)


def _layer_body(eps_ref, ht_ref, at_ref, wt_ref, b_ref,
                gi_ref, bi_ref, go_ref, bo_ref, out_ref,
                y_s, r_s, s1_s, s2_s, sc_s, sh_s):
    i = pl.program_id(0)
    k = pl.program_id(1)
    cols = pl.ds(k * BRT, BRT)

    def finalize(g_ref, be_ref):
        mu = s1_s[:, 0:1] / N
        var = s2_s[:, 0:1] / N - mu * mu
        scv = g_ref[:, 0:1] * lax.rsqrt(var + 1e-5)
        sc_s[...] = jnp.broadcast_to(scv, (D, 128))
        sh_s[...] = jnp.broadcast_to(be_ref[:, 0:1] - mu * scv, (D, 128))
        s1_s[...] = jnp.zeros_like(s1_s)
        s2_s[...] = jnp.zeros_like(s2_s)

    def accum(v):
        s1_s[...] += jnp.broadcast_to(
            jnp.sum(v, axis=1, keepdims=True), (D, 128))
        s2_s[...] += jnp.broadcast_to(
            jnp.sum(v * v, axis=1, keepdims=True), (D, 128))

    @pl.when(i == 0)
    def _():
        @pl.when(k == 0)
        def _():
            s1_s[...] = jnp.zeros_like(s1_s)
            s2_s[...] = jnp.zeros_like(s2_s)

        t = ht_ref[...] * eps_ref[0, 0] + at_ref[...]
        y = jnp.dot(wt_ref[...], t, preferred_element_type=jnp.float32)
        y = y + b_ref[:, 0:1]
        y_s[:, cols] = y
        accum(_colmask(k, y))

    @pl.when(i == 1)
    def _():
        @pl.when(k == 0)
        def _():
            finalize(gi_ref, bi_ref)

        r = jnp.maximum(y_s[:, cols] * sc_s[:, 0:1] + sh_s[:, 0:1], 0.0)
        r = _colmask(k, r)
        r_s[:, cols] = r
        accum(r)

    @pl.when(i == 2)
    def _():
        @pl.when(k == 0)
        def _():
            finalize(go_ref, bo_ref)

        r2 = jnp.maximum(r_s[:, cols] * sc_s[:, 0:1] + sh_s[:, 0:1], 0.0)
        out_ref[...] = _colmask(k, r2)


_col_spec = pl.BlockSpec((D, BRT), lambda i, k: (0, k))
_par_spec = pl.BlockSpec((D, 128), lambda i, k: (0, 0))

_layer_call = pl.pallas_call(
    _layer_body,
    grid=(3, NB),
    in_specs=[
        pl.BlockSpec(memory_space=pltpu.SMEM),
        _col_spec,
        _col_spec,
        pl.BlockSpec((D, D), lambda i, k: (0, 0)),
        _par_spec, _par_spec, _par_spec, _par_spec, _par_spec,
    ],
    out_specs=_col_spec,
    out_shape=jax.ShapeDtypeStruct((D, ROWS_PAD), jnp.float32),
    scratch_shapes=[
        pltpu.VMEM((D, ROWS_PAD), jnp.float32),
        pltpu.VMEM((D, ROWS_PAD), jnp.float32),
        pltpu.VMEM((D, 128), jnp.float32),
        pltpu.VMEM((D, 128), jnp.float32),
        pltpu.VMEM((D, 128), jnp.float32),
        pltpu.VMEM((D, 128), jnp.float32),
    ],
)


def _bcastD(v):
    return jnp.broadcast_to(v[:, None], (D, 128))


def _layer(ht, aggt, W, b, eps, gi, bi, go, bo):
    epsb = jnp.reshape(1.0 + eps, (1, 1))
    return _layer_call(epsb, ht, aggt, W.T, _bcastD(b),
                       _bcastD(gi), _bcastD(bi), _bcastD(go), _bcastD(bo))


def kernel(x, edge_index, W0, b0, W1, b1, eps0, eps1,
           g_in0, b_in0, g_out0, b_out0, g_in1, b_in1, g_out1, b_out1):
    src = edge_index[0].astype(jnp.int32)
    dst = edge_index[1].astype(jnp.int32)
    zeros = jnp.zeros((CPT * ROWS_PAD,), jnp.float32)

    xt = jnp.pad(x.T, ((0, 0), (0, ROWS_PAD - N)))
    agg0 = _sc_agg(xt.reshape(NW, CPT, ROWS_PAD), src, dst, zeros)
    h1t = _layer(xt, agg0.reshape(D, ROWS_PAD), W0, b0, eps0,
                 g_in0, b_in0, g_out0, b_out0)
    agg1 = _sc_agg(h1t.reshape(NW, CPT, ROWS_PAD), src, dst, zeros)
    h2t = _layer(h1t, agg1.reshape(D, ROWS_PAD), W1, b1, eps1,
                 g_in1, b_in1, g_out1, b_out1)
    return jnp.concatenate([h1t[:, :N].T, h2t[:, :N].T], axis=1)

# --- scband reference (transcript-rebuilt; emitter-appended) ---
"""Pipeline reference for scband-gin-5995774345340 (READ-ONLY COPY).

The authoritative reference and input builder live on the scoring server;
editing this copy changes nothing except your own understanding.
"""

import jax, jax.numpy as jnp
import numpy as np

N = 10000
D = 128
E = 320000

def _bn(h, gamma, beta):
    mu = jnp.mean(h, axis=0)
    var = jnp.var(h, axis=0)
    return gamma * (h - mu) / jnp.sqrt(var + 1e-5) + beta

def setup_inputs(seed: int = 0) -> dict:
    key = jax.random.key(seed)
    ks = jax.random.split(key, 6)
    x = jax.random.normal(ks[0], (N, D), dtype=jnp.float32)
    edge_index = jax.random.randint(ks[1], (2, E), 0, N)
    s = 1.0 / np.sqrt(D)
    W0 = jax.random.normal(ks[2], (D, D), dtype=jnp.float32) * s
    b0 = jnp.zeros((D,), dtype=jnp.float32)
    W1 = jax.random.normal(ks[3], (D, D), dtype=jnp.float32) * s
    b1 = jnp.zeros((D,), dtype=jnp.float32)
    eps0 = jnp.zeros((), dtype=jnp.float32)
    eps1 = jnp.zeros((), dtype=jnp.float32)
    g_in0 = jnp.ones((D,), dtype=jnp.float32); b_in0 = jnp.zeros((D,), dtype=jnp.float32)
    g_out0 = jnp.ones((D,), dtype=jnp.float32); b_out0 = jnp.zeros((D,), dtype=jnp.float32)
    g_in1 = jnp.ones((D,), dtype=jnp.float32); b_in1 = jnp.zeros((D,), dtype=jnp.float32)
    g_out1 = jnp.ones((D,), dtype=jnp.float32); b_out1 = jnp.zeros((D,), dtype=jnp.float32)
    return {"x": x, "edge_index": edge_index, "W0": W0, "b0": b0, "W1": W1, "b1": b1,
            "eps0": eps0, "eps1": eps1,
            "g_in0": g_in0, "b_in0": b_in0, "g_out0": g_out0, "b_out0": b_out0,
            "g_in1": g_in1, "b_in1": b_in1, "g_out1": g_out1, "b_out1": b_out1}

def reference(x, edge_index, W0, b0, W1, b1, eps0, eps1,
              g_in0, b_in0, g_out0, b_out0, g_in1, b_in1, g_out1, b_out1):
    # GIN with n_layers=3 -> 2 GINConv layers; num_mlp_layers=1 -> MLP is a single Linear.
    # GINConv (DGL, sum aggregator, learn_eps): rst = (1+eps)*h + sum_{j in N(i)} h_j
    # then ApplyNodeFunc: Linear -> BN -> ReLU; then outer BN -> ReLU.
    src = edge_index[0]
    dst = edge_index[1]
    h = x  # input dropout p=0.0 -> identity
    reps = []
    layers = [(W0, b0, eps0, g_in0, b_in0, g_out0, b_out0),
              (W1, b1, eps1, g_in1, b_in1, g_out1, b_out1)]
    for (W, b, eps, gi, bi, go, bo) in layers:
        agg = jnp.zeros_like(h).at[dst].add(h[src])
        h2 = (1.0 + eps) * h + agg
        h2 = h2 @ W + b
        h2 = jax.nn.relu(_bn(h2, gi, bi))   # ApplyNodeFunc BN + ReLU
        h2 = jax.nn.relu(_bn(h2, go, bo))   # outer BatchNorm + ReLU
        h = h2
        reps.append(h)
    return jnp.concatenate(reps, axis=1)

if __name__ == "__main__":
    import jax
    _d = setup_inputs()
    print(jax.jit(kernel)(*tuple(_d.values())))

</pallas_src>

<mosaic_0001>
#map = affine_map<(d0, d1) -> (0, 0, 0)>
#map1 = affine_map<(d0, d1) -> (0)>
module attributes {stable_mosaic.version = 14 : i64} {
  func.func @sc_agg(%arg0: i32, %arg1: i32, %arg2: memref<32x4x10240xf32, #tpu.memory_space<hbm>>, %arg3: memref<320000xi32, #tpu.memory_space<hbm>>, %arg4: memref<320000xi32, #tpu.memory_space<hbm>>, %arg5: memref<40960xf32, #tpu.memory_space<hbm>>, %arg6: memref<32x4x10240xf32, #tpu.memory_space<hbm>>, %arg7: memref<40960xf32, #tpu.memory_space<vmem>>, %arg8: memref<40960xf32, #tpu.memory_space<vmem>>, %arg9: memref<2x6400xi32, #tpu.memory_space<vmem>>, %arg10: memref<2x6400xi32, #tpu.memory_space<vmem>>, %arg11: memref<!tpu.dma_semaphore, #tpu.memory_space<semaphore_mem>>, %arg12: memref<!tpu.dma_semaphore, #tpu.memory_space<semaphore_mem>>, %arg13: memref<!tpu.dma_semaphore, #tpu.memory_space<semaphore_mem>>, %arg14: memref<!tpu.dma_semaphore, #tpu.memory_space<semaphore_mem>>) attributes {dimension_semantics = [#tpu.dimension_semantics<core_parallel>, #tpu.dimension_semantics<subcore_parallel>], iteration_bounds = array<i64: 2, 16>, scalar_prefetch = 0 : i64, scratch_operands = 8 : i64, tpu.core_type = #tpu.core_type<sc_vector_subcore>, window_params = [{transform_indices = #map}, {transform_indices = #map1}, {transform_indices = #map1}, {transform_indices = #map1}, {transform_indices = #map}]} {
    %mul3A = arith.constant 16 : i32
    %mul3A_0 = arith.muli %arg0, %mul3A : i32
    %add3A = arith.addi %mul3A_0, %arg1 : i32
    %run_scoped3A = arith.constant 0 : i32
    "tpu.region"() ({
      %run_scoped3A_13 = tpu.sem_alloc : memref<!tpu.dma_semaphore, #tpu.memory_space<semaphore_mem>>
      %dma_start3A = arith.constant 0 : i32
      %dma_start3A_14 = tpu.memref_slice %arg7[%dma_start3A] : memref<40960xf32, #tpu.memory_space<vmem>> -> memref<10240xf32, #tpu.memory_space<vmem>>
      %dma_start3A_15 = arith.constant 0 : i32
      %dma_start3A_16 = tpu.memref_slice %arg2[%add3A, %run_scoped3A, %dma_start3A_15] : memref<32x4x10240xf32, #tpu.memory_space<hbm>> -> memref<1x1x10240xf32, #tpu.memory_space<hbm>>
      %dma_start3A_17 = tpu.memref_squeeze %dma_start3A_16 : memref<1x1x10240xf32, #tpu.memory_space<hbm>> -> memref<10240xf32, #tpu.memory_space<hbm>>
      %dma_start3A_18 = arith.constant 0 : i32
      %dma_start3A_19 = tpu.memref_slice %arg7[%dma_start3A_18] : memref<40960xf32, #tpu.memory_space<vmem>> -> memref<10240xf32, #tpu.memory_space<vmem>>
      %dma_start3A_20 = arith.constant 0 : i32
      %dma_start3A_21 = tpu.memref_slice %arg2[%add3A, %run_scoped3A, %dma_start3A_20] : memref<32x4x10240xf32, #tpu.memory_space<hbm>> -> memref<1x1x10240xf32, #tpu.memory_space<hbm>>
      %dma_start3A_22 = tpu.memref_squeeze %dma_start3A_21 : memref<1x1x10240xf32, #tpu.memory_space<hbm>> -> memref<10240xf32, #tpu.memory_space<hbm>>
      tpu.enqueue_dma source(%dma_start3A_22 : memref<10240xf32, #tpu.memory_space<hbm>>) target(%dma_start3A_19 : memref<10240xf32, #tpu.memory_space<vmem>>) target_semaphore(%run_scoped3A_13 : memref<!tpu.dma_semaphore, #tpu.memory_space<semaphore_mem>>)
      %dma_wait3A = arith.constant 0 : i32
      %dma_wait3A_23 = tpu.memref_slice %arg7[%dma_wait3A] : memref<40960xf32, #tpu.memory_space<vmem>> -> memref<10240xf32, #tpu.memory_space<vmem>>
      %dma_wait3A_24 = arith.constant 0 : i32
      %dma_wait3A_25 = tpu.memref_slice %arg2[%add3A, %run_scoped3A, %dma_wait3A_24] : memref<32x4x10240xf32, #tpu.memory_space<hbm>> -> memref<1x1x10240xf32, #tpu.memory_space<hbm>>
      %dma_wait3A_26 = tpu.memref_squeeze %dma_wait3A_25 : memref<1x1x10240xf32, #tpu.memory_space<hbm>> -> memref<10240xf32, #tpu.memory_space<hbm>>
      %dma_wait3A_27 = arith.constant 0 : i32
      %dma_wait3A_28 = tpu.memref_slice %arg7[%dma_wait3A_27] : memref<40960xf32, #tpu.memory_space<vmem>> -> memref<10240xf32, #tpu.memory_space<vmem>>
      %dma_wait3A_29 = arith.constant 0 : i32
      %dma_wait3A_30 = tpu.memref_slice %arg2[%add3A, %run_scoped3A, %dma_wait3A_29] : memref<32x4x10240xf32, #tpu.memory_space<hbm>> -> memref<1x1x10240xf32, #tpu.memory_space<hbm>>
      %dma_wait3A_31 = tpu.memref_squeeze %dma_wait3A_30 : memref<1x1x10240xf32, #tpu.memory_space<hbm>> -> memref<10240xf32, #tpu.memory_space<hbm>>
      tpu.wait_dma2 semaphore(%run_scoped3A_13 : memref<!tpu.dma_semaphore, #tpu.memory_space<semaphore_mem>>) src(%dma_wait3A_31 : memref<10240xf32, #tpu.memory_space<hbm>>) dst(%dma_wait3A_28 : memref<10240xf32, #tpu.memory_space<vmem>>)
      tpu.yield
    }) : () -> ()
    %run_scoped3A_1 = arith.constant 1 : i32
    "tpu.region"() ({
      %run_scoped3A_13 = tpu.sem_alloc : memref<!tpu.dma_semaphore, #tpu.memory_space<semaphore_mem>>
      %dma_start3A = arith.constant 10240 : i32
      %dma_start3A_14 = tpu.memref_slice %arg7[%dma_start3A] : memref<40960xf32, #tpu.memory_space<vmem>> -> memref<10240xf32, #tpu.memory_space<vmem>>
      %dma_start3A_15 = arith.constant 0 : i32
      %dma_start3A_16 = tpu.memref_slice %arg2[%add3A, %run_scoped3A_1, %dma_start3A_15] : memref<32x4x10240xf32, #tpu.memory_space<hbm>> -> memref<1x1x10240xf32, #tpu.memory_space<hbm>>
      %dma_start3A_17 = tpu.memref_squeeze %dma_start3A_16 : memref<1x1x10240xf32, #tpu.memory_space<hbm>> -> memref<10240xf32, #tpu.memory_space<hbm>>
      %dma_start3A_18 = arith.constant 10240 : i32
      %dma_start3A_19 = tpu.memref_slice %arg7[%dma_start3A_18] : memref<40960xf32, #tpu.memory_space<vmem>> -> memref<10240xf32, #tpu.memory_space<vmem>>
      %dma_start3A_20 = arith.constant 0 : i32
      %dma_start3A_21 = tpu.memref_slice %arg2[%add3A, %run_scoped3A_1, %dma_start3A_20] : memref<32x4x10240xf32, #tpu.memory_space<hbm>> -> memref<1x1x10240xf32, #tpu.memory_space<hbm>>
      %dma_start3A_22 = tpu.memref_squeeze %dma_start3A_21 : memref<1x1x10240xf32, #tpu.memory_space<hbm>> -> memref<10240xf32, #tpu.memory_space<hbm>>
      tpu.enqueue_dma source(%dma_start3A_22 : memref<10240xf32, #tpu.memory_space<hbm>>) target(%dma_start3A_19 : memref<10240xf32, #tpu.memory_space<vmem>>) target_semaphore(%run_scoped3A_13 : memref<!tpu.dma_semaphore, #tpu.memory_space<semaphore_mem>>)
      %dma_wait3A = arith.constant 10240 : i32
      %dma_wait3A_23 = tpu.memref_slice %arg7[%dma_wait3A] : memref<40960xf32, #tpu.memory_space<vmem>> -> memref<10240xf32, #tpu.memory_space<vmem>>
      %dma_wait3A_24 = arith.constant 0 : i32
      %dma_wait3A_25 = tpu.memref_slice %arg2[%add3A, %run_scoped3A_1, %dma_wait3A_24] : memref<32x4x10240xf32, #tpu.memory_space<hbm>> -> memref<1x1x10240xf32, #tpu.memory_space<hbm>>
      %dma_wait3A_26 = tpu.memref_squeeze %dma_wait3A_25 : memref<1x1x10240xf32, #tpu.memory_space<hbm>> -> memref<10240xf32, #tpu.memory_space<hbm>>
      %dma_wait3A_27 = arith.constant 10240 : i32
      %dma_wait3A_28 = tpu.memref_slice %arg7[%dma_wait3A_27] : memref<40960xf32, #tpu.memory_space<vmem>> -> memref<10240xf32, #tpu.memory_space<vmem>>
      %dma_wait3A_29 = arith.constant 0 : i32
      %dma_wait3A_30 = tpu.memref_slice %arg2[%add3A, %run_scoped3A_1, %dma_wait3A_29] : memref<32x4x10240xf32, #tpu.memory_space<hbm>> -> memref<1x1x10240xf32, #tpu.memory_space<hbm>>
      %dma_wait3A_31 = tpu.memref_squeeze %dma_wait3A_30 : memref<1x1x10240xf32, #tpu.memory_space<hbm>> -> memref<10240xf32, #tpu.memory_space<hbm>>
      tpu.wait_dma2 semaphore(%run_scoped3A_13 : memref<!tpu.dma_semaphore, #tpu.memory_space<semaphore_mem>>) src(%dma_wait3A_31 : memref<10240xf32, #tpu.memory_space<hbm>>) dst(%dma_wait3A_28 : memref<10240xf32, #tpu.memory_space<vmem>>)
      tpu.yield
    }) : () -> ()
    %run_scoped3A_2 = arith.constant 2 : i32
    "tpu.region"() ({
      %run_scoped3A_13 = tpu.sem_alloc : memref<!tpu.dma_semaphore, #tpu.memory_space<semaphore_mem>>
      %dma_start3A = arith.constant 20480 : i32
      %dma_start3A_14 = tpu.memref_slice %arg7[%dma_start3A] : memref<40960xf32, #tpu.memory_space<vmem>> -> memref<10240xf32, #tpu.memory_space<vmem>>
      %dma_start3A_15 = arith.constant 0 : i32
      %dma_start3A_16 = tpu.memref_slice %arg2[%add3A, %run_scoped3A_2, %dma_start3A_15] : memref<32x4x10240xf32, #tpu.memory_space<hbm>> -> memref<1x1x10240xf32, #tpu.memory_space<hbm>>
      %dma_start3A_17 = tpu.memref_squeeze %dma_start3A_16 : memref<1x1x10240xf32, #tpu.memory_space<hbm>> -> memref<10240xf32, #tpu.memory_space<hbm>>
      %dma_start3A_18 = arith.constant 20480 : i32
      %dma_start3A_19 = tpu.memref_slice %arg7[%dma_start3A_18] : memref<40960xf32, #tpu.memory_space<vmem>> -> memref<10240xf32, #tpu.memory_space<vmem>>
      %dma_start3A_20 = arith.constant 0 : i32
      %dma_start3A_21 = tpu.memref_slice %arg2[%add3A, %run_scoped3A_2, %dma_start3A_20] : memref<32x4x10240xf32, #tpu.memory_space<hbm>> -> memref<1x1x10240xf32, #tpu.memory_space<hbm>>
      %dma_start3A_22 = tpu.memref_squeeze %dma_start3A_21 : memref<1x1x10240xf32, #tpu.memory_space<hbm>> -> memref<10240xf32, #tpu.memory_space<hbm>>
      tpu.enqueue_dma source(%dma_start3A_22 : memref<10240xf32, #tpu.memory_space<hbm>>) target(%dma_start3A_19 : memref<10240xf32, #tpu.memory_space<vmem>>) target_semaphore(%run_scoped3A_13 : memref<!tpu.dma_semaphore, #tpu.memory_space<semaphore_mem>>)
      %dma_wait3A = arith.constant 20480 : i32
      %dma_wait3A_23 = tpu.memref_slice %arg7[%dma_wait3A] : memref<40960xf32, #tpu.memory_space<vmem>> -> memref<10240xf32, #tpu.memory_space<vmem>>
      %dma_wait3A_24 = arith.constant 0 : i32
      %dma_wait3A_25 = tpu.memref_slice %arg2[%add3A, %run_scoped3A_2, %dma_wait3A_24] : memref<32x4x10240xf32, #tpu.memory_space<hbm>> -> memref<1x1x10240xf32, #tpu.memory_space<hbm>>
      %dma_wait3A_26 = tpu.memref_squeeze %dma_wait3A_25 : memref<1x1x10240xf32, #tpu.memory_space<hbm>> -> memref<10240xf32, #tpu.memory_space<hbm>>
      %dma_wait3A_27 = arith.constant 20480 : i32
      %dma_wait3A_28 = tpu.memref_slice %arg7[%dma_wait3A_27] : memref<40960xf32, #tpu.memory_space<vmem>> -> memref<10240xf32, #tpu.memory_space<vmem>>
      %dma_wait3A_29 = arith.constant 0 : i32
      %dma_wait3A_30 = tpu.memref_slice %arg2[%add3A, %run_scoped3A_2, %dma_wait3A_29] : memref<32x4x10240xf32, #tpu.memory_space<hbm>> -> memref<1x1x10240xf32, #tpu.memory_space<hbm>>
      %dma_wait3A_31 = tpu.memref_squeeze %dma_wait3A_30 : memref<1x1x10240xf32, #tpu.memory_space<hbm>> -> memref<10240xf32, #tpu.memory_space<hbm>>
      tpu.wait_dma2 semaphore(%run_scoped3A_13 : memref<!tpu.dma_semaphore, #tpu.memory_space<semaphore_mem>>) src(%dma_wait3A_31 : memref<10240xf32, #tpu.memory_space<hbm>>) dst(%dma_wait3A_28 : memref<10240xf32, #tpu.memory_space<vmem>>)
      tpu.yield
    }) : () -> ()
    %run_scoped3A_3 = arith.constant 3 : i32
    "tpu.region"() ({
      %run_scoped3A_13 = tpu.sem_alloc : memref<!tpu.dma_semaphore, #tpu.memory_space<semaphore_mem>>
      %dma_start3A = arith.constant 30720 : i32
      %dma_start3A_14 = tpu.memref_slice %arg7[%dma_start3A] : memref<40960xf32, #tpu.memory_space<vmem>> -> memref<10240xf32, #tpu.memory_space<vmem>>
      %dma_start3A_15 = arith.constant 0 : i32
      %dma_start3A_16 = tpu.memref_slice %arg2[%add3A, %run_scoped3A_3, %dma_start3A_15] : memref<32x4x10240xf32, #tpu.memory_space<hbm>> -> memref<1x1x10240xf32, #tpu.memory_space<hbm>>
      %dma_start3A_17 = tpu.memref_squeeze %dma_start3A_16 : memref<1x1x10240xf32, #tpu.memory_space<hbm>> -> memref<10240xf32, #tpu.memory_space<hbm>>
      %dma_start3A_18 = arith.constant 30720 : i32
      %dma_start3A_19 = tpu.memref_slice %arg7[%dma_start3A_18] : memref<40960xf32, #tpu.memory_space<vmem>> -> memref<10240xf32, #tpu.memory_space<vmem>>
      %dma_start3A_20 = arith.constant 0 : i32
      %dma_start3A_21 = tpu.memref_slice %arg2[%add3A, %run_scoped3A_3, %dma_start3A_20] : memref<32x4x10240xf32, #tpu.memory_space<hbm>> -> memref<1x1x10240xf32, #tpu.memory_space<hbm>>
      %dma_start3A_22 = tpu.memref_squeeze %dma_start3A_21 : memref<1x1x10240xf32, #tpu.memory_space<hbm>> -> memref<10240xf32, #tpu.memory_space<hbm>>
      tpu.enqueue_dma source(%dma_start3A_22 : memref<10240xf32, #tpu.memory_space<hbm>>) target(%dma_start3A_19 : memref<10240xf32, #tpu.memory_space<vmem>>) target_semaphore(%run_scoped3A_13 : memref<!tpu.dma_semaphore, #tpu.memory_space<semaphore_mem>>)
      %dma_wait3A = arith.constant 30720 : i32
      %dma_wait3A_23 = tpu.memref_slice %arg7[%dma_wait3A] : memref<40960xf32, #tpu.memory_space<vmem>> -> memref<10240xf32, #tpu.memory_space<vmem>>
      %dma_wait3A_24 = arith.constant 0 : i32
      %dma_wait3A_25 = tpu.memref_slice %arg2[%add3A, %run_scoped3A_3, %dma_wait3A_24] : memref<32x4x10240xf32, #tpu.memory_space<hbm>> -> memref<1x1x10240xf32, #tpu.memory_space<hbm>>
      %dma_wait3A_26 = tpu.memref_squeeze %dma_wait3A_25 : memref<1x1x10240xf32, #tpu.memory_space<hbm>> -> memref<10240xf32, #tpu.memory_space<hbm>>
      %dma_wait3A_27 = arith.constant 30720 : i32
      %dma_wait3A_28 = tpu.memref_slice %arg7[%dma_wait3A_27] : memref<40960xf32, #tpu.memory_space<vmem>> -> memref<10240xf32, #tpu.memory_space<vmem>>
      %dma_wait3A_29 = arith.constant 0 : i32
      %dma_wait3A_30 = tpu.memref_slice %arg2[%add3A, %run_scoped3A_3, %dma_wait3A_29] : memref<32x4x10240xf32, #tpu.memory_space<hbm>> -> memref<1x1x10240xf32, #tpu.memory_space<hbm>>
      %dma_wait3A_31 = tpu.memref_squeeze %dma_wait3A_30 : memref<1x1x10240xf32, #tpu.memory_space<hbm>> -> memref<10240xf32, #tpu.memory_space<hbm>>
      tpu.wait_dma2 semaphore(%run_scoped3A_13 : memref<!tpu.dma_semaphore, #tpu.memory_space<semaphore_mem>>) src(%dma_wait3A_31 : memref<10240xf32, #tpu.memory_space<hbm>>) dst(%dma_wait3A_28 : memref<10240xf32, #tpu.memory_space<vmem>>)
      tpu.yield
    }) : () -> ()
    "tpu.region"() ({
      %run_scoped3A_13 = tpu.sem_alloc : memref<!tpu.dma_semaphore, #tpu.memory_space<semaphore_mem>>
      tpu.enqueue_dma source(%arg5 : memref<40960xf32, #tpu.memory_space<hbm>>) target(%arg8 : memref<40960xf32, #tpu.memory_space<vmem>>) target_semaphore(%run_scoped3A_13 : memref<!tpu.dma_semaphore, #tpu.memory_space<semaphore_mem>>)
      tpu.wait_dma2 semaphore(%run_scoped3A_13 : memref<!tpu.dma_semaphore, #tpu.memory_space<semaphore_mem>>) src(%arg5 : memref<40960xf32, #tpu.memory_space<hbm>>) dst(%arg8 : memref<40960xf32, #tpu.memory_space<vmem>>)
      tpu.yield
    }) : () -> ()
    %scan3A = arith.constant 0 : i32
    %scan3A_4 = arith.constant 0 : i32
    %scan3A_5 = arith.constant 25 : i32
    %scan3A_6 = arith.addi %scan3A_4, %scan3A_5 : i32
    %scan3A_7 = arith.constant 1 : i32
    scf.for %scan3A_13 = %scan3A_4 to %scan3A_6 step %scan3A_7  : i32 {
      %mul3A_14 = arith.constant 2 : i32
      %mul3A_15 = arith.muli %scan3A_13, %mul3A_14 : i32
      %add3A_16 = arith.constant 0 : i32
      %add3A_17 = arith.addi %mul3A_15, %add3A_16 : i32
      %mul3A_18 = arith.constant 6400 : i32
      %mul3A_19 = arith.muli %add3A_17, %mul3A_18 : i32
      %dma_start3A = arith.constant 0 : i32
      %dma_start3A_20 = arith.constant 0 : i32
      %dma_start3A_21 = tpu.memref_slice %arg9[%dma_start3A, %dma_start3A_20] : memref<2x6400xi32, #tpu.memory_space<vmem>> -> memref<1x6400xi32, #tpu.memory_space<vmem>>
      %dma_start3A_22 = tpu.memref_squeeze %dma_start3A_21 : memref<1x6400xi32, #tpu.memory_space<vmem>> -> memref<6400xi32, #tpu.memory_space<vmem>>
      %dma_start3A_23 = tpu.memref_slice %arg3[%mul3A_19] : memref<320000xi32, #tpu.memory_space<hbm>> -> memref<6400xi32, #tpu.memory_space<hbm>>
      %dma_start3A_24 = arith.constant 0 : i32
      %dma_start3A_25 = tpu.memref_slice %arg9[%dma_start3A, %dma_start3A_24] : memref<2x6400xi32, #tpu.memory_space<vmem>> -> memref<1x6400xi32, #tpu.memory_space<vmem>>
      %dma_start3A_26 = tpu.memref_squeeze %dma_start3A_25 : memref<1x6400xi32, #tpu.memory_space<vmem>> -> memref<6400xi32, #tpu.memory_space<vmem>>
      %dma_start3A_27 = tpu.memref_slice %arg3[%mul3A_19] : memref<320000xi32, #tpu.memory_space<hbm>> -> memref<6400xi32, #tpu.memory_space<hbm>>
      tpu.enqueue_dma source(%dma_start3A_27 : memref<6400xi32, #tpu.memory_space<hbm>>) target(%dma_start3A_26 : memref<6400xi32, #tpu.memory_space<vmem>>) target_semaphore(%arg11 : memref<!tpu.dma_semaphore, #tpu.memory_space<semaphore_mem>>)
      %mul3A_28 = arith.constant 6400 : i32
      %mul3A_29 = arith.muli %add3A_17, %mul3A_28 : i32
      %dma_start3A_30 = arith.constant 0 : i32
      %dma_start3A_31 = arith.constant 0 : i32
      %dma_start3A_32 = tpu.memref_slice %arg10[%dma_start3A_30, %dma_start3A_31] : memref<2x6400xi32, #tpu.memory_space<vmem>> -> memref<1x6400xi32, #tpu.memory_space<vmem>>
      %dma_start3A_33 = tpu.memref_squeeze %dma_start3A_32 : memref<1x6400xi32, #tpu.memory_space<vmem>> -> memref<6400xi32, #tpu.memory_space<vmem>>
      %dma_start3A_34 = tpu.memref_slice %arg4[%mul3A_29] : memref<320000xi32, #tpu.memory_space<hbm>> -> memref<6400xi32, #tpu.memory_space<hbm>>
      %dma_start3A_35 = arith.constant 0 : i32
      %dma_start3A_36 = tpu.memref_slice %arg10[%dma_start3A_30, %dma_start3A_35] : memref<2x6400xi32, #tpu.memory_space<vmem>> -> memref<1x6400xi32, #tpu.memory_space<vmem>>
      %dma_start3A_37 = tpu.memref_squeeze %dma_start3A_36 : memref<1x6400xi32, #tpu.memory_space<vmem>> -> memref<6400xi32, #tpu.memory_space<vmem>>
      %dma_start3A_38 = tpu.memref_slice %arg4[%mul3A_29] : memref<320000xi32, #tpu.memory_space<hbm>> -> memref<6400xi32, #tpu.memory_space<hbm>>
      tpu.enqueue_dma source(%dma_start3A_38 : memref<6400xi32, #tpu.memory_space<hbm>>) target(%dma_start3A_37 : memref<6400xi32, #tpu.memory_space<vmem>>) target_semaphore(%arg13 : memref<!tpu.dma_semaphore, #tpu.memory_space<semaphore_mem>>)
      %mul3A_39 = arith.constant 2 : i32
      %mul3A_40 = arith.muli %scan3A_13, %mul3A_39 : i32
      %add3A_41 = arith.constant 1 : i32
      %add3A_42 = arith.addi %mul3A_40, %add3A_41 : i32
      %mul3A_43 = arith.constant 6400 : i32
      %mul3A_44 = arith.muli %add3A_42, %mul3A_43 : i32
      %dma_start3A_45 = arith.constant 1 : i32
      %dma_start3A_46 = arith.constant 0 : i32
      %dma_start3A_47 = tpu.memref_slice %arg9[%dma_start3A_45, %dma_start3A_46] : memref<2x6400xi32, #tpu.memory_space<vmem>> -> memref<1x6400xi32, #tpu.memory_space<vmem>>
      %dma_start3A_48 = tpu.memref_squeeze %dma_start3A_47 : memref<1x6400xi32, #tpu.memory_space<vmem>> -> memref<6400xi32, #tpu.memory_space<vmem>>
      %dma_start3A_49 = tpu.memref_slice %arg3[%mul3A_44] : memref<320000xi32, #tpu.memory_space<hbm>> -> memref<6400xi32, #tpu.memory_space<hbm>>
      %dma_start3A_50 = arith.constant 0 : i32
      %dma_start3A_51 = tpu.memref_slice %arg9[%dma_start3A_45, %dma_start3A_50] : memref<2x6400xi32, #tpu.memory_space<vmem>> -> memref<1x6400xi32, #tpu.memory_space<vmem>>
      %dma_start3A_52 = tpu.memref_squeeze %dma_start3A_51 : memref<1x6400xi32, #tpu.memory_space<vmem>> -> memref<6400xi32, #tpu.memory_space<vmem>>
      %dma_start3A_53 = tpu.memref_slice %arg3[%mul3A_44] : memref<320000xi32, #tpu.memory_space<hbm>> -> memref<6400xi32, #tpu.memory_space<hbm>>
      tpu.enqueue_dma source(%dma_start3A_53 : memref<6400xi32, #tpu.memory_space<hbm>>) target(%dma_start3A_52 : memref<6400xi32, #tpu.memory_space<vmem>>) target_semaphore(%arg12 : memref<!tpu.dma_semaphore, #tpu.memory_space<semaphore_mem>>)
      %mul3A_54 = arith.constant 6400 : i32
      %mul3A_55 = arith.muli %add3A_42, %mul3A_54 : i32
      %dma_start3A_56 = arith.constant 1 : i32
      %dma_start3A_57 = arith.constant 0 : i32
      %dma_start3A_58 = tpu.memref_slice %arg10[%dma_start3A_56, %dma_start3A_57] : memref<2x6400xi32, #tpu.memory_space<vmem>> -> memref<1x6400xi32, #tpu.memory_space<vmem>>
      %dma_start3A_59 = tpu.memref_squeeze %dma_start3A_58 : memref<1x6400xi32, #tpu.memory_space<vmem>> -> memref<6400xi32, #tpu.memory_space<vmem>>
      %dma_start3A_60 = tpu.memref_slice %arg4[%mul3A_55] : memref<320000xi32, #tpu.memory_space<hbm>> -> memref<6400xi32, #tpu.memory_space<hbm>>
      %dma_start3A_61 = arith.constant 0 : i32
      %dma_start3A_62 = tpu.memref_slice %arg10[%dma_start3A_56, %dma_start3A_61] : memref<2x6400xi32, #tpu.memory_space<vmem>> -> memref<1x6400xi32, #tpu.memory_space<vmem>>
      %dma_start3A_63 = tpu.memref_squeeze %dma_start3A_62 : memref<1x6400xi32, #tpu.memory_space<vmem>> -> memref<6400xi32, #tpu.memory_space<vmem>>
      %dma_start3A_64 = tpu.memref_slice %arg4[%mul3A_55] : memref<320000xi32, #tpu.memory_space<hbm>> -> memref<6400xi32, #tpu.memory_space<hbm>>
      tpu.enqueue_dma source(%dma_start3A_64 : memref<6400xi32, #tpu.memory_space<hbm>>) target(%dma_start3A_63 : memref<6400xi32, #tpu.memory_space<vmem>>) target_semaphore(%arg14 : memref<!tpu.dma_semaphore, #tpu.memory_space<semaphore_mem>>)
      %dma_wait3A = arith.constant 0 : i32
      %dma_wait3A_65 = arith.constant 0 : i32
      %dma_wait3A_66 = tpu.memref_slice %arg9[%dma_wait3A, %dma_wait3A_65] : memref<2x6400xi32, #tpu.memory_space<vmem>> -> memref<1x6400xi32, #tpu.memory_space<vmem>>
      %dma_wait3A_67 = tpu.memref_squeeze %dma_wait3A_66 : memref<1x6400xi32, #tpu.memory_space<vmem>> -> memref<6400xi32, #tpu.memory_space<vmem>>
      %dma_wait3A_68 = tpu.memref_slice %arg3[%mul3A_19] : memref<320000xi32, #tpu.memory_space<hbm>> -> memref<6400xi32, #tpu.memory_space<hbm>>
      %dma_wait3A_69 = arith.constant 0 : i32
      %dma_wait3A_70 = tpu.memref_slice %arg9[%dma_wait3A, %dma_wait3A_69] : memref<2x6400xi32, #tpu.memory_space<vmem>> -> memref<1x6400xi32, #tpu.memory_space<vmem>>
      %dma_wait3A_71 = tpu.memref_squeeze %dma_wait3A_70 : memref<1x6400xi32, #tpu.memory_space<vmem>> -> memref<6400xi32, #tpu.memory_space<vmem>>
      %dma_wait3A_72 = tpu.memref_slice %arg3[%mul3A_19] : memref<320000xi32, #tpu.memory_space<hbm>> -> memref<6400xi32, #tpu.memory_space<hbm>>
      tpu.wait_dma2 semaphore(%arg11 : memref<!tpu.dma_semaphore, #tpu.memory_space<semaphore_mem>>) src(%dma_wait3A_72 : memref<6400xi32, #tpu.memory_space<hbm>>) dst(%dma_wait3A_71 : memref<6400xi32, #tpu.memory_space<vmem>>)
      %dma_wait3A_73 = arith.constant 0 : i32
      %dma_wait3A_74 = arith.constant 0 : i32
      %dma_wait3A_75 = tpu.memref_slice %arg10[%dma_wait3A_73, %dma_wait3A_74] : memref<2x6400xi32, #tpu.memory_space<vmem>> -> memref<1x6400xi32, #tpu.memory_space<vmem>>
      %dma_wait3A_76 = tpu.memref_squeeze %dma_wait3A_75 : memref<1x6400xi32, #tpu.memory_space<vmem>> -> memref<6400xi32, #tpu.memory_space<vmem>>
      %dma_wait3A_77 = tpu.memref_slice %arg4[%mul3A_29] : memref<320000xi32, #tpu.memory_space<hbm>> -> memref<6400xi32, #tpu.memory_space<hbm>>
      %dma_wait3A_78 = arith.constant 0 : i32
      %dma_wait3A_79 = tpu.memref_slice %arg10[%dma_wait3A_73, %dma_wait3A_78] : memref<2x6400xi32, #tpu.memory_space<vmem>> -> memref<1x6400xi32, #tpu.memory_space<vmem>>
      %dma_wait3A_80 = tpu.memref_squeeze %dma_wait3A_79 : memref<1x6400xi32, #tpu.memory_space<vmem>> -> memref<6400xi32, #tpu.memory_space<vmem>>
      %dma_wait3A_81 = tpu.memref_slice %arg4[%mul3A_29] : memref<320000xi32, #tpu.memory_space<hbm>> -> memref<6400xi32, #tpu.memory_space<hbm>>
      tpu.wait_dma2 semaphore(%arg13 : memref<!tpu.dma_semaphore, #tpu.memory_space<semaphore_mem>>) src(%dma_wait3A_81 : memref<6400xi32, #tpu.memory_space<hbm>>) dst(%dma_wait3A_80 : memref<6400xi32, #tpu.memory_space<vmem>>)
      %parallel_loop3A = arith.constant 0 : i32
      %parallel_loop3A_82 = arith.constant 100 : i32
      %parallel_loop3A_83 = arith.constant 1 : i32
      scf.for %parallel_loop3A_105 = %parallel_loop3A to %parallel_loop3A_82 step %parallel_loop3A_83  : i32 {
        %parallel_loop3A_106 = arith.constant 4 : i32
        %parallel_loop3A_107 = arith.muli %parallel_loop3A_105, %parallel_loop3A_106 : i32
        %parallel_loop3A_108 = arith.constant 0 : i32
        %parallel_loop3A_109 = arith.addi %parallel_loop3A_107, %parallel_loop3A_108 : i32
        %parallel_loop3A_110 = arith.constant 16 : i32
        %parallel_loop3A_111 = arith.muli %parallel_loop3A_109, %parallel_loop3A_110 : i32
        %parallel_loop3A_112 = arith.constant 0 : i32
        %parallel_loop3A_113 = arith.index_cast %parallel_loop3A_112 : i32 to index
        %parallel_loop3A_114 = arith.index_cast %parallel_loop3A_111 : i32 to index
        %parallel_loop3A_115 = tpu.vector_load %arg9[%parallel_loop3A_113, %parallel_loop3A_114] {strides = array<i32>} : memref<2x6400xi32, #tpu.memory_space<vmem>>, vector<16xi32>,
        %parallel_loop3A_116 = arith.constant 0 : i32
        %parallel_loop3A_117 = arith.index_cast %parallel_loop3A_116 : i32 to index
        %parallel_loop3A_118 = arith.index_cast %parallel_loop3A_111 : i32 to index
        %parallel_loop3A_119 = tpu.vector_load %arg10[%parallel_loop3A_117, %parallel_loop3A_118] {strides = array<i32>} : memref<2x6400xi32, #tpu.memory_space<vmem>>, vector<16xi32>,
        %parallel_loop3A_120 = arith.constant 0 : i32
        %parallel_loop3A_121 = vector.broadcast %parallel_loop3A_120 : i32 to vector<16xi32>
        %parallel_loop3A_122 = arith.addi %parallel_loop3A_115, %parallel_loop3A_121 : vector<16xi32>
        %parallel_loop3A_123 = tpu.vector_load_idx %arg7[%parallel_loop3A_122] : memref<40960xf32, #tpu.memory_space<vmem>>[vector<16xi32>], vector<16xf32>,
        %parallel_loop3A_124 = arith.constant 0 : i32
        %parallel_loop3A_125 = vector.broadcast %parallel_loop3A_124 : i32 to vector<16xi32>
        %parallel_loop3A_126 = arith.addi %parallel_loop3A_119, %parallel_loop3A_125 : vector<16xi32>
        tpu.vector_store_idx %arg8[%parallel_loop3A_126], %parallel_loop3A_123 {add = true} : memref<40960xf32, #tpu.memory_space<vmem>>[vector<16xi32>], vector<16xf32>,
        %parallel_loop3A_127 = arith.constant 10240 : i32
        %parallel_loop3A_128 = vector.broadcast %parallel_loop3A_127 : i32 to vector<16xi32>
        %parallel_loop3A_129 = arith.addi %parallel_loop3A_115, %parallel_loop3A_128 : vector<16xi32>
        %parallel_loop3A_130 = tpu.vector_load_idx %arg7[%parallel_loop3A_129] : memref<40960xf32, #tpu.memory_space<vmem>>[vector<16xi32>], vector<16xf32>,
        %parallel_loop3A_131 = arith.constant 10240 : i32
        %parallel_loop3A_132 = vector.broadcast %parallel_loop3A_131 : i32 to vector<16xi32>
        %parallel_loop3A_133 = arith.addi %parallel_loop3A_119, %parallel_loop3A_132 : vector<16xi32>
        tpu.vector_store_idx %arg8[%parallel_loop3A_133], %parallel_loop3A_130 {add = true} : memref<40960xf32, #tpu.memory_space<vmem>>[vector<16xi32>], vector<16xf32>,
        %parallel_loop3A_134 = arith.constant 20480 : i32
        %parallel_loop3A_135 = vector.broadcast %parallel_loop3A_134 : i32 to vector<16xi32>
        %parallel_loop3A_136 = arith.addi %parallel_loop3A_115, %parallel_loop3A_135 : vector<16xi32>
        %parallel_loop3A_137 = tpu.vector_load_idx %arg7[%parallel_loop3A_136] : memref<40960xf32, #tpu.memory_space<vmem>>[vector<16xi32>], vector<16xf32>,
        %parallel_loop3A_138 = arith.constant 20480 : i32
        %parallel_loop3A_139 = vector.broadcast %parallel_loop3A_138 : i32 to vector<16xi32>
        %parallel_loop3A_140 = arith.addi %parallel_loop3A_119, %parallel_loop3A_139 : vector<16xi32>
        tpu.vector_store_idx %arg8[%parallel_loop3A_140], %parallel_loop3A_137 {add = true} : memref<40960xf32, #tpu.memory_space<vmem>>[vector<16xi32>], vector<16xf32>,
        %parallel_loop3A_141 = arith.constant 30720 : i32
        %parallel_loop3A_142 = vector.broadcast %parallel_loop3A_141 : i32 to vector<16xi32>
        %parallel_loop3A_143 = arith.addi %parallel_loop3A_115, %parallel_loop3A_142 : vector<16xi32>
        %parallel_loop3A_144 = tpu.vector_load_idx %arg7[%parallel_loop3A_143] : memref<40960xf32, #tpu.memory_space<vmem>>[vector<16xi32>], vector<16xf32>,
        %parallel_loop3A_145 = arith.constant 30720 : i32
        %parallel_loop3A_146 = vector.broadcast %parallel_loop3A_145 : i32 to vector<16xi32>
        %parallel_loop3A_147 = arith.addi %parallel_loop3A_119, %parallel_loop3A_146 : vector<16xi32>
        tpu.vector_store_idx %arg8[%parallel_loop3A_147], %parallel_loop3A_144 {add = true} : memref<40960xf32, #tpu.memory_space<vmem>>[vector<16xi32>], vector<16xf32>,
        %parallel_loop3A_148 = arith.constant 4 : i32
        %parallel_loop3A_149 = arith.muli %parallel_loop3A_105, %parallel_loop3A_148 : i32
        %parallel_loop3A_150 = arith.constant 1 : i32
        %parallel_loop3A_151 = arith.addi %parallel_loop3A_149, %parallel_loop3A_150 : i32
        %parallel_loop3A_152 = arith.constant 16 : i32
        %parallel_loop3A_153 = arith.muli %parallel_loop3A_151, %parallel_loop3A_152 : i32
        %parallel_loop3A_154 = arith.constant 0 : i32
        %parallel_loop3A_155 = arith.index_cast %parallel_loop3A_154 : i32 to index
        %parallel_loop3A_156 = arith.index_cast %parallel_loop3A_153 : i32 to index
        %parallel_loop3A_157 = tpu.vector_load %arg9[%parallel_loop3A_155, %parallel_loop3A_156] {strides = array<i32>} : memref<2x6400xi32, #tpu.memory_space<vmem>>, vector<16xi32>,
        %parallel_loop3A_158 = arith.constant 0 : i32
        %parallel_loop3A_159 = arith.index_cast %parallel_loop3A_158 : i32 to index
        %parallel_loop3A_160 = arith.index_cast %parallel_loop3A_153 : i32 to index
        %parallel_loop3A_161 = tpu.vector_load %arg10[%parallel_loop3A_159, %parallel_loop3A_160] {strides = array<i32>} : memref<2x6400xi32, #tpu.memory_space<vmem>>, vector<16xi32>,
        %parallel_loop3A_162 = arith.constant 0 : i32
        %parallel_loop3A_163 = vector.broadcast %parallel_loop3A_162 : i32 to vector<16xi32>
        %parallel_loop3A_164 = arith.addi %parallel_loop3A_157, %parallel_loop3A_163 : vector<16xi32>
        %parallel_loop3A_165 = tpu.vector_load_idx %arg7[%parallel_loop3A_164] : memref<40960xf32, #tpu.memory_space<vmem>>[vector<16xi32>], vector<16xf32>,
        %parallel_loop3A_166 = arith.constant 0 : i32
        %parallel_loop3A_167 = vector.broadcast %parallel_loop3A_166 : i32 to vector<16xi32>
        %parallel_loop3A_168 = arith.addi %parallel_loop3A_161, %parallel_loop3A_167 : vector<16xi32>
        tpu.vector_store_idx %arg8[%parallel_loop3A_168], %parallel_loop3A_165 {add = true} : memref<40960xf32, #tpu.memory_space<vmem>>[vector<16xi32>], vector<16xf32>,
        %parallel_loop3A_169 = arith.constant 10240 : i32
        %parallel_loop3A_170 = vector.broadcast %parallel_loop3A_169 : i32 to vector<16xi32>
        %parallel_loop3A_171 = arith.addi %parallel_loop3A_157, %parallel_loop3A_170 : vector<16xi32>
        %parallel_loop3A_172 = tpu.vector_load_idx %arg7[%parallel_loop3A_171] : memref<40960xf32, #tpu.memory_space<vmem>>[vector<16xi32>], vector<16xf32>,
        %parallel_loop3A_173 = arith.constant 10240 : i32
        %parallel_loop3A_174 = vector.broadcast %parallel_loop3A_173 : i32 to vector<16xi32>
        %parallel_loop3A_175 = arith.addi %parallel_loop3A_161, %parallel_loop3A_174 : vector<16xi32>
        tpu.vector_store_idx %arg8[%parallel_loop3A_175], %parallel_loop3A_172 {add = true} : memref<40960xf32, #tpu.memory_space<vmem>>[vector<16xi32>], vector<16xf32>,
        %parallel_loop3A_176 = arith.constant 20480 : i32
        %parallel_loop3A_177 = vector.broadcast %parallel_loop3A_176 : i32 to vector<16xi32>
        %parallel_loop3A_178 = arith.addi %parallel_loop3A_157, %parallel_loop3A_177 : vector<16xi32>
        %parallel_loop3A_179 = tpu.vector_load_idx %arg7[%parallel_loop3A_178] : memref<40960xf32, #tpu.memory_space<vmem>>[vector<16xi32>], vector<16xf32>,
        %parallel_loop3A_180 = arith.constant 20480 : i32
        %parallel_loop3A_181 = vector.broadcast %parallel_loop3A_180 : i32 to vector<16xi32>
        %parallel_loop3A_182 = arith.addi %parallel_loop3A_161, %parallel_loop3A_181 : vector<16xi32>
        tpu.vector_store_idx %arg8[%parallel_loop3A_182], %parallel_loop3A_179 {add = true} : memref<40960xf32, #tpu.memory_space<vmem>>[vector<16xi32>], vector<16xf32>,
        %parallel_loop3A_183 = arith.constant 30720 : i32
        %parallel_loop3A_184 = vector.broadcast %parallel_loop3A_183 : i32 to vector<16xi32>
        %parallel_loop3A_185 = arith.addi %parallel_loop3A_157, %parallel_loop3A_184 : vector<16xi32>
        %parallel_loop3A_186 = tpu.vector_load_idx %arg7[%parallel_loop3A_185] : memref<40960xf32, #tpu.memory_space<vmem>>[vector<16xi32>], vector<16xf32>,
        %parallel_loop3A_187 = arith.constant 30720 : i32
        %parallel_loop3A_188 = vector.broadcast %parallel_loop3A_187 : i32 to vector<16xi32>
        %parallel_loop3A_189 = arith.addi %parallel_loop3A_161, %parallel_loop3A_188 : vector<16xi32>
        tpu.vector_store_idx %arg8[%parallel_loop3A_189], %parallel_loop3A_186 {add = true} : memref<40960xf32, #tpu.memory_space<vmem>>[vector<16xi32>], vector<16xf32>,
        %parallel_loop3A_190 = arith.constant 4 : i32
        %parallel_loop3A_191 = arith.muli %parallel_loop3A_105, %parallel_loop3A_190 : i32
        %parallel_loop3A_192 = arith.constant 2 : i32
        %parallel_loop3A_193 = arith.addi %parallel_loop3A_191, %parallel_loop3A_192 : i32
        %parallel_loop3A_194 = arith.constant 16 : i32
        %parallel_loop3A_195 = arith.muli %parallel_loop3A_193, %parallel_loop3A_194 : i32
        %parallel_loop3A_196 = arith.constant 0 : i32
        %parallel_loop3A_197 = arith.index_cast %parallel_loop3A_196 : i32 to index
        %parallel_loop3A_198 = arith.index_cast %parallel_loop3A_195 : i32 to index
        %parallel_loop3A_199 = tpu.vector_load %arg9[%parallel_loop3A_197, %parallel_loop3A_198] {strides = array<i32>} : memref<2x6400xi32, #tpu.memory_space<vmem>>, vector<16xi32>,
        %parallel_loop3A_200 = arith.constant 0 : i32
        %parallel_loop3A_201 = arith.index_cast %parallel_loop3A_200 : i32 to index
        %parallel_loop3A_202 = arith.index_cast %parallel_loop3A_195 : i32 to index
        %parallel_loop3A_203 = tpu.vector_load %arg10[%parallel_loop3A_201, %parallel_loop3A_202] {strides = array<i32>} : memref<2x6400xi32, #tpu.memory_space<vmem>>, vector<16xi32>,
        %parallel_loop3A_204 = arith.constant 0 : i32
        %parallel_loop3A_205 = vector.broadcast %parallel_loop3A_204 : i32 to vector<16xi32>
        %parallel_loop3A_206 = arith.addi %parallel_loop3A_199, %parallel_loop3A_205 : vector<16xi32>
        %parallel_loop3A_207 = tpu.vector_load_idx %arg7[%parallel_loop3A_206] : memref<40960xf32, #tpu.memory_space<vmem>>[vector<16xi32>], vector<16xf32>,
        %parallel_loop3A_208 = arith.constant 0 : i32
        %parallel_loop3A_209 = vector.broadcast %parallel_loop3A_208 : i32 to vector<16xi32>
        %parallel_loop3A_210 = arith.addi %parallel_loop3A_203, %parallel_loop3A_209 : vector<16xi32>
        tpu.vector_store_idx %arg8[%parallel_loop3A_210], %parallel_loop3A_207 {add = true} : memref<40960xf32, #tpu.memory_space<vmem>>[vector<16xi32>], vector<16xf32>,
        %parallel_loop3A_211 = arith.constant 10240 : i32
        %parallel_loop3A_212 = vector.broadcast %parallel_loop3A_211 : i32 to vector<16xi32>
        %parallel_loop3A_213 = arith.addi %parallel_loop3A_199, %parallel_loop3A_212 : vector<16xi32>
        %parallel_loop3A_214 = tpu.vector_load_idx %arg7[%parallel_loop3A_213] : memref<40960xf32, #tpu.memory_space<vmem>>[vector<16xi32>], vector<16xf32>,
        %parallel_loop3A_215 = arith.constant 10240 : i32
        %parallel_loop3A_216 = vector.broadcast %parallel_loop3A_215 : i32 to vector<16xi32>
        %parallel_loop3A_217 = arith.addi %parallel_loop3A_203, %parallel_loop3A_216 : vector<16xi32>
        tpu.vector_store_idx %arg8[%parallel_loop3A_217], %parallel_loop3A_214 {add = true} : memref<40960xf32, #tpu.memory_space<vmem>>[vector<16xi32>], vector<16xf32>,
        %parallel_loop3A_218 = arith.constant 20480 : i32
        %parallel_loop3A_219 = vector.broadcast %parallel_loop3A_218 : i32 to vector<16xi32>
        %parallel_loop3A_220 = arith.addi %parallel_loop3A_199, %parallel_loop3A_219 : vector<16xi32>
        %parallel_loop3A_221 = tpu.vector_load_idx %arg7[%parallel_loop3A_220] : memref<40960xf32, #tpu.memory_space<vmem>>[vector<16xi32>], vector<16xf32>,
        %parallel_loop3A_222 = arith.constant 20480 : i32
        %parallel_loop3A_223 = vector.broadcast %parallel_loop3A_222 : i32 to vector<16xi32>
        %parallel_loop3A_224 = arith.addi %parallel_loop3A_203, %parallel_loop3A_223 : vector<16xi32>
        tpu.vector_store_idx %arg8[%parallel_loop3A_224], %parallel_loop3A_221 {add = true} : memref<40960xf32, #tpu.memory_space<vmem>>[vector<16xi32>], vector<16xf32>,
        %parallel_loop3A_225 = arith.constant 30720 : i32
        %parallel_loop3A_226 = vector.broadcast %parallel_loop3A_225 : i32 to vector<16xi32>
        %parallel_loop3A_227 = arith.addi %parallel_loop3A_199, %parallel_loop3A_226 : vector<16xi32>
        %parallel_loop3A_228 = tpu.vector_load_idx %arg7[%parallel_loop3A_227] : memref<40960xf32, #tpu.memory_space<vmem>>[vector<16xi32>], vector<16xf32>,
        %parallel_loop3A_229 = arith.constant 30720 : i32
        %parallel_loop3A_230 = vector.broadcast %parallel_loop3A_229 : i32 to vector<16xi32>
        %parallel_loop3A_231 = arith.addi %parallel_loop3A_203, %parallel_loop3A_230 : vector<16xi32>
        tpu.vector_store_idx %arg8[%parallel_loop3A_231], %parallel_loop3A_228 {add = true} : memref<40960xf32, #tpu.memory_space<vmem>>[vector<16xi32>], vector<16xf32>,
        %parallel_loop3A_232 = arith.constant 4 : i32
        %parallel_loop3A_233 = arith.muli %parallel_loop3A_105, %parallel_loop3A_232 : i32
        %parallel_loop3A_234 = arith.constant 3 : i32
        %parallel_loop3A_235 = arith.addi %parallel_loop3A_233, %parallel_loop3A_234 : i32
        %parallel_loop3A_236 = arith.constant 16 : i32
        %parallel_loop3A_237 = arith.muli %parallel_loop3A_235, %parallel_loop3A_236 : i32
        %parallel_loop3A_238 = arith.constant 0 : i32
        %parallel_loop3A_239 = arith.index_cast %parallel_loop3A_238 : i32 to index
        %parallel_loop3A_240 = arith.index_cast %parallel_loop3A_237 : i32 to index
        %parallel_loop3A_241 = tpu.vector_load %arg9[%parallel_loop3A_239, %parallel_loop3A_240] {strides = array<i32>} : memref<2x6400xi32, #tpu.memory_space<vmem>>, vector<16xi32>,
        %parallel_loop3A_242 = arith.constant 0 : i32
        %parallel_loop3A_243 = arith.index_cast %parallel_loop3A_242 : i32 to index
        %parallel_loop3A_244 = arith.index_cast %parallel_loop3A_237 : i32 to index
        %parallel_loop3A_245 = tpu.vector_load %arg10[%parallel_loop3A_243, %parallel_loop3A_244] {strides = array<i32>} : memref<2x6400xi32, #tpu.memory_space<vmem>>, vector<16xi32>,
        %parallel_loop3A_246 = arith.constant 0 : i32
        %parallel_loop3A_247 = vector.broadcast %parallel_loop3A_246 : i32 to vector<16xi32>
        %parallel_loop3A_248 = arith.addi %parallel_loop3A_241, %parallel_loop3A_247 : vector<16xi32>
        %parallel_loop3A_249 = tpu.vector_load_idx %arg7[%parallel_loop3A_248] : memref<40960xf32, #tpu.memory_space<vmem>>[vector<16xi32>], vector<16xf32>,
        %parallel_loop3A_250 = arith.constant 0 : i32
        %parallel_loop3A_251 = vector.broadcast %parallel_loop3A_250 : i32 to vector<16xi32>
        %parallel_loop3A_252 = arith.addi %parallel_loop3A_245, %parallel_loop3A_251 : vector<16xi32>
        tpu.vector_store_idx %arg8[%parallel_loop3A_252], %parallel_loop3A_249 {add = true} : memref<40960xf32, #tpu.memory_space<vmem>>[vector<16xi32>], vector<16xf32>,
        %parallel_loop3A_253 = arith.constant 10240 : i32
        %parallel_loop3A_254 = vector.broadcast %parallel_loop3A_253 : i32 to vector<16xi32>
        %parallel_loop3A_255 = arith.addi %parallel_loop3A_241, %parallel_loop3A_254 : vector<16xi32>
        %parallel_loop3A_256 = tpu.vector_load_idx %arg7[%parallel_loop3A_255] : memref<40960xf32, #tpu.memory_space<vmem>>[vector<16xi32>], vector<16xf32>,
        %parallel_loop3A_257 = arith.constant 10240 : i32
        %parallel_loop3A_258 = vector.broadcast %parallel_loop3A_257 : i32 to vector<16xi32>
        %parallel_loop3A_259 = arith.addi %parallel_loop3A_245, %parallel_loop3A_258 : vector<16xi32>
        tpu.vector_store_idx %arg8[%parallel_loop3A_259], %parallel_loop3A_256 {add = true} : memref<40960xf32, #tpu.memory_space<vmem>>[vector<16xi32>], vector<16xf32>,
        %parallel_loop3A_260 = arith.constant 20480 : i32
        %parallel_loop3A_261 = vector.broadcast %parallel_loop3A_260 : i32 to vector<16xi32>
        %parallel_loop3A_262 = arith.addi %parallel_loop3A_241, %parallel_loop3A_261 : vector<16xi32>
        %parallel_loop3A_263 = tpu.vector_load_idx %arg7[%parallel_loop3A_262] : memref<40960xf32, #tpu.memory_space<vmem>>[vector<16xi32>], vector<16xf32>,
        %parallel_loop3A_264 = arith.constant 20480 : i32
        %parallel_loop3A_265 = vector.broadcast %parallel_loop3A_264 : i32 to vector<16xi32>
        %parallel_loop3A_266 = arith.addi %parallel_loop3A_245, %parallel_loop3A_265 : vector<16xi32>
        tpu.vector_store_idx %arg8[%parallel_loop3A_266], %parallel_loop3A_263 {add = true} : memref<40960xf32, #tpu.memory_space<vmem>>[vector<16xi32>], vector<16xf32>,
        %parallel_loop3A_267 = arith.constant 30720 : i32
        %parallel_loop3A_268 = vector.broadcast %parallel_loop3A_267 : i32 to vector<16xi32>
        %parallel_loop3A_269 = arith.addi %parallel_loop3A_241, %parallel_loop3A_268 : vector<16xi32>
        %parallel_loop3A_270 = tpu.vector_load_idx %arg7[%parallel_loop3A_269] : memref<40960xf32, #tpu.memory_space<vmem>>[vector<16xi32>], vector<16xf32>,
        %parallel_loop3A_271 = arith.constant 30720 : i32
        %parallel_loop3A_272 = vector.broadcast %parallel_loop3A_271 : i32 to vector<16xi32>
        %parallel_loop3A_273 = arith.addi %parallel_loop3A_245, %parallel_loop3A_272 : vector<16xi32>
        tpu.vector_store_idx %arg8[%parallel_loop3A_273], %parallel_loop3A_270 {add = true} : memref<40960xf32, #tpu.memory_space<vmem>>[vector<16xi32>], vector<16xf32>,
      } {sc.loop_unroll_factor = 4 : i64, sc.parallel_access}
      %dma_wait3A_84 = arith.constant 1 : i32
      %dma_wait3A_85 = arith.constant 0 : i32
      %dma_wait3A_86 = tpu.memref_slice %arg9[%dma_wait3A_84, %dma_wait3A_85] : memref<2x6400xi32, #tpu.memory_space<vmem>> -> memref<1x6400xi32, #tpu.memory_space<vmem>>
      %dma_wait3A_87 = tpu.memref_squeeze %dma_wait3A_86 : memref<1x6400xi32, #tpu.memory_space<vmem>> -> memref<6400xi32, #tpu.memory_space<vmem>>
      %dma_wait3A_88 = tpu.memref_slice %arg3[%mul3A_44] : memref<320000xi32, #tpu.memory_space<hbm>> -> memref<6400xi32, #tpu.memory_space<hbm>>
      %dma_wait3A_89 = arith.constant 0 : i32
      %dma_wait3A_90 = tpu.memref_slice %arg9[%dma_wait3A_84, %dma_wait3A_89] : memref<2x6400xi32, #tpu.memory_space<vmem>> -> memref<1x6400xi32, #tpu.memory_space<vmem>>
      %dma_wait3A_91 = tpu.memref_squeeze %dma_wait3A_90 : memref<1x6400xi32, #tpu.memory_space<vmem>> -> memref<6400xi32, #tpu.memory_space<vmem>>
      %dma_wait3A_92 = tpu.memref_slice %arg3[%mul3A_44] : memref<320000xi32, #tpu.memory_space<hbm>> -> memref<6400xi32, #tpu.memory_space<hbm>>
      tpu.wait_dma2 semaphore(%arg12 : memref<!tpu.dma_semaphore, #tpu.memory_space<semaphore_mem>>) src(%dma_wait3A_92 : memref<6400xi32, #tpu.memory_space<hbm>>) dst(%dma_wait3A_91 : memref<6400xi32, #tpu.memory_space<vmem>>)
      %dma_wait3A_93 = arith.constant 1 : i32
      %dma_wait3A_94 = arith.constant 0 : i32
      %dma_wait3A_95 = tpu.memref_slice %arg10[%dma_wait3A_93, %dma_wait3A_94] : memref<2x6400xi32, #tpu.memory_space<vmem>> -> memref<1x6400xi32, #tpu.memory_space<vmem>>
      %dma_wait3A_96 = tpu.memref_squeeze %dma_wait3A_95 : memref<1x6400xi32, #tpu.memory_space<vmem>> -> memref<6400xi32, #tpu.memory_space<vmem>>
      %dma_wait3A_97 = tpu.memref_slice %arg4[%mul3A_55] : memref<320000xi32, #tpu.memory_space<hbm>> -> memref<6400xi32, #tpu.memory_space<hbm>>
      %dma_wait3A_98 = arith.constant 0 : i32
      %dma_wait3A_99 = tpu.memref_slice %arg10[%dma_wait3A_93, %dma_wait3A_98] : memref<2x6400xi32, #tpu.memory_space<vmem>> -> memref<1x6400xi32, #tpu.memory_space<vmem>>
      %dma_wait3A_100 = tpu.memref_squeeze %dma_wait3A_99 : memref<1x6400xi32, #tpu.memory_space<vmem>> -> memref<6400xi32, #tpu.memory_space<vmem>>
      %dma_wait3A_101 = tpu.memref_slice %arg4[%mul3A_55] : memref<320000xi32, #tpu.memory_space<hbm>> -> memref<6400xi32, #tpu.memory_space<hbm>>
      tpu.wait_dma2 semaphore(%arg14 : memref<!tpu.dma_semaphore, #tpu.memory_space<semaphore_mem>>) src(%dma_wait3A_101 : memref<6400xi32, #tpu.memory_space<hbm>>) dst(%dma_wait3A_100 : memref<6400xi32, #tpu.memory_space<vmem>>)
      %parallel_loop3A_102 = arith.constant 0 : i32
      %parallel_loop3A_103 = arith.constant 100 : i32
      %parallel_loop3A_104 = arith.constant 1 : i32
      scf.for %parallel_loop3A_105 = %parallel_loop3A_102 to %parallel_loop3A_103 step %parallel_loop3A_104  : i32 {
        %parallel_loop3A_106 = arith.constant 4 : i32
        %parallel_loop3A_107 = arith.muli %parallel_loop3A_105, %parallel_loop3A_106 : i32
        %parallel_loop3A_108 = arith.constant 0 : i32
        %parallel_loop3A_109 = arith.addi %parallel_loop3A_107, %parallel_loop3A_108 : i32
        %parallel_loop3A_110 = arith.constant 16 : i32
        %parallel_loop3A_111 = arith.muli %parallel_loop3A_109, %parallel_loop3A_110 : i32
        %parallel_loop3A_112 = arith.constant 1 : i32
        %parallel_loop3A_113 = arith.index_cast %parallel_loop3A_112 : i32 to index
        %parallel_loop3A_114 = arith.index_cast %parallel_loop3A_111 : i32 to index
        %parallel_loop3A_115 = tpu.vector_load %arg9[%parallel_loop3A_113, %parallel_loop3A_114] {strides = array<i32>} : memref<2x6400xi32, #tpu.memory_space<vmem>>, vector<16xi32>,
        %parallel_loop3A_116 = arith.constant 1 : i32
        %parallel_loop3A_117 = arith.index_cast %parallel_loop3A_116 : i32 to index
        %parallel_loop3A_118 = arith.index_cast %parallel_loop3A_111 : i32 to index
        %parallel_loop3A_119 = tpu.vector_load %arg10[%parallel_loop3A_117, %parallel_loop3A_118] {strides = array<i32>} : memref<2x6400xi32, #tpu.memory_space<vmem>>, vector<16xi32>,
        %parallel_loop3A_120 = arith.constant 0 : i32
        %parallel_loop3A_121 = vector.broadcast %parallel_loop3A_120 : i32 to vector<16xi32>
        %parallel_loop3A_122 = arith.addi %parallel_loop3A_115, %parallel_loop3A_121 : vector<16xi32>
        %parallel_loop3A_123 = tpu.vector_load_idx %arg7[%parallel_loop3A_122] : memref<40960xf32, #tpu.memory_space<vmem>>[vector<16xi32>], vector<16xf32>,
        %parallel_loop3A_124 = arith.constant 0 : i32
        %parallel_loop3A_125 = vector.broadcast %parallel_loop3A_124 : i32 to vector<16xi32>
        %parallel_loop3A_126 = arith.addi %parallel_loop3A_119, %parallel_loop3A_125 : vector<16xi32>
        tpu.vector_store_idx %arg8[%parallel_loop3A_126], %parallel_loop3A_123 {add = true} : memref<40960xf32, #tpu.memory_space<vmem>>[vector<16xi32>], vector<16xf32>,
        %parallel_loop3A_127 = arith.constant 10240 : i32
        %parallel_loop3A_128 = vector.broadcast %parallel_loop3A_127 : i32 to vector<16xi32>
        %parallel_loop3A_129 = arith.addi %parallel_loop3A_115, %parallel_loop3A_128 : vector<16xi32>
        %parallel_loop3A_130 = tpu.vector_load_idx %arg7[%parallel_loop3A_129] : memref<40960xf32, #tpu.memory_space<vmem>>[vector<16xi32>], vector<16xf32>,
        %parallel_loop3A_131 = arith.constant 10240 : i32
        %parallel_loop3A_132 = vector.broadcast %parallel_loop3A_131 : i32 to vector<16xi32>
        %parallel_loop3A_133 = arith.addi %parallel_loop3A_119, %parallel_loop3A_132 : vector<16xi32>
        tpu.vector_store_idx %arg8[%parallel_loop3A_133], %parallel_loop3A_130 {add = true} : memref<40960xf32, #tpu.memory_space<vmem>>[vector<16xi32>], vector<16xf32>,
        %parallel_loop3A_134 = arith.constant 20480 : i32
        %parallel_loop3A_135 = vector.broadcast %parallel_loop3A_134 : i32 to vector<16xi32>
        %parallel_loop3A_136 = arith.addi %parallel_loop3A_115, %parallel_loop3A_135 : vector<16xi32>
        %parallel_loop3A_137 = tpu.vector_load_idx %arg7[%parallel_loop3A_136] : memref<40960xf32, #tpu.memory_space<vmem>>[vector<16xi32>], vector<16xf32>,
        %parallel_loop3A_138 = arith.constant 20480 : i32
        %parallel_loop3A_139 = vector.broadcast %parallel_loop3A_138 : i32 to vector<16xi32>
        %parallel_loop3A_140 = arith.addi %parallel_loop3A_119, %parallel_loop3A_139 : vector<16xi32>
        tpu.vector_store_idx %arg8[%parallel_loop3A_140], %parallel_loop3A_137 {add = true} : memref<40960xf32, #tpu.memory_space<vmem>>[vector<16xi32>], vector<16xf32>,
        %parallel_loop3A_141 = arith.constant 30720 : i32
        %parallel_loop3A_142 = vector.broadcast %parallel_loop3A_141 : i32 to vector<16xi32>
        %parallel_loop3A_143 = arith.addi %parallel_loop3A_115, %parallel_loop3A_142 : vector<16xi32>
        %parallel_loop3A_144 = tpu.vector_load_idx %arg7[%parallel_loop3A_143] : memref<40960xf32, #tpu.memory_space<vmem>>[vector<16xi32>], vector<16xf32>,
        %parallel_loop3A_145 = arith.constant 30720 : i32
        %parallel_loop3A_146 = vector.broadcast %parallel_loop3A_145 : i32 to vector<16xi32>
        %parallel_loop3A_147 = arith.addi %parallel_loop3A_119, %parallel_loop3A_146 : vector<16xi32>
        tpu.vector_store_idx %arg8[%parallel_loop3A_147], %parallel_loop3A_144 {add = true} : memref<40960xf32, #tpu.memory_space<vmem>>[vector<16xi32>], vector<16xf32>,
        %parallel_loop3A_148 = arith.constant 4 : i32
        %parallel_loop3A_149 = arith.muli %parallel_loop3A_105, %parallel_loop3A_148 : i32
        %parallel_loop3A_150 = arith.constant 1 : i32
        %parallel_loop3A_151 = arith.addi %parallel_loop3A_149, %parallel_loop3A_150 : i32
        %parallel_loop3A_152 = arith.constant 16 : i32
        %parallel_loop3A_153 = arith.muli %parallel_loop3A_151, %parallel_loop3A_152 : i32
        %parallel_loop3A_154 = arith.constant 1 : i32
        %parallel_loop3A_155 = arith.index_cast %parallel_loop3A_154 : i32 to index
        %parallel_loop3A_156 = arith.index_cast %parallel_loop3A_153 : i32 to index
        %parallel_loop3A_157 = tpu.vector_load %arg9[%parallel_loop3A_155, %parallel_loop3A_156] {strides = array<i32>} : memref<2x6400xi32, #tpu.memory_space<vmem>>, vector<16xi32>,
        %parallel_loop3A_158 = arith.constant 1 : i32
        %parallel_loop3A_159 = arith.index_cast %parallel_loop3A_158 : i32 to index
        %parallel_loop3A_160 = arith.index_cast %parallel_loop3A_153 : i32 to index
        %parallel_loop3A_161 = tpu.vector_load %arg10[%parallel_loop3A_159, %parallel_loop3A_160] {strides = array<i32>} : memref<2x6400xi32, #tpu.memory_space<vmem>>, vector<16xi32>,
        %parallel_loop3A_162 = arith.constant 0 : i32
        %parallel_loop3A_163 = vector.broadcast %parallel_loop3A_162 : i32 to vector<16xi32>
        %parallel_loop3A_164 = arith.addi %parallel_loop3A_157, %parallel_loop3A_163 : vector<16xi32>
        %parallel_loop3A_165 = tpu.vector_load_idx %arg7[%parallel_loop3A_164] : memref<40960xf32, #tpu.memory_space<vmem>>[vector<16xi32>], vector<16xf32>,
        %parallel_loop3A_166 = arith.constant 0 : i32
        %parallel_loop3A_167 = vector.broadcast %parallel_loop3A_166 : i32 to vector<16xi32>
        %parallel_loop3A_168 = arith.addi %parallel_loop3A_161, %parallel_loop3A_167 : vector<16xi32>
        tpu.vector_store_idx %arg8[%parallel_loop3A_168], %parallel_loop3A_165 {add = true} : memref<40960xf32, #tpu.memory_space<vmem>>[vector<16xi32>], vector<16xf32>,
        %parallel_loop3A_169 = arith.constant 10240 : i32
        %parallel_loop3A_170 = vector.broadcast %parallel_loop3A_169 : i32 to vector<16xi32>
        %parallel_loop3A_171 = arith.addi %parallel_loop3A_157, %parallel_loop3A_170 : vector<16xi32>
        %parallel_loop3A_172 = tpu.vector_load_idx %arg7[%parallel_loop3A_171] : memref<40960xf32, #tpu.memory_space<vmem>>[vector<16xi32>], vector<16xf32>,
        %parallel_loop3A_173 = arith.constant 10240 : i32
        %parallel_loop3A_174 = vector.broadcast %parallel_loop3A_173 : i32 to vector<16xi32>
        %parallel_loop3A_175 = arith.addi %parallel_loop3A_161, %parallel_loop3A_174 : vector<16xi32>
        tpu.vector_store_idx %arg8[%parallel_loop3A_175], %parallel_loop3A_172 {add = true} : memref<40960xf32, #tpu.memory_space<vmem>>[vector<16xi32>], vector<16xf32>,
        %parallel_loop3A_176 = arith.constant 20480 : i32
        %parallel_loop3A_177 = vector.broadcast %parallel_loop3A_176 : i32 to vector<16xi32>
        %parallel_loop3A_178 = arith.addi %parallel_loop3A_157, %parallel_loop3A_177 : vector<16xi32>
        %parallel_loop3A_179 = tpu.vector_load_idx %arg7[%parallel_loop3A_178] : memref<40960xf32, #tpu.memory_space<vmem>>[vector<16xi32>], vector<16xf32>,
        %parallel_loop3A_180 = arith.constant 20480 : i32
        %parallel_loop3A_181 = vector.broadcast %parallel_loop3A_180 : i32 to vector<16xi32>
        %parallel_loop3A_182 = arith.addi %parallel_loop3A_161, %parallel_loop3A_181 : vector<16xi32>
        tpu.vector_store_idx %arg8[%parallel_loop3A_182], %parallel_loop3A_179 {add = true} : memref<40960xf32, #tpu.memory_space<vmem>>[vector<16xi32>], vector<16xf32>,
        %parallel_loop3A_183 = arith.constant 30720 : i32
        %parallel_loop3A_184 = vector.broadcast %parallel_loop3A_183 : i32 to vector<16xi32>
        %parallel_loop3A_185 = arith.addi %parallel_loop3A_157, %parallel_loop3A_184 : vector<16xi32>
        %parallel_loop3A_186 = tpu.vector_load_idx %arg7[%parallel_loop3A_185] : memref<40960xf32, #tpu.memory_space<vmem>>[vector<16xi32>], vector<16xf32>,
        %parallel_loop3A_187 = arith.constant 30720 : i32
        %parallel_loop3A_188 = vector.broadcast %parallel_loop3A_187 : i32 to vector<16xi32>
        %parallel_loop3A_189 = arith.addi %parallel_loop3A_161, %parallel_loop3A_188 : vector<16xi32>
        tpu.vector_store_idx %arg8[%parallel_loop3A_189], %parallel_loop3A_186 {add = true} : memref<40960xf32, #tpu.memory_space<vmem>>[vector<16xi32>], vector<16xf32>,
        %parallel_loop3A_190 = arith.constant 4 : i32
        %parallel_loop3A_191 = arith.muli %parallel_loop3A_105, %parallel_loop3A_190 : i32
        %parallel_loop3A_192 = arith.constant 2 : i32
        %parallel_loop3A_193 = arith.addi %parallel_loop3A_191, %parallel_loop3A_192 : i32
        %parallel_loop3A_194 = arith.constant 16 : i32
        %parallel_loop3A_195 = arith.muli %parallel_loop3A_193, %parallel_loop3A_194 : i32
        %parallel_loop3A_196 = arith.constant 1 : i32
        %parallel_loop3A_197 = arith.index_cast %parallel_loop3A_196 : i32 to index
        %parallel_loop3A_198 = arith.index_cast %parallel_loop3A_195 : i32 to index
        %parallel_loop3A_199 = tpu.vector_load %arg9[%parallel_loop3A_197, %parallel_loop3A_198] {strides = array<i32>} : memref<2x6400xi32, #tpu.memory_space<vmem>>, vector<16xi32>,
        %parallel_loop3A_200 = arith.constant 1 : i32
        %parallel_loop3A_201 = arith.index_cast %parallel_loop3A_200 : i32 to index
        %parallel_loop3A_202 = arith.index_cast %parallel_loop3A_195 : i32 to index
        %parallel_loop3A_203 = tpu.vector_load %arg10[%parallel_loop3A_201, %parallel_loop3A_202] {strides = array<i32>} : memref<2x6400xi32, #tpu.memory_space<vmem>>, vector<16xi32>,
        %parallel_loop3A_204 = arith.constant 0 : i32
        %parallel_loop3A_205 = vector.broadcast %parallel_loop3A_204 : i32 to vector<16xi32>
        %parallel_loop3A_206 = arith.addi %parallel_loop3A_199, %parallel_loop3A_205 : vector<16xi32>
        %parallel_loop3A_207 = tpu.vector_load_idx %arg7[%parallel_loop3A_206] : memref<40960xf32, #tpu.memory_space<vmem>>[vector<16xi32>], vector<16xf32>,
        %parallel_loop3A_208 = arith.constant 0 : i32
        %parallel_loop3A_209 = vector.broadcast %parallel_loop3A_208 : i32 to vector<16xi32>
        %parallel_loop3A_210 = arith.addi %parallel_loop3A_203, %parallel_loop3A_209 : vector<16xi32>
        tpu.vector_store_idx %arg8[%parallel_loop3A_210], %parallel_loop3A_207 {add = true} : memref<40960xf32, #tpu.memory_space<vmem>>[vector<16xi32>], vector<16xf32>,
        %parallel_loop3A_211 = arith.constant 10240 : i32
        %parallel_loop3A_212 = vector.broadcast %parallel_loop3A_211 : i32 to vector<16xi32>
        %parallel_loop3A_213 = arith.addi %parallel_loop3A_199, %parallel_loop3A_212 : vector<16xi32>
        %parallel_loop3A_214 = tpu.vector_load_idx %arg7[%parallel_loop3A_213] : memref<40960xf32, #tpu.memory_space<vmem>>[vector<16xi32>], vector<16xf32>,
        %parallel_loop3A_215 = arith.constant 10240 : i32
        %parallel_loop3A_216 = vector.broadcast %parallel_loop3A_215 : i32 to vector<16xi32>
        %parallel_loop3A_217 = arith.addi %parallel_loop3A_203, %parallel_loop3A_216 : vector<16xi32>
        tpu.vector_store_idx %arg8[%parallel_loop3A_217], %parallel_loop3A_214 {add = true} : memref<40960xf32, #tpu.memory_space<vmem>>[vector<16xi32>], vector<16xf32>,
        %parallel_loop3A_218 = arith.constant 20480 : i32
        %parallel_loop3A_219 = vector.broadcast %parallel_loop3A_218 : i32 to vector<16xi32>
        %parallel_loop3A_220 = arith.addi %parallel_loop3A_199, %parallel_loop3A_219 : vector<16xi32>
        %parallel_loop3A_221 = tpu.vector_load_idx %arg7[%parallel_loop3A_220] : memref<40960xf32, #tpu.memory_space<vmem>>[vector<16xi32>], vector<16xf32>,
        %parallel_loop3A_222 = arith.constant 20480 : i32
        %parallel_loop3A_223 = vector.broadcast %parallel_loop3A_222 : i32 to vector<16xi32>
        %parallel_loop3A_224 = arith.addi %parallel_loop3A_203, %parallel_loop3A_223 : vector<16xi32>
        tpu.vector_store_idx %arg8[%parallel_loop3A_224], %parallel_loop3A_221 {add = true} : memref<40960xf32, #tpu.memory_space<vmem>>[vector<16xi32>], vector<16xf32>,
        %parallel_loop3A_225 = arith.constant 30720 : i32
        %parallel_loop3A_226 = vector.broadcast %parallel_loop3A_225 : i32 to vector<16xi32>
        %parallel_loop3A_227 = arith.addi %parallel_loop3A_199, %parallel_loop3A_226 : vector<16xi32>
        %parallel_loop3A_228 = tpu.vector_load_idx %arg7[%parallel_loop3A_227] : memref<40960xf32, #tpu.memory_space<vmem>>[vector<16xi32>], vector<16xf32>,
        %parallel_loop3A_229 = arith.constant 30720 : i32
        %parallel_loop3A_230 = vector.broadcast %parallel_loop3A_229 : i32 to vector<16xi32>
        %parallel_loop3A_231 = arith.addi %parallel_loop3A_203, %parallel_loop3A_230 : vector<16xi32>
        tpu.vector_store_idx %arg8[%parallel_loop3A_231], %parallel_loop3A_228 {add = true} : memref<40960xf32, #tpu.memory_space<vmem>>[vector<16xi32>], vector<16xf32>,
        %parallel_loop3A_232 = arith.constant 4 : i32
        %parallel_loop3A_233 = arith.muli %parallel_loop3A_105, %parallel_loop3A_232 : i32
        %parallel_loop3A_234 = arith.constant 3 : i32
        %parallel_loop3A_235 = arith.addi %parallel_loop3A_233, %parallel_loop3A_234 : i32
        %parallel_loop3A_236 = arith.constant 16 : i32
        %parallel_loop3A_237 = arith.muli %parallel_loop3A_235, %parallel_loop3A_236 : i32
        %parallel_loop3A_238 = arith.constant 1 : i32
        %parallel_loop3A_239 = arith.index_cast %parallel_loop3A_238 : i32 to index
        %parallel_loop3A_240 = arith.index_cast %parallel_loop3A_237 : i32 to index
        %parallel_loop3A_241 = tpu.vector_load %arg9[%parallel_loop3A_239, %parallel_loop3A_240] {strides = array<i32>} : memref<2x6400xi32, #tpu.memory_space<vmem>>, vector<16xi32>,
        %parallel_loop3A_242 = arith.constant 1 : i32
        %parallel_loop3A_243 = arith.index_cast %parallel_loop3A_242 : i32 to index
        %parallel_loop3A_244 = arith.index_cast %parallel_loop3A_237 : i32 to index
        %parallel_loop3A_245 = tpu.vector_load %arg10[%parallel_loop3A_243, %parallel_loop3A_244] {strides = array<i32>} : memref<2x6400xi32, #tpu.memory_space<vmem>>, vector<16xi32>,
        %parallel_loop3A_246 = arith.constant 0 : i32
        %parallel_loop3A_247 = vector.broadcast %parallel_loop3A_246 : i32 to vector<16xi32>
        %parallel_loop3A_248 = arith.addi %parallel_loop3A_241, %parallel_loop3A_247 : vector<16xi32>
        %parallel_loop3A_249 = tpu.vector_load_idx %arg7[%parallel_loop3A_248] : memref<40960xf32, #tpu.memory_space<vmem>>[vector<16xi32>], vector<16xf32>,
        %parallel_loop3A_250 = arith.constant 0 : i32
        %parallel_loop3A_251 = vector.broadcast %parallel_loop3A_250 : i32 to vector<16xi32>
        %parallel_loop3A_252 = arith.addi %parallel_loop3A_245, %parallel_loop3A_251 : vector<16xi32>
        tpu.vector_store_idx %arg8[%parallel_loop3A_252], %parallel_loop3A_249 {add = true} : memref<40960xf32, #tpu.memory_space<vmem>>[vector<16xi32>], vector<16xf32>,
        %parallel_loop3A_253 = arith.constant 10240 : i32
        %parallel_loop3A_254 = vector.broadcast %parallel_loop3A_253 : i32 to vector<16xi32>
        %parallel_loop3A_255 = arith.addi %parallel_loop3A_241, %parallel_loop3A_254 : vector<16xi32>
        %parallel_loop3A_256 = tpu.vector_load_idx %arg7[%parallel_loop3A_255] : memref<40960xf32, #tpu.memory_space<vmem>>[vector<16xi32>], vector<16xf32>,
        %parallel_loop3A_257 = arith.constant 10240 : i32
        %parallel_loop3A_258 = vector.broadcast %parallel_loop3A_257 : i32 to vector<16xi32>
        %parallel_loop3A_259 = arith.addi %parallel_loop3A_245, %parallel_loop3A_258 : vector<16xi32>
        tpu.vector_store_idx %arg8[%parallel_loop3A_259], %parallel_loop3A_256 {add = true} : memref<40960xf32, #tpu.memory_space<vmem>>[vector<16xi32>], vector<16xf32>,
        %parallel_loop3A_260 = arith.constant 20480 : i32
        %parallel_loop3A_261 = vector.broadcast %parallel_loop3A_260 : i32 to vector<16xi32>
        %parallel_loop3A_262 = arith.addi %parallel_loop3A_241, %parallel_loop3A_261 : vector<16xi32>
        %parallel_loop3A_263 = tpu.vector_load_idx %arg7[%parallel_loop3A_262] : memref<40960xf32, #tpu.memory_space<vmem>>[vector<16xi32>], vector<16xf32>,
        %parallel_loop3A_264 = arith.constant 20480 : i32
        %parallel_loop3A_265 = vector.broadcast %parallel_loop3A_264 : i32 to vector<16xi32>
        %parallel_loop3A_266 = arith.addi %parallel_loop3A_245, %parallel_loop3A_265 : vector<16xi32>
        tpu.vector_store_idx %arg8[%parallel_loop3A_266], %parallel_loop3A_263 {add = true} : memref<40960xf32, #tpu.memory_space<vmem>>[vector<16xi32>], vector<16xf32>,
        %parallel_loop3A_267 = arith.constant 30720 : i32
        %parallel_loop3A_268 = vector.broadcast %parallel_loop3A_267 : i32 to vector<16xi32>
        %parallel_loop3A_269 = arith.addi %parallel_loop3A_241, %parallel_loop3A_268 : vector<16xi32>
        %parallel_loop3A_270 = tpu.vector_load_idx %arg7[%parallel_loop3A_269] : memref<40960xf32, #tpu.memory_space<vmem>>[vector<16xi32>], vector<16xf32>,
        %parallel_loop3A_271 = arith.constant 30720 : i32
        %parallel_loop3A_272 = vector.broadcast %parallel_loop3A_271 : i32 to vector<16xi32>
        %parallel_loop3A_273 = arith.addi %parallel_loop3A_245, %parallel_loop3A_272 : vector<16xi32>
        tpu.vector_store_idx %arg8[%parallel_loop3A_273], %parallel_loop3A_270 {add = true} : memref<40960xf32, #tpu.memory_space<vmem>>[vector<16xi32>], vector<16xf32>,
      } {sc.loop_unroll_factor = 4 : i64, sc.parallel_access}
    }
    %scan3A_8 = arith.constant 25 : i32
    %run_scoped3A_9 = arith.constant 0 : i32
    "tpu.region"() ({
      %run_scoped3A_13 = tpu.sem_alloc : memref<!tpu.dma_semaphore, #tpu.memory_space<semaphore_mem>>
      %dma_start3A = arith.constant 0 : i32
      %dma_start3A_14 = tpu.memref_slice %arg8[%dma_start3A] : memref<40960xf32, #tpu.memory_space<vmem>> -> memref<10240xf32, #tpu.memory_space<vmem>>
      %dma_start3A_15 = arith.constant 0 : i32
      %dma_start3A_16 = tpu.memref_slice %arg6[%add3A, %run_scoped3A_9, %dma_start3A_15] : memref<32x4x10240xf32, #tpu.memory_space<hbm>> -> memref<1x1x10240xf32, #tpu.memory_space<hbm>>
      %dma_start3A_17 = tpu.memref_squeeze %dma_start3A_16 : memref<1x1x10240xf32, #tpu.memory_space<hbm>> -> memref<10240xf32, #tpu.memory_space<hbm>>
      %dma_start3A_18 = arith.constant 0 : i32
      %dma_start3A_19 = tpu.memref_slice %arg6[%add3A, %run_scoped3A_9, %dma_start3A_18] : memref<32x4x10240xf32, #tpu.memory_space<hbm>> -> memref<1x1x10240xf32, #tpu.memory_space<hbm>>
      %dma_start3A_20 = tpu.memref_squeeze %dma_start3A_19 : memref<1x1x10240xf32, #tpu.memory_space<hbm>> -> memref<10240xf32, #tpu.memory_space<hbm>>
      %dma_start3A_21 = arith.constant 0 : i32
      %dma_start3A_22 = tpu.memref_slice %arg8[%dma_start3A_21] : memref<40960xf32, #tpu.memory_space<vmem>> -> memref<10240xf32, #tpu.memory_space<vmem>>
      tpu.enqueue_dma source(%dma_start3A_22 : memref<10240xf32, #tpu.memory_space<vmem>>) target(%dma_start3A_20 : memref<10240xf32, #tpu.memory_space<hbm>>) target_semaphore(%run_scoped3A_13 : memref<!tpu.dma_semaphore, #tpu.memory_space<semaphore_mem>>)
      %dma_wait3A = arith.constant 0 : i32
      %dma_wait3A_23 = tpu.memref_slice %arg8[%dma_wait3A] : memref<40960xf32, #tpu.memory_space<vmem>> -> memref<10240xf32, #tpu.memory_space<vmem>>
      %dma_wait3A_24 = arith.constant 0 : i32
      %dma_wait3A_25 = tpu.memref_slice %arg6[%add3A, %run_scoped3A_9, %dma_wait3A_24] : memref<32x4x10240xf32, #tpu.memory_space<hbm>> -> memref<1x1x10240xf32, #tpu.memory_space<hbm>>
      %dma_wait3A_26 = tpu.memref_squeeze %dma_wait3A_25 : memref<1x1x10240xf32, #tpu.memory_space<hbm>> -> memref<10240xf32, #tpu.memory_space<hbm>>
      %dma_wait3A_27 = arith.constant 0 : i32
      %dma_wait3A_28 = tpu.memref_slice %arg6[%add3A, %run_scoped3A_9, %dma_wait3A_27] : memref<32x4x10240xf32, #tpu.memory_space<hbm>> -> memref<1x1x10240xf32, #tpu.memory_space<hbm>>
      %dma_wait3A_29 = tpu.memref_squeeze %dma_wait3A_28 : memref<1x1x10240xf32, #tpu.memory_space<hbm>> -> memref<10240xf32, #tpu.memory_space<hbm>>
      %dma_wait3A_30 = arith.constant 0 : i32
      %dma_wait3A_31 = tpu.memref_slice %arg8[%dma_wait3A_30] : memref<40960xf32, #tpu.memory_space<vmem>> -> memref<10240xf32, #tpu.memory_space<vmem>>
      tpu.wait_dma2 semaphore(%run_scoped3A_13 : memref<!tpu.dma_semaphore, #tpu.memory_space<semaphore_mem>>) src(%dma_wait3A_31 : memref<10240xf32, #tpu.memory_space<vmem>>) dst(%dma_wait3A_29 : memref<10240xf32, #tpu.memory_space<hbm>>)
      tpu.yield
    }) : () -> ()
    %run_scoped3A_10 = arith.constant 1 : i32
    "tpu.region"() ({
      %run_scoped3A_13 = tpu.sem_alloc : memref<!tpu.dma_semaphore, #tpu.memory_space<semaphore_mem>>
      %dma_start3A = arith.constant 10240 : i32
      %dma_start3A_14 = tpu.memref_slice %arg8[%dma_start3A] : memref<40960xf32, #tpu.memory_space<vmem>> -> memref<10240xf32, #tpu.memory_space<vmem>>
      %dma_start3A_15 = arith.constant 0 : i32
      %dma_start3A_16 = tpu.memref_slice %arg6[%add3A, %run_scoped3A_10, %dma_start3A_15] : memref<32x4x10240xf32, #tpu.memory_space<hbm>> -> memref<1x1x10240xf32, #tpu.memory_space<hbm>>
      %dma_start3A_17 = tpu.memref_squeeze %dma_start3A_16 : memref<1x1x10240xf32, #tpu.memory_space<hbm>> -> memref<10240xf32, #tpu.memory_space<hbm>>
      %dma_start3A_18 = arith.constant 0 : i32
      %dma_start3A_19 = tpu.memref_slice %arg6[%add3A, %run_scoped3A_10, %dma_start3A_18] : memref<32x4x10240xf32, #tpu.memory_space<hbm>> -> memref<1x1x10240xf32, #tpu.memory_space<hbm>>
      %dma_start3A_20 = tpu.memref_squeeze %dma_start3A_19 : memref<1x1x10240xf32, #tpu.memory_space<hbm>> -> memref<10240xf32, #tpu.memory_space<hbm>>
      %dma_start3A_21 = arith.constant 10240 : i32
      %dma_start3A_22 = tpu.memref_slice %arg8[%dma_start3A_21] : memref<40960xf32, #tpu.memory_space<vmem>> -> memref<10240xf32, #tpu.memory_space<vmem>>
      tpu.enqueue_dma source(%dma_start3A_22 : memref<10240xf32, #tpu.memory_space<vmem>>) target(%dma_start3A_20 : memref<10240xf32, #tpu.memory_space<hbm>>) target_semaphore(%run_scoped3A_13 : memref<!tpu.dma_semaphore, #tpu.memory_space<semaphore_mem>>)
      %dma_wait3A = arith.constant 10240 : i32
      %dma_wait3A_23 = tpu.memref_slice %arg8[%dma_wait3A] : memref<40960xf32, #tpu.memory_space<vmem>> -> memref<10240xf32, #tpu.memory_space<vmem>>
      %dma_wait3A_24 = arith.constant 0 : i32
      %dma_wait3A_25 = tpu.memref_slice %arg6[%add3A, %run_scoped3A_10, %dma_wait3A_24] : memref<32x4x10240xf32, #tpu.memory_space<hbm>> -> memref<1x1x10240xf32, #tpu.memory_space<hbm>>
      %dma_wait3A_26 = tpu.memref_squeeze %dma_wait3A_25 : memref<1x1x10240xf32, #tpu.memory_space<hbm>> -> memref<10240xf32, #tpu.memory_space<hbm>>
      %dma_wait3A_27 = arith.constant 0 : i32
      %dma_wait3A_28 = tpu.memref_slice %arg6[%add3A, %run_scoped3A_10, %dma_wait3A_27] : memref<32x4x10240xf32, #tpu.memory_space<hbm>> -> memref<1x1x10240xf32, #tpu.memory_space<hbm>>
      %dma_wait3A_29 = tpu.memref_squeeze %dma_wait3A_28 : memref<1x1x10240xf32, #tpu.memory_space<hbm>> -> memref<10240xf32, #tpu.memory_space<hbm>>
      %dma_wait3A_30 = arith.constant 10240 : i32
      %dma_wait3A_31 = tpu.memref_slice %arg8[%dma_wait3A_30] : memref<40960xf32, #tpu.memory_space<vmem>> -> memref<10240xf32, #tpu.memory_space<vmem>>
      tpu.wait_dma2 semaphore(%run_scoped3A_13 : memref<!tpu.dma_semaphore, #tpu.memory_space<semaphore_mem>>) src(%dma_wait3A_31 : memref<10240xf32, #tpu.memory_space<vmem>>) dst(%dma_wait3A_29 : memref<10240xf32, #tpu.memory_space<hbm>>)
      tpu.yield
    }) : () -> ()
    %run_scoped3A_11 = arith.constant 2 : i32
    "tpu.region"() ({
      %run_scoped3A_13 = tpu.sem_alloc : memref<!tpu.dma_semaphore, #tpu.memory_space<semaphore_mem>>
      %dma_start3A = arith.constant 20480 : i32
      %dma_start3A_14 = tpu.memref_slice %arg8[%dma_start3A] : memref<40960xf32, #tpu.memory_space<vmem>> -> memref<10240xf32, #tpu.memory_space<vmem>>
      %dma_start3A_15 = arith.constant 0 : i32
      %dma_start3A_16 = tpu.memref_slice %arg6[%add3A, %run_scoped3A_11, %dma_start3A_15] : memref<32x4x10240xf32, #tpu.memory_space<hbm>> -> memref<1x1x10240xf32, #tpu.memory_space<hbm>>
      %dma_start3A_17 = tpu.memref_squeeze %dma_start3A_16 : memref<1x1x10240xf32, #tpu.memory_space<hbm>> -> memref<10240xf32, #tpu.memory_space<hbm>>
      %dma_start3A_18 = arith.constant 0 : i32
      %dma_start3A_19 = tpu.memref_slice %arg6[%add3A, %run_scoped3A_11, %dma_start3A_18] : memref<32x4x10240xf32, #tpu.memory_space<hbm>> -> memref<1x1x10240xf32, #tpu.memory_space<hbm>>
      %dma_start3A_20 = tpu.memref_squeeze %dma_start3A_19 : memref<1x1x10240xf32, #tpu.memory_space<hbm>> -> memref<10240xf32, #tpu.memory_space<hbm>>
      %dma_start3A_21 = arith.constant 20480 : i32
      %dma_start3A_22 = tpu.memref_slice %arg8[%dma_start3A_21] : memref<40960xf32, #tpu.memory_space<vmem>> -> memref<10240xf32, #tpu.memory_space<vmem>>
      tpu.enqueue_dma source(%dma_start3A_22 : memref<10240xf32, #tpu.memory_space<vmem>>) target(%dma_start3A_20 : memref<10240xf32, #tpu.memory_space<hbm>>) target_semaphore(%run_scoped3A_13 : memref<!tpu.dma_semaphore, #tpu.memory_space<semaphore_mem>>)
      %dma_wait3A = arith.constant 20480 : i32
      %dma_wait3A_23 = tpu.memref_slice %arg8[%dma_wait3A] : memref<40960xf32, #tpu.memory_space<vmem>> -> memref<10240xf32, #tpu.memory_space<vmem>>
      %dma_wait3A_24 = arith.constant 0 : i32
      %dma_wait3A_25 = tpu.memref_slice %arg6[%add3A, %run_scoped3A_11, %dma_wait3A_24] : memref<32x4x10240xf32, #tpu.memory_space<hbm>> -> memref<1x1x10240xf32, #tpu.memory_space<hbm>>
      %dma_wait3A_26 = tpu.memref_squeeze %dma_wait3A_25 : memref<1x1x10240xf32, #tpu.memory_space<hbm>> -> memref<10240xf32, #tpu.memory_space<hbm>>
      %dma_wait3A_27 = arith.constant 0 : i32
      %dma_wait3A_28 = tpu.memref_slice %arg6[%add3A, %run_scoped3A_11, %dma_wait3A_27] : memref<32x4x10240xf32, #tpu.memory_space<hbm>> -> memref<1x1x10240xf32, #tpu.memory_space<hbm>>
      %dma_wait3A_29 = tpu.memref_squeeze %dma_wait3A_28 : memref<1x1x10240xf32, #tpu.memory_space<hbm>> -> memref<10240xf32, #tpu.memory_space<hbm>>
      %dma_wait3A_30 = arith.constant 20480 : i32
      %dma_wait3A_31 = tpu.memref_slice %arg8[%dma_wait3A_30] : memref<40960xf32, #tpu.memory_space<vmem>> -> memref<10240xf32, #tpu.memory_space<vmem>>
      tpu.wait_dma2 semaphore(%run_scoped3A_13 : memref<!tpu.dma_semaphore, #tpu.memory_space<semaphore_mem>>) src(%dma_wait3A_31 : memref<10240xf32, #tpu.memory_space<vmem>>) dst(%dma_wait3A_29 : memref<10240xf32, #tpu.memory_space<hbm>>)
      tpu.yield
    }) : () -> ()
    %run_scoped3A_12 = arith.constant 3 : i32
    "tpu.region"() ({
      %run_scoped3A_13 = tpu.sem_alloc : memref<!tpu.dma_semaphore, #tpu.memory_space<semaphore_mem>>
      %dma_start3A = arith.constant 30720 : i32
      %dma_start3A_14 = tpu.memref_slice %arg8[%dma_start3A] : memref<40960xf32, #tpu.memory_space<vmem>> -> memref<10240xf32, #tpu.memory_space<vmem>>
      %dma_start3A_15 = arith.constant 0 : i32
      %dma_start3A_16 = tpu.memref_slice %arg6[%add3A, %run_scoped3A_12, %dma_start3A_15] : memref<32x4x10240xf32, #tpu.memory_space<hbm>> -> memref<1x1x10240xf32, #tpu.memory_space<hbm>>
      %dma_start3A_17 = tpu.memref_squeeze %dma_start3A_16 : memref<1x1x10240xf32, #tpu.memory_space<hbm>> -> memref<10240xf32, #tpu.memory_space<hbm>>
      %dma_start3A_18 = arith.constant 0 : i32
      %dma_start3A_19 = tpu.memref_slice %arg6[%add3A, %run_scoped3A_12, %dma_start3A_18] : memref<32x4x10240xf32, #tpu.memory_space<hbm>> -> memref<1x1x10240xf32, #tpu.memory_space<hbm>>
      %dma_start3A_20 = tpu.memref_squeeze %dma_start3A_19 : memref<1x1x10240xf32, #tpu.memory_space<hbm>> -> memref<10240xf32, #tpu.memory_space<hbm>>
      %dma_start3A_21 = arith.constant 30720 : i32
      %dma_start3A_22 = tpu.memref_slice %arg8[%dma_start3A_21] : memref<40960xf32, #tpu.memory_space<vmem>> -> memref<10240xf32, #tpu.memory_space<vmem>>
      tpu.enqueue_dma source(%dma_start3A_22 : memref<10240xf32, #tpu.memory_space<vmem>>) target(%dma_start3A_20 : memref<10240xf32, #tpu.memory_space<hbm>>) target_semaphore(%run_scoped3A_13 : memref<!tpu.dma_semaphore, #tpu.memory_space<semaphore_mem>>)
      %dma_wait3A = arith.constant 30720 : i32
      %dma_wait3A_23 = tpu.memref_slice %arg8[%dma_wait3A] : memref<40960xf32, #tpu.memory_space<vmem>> -> memref<10240xf32, #tpu.memory_space<vmem>>
      %dma_wait3A_24 = arith.constant 0 : i32
      %dma_wait3A_25 = tpu.memref_slice %arg6[%add3A, %run_scoped3A_12, %dma_wait3A_24] : memref<32x4x10240xf32, #tpu.memory_space<hbm>> -> memref<1x1x10240xf32, #tpu.memory_space<hbm>>
      %dma_wait3A_26 = tpu.memref_squeeze %dma_wait3A_25 : memref<1x1x10240xf32, #tpu.memory_space<hbm>> -> memref<10240xf32, #tpu.memory_space<hbm>>
      %dma_wait3A_27 = arith.constant 0 : i32
      %dma_wait3A_28 = tpu.memref_slice %arg6[%add3A, %run_scoped3A_12, %dma_wait3A_27] : memref<32x4x10240xf32, #tpu.memory_space<hbm>> -> memref<1x1x10240xf32, #tpu.memory_space<hbm>>
      %dma_wait3A_29 = tpu.memref_squeeze %dma_wait3A_28 : memref<1x1x10240xf32, #tpu.memory_space<hbm>> -> memref<10240xf32, #tpu.memory_space<hbm>>
      %dma_wait3A_30 = arith.constant 30720 : i32
      %dma_wait3A_31 = tpu.memref_slice %arg8[%dma_wait3A_30] : memref<40960xf32, #tpu.memory_space<vmem>> -> memref<10240xf32, #tpu.memory_space<vmem>>
      tpu.wait_dma2 semaphore(%run_scoped3A_13 : memref<!tpu.dma_semaphore, #tpu.memory_space<semaphore_mem>>) src(%dma_wait3A_31 : memref<10240xf32, #tpu.memory_space<vmem>>) dst(%dma_wait3A_29 : memref<10240xf32, #tpu.memory_space<hbm>>)
      tpu.yield
    }) : () -> ()
    return
  }
}

#map = affine_map<(d0, d1) -> (0, 0, 0)>
#map1 = affine_map<(d0, d1) -> (0)>
module attributes {stable_mosaic.version = 14 : i64} {
  func.func @sc_agg(%arg0: i32, %arg1: i32, %arg2: memref<32x4x10240xf32, #tpu.memory_space<hbm>>, %arg3: memref<320000xi32, #tpu.memory_space<hbm>>, %arg4: memref<320000xi32, #tpu.memory_space<hbm>>, %arg5: memref<40960xf32, #tpu.memory_space<hbm>>, %arg6: memref<32x4x10240xf32, #tpu.memory_space<hbm>>, %arg7: memref<40960xf32, #tpu.memory_space<vmem>>, %arg8: memref<40960xf32, #tpu.memory_space<vmem>>, %arg9: memref<2x6400xi32, #tpu.memory_space<vmem>>, %arg10: memref<2x6400xi32, #tpu.memory_space<vmem>>, %arg11: memref<!tpu.dma_semaphore, #tpu.memory_space<semaphore_mem>>, %arg12: memref<!tpu.dma_semaphore, #tpu.memory_space<semaphore_mem>>, %arg13: memref<!tpu.dma_semaphore, #tpu.memory_space<semaphore_mem>>, %arg14: memref<!tpu.dma_semaphore, #tpu.memory_space<semaphore_mem>>) attributes {dimension_semantics = [#tpu.dimension_semantics<core_parallel>, #tpu.dimension_semantics<subcore_parallel>], iteration_bounds = array<i64: 2, 16>, scalar_prefetch = 0 : i64, scratch_operands = 8 : i64, tpu.core_type = #tpu.core_type<sc_vector_subcore>, window_params = [{transform_indices = #map}, {transform_indices = #map1}, {transform_indices = #map1}, {transform_indices = #map1}, {transform_indices = #map}]} {
    %mul3A = arith.constant 16 : i32
    %mul3A_0 = arith.muli %arg0, %mul3A : i32
    %add3A = arith.addi %mul3A_0, %arg1 : i32
    %run_scoped3A = arith.constant 0 : i32
    "tpu.region"() ({
      %run_scoped3A_13 = tpu.sem_alloc : memref<!tpu.dma_semaphore, #tpu.memory_space<semaphore_mem>>
      %dma_start3A = arith.constant 0 : i32
      %dma_start3A_14 = tpu.memref_slice %arg7[%dma_start3A] : memref<40960xf32, #tpu.memory_space<vmem>> -> memref<10240xf32, #tpu.memory_space<vmem>>
      %dma_start3A_15 = arith.constant 0 : i32
      %dma_start3A_16 = tpu.memref_slice %arg2[%add3A, %run_scoped3A, %dma_start3A_15] : memref<32x4x10240xf32, #tpu.memory_space<hbm>> -> memref<1x1x10240xf32, #tpu.memory_space<hbm>>
      %dma_start3A_17 = tpu.memref_squeeze %dma_start3A_16 : memref<1x1x10240xf32, #tpu.memory_space<hbm>> -> memref<10240xf32, #tpu.memory_space<hbm>>
      %dma_start3A_18 = arith.constant 0 : i32
      %dma_start3A_19 = tpu.memref_slice %arg7[%dma_start3A_18] : memref<40960xf32, #tpu.memory_space<vmem>> -> memref<10240xf32, #tpu.memory_space<vmem>>
      %dma_start3A_20 = arith.constant 0 : i32
      %dma_start3A_21 = tpu.memref_slice %arg2[%add3A, %run_scoped3A, %dma_start3A_20] : memref<32x4x10240xf32, #tpu.memory_space<hbm>> -> memref<1x1x10240xf32, #tpu.memory_space<hbm>>
      %dma_start3A_22 = tpu.memref_squeeze %dma_start3A_21 : memref<1x1x10240xf32, #tpu.memory_space<hbm>> -> memref<10240xf32, #tpu.memory_space<hbm>>
      tpu.enqueue_dma source(%dma_start3A_22 : memref<10240xf32, #tpu.memory_space<hbm>>) target(%dma_start3A_19 : memref<10240xf32, #tpu.memory_space<vmem>>) target_semaphore(%run_scoped3A_13 : memref<!tpu.dma_semaphore, #tpu.memory_space<semaphore_mem>>)
      %dma_wait3A = arith.constant 0 : i32
      %dma_wait3A_23 = tpu.memref_slice %arg7[%dma_wait3A] : memref<40960xf32, #tpu.memory_space<vmem>> -> memref<10240xf32, #tpu.memory_space<vmem>>
      %dma_wait3A_24 = arith.constant 0 : i32
      %dma_wait3A_25 = tpu.memref_slice %arg2[%add3A, %run_scoped3A, %dma_wait3A_24] : memref<32x4x10240xf32, #tpu.memory_space<hbm>> -> memref<1x1x10240xf32, #tpu.memory_space<hbm>>
      %dma_wait3A_26 = tpu.memref_squeeze %dma_wait3A_25 : memref<1x1x10240xf32, #tpu.memory_space<hbm>> -> memref<10240xf32, #tpu.memory_space<hbm>>
      %dma_wait3A_27 = arith.constant 0 : i32
      %dma_wait3A_28 = tpu.memref_slice %arg7[%dma_wait3A_27] : memref<40960xf32, #tpu.memory_space<vmem>> -> memref<10240xf32, #tpu.memory_space<vmem>>
      %dma_wait3A_29 = arith.constant 0 : i32
      %dma_wait3A_30 = tpu.memref_slice %arg2[%add3A, %run_scoped3A, %dma_wait3A_29] : memref<32x4x10240xf32, #tpu.memory_space<hbm>> -> memref<1x1x10240xf32, #tpu.memory_space<hbm>>
      %dma_wait3A_31 = tpu.memref_squeeze %dma_wait3A_30 : memref<1x1x10240xf32, #tpu.memory_space<hbm>> -> memref<10240xf32, #tpu.memory_space<hbm>>
      tpu.wait_dma2 semaphore(%run_scoped3A_13 : memref<!tpu.dma_semaphore, #tpu.memory_space<semaphore_mem>>) src(%dma_wait3A_31 : memref<10240xf32, #tpu.memory_space<hbm>>) dst(%dma_wait3A_28 : memref<10240xf32, #tpu.memory_space<vmem>>)
      tpu.yield
    }) : () -> ()
    %run_scoped3A_1 = arith.constant 1 : i32
    "tpu.region"() ({
      %run_scoped3A_13 = tpu.sem_alloc : memref<!tpu.dma_semaphore, #tpu.memory_space<semaphore_mem>>
      %dma_start3A = arith.constant 10240 : i32
      %dma_start3A_14 = tpu.memref_slice %arg7[%dma_start3A] : memref<40960xf32, #tpu.memory_space<vmem>> -> memref<10240xf32, #tpu.memory_space<vmem>>
      %dma_start3A_15 = arith.constant 0 : i32
      %dma_start3A_16 = tpu.memref_slice %arg2[%add3A, %run_scoped3A_1, %dma_start3A_15] : memref<32x4x10240xf32, #tpu.memory_space<hbm>> -> memref<1x1x10240xf32, #tpu.memory_space<hbm>>
      %dma_start3A_17 = tpu.memref_squeeze %dma_start3A_16 : memref<1x1x10240xf32, #tpu.memory_space<hbm>> -> memref<10240xf32, #tpu.memory_space<hbm>>
      %dma_start3A_18 = arith.constant 10240 : i32
      %dma_start3A_19 = tpu.memref_slice %arg7[%dma_start3A_18] : memref<40960xf32, #tpu.memory_space<vmem>> -> memref<10240xf32, #tpu.memory_space<vmem>>
      %dma_start3A_20 = arith.constant 0 : i32
      %dma_start3A_21 = tpu.memref_slice %arg2[%add3A, %run_scoped3A_1, %dma_start3A_20] : memref<32x4x10240xf32, #tpu.memory_space<hbm>> -> memref<1x1x10240xf32, #tpu.memory_space<hbm>>
      %dma_start3A_22 = tpu.memref_squeeze %dma_start3A_21 : memref<1x1x10240xf32, #tpu.memory_space<hbm>> -> memref<10240xf32, #tpu.memory_space<hbm>>
      tpu.enqueue_dma source(%dma_start3A_22 : memref<10240xf32, #tpu.memory_space<hbm>>) target(%dma_start3A_19 : memref<10240xf32, #tpu.memory_space<vmem>>) target_semaphore(%run_scoped3A_13 : memref<!tpu.dma_semaphore, #tpu.memory_space<semaphore_mem>>)
      %dma_wait3A = arith.constant 10240 : i32
      %dma_wait3A_23 = tpu.memref_slice %arg7[%dma_wait3A] : memref<40960xf32, #tpu.memory_space<vmem>> -> memref<10240xf32, #tpu.memory_space<vmem>>
      %dma_wait3A_24 = arith.constant 0 : i32
      %dma_wait3A_25 = tpu.memref_slice %arg2[%add3A, %run_scoped3A_1, %dma_wait3A_24] : memref<32x4x10240xf32, #tpu.memory_space<hbm>> -> memref<1x1x10240xf32, #tpu.memory_space<hbm>>
      %dma_wait3A_26 = tpu.memref_squeeze %dma_wait3A_25 : memref<1x1x10240xf32, #tpu.memory_space<hbm>> -> memref<10240xf32, #tpu.memory_space<hbm>>
      %dma_wait3A_27 = arith.constant 10240 : i32
      %dma_wait3A_28 = tpu.memref_slice %arg7[%dma_wait3A_27] : memref<40960xf32, #tpu.memory_space<vmem>> -> memref<10240xf32, #tpu.memory_space<vmem>>
      %dma_wait3A_29 = arith.constant 0 : i32
      %dma_wait3A_30 = tpu.memref_slice %arg2[%add3A, %run_scoped3A_1, %dma_wait3A_29] : memref<32x4x10240xf32, #tpu.memory_space<hbm>> -> memref<1x1x10240xf32, #tpu.memory_space<hbm>>
      %dma_wait3A_31 = tpu.memref_squeeze %dma_wait3A_30 : memref<1x1x10240xf32, #tpu.memory_space<hbm>> -> memref<10240xf32, #tpu.memory_space<hbm>>
      tpu.wait_dma2 semaphore(%run_scoped3A_13 : memref<!tpu.dma_semaphore, #tpu.memory_space<semaphore_mem>>) src(%dma_wait3A_31 : memref<10240xf32, #tpu.memory_space<hbm>>) dst(%dma_wait3A_28 : memref<10240xf32, #tpu.memory_space<vmem>>)
      tpu.yield
    }) : () -> ()
    %run_scoped3A_2 = arith.constant 2 : i32
    "tpu.region"() ({
      %run_scoped3A_13 = tpu.sem_alloc : memref<!tpu.dma_semaphore, #tpu.memory_space<semaphore_mem>>
      %dma_start3A = arith.constant 20480 : i32
      %dma_start3A_14 = tpu.memref_slice %arg7[%dma_start3A] : memref<40960xf32, #tpu.memory_space<vmem>> -> memref<10240xf32, #tpu.memory_space<vmem>>
      %dma_start3A_15 = arith.constant 0 : i32
      %dma_start3A_16 = tpu.memref_slice %arg2[%add3A, %run_scoped3A_2, %dma_start3A_15] : memref<32x4x10240xf32, #tpu.memory_space<hbm>> -> memref<1x1x10240xf32, #tpu.memory_space<hbm>>
      %dma_start3A_17 = tpu.memref_squeeze %dma_start3A_16 : memref<1x1x10240xf32, #tpu.memory_space<hbm>> -> memref<10240xf32, #tpu.memory_space<hbm>>
      %dma_start3A_18 = arith.constant 20480 : i32
      %dma_start3A_19 = tpu.memref_slice %arg7[%dma_start3A_18] : memref<40960xf32, #tpu.memory_space<vmem>> -> memref<10240xf32, #tpu.memory_space<vmem>>
      %dma_start3A_20 = arith.constant 0 : i32
      %dma_start3A_21 = tpu.memref_slice %arg2[%add3A, %run_scoped3A_2, %dma_start3A_20] : memref<32x4x10240xf32, #tpu.memory_space<hbm>> -> memref<1x1x10240xf32, #tpu.memory_space<hbm>>
      %dma_start3A_22 = tpu.memref_squeeze %dma_start3A_21 : memref<1x1x10240xf32, #tpu.memory_space<hbm>> -> memref<10240xf32, #tpu.memory_space<hbm>>
      tpu.enqueue_dma source(%dma_start3A_22 : memref<10240xf32, #tpu.memory_space<hbm>>) target(%dma_start3A_19 : memref<10240xf32, #tpu.memory_space<vmem>>) target_semaphore(%run_scoped3A_13 : memref<!tpu.dma_semaphore, #tpu.memory_space<semaphore_mem>>)
      %dma_wait3A = arith.constant 20480 : i32
      %dma_wait3A_23 = tpu.memref_slice %arg7[%dma_wait3A] : memref<40960xf32, #tpu.memory_space<vmem>> -> memref<10240xf32, #tpu.memory_space<vmem>>
      %dma_wait3A_24 = arith.constant 0 : i32
      %dma_wait3A_25 = tpu.memref_slice %arg2[%add3A, %run_scoped3A_2, %dma_wait3A_24] : memref<32x4x10240xf32, #tpu.memory_space<hbm>> -> memref<1x1x10240xf32, #tpu.memory_space<hbm>>
      %dma_wait3A_26 = tpu.memref_squeeze %dma_wait3A_25 : memref<1x1x10240xf32, #tpu.memory_space<hbm>> -> memref<10240xf32, #tpu.memory_space<hbm>>
      %dma_wait3A_27 = arith.constant 20480 : i32
      %dma_wait3A_28 = tpu.memref_slice %arg7[%dma_wait3A_27] : memref<40960xf32, #tpu.memory_space<vmem>> -> memref<10240xf32, #tpu.memory_space<vmem>>
      %dma_wait3A_29 = arith.constant 0 : i32
      %dma_wait3A_30 = tpu.memref_slice %arg2[%add3A, %run_scoped3A_2, %dma_wait3A_29] : memref<32x4x10240xf32, #tpu.memory_space<hbm>> -> memref<1x1x10240xf32, #tpu.memory_space<hbm>>
      %dma_wait3A_31 = tpu.memref_squeeze %dma_wait3A_30 : memref<1x1x10240xf32, #tpu.memory_space<hbm>> -> memref<10240xf32, #tpu.memory_space<hbm>>
      tpu.wait_dma2 semaphore(%run_scoped3A_13 : memref<!tpu.dma_semaphore, #tpu.memory_space<semaphore_mem>>) src(%dma_wait3A_31 : memref<10240xf32, #tpu.memory_space<hbm>>) dst(%dma_wait3A_28 : memref<10240xf32, #tpu.memory_space<vmem>>)
      tpu.yield
    }) : () -> ()
    %run_scoped3A_3 = arith.constant 3 : i32
    "tpu.region"() ({
      %run_scoped3A_13 = tpu.sem_alloc : memref<!tpu.dma_semaphore, #tpu.memory_space<semaphore_mem>>
      %dma_start3A = arith.constant 30720 : i32
      %dma_start3A_14 = tpu.memref_slice %arg7[%dma_start3A] : memref<40960xf32, #tpu.memory_space<vmem>> -> memref<10240xf32, #tpu.memory_space<vmem>>
      %dma_start3A_15 = arith.constant 0 : i32
      %dma_start3A_16 = tpu.memref_slice %arg2[%add3A, %run_scoped3A_3, %dma_start3A_15] : memref<32x4x10240xf32, #tpu.memory_space<hbm>> -> memref<1x1x10240xf32, #tpu.memory_space<hbm>>
      %dma_start3A_17 = tpu.memref_squeeze %dma_start3A_16 : memref<1x1x10240xf32, #tpu.memory_space<hbm>> -> memref<10240xf32, #tpu.memory_space<hbm>>
      %dma_start3A_18 = arith.constant 30720 : i32
      %dma_start3A_19 = tpu.memref_slice %arg7[%dma_start3A_18] : memref<40960xf32, #tpu.memory_space<vmem>> -> memref<10240xf32, #tpu.memory_space<vmem>>
      %dma_start3A_20 = arith.constant 0 : i32
      %dma_start3A_21 = tpu.memref_slice %arg2[%add3A, %run_scoped3A_3, %dma_start3A_20] : memref<32x4x10240xf32, #tpu.memory_space<hbm>> -> memref<1x1x10240xf32, #tpu.memory_space<hbm>>
      %dma_start3A_22 = tpu.memref_squeeze %dma_start3A_21 : memref<1x1x10240xf32, #tpu.memory_space<hbm>> -> memref<10240xf32, #tpu.memory_space<hbm>>
      tpu.enqueue_dma source(%dma_start3A_22 : memref<10240xf32, #tpu.memory_space<hbm>>) target(%dma_start3A_19 : memref<10240xf32, #tpu.memory_space<vmem>>) target_semaphore(%run_scoped3A_13 : memref<!tpu.dma_semaphore, #tpu.memory_space<semaphore_mem>>)
      %dma_wait3A = arith.constant 30720 : i32
      %dma_wait3A_23 = tpu.memref_slice %arg7[%dma_wait3A] : memref<40960xf32, #tpu.memory_space<vmem>> -> memref<10240xf32, #tpu.memory_space<vmem>>
      %dma_wait3A_24 = arith.constant 0 : i32
      %dma_wait3A_25 = tpu.memref_slice %arg2[%add3A, %run_scoped3A_3, %dma_wait3A_24] : memref<32x4x10240xf32, #tpu.memory_space<hbm>> -> memref<1x1x10240xf32, #tpu.memory_space<hbm>>
      %dma_wait3A_26 = tpu.memref_squeeze %dma_wait3A_25 : memref<1x1x10240xf32, #tpu.memory_space<hbm>> -> memref<10240xf32, #tpu.memory_space<hbm>>
      %dma_wait3A_27 = arith.constant 30720 : i32
      %dma_wait3A_28 = tpu.memref_slice %arg7[%dma_wait3A_27] : memref<40960xf32, #tpu.memory_space<vmem>> -> memref<10240xf32, #tpu.memory_space<vmem>>
      %dma_wait3A_29 = arith.constant 0 : i32
      %dma_wait3A_30 = tpu.memref_slice %arg2[%add3A, %run_scoped3A_3, %dma_wait3A_29] : memref<32x4x10240xf32, #tpu.memory_space<hbm>> -> memref<1x1x10240xf32, #tpu.memory_space<hbm>>
      %dma_wait3A_31 = tpu.memref_squeeze %dma_wait3A_30 : memref<1x1x10240xf32, #tpu.memory_space<hbm>> -> memref<10240xf32, #tpu.memory_space<hbm>>
      tpu.wait_dma2 semaphore(%run_scoped3A_13 : memref<!tpu.dma_semaphore, #tpu.memory_space<semaphore_mem>>) src(%dma_wait3A_31 : memref<10240xf32, #tpu.memory_space<hbm>>) dst(%dma_wait3A_28 : memref<10240xf32, #tpu.memory_space<vmem>>)
      tpu.yield
    }) : () -> ()
    "tpu.region"() ({
      %run_scoped3A_13 = tpu.sem_alloc : memref<!tpu.dma_semaphore, #tpu.memory_space<semaphore_mem>>
      tpu.enqueue_dma source(%arg5 : memref<40960xf32, #tpu.memory_space<hbm>>) target(%arg8 : memref<40960xf32, #tpu.memory_space<vmem>>) target_semaphore(%run_scoped3A_13 : memref<!tpu.dma_semaphore, #tpu.memory_space<semaphore_mem>>)
      tpu.wait_dma2 semaphore(%run_scoped3A_13 : memref<!tpu.dma_semaphore, #tpu.memory_space<semaphore_mem>>) src(%arg5 : memref<40960xf32, #tpu.memory_space<hbm>>) dst(%arg8 : memref<40960xf32, #tpu.memory_space<vmem>>)
      tpu.yield
    }) : () -> ()
    %scan3A = arith.constant 0 : i32
    %scan3A_4 = arith.constant 0 : i32
    %scan3A_5 = arith.constant 25 : i32
    %scan3A_6 = arith.addi %scan3A_4, %scan3A_5 : i32
    %scan3A_7 = arith.constant 1 : i32
    scf.for %scan3A_13 = %scan3A_4 to %scan3A_6 step %scan3A_7  : i32 {
      %mul3A_14 = arith.constant 2 : i32
      %mul3A_15 = arith.muli %scan3A_13, %mul3A_14 : i32
      %add3A_16 = arith.constant 0 : i32
      %add3A_17 = arith.addi %mul3A_15, %add3A_16 : i32
      %mul3A_18 = arith.constant 6400 : i32
      %mul3A_19 = arith.muli %add3A_17, %mul3A_18 : i32
      %dma_start3A = arith.constant 0 : i32
      %dma_start3A_20 = arith.constant 0 : i32
      %dma_start3A_21 = tpu.memref_slice %arg9[%dma_start3A, %dma_start3A_20] : memref<2x6400xi32, #tpu.memory_space<vmem>> -> memref<1x6400xi32, #tpu.memory_space<vmem>>
      %dma_start3A_22 = tpu.memref_squeeze %dma_start3A_21 : memref<1x6400xi32, #tpu.memory_space<vmem>> -> memref<6400xi32, #tpu.memory_space<vmem>>
      %dma_start3A_23 = tpu.memref_slice %arg3[%mul3A_19] : memref<320000xi32, #tpu.memory_space<hbm>> -> memref<6400xi32, #tpu.memory_space<hbm>>
      %dma_start3A_24 = arith.constant 0 : i32
      %dma_start3A_25 = tpu.memref_slice %arg9[%dma_start3A, %dma_start3A_24] : memref<2x6400xi32, #tpu.memory_space<vmem>> -> memref<1x6400xi32, #tpu.memory_space<vmem>>
      %dma_start3A_26 = tpu.memref_squeeze %dma_start3A_25 : memref<1x6400xi32, #tpu.memory_space<vmem>> -> memref<6400xi32, #tpu.memory_space<vmem>>
      %dma_start3A_27 = tpu.memref_slice %arg3[%mul3A_19] : memref<320000xi32, #tpu.memory_space<hbm>> -> memref<6400xi32, #tpu.memory_space<hbm>>
      tpu.enqueue_dma source(%dma_start3A_27 : memref<6400xi32, #tpu.memory_space<hbm>>) target(%dma_start3A_26 : memref<6400xi32, #tpu.memory_space<vmem>>) target_semaphore(%arg11 : memref<!tpu.dma_semaphore, #tpu.memory_space<semaphore_mem>>)
      %mul3A_28 = arith.constant 6400 : i32
      %mul3A_29 = arith.muli %add3A_17, %mul3A_28 : i32
      %dma_start3A_30 = arith.constant 0 : i32
      %dma_start3A_31 = arith.constant 0 : i32
      %dma_start3A_32 = tpu.memref_slice %arg10[%dma_start3A_30, %dma_start3A_31] : memref<2x6400xi32, #tpu.memory_space<vmem>> -> memref<1x6400xi32, #tpu.memory_space<vmem>>
      %dma_start3A_33 = tpu.memref_squeeze %dma_start3A_32 : memref<1x6400xi32, #tpu.memory_space<vmem>> -> memref<6400xi32, #tpu.memory_space<vmem>>
      %dma_start3A_34 = tpu.memref_slice %arg4[%mul3A_29] : memref<320000xi32, #tpu.memory_space<hbm>> -> memref<6400xi32, #tpu.memory_space<hbm>>
      %dma_start3A_35 = arith.constant 0 : i32
      %dma_start3A_36 = tpu.memref_slice %arg10[%dma_start3A_30, %dma_start3A_35] : memref<2x6400xi32, #tpu.memory_space<vmem>> -> memref<1x6400xi32, #tpu.memory_space<vmem>>
      %dma_start3A_37 = tpu.memref_squeeze %dma_start3A_36 : memref<1x6400xi32, #tpu.memory_space<vmem>> -> memref<6400xi32, #tpu.memory_space<vmem>>
      %dma_start3A_38 = tpu.memref_slice %arg4[%mul3A_29] : memref<320000xi32, #tpu.memory_space<hbm>> -> memref<6400xi32, #tpu.memory_space<hbm>>
      tpu.enqueue_dma source(%dma_start3A_38 : memref<6400xi32, #tpu.memory_space<hbm>>) target(%dma_start3A_37 : memref<6400xi32, #tpu.memory_space<vmem>>) target_semaphore(%arg13 : memref<!tpu.dma_semaphore, #tpu.memory_space<semaphore_mem>>)
      %mul3A_39 = arith.constant 2 : i32
      %mul3A_40 = arith.muli %scan3A_13, %mul3A_39 : i32
      %add3A_41 = arith.constant 1 : i32
      %add3A_42 = arith.addi %mul3A_40, %add3A_41 : i32
      %mul3A_43 = arith.constant 6400 : i32
      %mul3A_44 = arith.muli %add3A_42, %mul3A_43 : i32
      %dma_start3A_45 = arith.constant 1 : i32
      %dma_start3A_46 = arith.constant 0 : i32
      %dma_start3A_47 = tpu.memref_slice %arg9[%dma_start3A_45, %dma_start3A_46] : memref<2x6400xi32, #tpu.memory_space<vmem>> -> memref<1x6400xi32, #tpu.memory_space<vmem>>
      %dma_start3A_48 = tpu.memref_squeeze %dma_start3A_47 : memref<1x6400xi32, #tpu.memory_space<vmem>> -> memref<6400xi32, #tpu.memory_space<vmem>>
      %dma_start3A_49 = tpu.memref_slice %arg3[%mul3A_44] : memref<320000xi32, #tpu.memory_space<hbm>> -> memref<6400xi32, #tpu.memory_space<hbm>>
      %dma_start3A_50 = arith.constant 0 : i32
      %dma_start3A_51 = tpu.memref_slice %arg9[%dma_start3A_45, %dma_start3A_50] : memref<2x6400xi32, #tpu.memory_space<vmem>> -> memref<1x6400xi32, #tpu.memory_space<vmem>>
      %dma_start3A_52 = tpu.memref_squeeze %dma_start3A_51 : memref<1x6400xi32, #tpu.memory_space<vmem>> -> memref<6400xi32, #tpu.memory_space<vmem>>
      %dma_start3A_53 = tpu.memref_slice %arg3[%mul3A_44] : memref<320000xi32, #tpu.memory_space<hbm>> -> memref<6400xi32, #tpu.memory_space<hbm>>
      tpu.enqueue_dma source(%dma_start3A_53 : memref<6400xi32, #tpu.memory_space<hbm>>) target(%dma_start3A_52 : memref<6400xi32, #tpu.memory_space<vmem>>) target_semaphore(%arg12 : memref<!tpu.dma_semaphore, #tpu.memory_space<semaphore_mem>>)
      %mul3A_54 = arith.constant 6400 : i32
      %mul3A_55 = arith.muli %add3A_42, %mul3A_54 : i32
      %dma_start3A_56 = arith.constant 1 : i32
      %dma_start3A_57 = arith.constant 0 : i32
      %dma_start3A_58 = tpu.memref_slice %arg10[%dma_start3A_56, %dma_start3A_57] : memref<2x6400xi32, #tpu.memory_space<vmem>> -> memref<1x6400xi32, #tpu.memory_space<vmem>>
      %dma_start3A_59 = tpu.memref_squeeze %dma_start3A_58 : memref<1x6400xi32, #tpu.memory_space<vmem>> -> memref<6400xi32, #tpu.memory_space<vmem>>
      %dma_start3A_60 = tpu.memref_slice %arg4[%mul3A_55] : memref<320000xi32, #tpu.memory_space<hbm>> -> memref<6400xi32, #tpu.memory_space<hbm>>
      %dma_start3A_61 = arith.constant 0 : i32
      %dma_start3A_62 = tpu.memref_slice %arg10[%dma_start3A_56, %dma_start3A_61] : memref<2x6400xi32, #tpu.memory_space<vmem>> -> memref<1x6400xi32, #tpu.memory_space<vmem>>
      %dma_start3A_63 = tpu.memref_squeeze %dma_start3A_62 : memref<1x6400xi32, #tpu.memory_space<vmem>> -> memref<6400xi32, #tpu.memory_space<vmem>>
      %dma_start3A_64 = tpu.memref_slice %arg4[%mul3A_55] : memref<320000xi32, #tpu.memory_space<hbm>> -> memref<6400xi32, #tpu.memory_space<hbm>>
      tpu.enqueue_dma source(%dma_start3A_64 : memref<6400xi32, #tpu.memory_space<hbm>>) target(%dma_start3A_63 : memref<6400xi32, #tpu.memory_space<vmem>>) target_semaphore(%arg14 : memref<!tpu.dma_semaphore, #tpu.memory_space<semaphore_mem>>)
      %dma_wait3A = arith.constant 0 : i32
      %dma_wait3A_65 = arith.constant 0 : i32
      %dma_wait3A_66 = tpu.memref_slice %arg9[%dma_wait3A, %dma_wait3A_65] : memref<2x6400xi32, #tpu.memory_space<vmem>> -> memref<1x6400xi32, #tpu.memory_space<vmem>>
      %dma_wait3A_67 = tpu.memref_squeeze %dma_wait3A_66 : memref<1x6400xi32, #tpu.memory_space<vmem>> -> memref<6400xi32, #tpu.memory_space<vmem>>
      %dma_wait3A_68 = tpu.memref_slice %arg3[%mul3A_19] : memref<320000xi32, #tpu.memory_space<hbm>> -> memref<6400xi32, #tpu.memory_space<hbm>>
      %dma_wait3A_69 = arith.constant 0 : i32
      %dma_wait3A_70 = tpu.memref_slice %arg9[%dma_wait3A, %dma_wait3A_69] : memref<2x6400xi32, #tpu.memory_space<vmem>> -> memref<1x6400xi32, #tpu.memory_space<vmem>>
      %dma_wait3A_71 = tpu.memref_squeeze %dma_wait3A_70 : memref<1x6400xi32, #tpu.memory_space<vmem>> -> memref<6400xi32, #tpu.memory_space<vmem>>
      %dma_wait3A_72 = tpu.memref_slice %arg3[%mul3A_19] : memref<320000xi32, #tpu.memory_space<hbm>> -> memref<6400xi32, #tpu.memory_space<hbm>>
      tpu.wait_dma2 semaphore(%arg11 : memref<!tpu.dma_semaphore, #tpu.memory_space<semaphore_mem>>) src(%dma_wait3A_72 : memref<6400xi32, #tpu.memory_space<hbm>>) dst(%dma_wait3A_71 : memref<6400xi32, #tpu.memory_space<vmem>>)
      %dma_wait3A_73 = arith.constant 0 : i32
      %dma_wait3A_74 = arith.constant 0 : i32
      %dma_wait3A_75 = tpu.memref_slice %arg10[%dma_wait3A_73, %dma_wait3A_74] : memref<2x6400xi32, #tpu.memory_space<vmem>> -> memref<1x6400xi32, #tpu.memory_space<vmem>>
      %dma_wait3A_76 = tpu.memref_squeeze %dma_wait3A_75 : memref<1x6400xi32, #tpu.memory_space<vmem>> -> memref<6400xi32, #tpu.memory_space<vmem>>
      %dma_wait3A_77 = tpu.memref_slice %arg4[%mul3A_29] : memref<320000xi32, #tpu.memory_space<hbm>> -> memref<6400xi32, #tpu.memory_space<hbm>>
      %dma_wait3A_78 = arith.constant 0 : i32
      %dma_wait3A_79 = tpu.memref_slice %arg10[%dma_wait3A_73, %dma_wait3A_78] : memref<2x6400xi32, #tpu.memory_space<vmem>> -> memref<1x6400xi32, #tpu.memory_space<vmem>>
      %dma_wait3A_80 = tpu.memref_squeeze %dma_wait3A_79 : memref<1x6400xi32, #tpu.memory_space<vmem>> -> memref<6400xi32, #tpu.memory_space<vmem>>
      %dma_wait3A_81 = tpu.memref_slice %arg4[%mul3A_29] : memref<320000xi32, #tpu.memory_space<hbm>> -> memref<6400xi32, #tpu.memory_space<hbm>>
      tpu.wait_dma2 semaphore(%arg13 : memref<!tpu.dma_semaphore, #tpu.memory_space<semaphore_mem>>) src(%dma_wait3A_81 : memref<6400xi32, #tpu.memory_space<hbm>>) dst(%dma_wait3A_80 : memref<6400xi32, #tpu.memory_space<vmem>>)
      %parallel_loop3A = arith.constant 0 : i32
      %parallel_loop3A_82 = arith.constant 100 : i32
      %parallel_loop3A_83 = arith.constant 1 : i32
      scf.for %parallel_loop3A_105 = %parallel_loop3A to %parallel_loop3A_82 step %parallel_loop3A_83  : i32 {
        %parallel_loop3A_106 = arith.constant 4 : i32
        %parallel_loop3A_107 = arith.muli %parallel_loop3A_105, %parallel_loop3A_106 : i32
        %parallel_loop3A_108 = arith.constant 0 : i32
        %parallel_loop3A_109 = arith.addi %parallel_loop3A_107, %parallel_loop3A_108 : i32
        %parallel_loop3A_110 = arith.constant 16 : i32
        %parallel_loop3A_111 = arith.muli %parallel_loop3A_109, %parallel_loop3A_110 : i32
        %parallel_loop3A_112 = arith.constant 0 : i32
        %parallel_loop3A_113 = arith.index_cast %parallel_loop3A_112 : i32 to index
        %parallel_loop3A_114 = arith.index_cast %parallel_loop3A_111 : i32 to index
        %parallel_loop3A_115 = tpu.vector_load %arg9[%parallel_loop3A_113, %parallel_loop3A_114] {strides = array<i32>} : memref<2x6400xi32, #tpu.memory_space<vmem>>, vector<16xi32>,
        %parallel_loop3A_116 = arith.constant 0 : i32
        %parallel_loop3A_117 = arith.index_cast %parallel_loop3A_116 : i32 to index
        %parallel_loop3A_118 = arith.index_cast %parallel_loop3A_111 : i32 to index
        %parallel_loop3A_119 = tpu.vector_load %arg10[%parallel_loop3A_117, %parallel_loop3A_118] {strides = array<i32>} : memref<2x6400xi32, #tpu.memory_space<vmem>>, vector<16xi32>,
        %parallel_loop3A_120 = arith.constant 0 : i32
        %parallel_loop3A_121 = vector.broadcast %parallel_loop3A_120 : i32 to vector<16xi32>
        %parallel_loop3A_122 = arith.addi %parallel_loop3A_115, %parallel_loop3A_121 : vector<16xi32>
        %parallel_loop3A_123 = tpu.vector_load_idx %arg7[%parallel_loop3A_122] : memref<40960xf32, #tpu.memory_space<vmem>>[vector<16xi32>], vector<16xf32>,
        %parallel_loop3A_124 = arith.constant 0 : i32
        %parallel_loop3A_125 = vector.broadcast %parallel_loop3A_124 : i32 to vector<16xi32>
        %parallel_loop3A_126 = arith.addi %parallel_loop3A_119, %parallel_loop3A_125 : vector<16xi32>
        tpu.vector_store_idx %arg8[%parallel_loop3A_126], %parallel_loop3A_123 {add = true} : memref<40960xf32, #tpu.memory_space<vmem>>[vector<16xi32>], vector<16xf32>,
        %parallel_loop3A_127 = arith.constant 10240 : i32
        %parallel_loop3A_128 = vector.broadcast %parallel_loop3A_127 : i32 to vector<16xi32>
        %parallel_loop3A_129 = arith.addi %parallel_loop3A_115, %parallel_loop3A_128 : vector<16xi32>
        %parallel_loop3A_130 = tpu.vector_load_idx %arg7[%parallel_loop3A_129] : memref<40960xf32, #tpu.memory_space<vmem>>[vector<16xi32>], vector<16xf32>,
        %parallel_loop3A_131 = arith.constant 10240 : i32
        %parallel_loop3A_132 = vector.broadcast %parallel_loop3A_131 : i32 to vector<16xi32>
        %parallel_loop3A_133 = arith.addi %parallel_loop3A_119, %parallel_loop3A_132 : vector<16xi32>
        tpu.vector_store_idx %arg8[%parallel_loop3A_133], %parallel_loop3A_130 {add = true} : memref<40960xf32, #tpu.memory_space<vmem>>[vector<16xi32>], vector<16xf32>,
        %parallel_loop3A_134 = arith.constant 20480 : i32
        %parallel_loop3A_135 = vector.broadcast %parallel_loop3A_134 : i32 to vector<16xi32>
        %parallel_loop3A_136 = arith.addi %parallel_loop3A_115, %parallel_loop3A_135 : vector<16xi32>
        %parallel_loop3A_137 = tpu.vector_load_idx %arg7[%parallel_loop3A_136] : memref<40960xf32, #tpu.memory_space<vmem>>[vector<16xi32>], vector<16xf32>,
        %parallel_loop3A_138 = arith.constant 20480 : i32
        %parallel_loop3A_139 = vector.broadcast %parallel_loop3A_138 : i32 to vector<16xi32>
        %parallel_loop3A_140 = arith.addi %parallel_loop3A_119, %parallel_loop3A_139 : vector<16xi32>
        tpu.vector_store_idx %arg8[%parallel_loop3A_140], %parallel_loop3A_137 {add = true} : memref<40960xf32, #tpu.memory_space<vmem>>[vector<16xi32>], vector<16xf32>,
        %parallel_loop3A_141 = arith.constant 30720 : i32
        %parallel_loop3A_142 = vector.broadcast %parallel_loop3A_141 : i32 to vector<16xi32>
        %parallel_loop3A_143 = arith.addi %parallel_loop3A_115, %parallel_loop3A_142 : vector<16xi32>
        %parallel_loop3A_144 = tpu.vector_load_idx %arg7[%parallel_loop3A_143] : memref<40960xf32, #tpu.memory_space<vmem>>[vector<16xi32>], vector<16xf32>,
        %parallel_loop3A_145 = arith.constant 30720 : i32
        %parallel_loop3A_146 = vector.broadcast %parallel_loop3A_145 : i32 to vector<16xi32>
        %parallel_loop3A_147 = arith.addi %parallel_loop3A_119, %parallel_loop3A_146 : vector<16xi32>
        tpu.vector_store_idx %arg8[%parallel_loop3A_147], %parallel_loop3A_144 {add = true} : memref<40960xf32, #tpu.memory_space<vmem>>[vector<16xi32>], vector<16xf32>,
        %parallel_loop3A_148 = arith.constant 4 : i32
        %parallel_loop3A_149 = arith.muli %parallel_loop3A_105, %parallel_loop3A_148 : i32
        %parallel_loop3A_150 = arith.constant 1 : i32
        %parallel_loop3A_151 = arith.addi %parallel_loop3A_149, %parallel_loop3A_150 : i32
        %parallel_loop3A_152 = arith.constant 16 : i32
        %parallel_loop3A_153 = arith.muli %parallel_loop3A_151, %parallel_loop3A_152 : i32
        %parallel_loop3A_154 = arith.constant 0 : i32
        %parallel_loop3A_155 = arith.index_cast %parallel_loop3A_154 : i32 to index
        %parallel_loop3A_156 = arith.index_cast %parallel_loop3A_153 : i32 to index
        %parallel_loop3A_157 = tpu.vector_load %arg9[%parallel_loop3A_155, %parallel_loop3A_156] {strides = array<i32>} : memref<2x6400xi32, #tpu.memory_space<vmem>>, vector<16xi32>,
        %parallel_loop3A_158 = arith.constant 0 : i32
        %parallel_loop3A_159 = arith.index_cast %parallel_loop3A_158 : i32 to index
        %parallel_loop3A_160 = arith.index_cast %parallel_loop3A_153 : i32 to index
        %parallel_loop3A_161 = tpu.vector_load %arg10[%parallel_loop3A_159, %parallel_loop3A_160] {strides = array<i32>} : memref<2x6400xi32, #tpu.memory_space<vmem>>, vector<16xi32>,
        %parallel_loop3A_162 = arith.constant 0 : i32
        %parallel_loop3A_163 = vector.broadcast %parallel_loop3A_162 : i32 to vector<16xi32>
        %parallel_loop3A_164 = arith.addi %parallel_loop3A_157, %parallel_loop3A_163 : vector<16xi32>
        %parallel_loop3A_165 = tpu.vector_load_idx %arg7[%parallel_loop3A_164] : memref<40960xf32, #tpu.memory_space<vmem>>[vector<16xi32>], vector<16xf32>,
        %parallel_loop3A_166 = arith.constant 0 : i32
        %parallel_loop3A_167 = vector.broadcast %parallel_loop3A_166 : i32 to vector<16xi32>
        %parallel_loop3A_168 = arith.addi %parallel_loop3A_161, %parallel_loop3A_167 : vector<16xi32>
        tpu.vector_store_idx %arg8[%parallel_loop3A_168], %parallel_loop3A_165 {add = true} : memref<40960xf32, #tpu.memory_space<vmem>>[vector<16xi32>], vector<16xf32>,
        %parallel_loop3A_169 = arith.constant 10240 : i32
        %parallel_loop3A_170 = vector.broadcast %parallel_loop3A_169 : i32 to vector<16xi32>
        %parallel_loop3A_171 = arith.addi %parallel_loop3A_157, %parallel_loop3A_170 : vector<16xi32>
        %parallel_loop3A_172 = tpu.vector_load_idx %arg7[%parallel_loop3A_171] : memref<40960xf32, #tpu.memory_space<vmem>>[vector<16xi32>], vector<16xf32>,
        %parallel_loop3A_173 = arith.constant 10240 : i32
        %parallel_loop3A_174 = vector.broadcast %parallel_loop3A_173 : i32 to vector<16xi32>
        %parallel_loop3A_175 = arith.addi %parallel_loop3A_161, %parallel_loop3A_174 : vector<16xi32>
        tpu.vector_store_idx %arg8[%parallel_loop3A_175], %parallel_loop3A_172 {add = true} : memref<40960xf32, #tpu.memory_space<vmem>>[vector<16xi32>], vector<16xf32>,
        %parallel_loop3A_176 = arith.constant 20480 : i32
        %parallel_loop3A_177 = vector.broadcast %parallel_loop3A_176 : i32 to vector<16xi32>
        %parallel_loop3A_178 = arith.addi %parallel_loop3A_157, %parallel_loop3A_177 : vector<16xi32>
        %parallel_loop3A_179 = tpu.vector_load_idx %arg7[%parallel_loop3A_178] : memref<40960xf32, #tpu.memory_space<vmem>>[vector<16xi32>], vector<16xf32>,
        %parallel_loop3A_180 = arith.constant 20480 : i32
        %parallel_loop3A_181 = vector.broadcast %parallel_loop3A_180 : i32 to vector<16xi32>
        %parallel_loop3A_182 = arith.addi %parallel_loop3A_161, %parallel_loop3A_181 : vector<16xi32>
        tpu.vector_store_idx %arg8[%parallel_loop3A_182], %parallel_loop3A_179 {add = true} : memref<40960xf32, #tpu.memory_space<vmem>>[vector<16xi32>], vector<16xf32>,
        %parallel_loop3A_183 = arith.constant 30720 : i32
        %parallel_loop3A_184 = vector.broadcast %parallel_loop3A_183 : i32 to vector<16xi32>
        %parallel_loop3A_185 = arith.addi %parallel_loop3A_157, %parallel_loop3A_184 : vector<16xi32>
        %parallel_loop3A_186 = tpu.vector_load_idx %arg7[%parallel_loop3A_185] : memref<40960xf32, #tpu.memory_space<vmem>>[vector<16xi32>], vector<16xf32>,
        %parallel_loop3A_187 = arith.constant 30720 : i32
        %parallel_loop3A_188 = vector.broadcast %parallel_loop3A_187 : i32 to vector<16xi32>
        %parallel_loop3A_189 = arith.addi %parallel_loop3A_161, %parallel_loop3A_188 : vector<16xi32>
        tpu.vector_store_idx %arg8[%parallel_loop3A_189], %parallel_loop3A_186 {add = true} : memref<40960xf32, #tpu.memory_space<vmem>>[vector<16xi32>], vector<16xf32>,
        %parallel_loop3A_190 = arith.constant 4 : i32
        %parallel_loop3A_191 = arith.muli %parallel_loop3A_105, %parallel_loop3A_190 : i32
        %parallel_loop3A_192 = arith.constant 2 : i32
        %parallel_loop3A_193 = arith.addi %parallel_loop3A_191, %parallel_loop3A_192 : i32
        %parallel_loop3A_194 = arith.constant 16 : i32
        %parallel_loop3A_195 = arith.muli %parallel_loop3A_193, %parallel_loop3A_194 : i32
        %parallel_loop3A_196 = arith.constant 0 : i32
        %parallel_loop3A_197 = arith.index_cast %parallel_loop3A_196 : i32 to index
        %parallel_loop3A_198 = arith.index_cast %parallel_loop3A_195 : i32 to index
        %parallel_loop3A_199 = tpu.vector_load %arg9[%parallel_loop3A_197, %parallel_loop3A_198] {strides = array<i32>} : memref<2x6400xi32, #tpu.memory_space<vmem>>, vector<16xi32>,
        %parallel_loop3A_200 = arith.constant 0 : i32
        %parallel_loop3A_201 = arith.index_cast %parallel_loop3A_200 : i32 to index
        %parallel_loop3A_202 = arith.index_cast %parallel_loop3A_195 : i32 to index
        %parallel_loop3A_203 = tpu.vector_load %arg10[%parallel_loop3A_201, %parallel_loop3A_202] {strides = array<i32>} : memref<2x6400xi32, #tpu.memory_space<vmem>>, vector<16xi32>,
        %parallel_loop3A_204 = arith.constant 0 : i32
        %parallel_loop3A_205 = vector.broadcast %parallel_loop3A_204 : i32 to vector<16xi32>
        %parallel_loop3A_206 = arith.addi %parallel_loop3A_199, %parallel_loop3A_205 : vector<16xi32>
        %parallel_loop3A_207 = tpu.vector_load_idx %arg7[%parallel_loop3A_206] : memref<40960xf32, #tpu.memory_space<vmem>>[vector<16xi32>], vector<16xf32>,
        %parallel_loop3A_208 = arith.constant 0 : i32
        %parallel_loop3A_209 = vector.broadcast %parallel_loop3A_208 : i32 to vector<16xi32>
        %parallel_loop3A_210 = arith.addi %parallel_loop3A_203, %parallel_loop3A_209 : vector<16xi32>
        tpu.vector_store_idx %arg8[%parallel_loop3A_210], %parallel_loop3A_207 {add = true} : memref<40960xf32, #tpu.memory_space<vmem>>[vector<16xi32>], vector<16xf32>,
        %parallel_loop3A_211 = arith.constant 10240 : i32
        %parallel_loop3A_212 = vector.broadcast %parallel_loop3A_211 : i32 to vector<16xi32>
        %parallel_loop3A_213 = arith.addi %parallel_loop3A_199, %parallel_loop3A_212 : vector<16xi32>
        %parallel_loop3A_214 = tpu.vector_load_idx %arg7[%parallel_loop3A_213] : memref<40960xf32, #tpu.memory_space<vmem>>[vector<16xi32>], vector<16xf32>,
        %parallel_loop3A_215 = arith.constant 10240 : i32
        %parallel_loop3A_216 = vector.broadcast %parallel_loop3A_215 : i32 to vector<16xi32>
        %parallel_loop3A_217 = arith.addi %parallel_loop3A_203, %parallel_loop3A_216 : vector<16xi32>
        tpu.vector_store_idx %arg8[%parallel_loop3A_217], %parallel_loop3A_214 {add = true} : memref<40960xf32, #tpu.memory_space<vmem>>[vector<16xi32>], vector<16xf32>,
        %parallel_loop3A_218 = arith.constant 20480 : i32
        %parallel_loop3A_219 = vector.broadcast %parallel_loop3A_218 : i32 to vector<16xi32>
        %parallel_loop3A_220 = arith.addi %parallel_loop3A_199, %parallel_loop3A_219 : vector<16xi32>
        %parallel_loop3A_221 = tpu.vector_load_idx %arg7[%parallel_loop3A_220] : memref<40960xf32, #tpu.memory_space<vmem>>[vector<16xi32>], vector<16xf32>,
        %parallel_loop3A_222 = arith.constant 20480 : i32
        %parallel_loop3A_223 = vector.broadcast %parallel_loop3A_222 : i32 to vector<16xi32>
        %parallel_loop3A_224 = arith.addi %parallel_loop3A_203, %parallel_loop3A_223 : vector<16xi32>
        tpu.vector_store_idx %arg8[%parallel_loop3A_224], %parallel_loop3A_221 {add = true} : memref<40960xf32, #tpu.memory_space<vmem>>[vector<16xi32>], vector<16xf32>,
        %parallel_loop3A_225 = arith.constant 30720 : i32
        %parallel_loop3A_226 = vector.broadcast %parallel_loop3A_225 : i32 to vector<16xi32>
        %parallel_loop3A_227 = arith.addi %parallel_loop3A_199, %parallel_loop3A_226 : vector<16xi32>
        %parallel_loop3A_228 = tpu.vector_load_idx %arg7[%parallel_loop3A_227] : memref<40960xf32, #tpu.memory_space<vmem>>[vector<16xi32>], vector<16xf32>,
        %parallel_loop3A_229 = arith.constant 30720 : i32
        %parallel_loop3A_230 = vector.broadcast %parallel_loop3A_229 : i32 to vector<16xi32>
        %parallel_loop3A_231 = arith.addi %parallel_loop3A_203, %parallel_loop3A_230 : vector<16xi32>
        tpu.vector_store_idx %arg8[%parallel_loop3A_231], %parallel_loop3A_228 {add = true} : memref<40960xf32, #tpu.memory_space<vmem>>[vector<16xi32>], vector<16xf32>,
        %parallel_loop3A_232 = arith.constant 4 : i32
        %parallel_loop3A_233 = arith.muli %parallel_loop3A_105, %parallel_loop3A_232 : i32
        %parallel_loop3A_234 = arith.constant 3 : i32
        %parallel_loop3A_235 = arith.addi %parallel_loop3A_233, %parallel_loop3A_234 : i32
        %parallel_loop3A_236 = arith.constant 16 : i32
        %parallel_loop3A_237 = arith.muli %parallel_loop3A_235, %parallel_loop3A_236 : i32
        %parallel_loop3A_238 = arith.constant 0 : i32
        %parallel_loop3A_239 = arith.index_cast %parallel_loop3A_238 : i32 to index
        %parallel_loop3A_240 = arith.index_cast %parallel_loop3A_237 : i32 to index
        %parallel_loop3A_241 = tpu.vector_load %arg9[%parallel_loop3A_239, %parallel_loop3A_240] {strides = array<i32>} : memref<2x6400xi32, #tpu.memory_space<vmem>>, vector<16xi32>,
        %parallel_loop3A_242 = arith.constant 0 : i32
        %parallel_loop3A_243 = arith.index_cast %parallel_loop3A_242 : i32 to index
        %parallel_loop3A_244 = arith.index_cast %parallel_loop3A_237 : i32 to index
        %parallel_loop3A_245 = tpu.vector_load %arg10[%parallel_loop3A_243, %parallel_loop3A_244] {strides = array<i32>} : memref<2x6400xi32, #tpu.memory_space<vmem>>, vector<16xi32>,
        %parallel_loop3A_246 = arith.constant 0 : i32
        %parallel_loop3A_247 = vector.broadcast %parallel_loop3A_246 : i32 to vector<16xi32>
        %parallel_loop3A_248 = arith.addi %parallel_loop3A_241, %parallel_loop3A_247 : vector<16xi32>
        %parallel_loop3A_249 = tpu.vector_load_idx %arg7[%parallel_loop3A_248] : memref<40960xf32, #tpu.memory_space<vmem>>[vector<16xi32>], vector<16xf32>,
        %parallel_loop3A_250 = arith.constant 0 : i32
        %parallel_loop3A_251 = vector.broadcast %parallel_loop3A_250 : i32 to vector<16xi32>
        %parallel_loop3A_252 = arith.addi %parallel_loop3A_245, %parallel_loop3A_251 : vector<16xi32>
        tpu.vector_store_idx %arg8[%parallel_loop3A_252], %parallel_loop3A_249 {add = true} : memref<40960xf32, #tpu.memory_space<vmem>>[vector<16xi32>], vector<16xf32>,
        %parallel_loop3A_253 = arith.constant 10240 : i32
        %parallel_loop3A_254 = vector.broadcast %parallel_loop3A_253 : i32 to vector<16xi32>
        %parallel_loop3A_255 = arith.addi %parallel_loop3A_241, %parallel_loop3A_254 : vector<16xi32>
        %parallel_loop3A_256 = tpu.vector_load_idx %arg7[%parallel_loop3A_255] : memref<40960xf32, #tpu.memory_space<vmem>>[vector<16xi32>], vector<16xf32>,
        %parallel_loop3A_257 = arith.constant 10240 : i32
        %parallel_loop3A_258 = vector.broadcast %parallel_loop3A_257 : i32 to vector<16xi32>
        %parallel_loop3A_259 = arith.addi %parallel_loop3A_245, %parallel_loop3A_258 : vector<16xi32>
        tpu.vector_store_idx %arg8[%parallel_loop3A_259], %parallel_loop3A_256 {add = true} : memref<40960xf32, #tpu.memory_space<vmem>>[vector<16xi32>], vector<16xf32>,
        %parallel_loop3A_260 = arith.constant 20480 : i32
        %parallel_loop3A_261 = vector.broadcast %parallel_loop3A_260 : i32 to vector<16xi32>
        %parallel_loop3A_262 = arith.addi %parallel_loop3A_241, %parallel_loop3A_261 : vector<16xi32>
        %parallel_loop3A_263 = tpu.vector_load_idx %arg7[%parallel_loop3A_262] : memref<40960xf32, #tpu.memory_space<vmem>>[vector<16xi32>], vector<16xf32>,
        %parallel_loop3A_264 = arith.constant 20480 : i32
        %parallel_loop3A_265 = vector.broadcast %parallel_loop3A_264 : i32 to vector<16xi32>
        %parallel_loop3A_266 = arith.addi %parallel_loop3A_245, %parallel_loop3A_265 : vector<16xi32>
        tpu.vector_store_idx %arg8[%parallel_loop3A_266], %parallel_loop3A_263 {add = true} : memref<40960xf32, #tpu.memory_space<vmem>>[vector<16xi32>], vector<16xf32>,
        %parallel_loop3A_267 = arith.constant 30720 : i32
        %parallel_loop3A_268 = vector.broadcast %parallel_loop3A_267 : i32 to vector<16xi32>
        %parallel_loop3A_269 = arith.addi %parallel_loop3A_241, %parallel_loop3A_268 : vector<16xi32>
        %parallel_loop3A_270 = tpu.vector_load_idx %arg7[%parallel_loop3A_269] : memref<40960xf32, #tpu.memory_space<vmem>>[vector<16xi32>], vector<16xf32>,
        %parallel_loop3A_271 = arith.constant 30720 : i32
        %parallel_loop3A_272 = vector.broadcast %parallel_loop3A_271 : i32 to vector<16xi32>
        %parallel_loop3A_273 = arith.addi %parallel_loop3A_245, %parallel_loop3A_272 : vector<16xi32>
        tpu.vector_store_idx %arg8[%parallel_loop3A_273], %parallel_loop3A_270 {add = true} : memref<40960xf32, #tpu.memory_space<vmem>>[vector<16xi32>], vector<16xf32>,
      } {sc.loop_unroll_factor = 4 : i64, sc.parallel_access}
      %dma_wait3A_84 = arith.constant 1 : i32
      %dma_wait3A_85 = arith.constant 0 : i32
      %dma_wait3A_86 = tpu.memref_slice %arg9[%dma_wait3A_84, %dma_wait3A_85] : memref<2x6400xi32, #tpu.memory_space<vmem>> -> memref<1x6400xi32, #tpu.memory_space<vmem>>
      %dma_wait3A_87 = tpu.memref_squeeze %dma_wait3A_86 : memref<1x6400xi32, #tpu.memory_space<vmem>> -> memref<6400xi32, #tpu.memory_space<vmem>>
      %dma_wait3A_88 = tpu.memref_slice %arg3[%mul3A_44] : memref<320000xi32, #tpu.memory_space<hbm>> -> memref<6400xi32, #tpu.memory_space<hbm>>
      %dma_wait3A_89 = arith.constant 0 : i32
      %dma_wait3A_90 = tpu.memref_slice %arg9[%dma_wait3A_84, %dma_wait3A_89] : memref<2x6400xi32, #tpu.memory_space<vmem>> -> memref<1x6400xi32, #tpu.memory_space<vmem>>
      %dma_wait3A_91 = tpu.memref_squeeze %dma_wait3A_90 : memref<1x6400xi32, #tpu.memory_space<vmem>> -> memref<6400xi32, #tpu.memory_space<vmem>>
      %dma_wait3A_92 = tpu.memref_slice %arg3[%mul3A_44] : memref<320000xi32, #tpu.memory_space<hbm>> -> memref<6400xi32, #tpu.memory_space<hbm>>
      tpu.wait_dma2 semaphore(%arg12 : memref<!tpu.dma_semaphore, #tpu.memory_space<semaphore_mem>>) src(%dma_wait3A_92 : memref<6400xi32, #tpu.memory_space<hbm>>) dst(%dma_wait3A_91 : memref<6400xi32, #tpu.memory_space<vmem>>)
      %dma_wait3A_93 = arith.constant 1 : i32
      %dma_wait3A_94 = arith.constant 0 : i32
      %dma_wait3A_95 = tpu.memref_slice %arg10[%dma_wait3A_93, %dma_wait3A_94] : memref<2x6400xi32, #tpu.memory_space<vmem>> -> memref<1x6400xi32, #tpu.memory_space<vmem>>
      %dma_wait3A_96 = tpu.memref_squeeze %dma_wait3A_95 : memref<1x6400xi32, #tpu.memory_space<vmem>> -> memref<6400xi32, #tpu.memory_space<vmem>>
      %dma_wait3A_97 = tpu.memref_slice %arg4[%mul3A_55] : memref<320000xi32, #tpu.memory_space<hbm>> -> memref<6400xi32, #tpu.memory_space<hbm>>
      %dma_wait3A_98 = arith.constant 0 : i32
      %dma_wait3A_99 = tpu.memref_slice %arg10[%dma_wait3A_93, %dma_wait3A_98] : memref<2x6400xi32, #tpu.memory_space<vmem>> -> memref<1x6400xi32, #tpu.memory_space<vmem>>
      %dma_wait3A_100 = tpu.memref_squeeze %dma_wait3A_99 : memref<1x6400xi32, #tpu.memory_space<vmem>> -> memref<6400xi32, #tpu.memory_space<vmem>>
      %dma_wait3A_101 = tpu.memref_slice %arg4[%mul3A_55] : memref<320000xi32, #tpu.memory_space<hbm>> -> memref<6400xi32, #tpu.memory_space<hbm>>
      tpu.wait_dma2 semaphore(%arg14 : memref<!tpu.dma_semaphore, #tpu.memory_space<semaphore_mem>>) src(%dma_wait3A_101 : memref<6400xi32, #tpu.memory_space<hbm>>) dst(%dma_wait3A_100 : memref<6400xi32, #tpu.memory_space<vmem>>)
      %parallel_loop3A_102 = arith.constant 0 : i32
      %parallel_loop3A_103 = arith.constant 100 : i32
      %parallel_loop3A_104 = arith.constant 1 : i32
      scf.for %parallel_loop3A_105 = %parallel_loop3A_102 to %parallel_loop3A_103 step %parallel_loop3A_104  : i32 {
        %parallel_loop3A_106 = arith.constant 4 : i32
        %parallel_loop3A_107 = arith.muli %parallel_loop3A_105, %parallel_loop3A_106 : i32
        %parallel_loop3A_108 = arith.constant 0 : i32
        %parallel_loop3A_109 = arith.addi %parallel_loop3A_107, %parallel_loop3A_108 : i32
        %parallel_loop3A_110 = arith.constant 16 : i32
        %parallel_loop3A_111 = arith.muli %parallel_loop3A_109, %parallel_loop3A_110 : i32
        %parallel_loop3A_112 = arith.constant 1 : i32
        %parallel_loop3A_113 = arith.index_cast %parallel_loop3A_112 : i32 to index
        %parallel_loop3A_114 = arith.index_cast %parallel_loop3A_111 : i32 to index
        %parallel_loop3A_115 = tpu.vector_load %arg9[%parallel_loop3A_113, %parallel_loop3A_114] {strides = array<i32>} : memref<2x6400xi32, #tpu.memory_space<vmem>>, vector<16xi32>,
        %parallel_loop3A_116 = arith.constant 1 : i32
        %parallel_loop3A_117 = arith.index_cast %parallel_loop3A_116 : i32 to index
        %parallel_loop3A_118 = arith.index_cast %parallel_loop3A_111 : i32 to index
        %parallel_loop3A_119 = tpu.vector_load %arg10[%parallel_loop3A_117, %parallel_loop3A_118] {strides = array<i32>} : memref<2x6400xi32, #tpu.memory_space<vmem>>, vector<16xi32>,
        %parallel_loop3A_120 = arith.constant 0 : i32
        %parallel_loop3A_121 = vector.broadcast %parallel_loop3A_120 : i32 to vector<16xi32>
        %parallel_loop3A_122 = arith.addi %parallel_loop3A_115, %parallel_loop3A_121 : vector<16xi32>
        %parallel_loop3A_123 = tpu.vector_load_idx %arg7[%parallel_loop3A_122] : memref<40960xf32, #tpu.memory_space<vmem>>[vector<16xi32>], vector<16xf32>,
        %parallel_loop3A_124 = arith.constant 0 : i32
        %parallel_loop3A_125 = vector.broadcast %parallel_loop3A_124 : i32 to vector<16xi32>
        %parallel_loop3A_126 = arith.addi %parallel_loop3A_119, %parallel_loop3A_125 : vector<16xi32>
        tpu.vector_store_idx %arg8[%parallel_loop3A_126], %parallel_loop3A_123 {add = true} : memref<40960xf32, #tpu.memory_space<vmem>>[vector<16xi32>], vector<16xf32>,
        %parallel_loop3A_127 = arith.constant 10240 : i32
        %parallel_loop3A_128 = vector.broadcast %parallel_loop3A_127 : i32 to vector<16xi32>
        %parallel_loop3A_129 = arith.addi %parallel_loop3A_115, %parallel_loop3A_128 : vector<16xi32>
        %parallel_loop3A_130 = tpu.vector_load_idx %arg7[%parallel_loop3A_129] : memref<40960xf32, #tpu.memory_space<vmem>>[vector<16xi32>], vector<16xf32>,
        %parallel_loop3A_131 = arith.constant 10240 : i32
        %parallel_loop3A_132 = vector.broadcast %parallel_loop3A_131 : i32 to vector<16xi32>
        %parallel_loop3A_133 = arith.addi %parallel_loop3A_119, %parallel_loop3A_132 : vector<16xi32>
        tpu.vector_store_idx %arg8[%parallel_loop3A_133], %parallel_loop3A_130 {add = true} : memref<40960xf32, #tpu.memory_space<vmem>>[vector<16xi32>], vector<16xf32>,
        %parallel_loop3A_134 = arith.constant 20480 : i32
        %parallel_loop3A_135 = vector.broadcast %parallel_loop3A_134 : i32 to vector<16xi32>
        %parallel_loop3A_136 = arith.addi %parallel_loop3A_115, %parallel_loop3A_135 : vector<16xi32>
        %parallel_loop3A_137 = tpu.vector_load_idx %arg7[%parallel_loop3A_136] : memref<40960xf32, #tpu.memory_space<vmem>>[vector<16xi32>], vector<16xf32>,
        %parallel_loop3A_138 = arith.constant 20480 : i32
        %parallel_loop3A_139 = vector.broadcast %parallel_loop3A_138 : i32 to vector<16xi32>
        %parallel_loop3A_140 = arith.addi %parallel_loop3A_119, %parallel_loop3A_139 : vector<16xi32>
        tpu.vector_store_idx %arg8[%parallel_loop3A_140], %parallel_loop3A_137 {add = true} : memref<40960xf32, #tpu.memory_space<vmem>>[vector<16xi32>], vector<16xf32>,
        %parallel_loop3A_141 = arith.constant 30720 : i32
        %parallel_loop3A_142 = vector.broadcast %parallel_loop3A_141 : i32 to vector<16xi32>
        %parallel_loop3A_143 = arith.addi %parallel_loop3A_115, %parallel_loop3A_142 : vector<16xi32>
        %parallel_loop3A_144 = tpu.vector_load_idx %arg7[%parallel_loop3A_143] : memref<40960xf32, #tpu.memory_space<vmem>>[vector<16xi32>], vector<16xf32>,
        %parallel_loop3A_145 = arith.constant 30720 : i32
        %parallel_loop3A_146 = vector.broadcast %parallel_loop3A_145 : i32 to vector<16xi32>
        %parallel_loop3A_147 = arith.addi %parallel_loop3A_119, %parallel_loop3A_146 : vector<16xi32>
        tpu.vector_store_idx %arg8[%parallel_loop3A_147], %parallel_loop3A_144 {add = true} : memref<40960xf32, #tpu.memory_space<vmem>>[vector<16xi32>], vector<16xf32>,
        %parallel_loop3A_148 = arith.constant 4 : i32
        %parallel_loop3A_149 = arith.muli %parallel_loop3A_105, %parallel_loop3A_148 : i32
        %parallel_loop3A_150 = arith.constant 1 : i32
        %parallel_loop3A_151 = arith.addi %parallel_loop3A_149, %parallel_loop3A_150 : i32
        %parallel_loop3A_152 = arith.constant 16 : i32
        %parallel_loop3A_153 = arith.muli %parallel_loop3A_151, %parallel_loop3A_152 : i32
        %parallel_loop3A_154 = arith.constant 1 : i32
        %parallel_loop3A_155 = arith.index_cast %parallel_loop3A_154 : i32 to index
        %parallel_loop3A_156 = arith.index_cast %parallel_loop3A_153 : i32 to index
        %parallel_loop3A_157 = tpu.vector_load %arg9[%parallel_loop3A_155, %parallel_loop3A_156] {strides = array<i32>} : memref<2x6400xi32, #tpu.memory_space<vmem>>, vector<16xi32>,
        %parallel_loop3A_158 = arith.constant 1 : i32
        %parallel_loop3A_159 = arith.index_cast %parallel_loop3A_158 : i32 to index
        %parallel_loop3A_160 = arith.index_cast %parallel_loop3A_153 : i32 to index
        %parallel_loop3A_161 = tpu.vector_load %arg10[%parallel_loop3A_159, %parallel_loop3A_160] {strides = array<i32>} : memref<2x6400xi32, #tpu.memory_space<vmem>>, vector<16xi32>,
        %parallel_loop3A_162 = arith.constant 0 : i32
        %parallel_loop3A_163 = vector.broadcast %parallel_loop3A_162 : i32 to vector<16xi32>
        %parallel_loop3A_164 = arith.addi %parallel_loop3A_157, %parallel_loop3A_163 : vector<16xi32>
        %parallel_loop3A_165 = tpu.vector_load_idx %arg7[%parallel_loop3A_164] : memref<40960xf32, #tpu.memory_space<vmem>>[vector<16xi32>], vector<16xf32>,
        %parallel_loop3A_166 = arith.constant 0 : i32
        %parallel_loop3A_167 = vector.broadcast %parallel_loop3A_166 : i32 to vector<16xi32>
        %parallel_loop3A_168 = arith.addi %parallel_loop3A_161, %parallel_loop3A_167 : vector<16xi32>
        tpu.vector_store_idx %arg8[%parallel_loop3A_168], %parallel_loop3A_165 {add = true} : memref<40960xf32, #tpu.memory_space<vmem>>[vector<16xi32>], vector<16xf32>,
        %parallel_loop3A_169 = arith.constant 10240 : i32
        %parallel_loop3A_170 = vector.broadcast %parallel_loop3A_169 : i32 to vector<16xi32>
        %parallel_loop3A_171 = arith.addi %parallel_loop3A_157, %parallel_loop3A_170 : vector<16xi32>
        %parallel_loop3A_172 = tpu.vector_load_idx %arg7[%parallel_loop3A_171] : memref<40960xf32, #tpu.memory_space<vmem>>[vector<16xi32>], vector<16xf32>,
        %parallel_loop3A_173 = arith.constant 10240 : i32
        %parallel_loop3A_174 = vector.broadcast %parallel_loop3A_173 : i32 to vector<16xi32>
        %parallel_loop3A_175 = arith.addi %parallel_loop3A_161, %parallel_loop3A_174 : vector<16xi32>
        tpu.vector_store_idx %arg8[%parallel_loop3A_175], %parallel_loop3A_172 {add = true} : memref<40960xf32, #tpu.memory_space<vmem>>[vector<16xi32>], vector<16xf32>,
        %parallel_loop3A_176 = arith.constant 20480 : i32
        %parallel_loop3A_177 = vector.broadcast %parallel_loop3A_176 : i32 to vector<16xi32>
        %parallel_loop3A_178 = arith.addi %parallel_loop3A_157, %parallel_loop3A_177 : vector<16xi32>
        %parallel_loop3A_179 = tpu.vector_load_idx %arg7[%parallel_loop3A_178] : memref<40960xf32, #tpu.memory_space<vmem>>[vector<16xi32>], vector<16xf32>,
        %parallel_loop3A_180 = arith.constant 20480 : i32
        %parallel_loop3A_181 = vector.broadcast %parallel_loop3A_180 : i32 to vector<16xi32>
        %parallel_loop3A_182 = arith.addi %parallel_loop3A_161, %parallel_loop3A_181 : vector<16xi32>
        tpu.vector_store_idx %arg8[%parallel_loop3A_182], %parallel_loop3A_179 {add = true} : memref<40960xf32, #tpu.memory_space<vmem>>[vector<16xi32>], vector<16xf32>,
        %parallel_loop3A_183 = arith.constant 30720 : i32
        %parallel_loop3A_184 = vector.broadcast %parallel_loop3A_183 : i32 to vector<16xi32>
        %parallel_loop3A_185 = arith.addi %parallel_loop3A_157, %parallel_loop3A_184 : vector<16xi32>
        %parallel_loop3A_186 = tpu.vector_load_idx %arg7[%parallel_loop3A_185] : memref<40960xf32, #tpu.memory_space<vmem>>[vector<16xi32>], vector<16xf32>,
        %parallel_loop3A_187 = arith.constant 30720 : i32
        %parallel_loop3A_188 = vector.broadcast %parallel_loop3A_187 : i32 to vector<16xi32>
        %parallel_loop3A_189 = arith.addi %parallel_loop3A_161, %parallel_loop3A_188 : vector<16xi32>
        tpu.vector_store_idx %arg8[%parallel_loop3A_189], %parallel_loop3A_186 {add = true} : memref<40960xf32, #tpu.memory_space<vmem>>[vector<16xi32>], vector<16xf32>,
        %parallel_loop3A_190 = arith.constant 4 : i32
        %parallel_loop3A_191 = arith.muli %parallel_loop3A_105, %parallel_loop3A_190 : i32
        %parallel_loop3A_192 = arith.constant 2 : i32
        %parallel_loop3A_193 = arith.addi %parallel_loop3A_191, %parallel_loop3A_192 : i32
        %parallel_loop3A_194 = arith.constant 16 : i32
        %parallel_loop3A_195 = arith.muli %parallel_loop3A_193, %parallel_loop3A_194 : i32
        %parallel_loop3A_196 = arith.constant 1 : i32
        %parallel_loop3A_197 = arith.index_cast %parallel_loop3A_196 : i32 to index
        %parallel_loop3A_198 = arith.index_cast %parallel_loop3A_195 : i32 to index
        %parallel_loop3A_199 = tpu.vector_load %arg9[%parallel_loop3A_197, %parallel_loop3A_198] {strides = array<i32>} : memref<2x6400xi32, #tpu.memory_space<vmem>>, vector<16xi32>,
        %parallel_loop3A_200 = arith.constant 1 : i32
        %parallel_loop3A_201 = arith.index_cast %parallel_loop3A_200 : i32 to index
        %parallel_loop3A_202 = arith.index_cast %parallel_loop3A_195 : i32 to index
        %parallel_loop3A_203 = tpu.vector_load %arg10[%parallel_loop3A_201, %parallel_loop3A_202] {strides = array<i32>} : memref<2x6400xi32, #tpu.memory_space<vmem>>, vector<16xi32>,
        %parallel_loop3A_204 = arith.constant 0 : i32
        %parallel_loop3A_205 = vector.broadcast %parallel_loop3A_204 : i32 to vector<16xi32>
        %parallel_loop3A_206 = arith.addi %parallel_loop3A_199, %parallel_loop3A_205 : vector<16xi32>
        %parallel_loop3A_207 = tpu.vector_load_idx %arg7[%parallel_loop3A_206] : memref<40960xf32, #tpu.memory_space<vmem>>[vector<16xi32>], vector<16xf32>,
        %parallel_loop3A_208 = arith.constant 0 : i32
        %parallel_loop3A_209 = vector.broadcast %parallel_loop3A_208 : i32 to vector<16xi32>
        %parallel_loop3A_210 = arith.addi %parallel_loop3A_203, %parallel_loop3A_209 : vector<16xi32>
        tpu.vector_store_idx %arg8[%parallel_loop3A_210], %parallel_loop3A_207 {add = true} : memref<40960xf32, #tpu.memory_space<vmem>>[vector<16xi32>], vector<16xf32>,
        %parallel_loop3A_211 = arith.constant 10240 : i32
        %parallel_loop3A_212 = vector.broadcast %parallel_loop3A_211 : i32 to vector<16xi32>
        %parallel_loop3A_213 = arith.addi %parallel_loop3A_199, %parallel_loop3A_212 : vector<16xi32>
        %parallel_loop3A_214 = tpu.vector_load_idx %arg7[%parallel_loop3A_213] : memref<40960xf32, #tpu.memory_space<vmem>>[vector<16xi32>], vector<16xf32>,
        %parallel_loop3A_215 = arith.constant 10240 : i32
        %parallel_loop3A_216 = vector.broadcast %parallel_loop3A_215 : i32 to vector<16xi32>
        %parallel_loop3A_217 = arith.addi %parallel_loop3A_203, %parallel_loop3A_216 : vector<16xi32>
        tpu.vector_store_idx %arg8[%parallel_loop3A_217], %parallel_loop3A_214 {add = true} : memref<40960xf32, #tpu.memory_space<vmem>>[vector<16xi32>], vector<16xf32>,
        %parallel_loop3A_218 = arith.constant 20480 : i32
        %parallel_loop3A_219 = vector.broadcast %parallel_loop3A_218 : i32 to vector<16xi32>
        %parallel_loop3A_220 = arith.addi %parallel_loop3A_199, %parallel_loop3A_219 : vector<16xi32>
        %parallel_loop3A_221 = tpu.vector_load_idx %arg7[%parallel_loop3A_220] : memref<40960xf32, #tpu.memory_space<vmem>>[vector<16xi32>], vector<16xf32>,
        %parallel_loop3A_222 = arith.constant 20480 : i32
        %parallel_loop3A_223 = vector.broadcast %parallel_loop3A_222 : i32 to vector<16xi32>
        %parallel_loop3A_224 = arith.addi %parallel_loop3A_203, %parallel_loop3A_223 : vector<16xi32>
        tpu.vector_store_idx %arg8[%parallel_loop3A_224], %parallel_loop3A_221 {add = true} : memref<40960xf32, #tpu.memory_space<vmem>>[vector<16xi32>], vector<16xf32>,
        %parallel_loop3A_225 = arith.constant 30720 : i32
        %parallel_loop3A_226 = vector.broadcast %parallel_loop3A_225 : i32 to vector<16xi32>
        %parallel_loop3A_227 = arith.addi %parallel_loop3A_199, %parallel_loop3A_226 : vector<16xi32>
        %parallel_loop3A_228 = tpu.vector_load_idx %arg7[%parallel_loop3A_227] : memref<40960xf32, #tpu.memory_space<vmem>>[vector<16xi32>], vector<16xf32>,
        %parallel_loop3A_229 = arith.constant 30720 : i32
        %parallel_loop3A_230 = vector.broadcast %parallel_loop3A_229 : i32 to vector<16xi32>
        %parallel_loop3A_231 = arith.addi %parallel_loop3A_203, %parallel_loop3A_230 : vector<16xi32>
        tpu.vector_store_idx %arg8[%parallel_loop3A_231], %parallel_loop3A_228 {add = true} : memref<40960xf32, #tpu.memory_space<vmem>>[vector<16xi32>], vector<16xf32>,
        %parallel_loop3A_232 = arith.constant 4 : i32
        %parallel_loop3A_233 = arith.muli %parallel_loop3A_105, %parallel_loop3A_232 : i32
        %parallel_loop3A_234 = arith.constant 3 : i32
        %parallel_loop3A_235 = arith.addi %parallel_loop3A_233, %parallel_loop3A_234 : i32
        %parallel_loop3A_236 = arith.constant 16 : i32
        %parallel_loop3A_237 = arith.muli %parallel_loop3A_235, %parallel_loop3A_236 : i32
        %parallel_loop3A_238 = arith.constant 1 : i32
        %parallel_loop3A_239 = arith.index_cast %parallel_loop3A_238 : i32 to index
        %parallel_loop3A_240 = arith.index_cast %parallel_loop3A_237 : i32 to index
        %parallel_loop3A_241 = tpu.vector_load %arg9[%parallel_loop3A_239, %parallel_loop3A_240] {strides = array<i32>} : memref<2x6400xi32, #tpu.memory_space<vmem>>, vector<16xi32>,
        %parallel_loop3A_242 = arith.constant 1 : i32
        %parallel_loop3A_243 = arith.index_cast %parallel_loop3A_242 : i32 to index
        %parallel_loop3A_244 = arith.index_cast %parallel_loop3A_237 : i32 to index
        %parallel_loop3A_245 = tpu.vector_load %arg10[%parallel_loop3A_243, %parallel_loop3A_244] {strides = array<i32>} : memref<2x6400xi32, #tpu.memory_space<vmem>>, vector<16xi32>,
        %parallel_loop3A_246 = arith.constant 0 : i32
        %parallel_loop3A_247 = vector.broadcast %parallel_loop3A_246 : i32 to vector<16xi32>
        %parallel_loop3A_248 = arith.addi %parallel_loop3A_241, %parallel_loop3A_247 : vector<16xi32>
        %parallel_loop3A_249 = tpu.vector_load_idx %arg7[%parallel_loop3A_248] : memref<40960xf32, #tpu.memory_space<vmem>>[vector<16xi32>], vector<16xf32>,
        %parallel_loop3A_250 = arith.constant 0 : i32
        %parallel_loop3A_251 = vector.broadcast %parallel_loop3A_250 : i32 to vector<16xi32>
        %parallel_loop3A_252 = arith.addi %parallel_loop3A_245, %parallel_loop3A_251 : vector<16xi32>
        tpu.vector_store_idx %arg8[%parallel_loop3A_252], %parallel_loop3A_249 {add = true} : memref<40960xf32, #tpu.memory_space<vmem>>[vector<16xi32>], vector<16xf32>,
        %parallel_loop3A_253 = arith.constant 10240 : i32
        %parallel_loop3A_254 = vector.broadcast %parallel_loop3A_253 : i32 to vector<16xi32>
        %parallel_loop3A_255 = arith.addi %parallel_loop3A_241, %parallel_loop3A_254 : vector<16xi32>
        %parallel_loop3A_256 = tpu.vector_load_idx %arg7[%parallel_loop3A_255] : memref<40960xf32, #tpu.memory_space<vmem>>[vector<16xi32>], vector<16xf32>,
        %parallel_loop3A_257 = arith.constant 10240 : i32
        %parallel_loop3A_258 = vector.broadcast %parallel_loop3A_257 : i32 to vector<16xi32>
        %parallel_loop3A_259 = arith.addi %parallel_loop3A_245, %parallel_loop3A_258 : vector<16xi32>
        tpu.vector_store_idx %arg8[%parallel_loop3A_259], %parallel_loop3A_256 {add = true} : memref<40960xf32, #tpu.memory_space<vmem>>[vector<16xi32>], vector<16xf32>,
        %parallel_loop3A_260 = arith.constant 20480 : i32
        %parallel_loop3A_261 = vector.broadcast %parallel_loop3A_260 : i32 to vector<16xi32>
        %parallel_loop3A_262 = arith.addi %parallel_loop3A_241, %parallel_loop3A_261 : vector<16xi32>
        %parallel_loop3A_263 = tpu.vector_load_idx %arg7[%parallel_loop3A_262] : memref<40960xf32, #tpu.memory_space<vmem>>[vector<16xi32>], vector<16xf32>,
        %parallel_loop3A_264 = arith.constant 20480 : i32
        %parallel_loop3A_265 = vector.broadcast %parallel_loop3A_264 : i32 to vector<16xi32>
        %parallel_loop3A_266 = arith.addi %parallel_loop3A_245, %parallel_loop3A_265 : vector<16xi32>
        tpu.vector_store_idx %arg8[%parallel_loop3A_266], %parallel_loop3A_263 {add = true} : memref<40960xf32, #tpu.memory_space<vmem>>[vector<16xi32>], vector<16xf32>,
        %parallel_loop3A_267 = arith.constant 30720 : i32
        %parallel_loop3A_268 = vector.broadcast %parallel_loop3A_267 : i32 to vector<16xi32>
        %parallel_loop3A_269 = arith.addi %parallel_loop3A_241, %parallel_loop3A_268 : vector<16xi32>
        %parallel_loop3A_270 = tpu.vector_load_idx %arg7[%parallel_loop3A_269] : memref<40960xf32, #tpu.memory_space<vmem>>[vector<16xi32>], vector<16xf32>,
        %parallel_loop3A_271 = arith.constant 30720 : i32
        %parallel_loop3A_272 = vector.broadcast %parallel_loop3A_271 : i32 to vector<16xi32>
        %parallel_loop3A_273 = arith.addi %parallel_loop3A_245, %parallel_loop3A_272 : vector<16xi32>
        tpu.vector_store_idx %arg8[%parallel_loop3A_273], %parallel_loop3A_270 {add = true} : memref<40960xf32, #tpu.memory_space<vmem>>[vector<16xi32>], vector<16xf32>,
      } {sc.loop_unroll_factor = 4 : i64, sc.parallel_access}
    }
    %scan3A_8 = arith.constant 25 : i32
    %run_scoped3A_9 = arith.constant 0 : i32
    "tpu.region"() ({
      %run_scoped3A_13 = tpu.sem_alloc : memref<!tpu.dma_semaphore, #tpu.memory_space<semaphore_mem>>
      %dma_start3A = arith.constant 0 : i32
      %dma_start3A_14 = tpu.memref_slice %arg8[%dma_start3A] : memref<40960xf32, #tpu.memory_space<vmem>> -> memref<10240xf32, #tpu.memory_space<vmem>>
      %dma_start3A_15 = arith.constant 0 : i32
      %dma_start3A_16 = tpu.memref_slice %arg6[%add3A, %run_scoped3A_9, %dma_start3A_15] : memref<32x4x10240xf32, #tpu.memory_space<hbm>> -> memref<1x1x10240xf32, #tpu.memory_space<hbm>>
      %dma_start3A_17 = tpu.memref_squeeze %dma_start3A_16 : memref<1x1x10240xf32, #tpu.memory_space<hbm>> -> memref<10240xf32, #tpu.memory_space<hbm>>
      %dma_start3A_18 = arith.constant 0 : i32
      %dma_start3A_19 = tpu.memref_slice %arg6[%add3A, %run_scoped3A_9, %dma_start3A_18] : memref<32x4x10240xf32, #tpu.memory_space<hbm>> -> memref<1x1x10240xf32, #tpu.memory_space<hbm>>
      %dma_start3A_20 = tpu.memref_squeeze %dma_start3A_19 : memref<1x1x10240xf32, #tpu.memory_space<hbm>> -> memref<10240xf32, #tpu.memory_space<hbm>>
      %dma_start3A_21 = arith.constant 0 : i32
      %dma_start3A_22 = tpu.memref_slice %arg8[%dma_start3A_21] : memref<40960xf32, #tpu.memory_space<vmem>> -> memref<10240xf32, #tpu.memory_space<vmem>>
      tpu.enqueue_dma source(%dma_start3A_22 : memref<10240xf32, #tpu.memory_space<vmem>>) target(%dma_start3A_20 : memref<10240xf32, #tpu.memory_space<hbm>>) target_semaphore(%run_scoped3A_13 : memref<!tpu.dma_semaphore, #tpu.memory_space<semaphore_mem>>)
      %dma_wait3A = arith.constant 0 : i32
      %dma_wait3A_23 = tpu.memref_slice %arg8[%dma_wait3A] : memref<40960xf32, #tpu.memory_space<vmem>> -> memref<10240xf32, #tpu.memory_space<vmem>>
      %dma_wait3A_24 = arith.constant 0 : i32
      %dma_wait3A_25 = tpu.memref_slice %arg6[%add3A, %run_scoped3A_9, %dma_wait3A_24] : memref<32x4x10240xf32, #tpu.memory_space<hbm>> -> memref<1x1x10240xf32, #tpu.memory_space<hbm>>
      %dma_wait3A_26 = tpu.memref_squeeze %dma_wait3A_25 : memref<1x1x10240xf32, #tpu.memory_space<hbm>> -> memref<10240xf32, #tpu.memory_space<hbm>>
      %dma_wait3A_27 = arith.constant 0 : i32
      %dma_wait3A_28 = tpu.memref_slice %arg6[%add3A, %run_scoped3A_9, %dma_wait3A_27] : memref<32x4x10240xf32, #tpu.memory_space<hbm>> -> memref<1x1x10240xf32, #tpu.memory_space<hbm>>
      %dma_wait3A_29 = tpu.memref_squeeze %dma_wait3A_28 : memref<1x1x10240xf32, #tpu.memory_space<hbm>> -> memref<10240xf32, #tpu.memory_space<hbm>>
      %dma_wait3A_30 = arith.constant 0 : i32
      %dma_wait3A_31 = tpu.memref_slice %arg8[%dma_wait3A_30] : memref<40960xf32, #tpu.memory_space<vmem>> -> memref<10240xf32, #tpu.memory_space<vmem>>
      tpu.wait_dma2 semaphore(%run_scoped3A_13 : memref<!tpu.dma_semaphore, #tpu.memory_space<semaphore_mem>>) src(%dma_wait3A_31 : memref<10240xf32, #tpu.memory_space<vmem>>) dst(%dma_wait3A_29 : memref<10240xf32, #tpu.memory_space<hbm>>)
      tpu.yield
    }) : () -> ()
    %run_scoped3A_10 = arith.constant 1 : i32
    "tpu.region"() ({
      %run_scoped3A_13 = tpu.sem_alloc : memref<!tpu.dma_semaphore, #tpu.memory_space<semaphore_mem>>
      %dma_start3A = arith.constant 10240 : i32
      %dma_start3A_14 = tpu.memref_slice %arg8[%dma_start3A] : memref<40960xf32, #tpu.memory_space<vmem>> -> memref<10240xf32, #tpu.memory_space<vmem>>
      %dma_start3A_15 = arith.constant 0 : i32
      %dma_start3A_16 = tpu.memref_slice %arg6[%add3A, %run_scoped3A_10, %dma_start3A_15] : memref<32x4x10240xf32, #tpu.memory_space<hbm>> -> memref<1x1x10240xf32, #tpu.memory_space<hbm>>
      %dma_start3A_17 = tpu.memref_squeeze %dma_start3A_16 : memref<1x1x10240xf32, #tpu.memory_space<hbm>> -> memref<10240xf32, #tpu.memory_space<hbm>>
      %dma_start3A_18 = arith.constant 0 : i32
      %dma_start3A_19 = tpu.memref_slice %arg6[%add3A, %run_scoped3A_10, %dma_start3A_18] : memref<32x4x10240xf32, #tpu.memory_space<hbm>> -> memref<1x1x10240xf32, #tpu.memory_space<hbm>>
      %dma_start3A_20 = tpu.memref_squeeze %dma_start3A_19 : memref<1x1x10240xf32, #tpu.memory_space<hbm>> -> memref<10240xf32, #tpu.memory_space<hbm>>
      %dma_start3A_21 = arith.constant 10240 : i32
      %dma_start3A_22 = tpu.memref_slice %arg8[%dma_start3A_21] : memref<40960xf32, #tpu.memory_space<vmem>> -> memref<10240xf32, #tpu.memory_space<vmem>>
      tpu.enqueue_dma source(%dma_start3A_22 : memref<10240xf32, #tpu.memory_space<vmem>>) target(%dma_start3A_20 : memref<10240xf32, #tpu.memory_space<hbm>>) target_semaphore(%run_scoped3A_13 : memref<!tpu.dma_semaphore, #tpu.memory_space<semaphore_mem>>)
      %dma_wait3A = arith.constant 10240 : i32
      %dma_wait3A_23 = tpu.memref_slice %arg8[%dma_wait3A] : memref<40960xf32, #tpu.memory_space<vmem>> -> memref<10240xf32, #tpu.memory_space<vmem>>
      %dma_wait3A_24 = arith.constant 0 : i32
      %dma_wait3A_25 = tpu.memref_slice %arg6[%add3A, %run_scoped3A_10, %dma_wait3A_24] : memref<32x4x10240xf32, #tpu.memory_space<hbm>> -> memref<1x1x10240xf32, #tpu.memory_space<hbm>>
      %dma_wait3A_26 = tpu.memref_squeeze %dma_wait3A_25 : memref<1x1x10240xf32, #tpu.memory_space<hbm>> -> memref<10240xf32, #tpu.memory_space<hbm>>
      %dma_wait3A_27 = arith.constant 0 : i32
      %dma_wait3A_28 = tpu.memref_slice %arg6[%add3A, %run_scoped3A_10, %dma_wait3A_27] : memref<32x4x10240xf32, #tpu.memory_space<hbm>> -> memref<1x1x10240xf32, #tpu.memory_space<hbm>>
      %dma_wait3A_29 = tpu.memref_squeeze %dma_wait3A_28 : memref<1x1x10240xf32, #tpu.memory_space<hbm>> -> memref<10240xf32, #tpu.memory_space<hbm>>
      %dma_wait3A_30 = arith.constant 10240 : i32
      %dma_wait3A_31 = tpu.memref_slice %arg8[%dma_wait3A_30] : memref<40960xf32, #tpu.memory_space<vmem>> -> memref<10240xf32, #tpu.memory_space<vmem>>
      tpu.wait_dma2 semaphore(%run_scoped3A_13 : memref<!tpu.dma_semaphore, #tpu.memory_space<semaphore_mem>>) src(%dma_wait3A_31 : memref<10240xf32, #tpu.memory_space<vmem>>) dst(%dma_wait3A_29 : memref<10240xf32, #tpu.memory_space<hbm>>)
      tpu.yield
    }) : () -> ()
    %run_scoped3A_11 = arith.constant 2 : i32
    "tpu.region"() ({
      %run_scoped3A_13 = tpu.sem_alloc : memref<!tpu.dma_semaphore, #tpu.memory_space<semaphore_mem>>
      %dma_start3A = arith.constant 20480 : i32
      %dma_start3A_14 = tpu.memref_slice %arg8[%dma_start3A] : memref<40960xf32, #tpu.memory_space<vmem>> -> memref<10240xf32, #tpu.memory_space<vmem>>
      %dma_start3A_15 = arith.constant 0 : i32
      %dma_start3A_16 = tpu.memref_slice %arg6[%add3A, %run_scoped3A_11, %dma_start3A_15] : memref<32x4x10240xf32, #tpu.memory_space<hbm>> -> memref<1x1x10240xf32, #tpu.memory_space<hbm>>
      %dma_start3A_17 = tpu.memref_squeeze %dma_start3A_16 : memref<1x1x10240xf32, #tpu.memory_space<hbm>> -> memref<10240xf32, #tpu.memory_space<hbm>>
      %dma_start3A_18 = arith.constant 0 : i32
      %dma_start3A_19 = tpu.memref_slice %arg6[%add3A, %run_scoped3A_11, %dma_start3A_18] : memref<32x4x10240xf32, #tpu.memory_space<hbm>> -> memref<1x1x10240xf32, #tpu.memory_space<hbm>>
      %dma_start3A_20 = tpu.memref_squeeze %dma_start3A_19 : memref<1x1x10240xf32, #tpu.memory_space<hbm>> -> memref<10240xf32, #tpu.memory_space<hbm>>
      %dma_start3A_21 = arith.constant 20480 : i32
      %dma_start3A_22 = tpu.memref_slice %arg8[%dma_start3A_21] : memref<40960xf32, #tpu.memory_space<vmem>> -> memref<10240xf32, #tpu.memory_space<vmem>>
      tpu.enqueue_dma source(%dma_start3A_22 : memref<10240xf32, #tpu.memory_space<vmem>>) target(%dma_start3A_20 : memref<10240xf32, #tpu.memory_space<hbm>>) target_semaphore(%run_scoped3A_13 : memref<!tpu.dma_semaphore, #tpu.memory_space<semaphore_mem>>)
      %dma_wait3A = arith.constant 20480 : i32
      %dma_wait3A_23 = tpu.memref_slice %arg8[%dma_wait3A] : memref<40960xf32, #tpu.memory_space<vmem>> -> memref<10240xf32, #tpu.memory_space<vmem>>
      %dma_wait3A_24 = arith.constant 0 : i32
      %dma_wait3A_25 = tpu.memref_slice %arg6[%add3A, %run_scoped3A_11, %dma_wait3A_24] : memref<32x4x10240xf32, #tpu.memory_space<hbm>> -> memref<1x1x10240xf32, #tpu.memory_space<hbm>>
      %dma_wait3A_26 = tpu.memref_squeeze %dma_wait3A_25 : memref<1x1x10240xf32, #tpu.memory_space<hbm>> -> memref<10240xf32, #tpu.memory_space<hbm>>
      %dma_wait3A_27 = arith.constant 0 : i32
      %dma_wait3A_28 = tpu.memref_slice %arg6[%add3A, %run_scoped3A_11, %dma_wait3A_27] : memref<32x4x10240xf32, #tpu.memory_space<hbm>> -> memref<1x1x10240xf32, #tpu.memory_space<hbm>>
      %dma_wait3A_29 = tpu.memref_squeeze %dma_wait3A_28 : memref<1x1x10240xf32, #tpu.memory_space<hbm>> -> memref<10240xf32, #tpu.memory_space<hbm>>
      %dma_wait3A_30 = arith.constant 20480 : i32
      %dma_wait3A_31 = tpu.memref_slice %arg8[%dma_wait3A_30] : memref<40960xf32, #tpu.memory_space<vmem>> -> memref<10240xf32, #tpu.memory_space<vmem>>
      tpu.wait_dma2 semaphore(%run_scoped3A_13 : memref<!tpu.dma_semaphore, #tpu.memory_space<semaphore_mem>>) src(%dma_wait3A_31 : memref<10240xf32, #tpu.memory_space<vmem>>) dst(%dma_wait3A_29 : memref<10240xf32, #tpu.memory_space<hbm>>)
      tpu.yield
    }) : () -> ()
    %run_scoped3A_12 = arith.constant 3 : i32
    "tpu.region"() ({
      %run_scoped3A_13 = tpu.sem_alloc : memref<!tpu.dma_semaphore, #tpu.memory_space<semaphore_mem>>
      %dma_start3A = arith.constant 30720 : i32
      %dma_start3A_14 = tpu.memref_slice %arg8[%dma_start3A] : memref<40960xf32, #tpu.memory_space<vmem>> -> memref<10240xf32, #tpu.memory_space<vmem>>
      %dma_start3A_15 = arith.constant 0 : i32
      %dma_start3A_16 = tpu.memref_slice %arg6[%add3A, %run_scoped3A_12, %dma_start3A_15] : memref<32x4x10240xf32, #tpu.memory_space<hbm>> -> memref<1x1x10240xf32, #tpu.memory_space<hbm>>
      %dma_start3A_17 = tpu.memref_squeeze %dma_start3A_16 : memref<1x1x10240xf32, #tpu.memory_space<hbm>> -> memref<10240xf32, #tpu.memory_space<hbm>>
      %dma_start3A_18 = arith.constant 0 : i32
      %dma_start3A_19 = tpu.memref_slice %arg6[%add3A, %run_scoped3A_12, %dma_start3A_18] : memref<32x4x10240xf32, #tpu.memory_space<hbm>> -> memref<1x1x10240xf32, #tpu.memory_space<hbm>>
      %dma_start3A_20 = tpu.memref_squeeze %dma_start3A_19 : memref<1x1x10240xf32, #tpu.memory_space<hbm>> -> memref<10240xf32, #tpu.memory_space<hbm>>
      %dma_start3A_21 = arith.constant 30720 : i32
      %dma_start3A_22 = tpu.memref_slice %arg8[%dma_start3A_21] : memref<40960xf32, #tpu.memory_space<vmem>> -> memref<10240xf32, #tpu.memory_space<vmem>>
      tpu.enqueue_dma source(%dma_start3A_22 : memref<10240xf32, #tpu.memory_space<vmem>>) target(%dma_start3A_20 : memref<10240xf32, #tpu.memory_space<hbm>>) target_semaphore(%run_scoped3A_13 : memref<!tpu.dma_semaphore, #tpu.memory_space<semaphore_mem>>)
      %dma_wait3A = arith.constant 30720 : i32
      %dma_wait3A_23 = tpu.memref_slice %arg8[%dma_wait3A] : memref<40960xf32, #tpu.memory_space<vmem>> -> memref<10240xf32, #tpu.memory_space<vmem>>
      %dma_wait3A_24 = arith.constant 0 : i32
      %dma_wait3A_25 = tpu.memref_slice %arg6[%add3A, %run_scoped3A_12, %dma_wait3A_24] : memref<32x4x10240xf32, #tpu.memory_space<hbm>> -> memref<1x1x10240xf32, #tpu.memory_space<hbm>>
      %dma_wait3A_26 = tpu.memref_squeeze %dma_wait3A_25 : memref<1x1x10240xf32, #tpu.memory_space<hbm>> -> memref<10240xf32, #tpu.memory_space<hbm>>
      %dma_wait3A_27 = arith.constant 0 : i32
      %dma_wait3A_28 = tpu.memref_slice %arg6[%add3A, %run_scoped3A_12, %dma_wait3A_27] : memref<32x4x10240xf32, #tpu.memory_space<hbm>> -> memref<1x1x10240xf32, #tpu.memory_space<hbm>>
      %dma_wait3A_29 = tpu.memref_squeeze %dma_wait3A_28 : memref<1x1x10240xf32, #tpu.memory_space<hbm>> -> memref<10240xf32, #tpu.memory_space<hbm>>
      %dma_wait3A_30 = arith.constant 30720 : i32
      %dma_wait3A_31 = tpu.memref_slice %arg8[%dma_wait3A_30] : memref<40960xf32, #tpu.memory_space<vmem>> -> memref<10240xf32, #tpu.memory_space<vmem>>
      tpu.wait_dma2 semaphore(%run_scoped3A_13 : memref<!tpu.dma_semaphore, #tpu.memory_space<semaphore_mem>>) src(%dma_wait3A_31 : memref<10240xf32, #tpu.memory_space<vmem>>) dst(%dma_wait3A_29 : memref<10240xf32, #tpu.memory_space<hbm>>)
      tpu.yield
    }) : () -> ()
    return
  }
}

module attributes {stable_mosaic.version = 14 : i64} {
  func.func @_layer_body(%arg0: i32, %arg1: i32, %arg2: memref<1x1xf32, #tpu.memory_space<smem>>, %arg3: memref<128x1024xf32, #tpu.memory_space<vmem>>, %arg4: memref<128x1024xf32, #tpu.memory_space<vmem>>, %arg5: memref<128x128xf32, #tpu.memory_space<vmem>>, %arg6: memref<128x128xf32, #tpu.memory_space<vmem>>, %arg7: memref<128x128xf32, #tpu.memory_space<vmem>>, %arg8: memref<128x128xf32, #tpu.memory_space<vmem>>, %arg9: memref<128x128xf32, #tpu.memory_space<vmem>>, %arg10: memref<128x128xf32, #tpu.memory_space<vmem>>, %arg11: memref<128x1024xf32, #tpu.memory_space<vmem>>, %arg12: memref<128x10240xf32, #tpu.memory_space<vmem>>, %arg13: memref<128x10240xf32, #tpu.memory_space<vmem>>, %arg14: memref<128x128xf32, #tpu.memory_space<vmem>>, %arg15: memref<128x128xf32, #tpu.memory_space<vmem>>, %arg16: memref<128x128xf32, #tpu.memory_space<vmem>>, %arg17: memref<128x128xf32, #tpu.memory_space<vmem>>) attributes {dimension_semantics = [#tpu.dimension_semantics<arbitrary>, #tpu.dimension_semantics<arbitrary>], iteration_bounds = array<i64: 3, 10>, scalar_prefetch = 0 : i64, scratch_operands = 6 : i64, tpu.core_type = #tpu.core_type<tc>, window_params = [{transform_indices = @transform_0, window_bounds = array<i64: 1, 1>}, {transform_indices = @transform_1, window_bounds = array<i64: 128, 1024>}, {transform_indices = @transform_2, window_bounds = array<i64: 128, 1024>}, {pipeline_mode = #tpu.pipeline_mode<synchronous>, transform_indices = @transform_3, window_bounds = array<i64: 128, 128>}, {pipeline_mode = #tpu.pipeline_mode<synchronous>, transform_indices = @transform_4, window_bounds = array<i64: 128, 128>}, {pipeline_mode = #tpu.pipeline_mode<synchronous>, transform_indices = @transform_5, window_bounds = array<i64: 128, 128>}, {pipeline_mode = #tpu.pipeline_mode<synchronous>, transform_indices = @transform_6, window_bounds = array<i64: 128, 128>}, {pipeline_mode = #tpu.pipeline_mode<synchronous>, transform_indices = @transform_7, window_bounds = array<i64: 128, 128>}, {pipeline_mode = #tpu.pipeline_mode<synchronous>, transform_indices = @transform_8, window_bounds = array<i64: 128, 128>}, {transform_indices = @transform_9, window_bounds = array<i64: 128, 1024>}]} {
    %mul3A = arith.constant 1024 : i32
    %mul3A_0 = arith.muli %arg1, %mul3A : i32
    %eq3A = arith.constant 0 : i32
    %eq3A_1 = arith.cmpi eq, %arg0, %eq3A : i32
    %convert_element_type3A = arith.extui %eq3A_1 : i1 to i32
    %cond3A = arith.constant 0 : i32
    %cond3A_2 = arith.cmpi ne, %convert_element_type3A, %cond3A : i32
    scf.if %cond3A_2 {
      %eq3A_13 = arith.constant 0 : i32
      %eq3A_14 = arith.cmpi eq, %arg1, %eq3A_13 : i32
      %convert_element_type3A_15 = arith.extui %eq3A_14 : i1 to i32
      %cond3A_16 = arith.constant 0 : i32
      %cond3A_17 = arith.cmpi ne, %convert_element_type3A_15, %cond3A_16 : i32
      scf.if %cond3A_17 {
        %broadcast_in_dim3A_67 = arith.constant 0.000000e+00 : f32
        %broadcast_in_dim3A_68 = vector.broadcast %broadcast_in_dim3A_67 : f32 to vector<128x128xf32>
        %swap3A_69 = arith.constant 0 : index
        %swap3A_70 = arith.constant 0 : index
        %swap3A_71 = vector.load %arg14[%swap3A_69, %swap3A_70] : memref<128x128xf32, #tpu.memory_space<vmem>>, vector<128x128xf32>
        tpu.vector_store %arg14[%swap3A_69, %swap3A_70], %broadcast_in_dim3A_68 {strides = array<i32>} : memref<128x128xf32, #tpu.memory_space<vmem>>, vector<128x128xf32>,
        %broadcast_in_dim3A_72 = arith.constant 0.000000e+00 : f32
        %broadcast_in_dim3A_73 = vector.broadcast %broadcast_in_dim3A_72 : f32 to vector<128x128xf32>
        %swap3A_74 = arith.constant 0 : index
        %swap3A_75 = arith.constant 0 : index
        %swap3A_76 = vector.load %arg15[%swap3A_74, %swap3A_75] : memref<128x128xf32, #tpu.memory_space<vmem>>, vector<128x128xf32>
        tpu.vector_store %arg15[%swap3A_74, %swap3A_75], %broadcast_in_dim3A_73 {strides = array<i32>} : memref<128x128xf32, #tpu.memory_space<vmem>>, vector<128x128xf32>,
      } else {
      }
      %get3A = arith.constant 0 : index
      %get3A_18 = arith.constant 0 : index
      %get3A_19 = vector.load %arg3[%get3A, %get3A_18] : memref<128x1024xf32, #tpu.memory_space<vmem>>, vector<128x1024xf32>
      %get3A_20 = arith.constant 0 : index
      %get3A_21 = arith.constant 0 : index
      %get3A_22 = memref.load %arg2[%get3A_20, %get3A_21] : memref<1x1xf32, #tpu.memory_space<smem>>
      %mul3A_23 = vector.broadcast %get3A_22 : f32 to vector<128x1024xf32>
      %mul3A_24 = arith.mulf %get3A_19, %mul3A_23 : vector<128x1024xf32>
      %get3A_25 = arith.constant 0 : index
      %get3A_26 = arith.constant 0 : index
      %get3A_27 = vector.load %arg4[%get3A_25, %get3A_26] : memref<128x1024xf32, #tpu.memory_space<vmem>>, vector<128x1024xf32>
      %add3A = arith.addf %mul3A_24, %get3A_27 : vector<128x1024xf32>
      %get3A_28 = arith.constant 0 : index
      %get3A_29 = arith.constant 0 : index
      %get3A_30 = vector.load %arg5[%get3A_28, %get3A_29] : memref<128x128xf32, #tpu.memory_space<vmem>>, vector<128x128xf32>
      %dot_general3A = arith.constant dense<0.000000e+00> : vector<128x1024xf32>
      %dot_general3A_31 = tpu.matmul %get3A_30, %add3A, %dot_general3A {dimension_numbers = #tpu.dot_dimension_numbers<[1], [0], [0], [1], [0, 0, 1, 1], [], []>, transpose_lhs_hint = false} : vector<128x128xf32>, vector<128x1024xf32>, vector<128x1024xf32> -> vector<128x1024xf32>
      %get3A_32 = arith.constant 0 : index
      %get3A_33 = arith.constant 0 : index
      %get3A_34 = vector.load %arg6[%get3A_32, %get3A_33] : memref<128x128xf32, #tpu.memory_space<vmem>>, vector<128x1xf32>
      %add3A_35 = vector.broadcast %get3A_34 : vector<128x1xf32> to vector<128x1024xf32>
      %add3A_36 = arith.addf %dot_general3A_31, %add3A_35 : vector<128x1024xf32>
      %swap3A = arith.constant 0 : index
      %swap3A_37 = arith.index_cast %mul3A_0 : i32 to index
      %swap3A_38 = vector.load %arg12[%swap3A, %swap3A_37] : memref<128x10240xf32, #tpu.memory_space<vmem>>, vector<128x1024xf32>
      tpu.vector_store %arg12[%swap3A, %swap3A_37], %add3A_36 {strides = array<i32>} : memref<128x10240xf32, #tpu.memory_space<vmem>>, vector<128x1024xf32>,
      %iota3A = tpu.iota {dimensions = array<i32: 1>} : vector<128x1024xi32>
      %mul3A_39 = arith.constant 1024 : i32
      %mul3A_40 = arith.muli %arg1, %mul3A_39 : i32
      %sub3A = arith.constant 10000 : i32
      %sub3A_41 = arith.subi %sub3A, %mul3A_40 : i32
      %lt3A = vector.broadcast %sub3A_41 : i32 to vector<128x1024xi32>
      %lt3A_42 = arith.cmpi slt, %iota3A, %lt3A : vector<128x1024xi32>
      %jit3A = arith.constant 0.000000e+00 : f32
      %broadcast_in_dim3A = vector.broadcast %jit3A : f32 to vector<128x1024xf32>
      %select_n3A = arith.select %lt3A_42, %add3A_36, %broadcast_in_dim3A : vector<128x1024xi1>, vector<128x1024xf32>
      %get3A_43 = arith.constant 0 : index
      %get3A_44 = arith.constant 0 : index
      %get3A_45 = vector.load %arg14[%get3A_43, %get3A_44] : memref<128x128xf32, #tpu.memory_space<vmem>>, vector<128x128xf32>
      %reduce_sum3A = arith.constant dense<0.000000e+00> : vector<128xf32>
      %reduce_sum3A_46 = vector.multi_reduction <add>, %select_n3A, %reduce_sum3A [1] : vector<128x1024xf32> to vector<128xf32>
      %broadcast_in_dim3A_47 = vector.shape_cast %reduce_sum3A_46 : vector<128xf32> to vector<128x1xf32>
      %broadcast_in_dim3A_48 = vector.shape_cast %broadcast_in_dim3A_47 : vector<128x1xf32> to vector<128x1xf32>
      %broadcast_in_dim3A_49 = vector.broadcast %broadcast_in_dim3A_48 : vector<128x1xf32> to vector<128x128xf32>
      %add3A_50 = arith.addf %get3A_45, %broadcast_in_dim3A_49 : vector<128x128xf32>
      %swap3A_51 = arith.constant 0 : index
      %swap3A_52 = arith.constant 0 : index
      %swap3A_53 = vector.load %arg14[%swap3A_51, %swap3A_52] : memref<128x128xf32, #tpu.memory_space<vmem>>, vector<128x128xf32>
      tpu.vector_store %arg14[%swap3A_51, %swap3A_52], %add3A_50 {strides = array<i32>} : memref<128x128xf32, #tpu.memory_space<vmem>>, vector<128x128xf32>,
      %get3A_54 = arith.constant 0 : index
      %get3A_55 = arith.constant 0 : index
      %get3A_56 = vector.load %arg15[%get3A_54, %get3A_55] : memref<128x128xf32, #tpu.memory_space<vmem>>, vector<128x128xf32>
      %mul3A_57 = arith.mulf %select_n3A, %select_n3A : vector<128x1024xf32>
      %reduce_sum3A_58 = arith.constant dense<0.000000e+00> : vector<128xf32>
      %reduce_sum3A_59 = vector.multi_reduction <add>, %mul3A_57, %reduce_sum3A_58 [1] : vector<128x1024xf32> to vector<128xf32>
      %broadcast_in_dim3A_60 = vector.shape_cast %reduce_sum3A_59 : vector<128xf32> to vector<128x1xf32>
      %broadcast_in_dim3A_61 = vector.shape_cast %broadcast_in_dim3A_60 : vector<128x1xf32> to vector<128x1xf32>
      %broadcast_in_dim3A_62 = vector.broadcast %broadcast_in_dim3A_61 : vector<128x1xf32> to vector<128x128xf32>
      %add3A_63 = arith.addf %get3A_56, %broadcast_in_dim3A_62 : vector<128x128xf32>
      %swap3A_64 = arith.constant 0 : index
      %swap3A_65 = arith.constant 0 : index
      %swap3A_66 = vector.load %arg15[%swap3A_64, %swap3A_65] : memref<128x128xf32, #tpu.memory_space<vmem>>, vector<128x128xf32>
      tpu.vector_store %arg15[%swap3A_64, %swap3A_65], %add3A_63 {strides = array<i32>} : memref<128x128xf32, #tpu.memory_space<vmem>>, vector<128x128xf32>,
    } else {
    }
    %eq3A_3 = arith.constant 1 : i32
    %eq3A_4 = arith.cmpi eq, %arg0, %eq3A_3 : i32
    %convert_element_type3A_5 = arith.extui %eq3A_4 : i1 to i32
    %cond3A_6 = arith.constant 0 : i32
    %cond3A_7 = arith.cmpi ne, %convert_element_type3A_5, %cond3A_6 : i32
    scf.if %cond3A_7 {
      %eq3A_13 = arith.constant 0 : i32
      %eq3A_14 = arith.cmpi eq, %arg1, %eq3A_13 : i32
      %convert_element_type3A_15 = arith.extui %eq3A_14 : i1 to i32
      %cond3A_16 = arith.constant 0 : i32
      %cond3A_17 = arith.cmpi ne, %convert_element_type3A_15, %cond3A_16 : i32
      scf.if %cond3A_17 {
        %get3A_61 = arith.constant 0 : index
        %get3A_62 = arith.constant 0 : index
        %get3A_63 = vector.load %arg14[%get3A_61, %get3A_62] : memref<128x128xf32, #tpu.memory_space<vmem>>, vector<128x1xf32>
        %div3A = arith.constant 1.000000e+04 : f32
        %div3A_64 = vector.broadcast %div3A : f32 to vector<128x1xf32>
        %div3A_65 = arith.divf %get3A_63, %div3A_64 : vector<128x1xf32>
        %get3A_66 = arith.constant 0 : index
        %get3A_67 = arith.constant 0 : index
        %get3A_68 = vector.load %arg15[%get3A_66, %get3A_67] : memref<128x128xf32, #tpu.memory_space<vmem>>, vector<128x1xf32>
        %div3A_69 = arith.constant 1.000000e+04 : f32
        %div3A_70 = vector.broadcast %div3A_69 : f32 to vector<128x1xf32>
        %div3A_71 = arith.divf %get3A_68, %div3A_70 : vector<128x1xf32>
        %mul3A_72 = arith.mulf %div3A_65, %div3A_65 : vector<128x1xf32>
        %sub3A_73 = arith.subf %div3A_71, %mul3A_72 : vector<128x1xf32>
        %get3A_74 = arith.constant 0 : index
        %get3A_75 = arith.constant 0 : index
        %get3A_76 = vector.load %arg7[%get3A_74, %get3A_75] : memref<128x128xf32, #tpu.memory_space<vmem>>, vector<128x1xf32>
        %add3A_77 = arith.constant 9.99999974E-6 : f32
        %add3A_78 = vector.broadcast %add3A_77 : f32 to vector<128x1xf32>
        %add3A_79 = arith.addf %sub3A_73, %add3A_78 : vector<128x1xf32>
        %rsqrt3A = math.rsqrt %add3A_79 : vector<128x1xf32>
        %mul3A_80 = arith.mulf %get3A_76, %rsqrt3A : vector<128x1xf32>
        %broadcast_in_dim3A_81 = vector.shape_cast %mul3A_80 : vector<128x1xf32> to vector<128x1xf32>
        %broadcast_in_dim3A_82 = vector.broadcast %broadcast_in_dim3A_81 : vector<128x1xf32> to vector<128x128xf32>
        %swap3A_83 = arith.constant 0 : index
        %swap3A_84 = arith.constant 0 : index
        %swap3A_85 = vector.load %arg16[%swap3A_83, %swap3A_84] : memref<128x128xf32, #tpu.memory_space<vmem>>, vector<128x128xf32>
        tpu.vector_store %arg16[%swap3A_83, %swap3A_84], %broadcast_in_dim3A_82 {strides = array<i32>} : memref<128x128xf32, #tpu.memory_space<vmem>>, vector<128x128xf32>,
        %get3A_86 = arith.constant 0 : index
        %get3A_87 = arith.constant 0 : index
        %get3A_88 = vector.load %arg8[%get3A_86, %get3A_87] : memref<128x128xf32, #tpu.memory_space<vmem>>, vector<128x1xf32>
        %mul3A_89 = arith.mulf %div3A_65, %mul3A_80 : vector<128x1xf32>
        %sub3A_90 = arith.subf %get3A_88, %mul3A_89 : vector<128x1xf32>
        %broadcast_in_dim3A_91 = vector.shape_cast %sub3A_90 : vector<128x1xf32> to vector<128x1xf32>
        %broadcast_in_dim3A_92 = vector.broadcast %broadcast_in_dim3A_91 : vector<128x1xf32> to vector<128x128xf32>
        %swap3A_93 = arith.constant 0 : index
        %swap3A_94 = arith.constant 0 : index
        %swap3A_95 = vector.load %arg17[%swap3A_93, %swap3A_94] : memref<128x128xf32, #tpu.memory_space<vmem>>, vector<128x128xf32>
        tpu.vector_store %arg17[%swap3A_93, %swap3A_94], %broadcast_in_dim3A_92 {strides = array<i32>} : memref<128x128xf32, #tpu.memory_space<vmem>>, vector<128x128xf32>,
        %broadcast_in_dim3A_96 = arith.constant 0.000000e+00 : f32
        %broadcast_in_dim3A_97 = vector.broadcast %broadcast_in_dim3A_96 : f32 to vector<128x128xf32>
        %swap3A_98 = arith.constant 0 : index
        %swap3A_99 = arith.constant 0 : index
        %swap3A_100 = vector.load %arg14[%swap3A_98, %swap3A_99] : memref<128x128xf32, #tpu.memory_space<vmem>>, vector<128x128xf32>
        tpu.vector_store %arg14[%swap3A_98, %swap3A_99], %broadcast_in_dim3A_97 {strides = array<i32>} : memref<128x128xf32, #tpu.memory_space<vmem>>, vector<128x128xf32>,
        %broadcast_in_dim3A_101 = arith.constant 0.000000e+00 : f32
        %broadcast_in_dim3A_102 = vector.broadcast %broadcast_in_dim3A_101 : f32 to vector<128x128xf32>
        %swap3A_103 = arith.constant 0 : index
        %swap3A_104 = arith.constant 0 : index
        %swap3A_105 = vector.load %arg15[%swap3A_103, %swap3A_104] : memref<128x128xf32, #tpu.memory_space<vmem>>, vector<128x128xf32>
        tpu.vector_store %arg15[%swap3A_103, %swap3A_104], %broadcast_in_dim3A_102 {strides = array<i32>} : memref<128x128xf32, #tpu.memory_space<vmem>>, vector<128x128xf32>,
      } else {
      }
      %get3A = arith.constant 0 : index
      %get3A_18 = arith.index_cast %mul3A_0 : i32 to index
      %get3A_19 = vector.load %arg12[%get3A, %get3A_18] : memref<128x10240xf32, #tpu.memory_space<vmem>>, vector<128x1024xf32>
      %get3A_20 = arith.constant 0 : index
      %get3A_21 = arith.constant 0 : index
      %get3A_22 = vector.load %arg16[%get3A_20, %get3A_21] : memref<128x128xf32, #tpu.memory_space<vmem>>, vector<128x1xf32>
      %mul3A_23 = vector.broadcast %get3A_22 : vector<128x1xf32> to vector<128x1024xf32>
      %mul3A_24 = arith.mulf %get3A_19, %mul3A_23 : vector<128x1024xf32>
      %get3A_25 = arith.constant 0 : index
      %get3A_26 = arith.constant 0 : index
      %get3A_27 = vector.load %arg17[%get3A_25, %get3A_26] : memref<128x128xf32, #tpu.memory_space<vmem>>, vector<128x1xf32>
      %add3A = vector.broadcast %get3A_27 : vector<128x1xf32> to vector<128x1024xf32>
      %add3A_28 = arith.addf %mul3A_24, %add3A : vector<128x1024xf32>
      %max3A = arith.constant 0.000000e+00 : f32
      %max3A_29 = vector.broadcast %max3A : f32 to vector<128x1024xf32>
      %max3A_30 = arith.maximumf %add3A_28, %max3A_29 : vector<128x1024xf32>
      %iota3A = tpu.iota {dimensions = array<i32: 1>} : vector<128x1024xi32>
      %mul3A_31 = arith.constant 1024 : i32
      %mul3A_32 = arith.muli %arg1, %mul3A_31 : i32
      %sub3A = arith.constant 10000 : i32
      %sub3A_33 = arith.subi %sub3A, %mul3A_32 : i32
      %lt3A = vector.broadcast %sub3A_33 : i32 to vector<128x1024xi32>
      %lt3A_34 = arith.cmpi slt, %iota3A, %lt3A : vector<128x1024xi32>
      %jit3A = arith.constant 0.000000e+00 : f32
      %broadcast_in_dim3A = vector.broadcast %jit3A : f32 to vector<128x1024xf32>
      %select_n3A = arith.select %lt3A_34, %max3A_30, %broadcast_in_dim3A : vector<128x1024xi1>, vector<128x1024xf32>
      %swap3A = arith.constant 0 : index
      %swap3A_35 = arith.index_cast %mul3A_0 : i32 to index
      %swap3A_36 = vector.load %arg13[%swap3A, %swap3A_35] : memref<128x10240xf32, #tpu.memory_space<vmem>>, vector<128x1024xf32>
      tpu.vector_store %arg13[%swap3A, %swap3A_35], %select_n3A {strides = array<i32>} : memref<128x10240xf32, #tpu.memory_space<vmem>>, vector<128x1024xf32>,
      %get3A_37 = arith.constant 0 : index
      %get3A_38 = arith.constant 0 : index
      %get3A_39 = vector.load %arg14[%get3A_37, %get3A_38] : memref<128x128xf32, #tpu.memory_space<vmem>>, vector<128x128xf32>
      %reduce_sum3A = arith.constant dense<0.000000e+00> : vector<128xf32>
      %reduce_sum3A_40 = vector.multi_reduction <add>, %select_n3A, %reduce_sum3A [1] : vector<128x1024xf32> to vector<128xf32>
      %broadcast_in_dim3A_41 = vector.shape_cast %reduce_sum3A_40 : vector<128xf32> to vector<128x1xf32>
      %broadcast_in_dim3A_42 = vector.shape_cast %broadcast_in_dim3A_41 : vector<128x1xf32> to vector<128x1xf32>
      %broadcast_in_dim3A_43 = vector.broadcast %broadcast_in_dim3A_42 : vector<128x1xf32> to vector<128x128xf32>
      %add3A_44 = arith.addf %get3A_39, %broadcast_in_dim3A_43 : vector<128x128xf32>
      %swap3A_45 = arith.constant 0 : index
      %swap3A_46 = arith.constant 0 : index
      %swap3A_47 = vector.load %arg14[%swap3A_45, %swap3A_46] : memref<128x128xf32, #tpu.memory_space<vmem>>, vector<128x128xf32>
      tpu.vector_store %arg14[%swap3A_45, %swap3A_46], %add3A_44 {strides = array<i32>} : memref<128x128xf32, #tpu.memory_space<vmem>>, vector<128x128xf32>,
      %get3A_48 = arith.constant 0 : index
      %get3A_49 = arith.constant 0 : index
      %get3A_50 = vector.load %arg15[%get3A_48, %get3A_49] : memref<128x128xf32, #tpu.memory_space<vmem>>, vector<128x128xf32>
      %mul3A_51 = arith.mulf %select_n3A, %select_n3A : vector<128x1024xf32>
      %reduce_sum3A_52 = arith.constant dense<0.000000e+00> : vector<128xf32>
      %reduce_sum3A_53 = vector.multi_reduction <add>, %mul3A_51, %reduce_sum3A_52 [1] : vector<128x1024xf32> to vector<128xf32>
      %broadcast_in_dim3A_54 = vector.shape_cast %reduce_sum3A_53 : vector<128xf32> to vector<128x1xf32>
      %broadcast_in_dim3A_55 = vector.shape_cast %broadcast_in_dim3A_54 : vector<128x1xf32> to vector<128x1xf32>
      %broadcast_in_dim3A_56 = vector.broadcast %broadcast_in_dim3A_55 : vector<128x1xf32> to vector<128x128xf32>
      %add3A_57 = arith.addf %get3A_50, %broadcast_in_dim3A_56 : vector<128x128xf32>
      %swap3A_58 = arith.constant 0 : index
      %swap3A_59 = arith.constant 0 : index
      %swap3A_60 = vector.load %arg15[%swap3A_58, %swap3A_59] : memref<128x128xf32, #tpu.memory_space<vmem>>, vector<128x128xf32>
      tpu.vector_store %arg15[%swap3A_58, %swap3A_59], %add3A_57 {strides = array<i32>} : memref<128x128xf32, #tpu.memory_space<vmem>>, vector<128x128xf32>,
    } else {
    }
    %eq3A_8 = arith.constant 2 : i32
    %eq3A_9 = arith.cmpi eq, %arg0, %eq3A_8 : i32
    %convert_element_type3A_10 = arith.extui %eq3A_9 : i1 to i32
    %cond3A_11 = arith.constant 0 : i32
    %cond3A_12 = arith.cmpi ne, %convert_element_type3A_10, %cond3A_11 : i32
    scf.if %cond3A_12 {
      %eq3A_13 = arith.constant 0 : i32
      %eq3A_14 = arith.cmpi eq, %arg1, %eq3A_13 : i32
      %convert_element_type3A_15 = arith.extui %eq3A_14 : i1 to i32
      %cond3A_16 = arith.constant 0 : i32
      %cond3A_17 = arith.cmpi ne, %convert_element_type3A_15, %cond3A_16 : i32
      scf.if %cond3A_17 {
        %get3A_37 = arith.constant 0 : index
        %get3A_38 = arith.constant 0 : index
        %get3A_39 = vector.load %arg14[%get3A_37, %get3A_38] : memref<128x128xf32, #tpu.memory_space<vmem>>, vector<128x1xf32>
        %div3A = arith.constant 1.000000e+04 : f32
        %div3A_40 = vector.broadcast %div3A : f32 to vector<128x1xf32>
        %div3A_41 = arith.divf %get3A_39, %div3A_40 : vector<128x1xf32>
        %get3A_42 = arith.constant 0 : index
        %get3A_43 = arith.constant 0 : index
        %get3A_44 = vector.load %arg15[%get3A_42, %get3A_43] : memref<128x128xf32, #tpu.memory_space<vmem>>, vector<128x1xf32>
        %div3A_45 = arith.constant 1.000000e+04 : f32
        %div3A_46 = vector.broadcast %div3A_45 : f32 to vector<128x1xf32>
        %div3A_47 = arith.divf %get3A_44, %div3A_46 : vector<128x1xf32>
        %mul3A_48 = arith.mulf %div3A_41, %div3A_41 : vector<128x1xf32>
        %sub3A_49 = arith.subf %div3A_47, %mul3A_48 : vector<128x1xf32>
        %get3A_50 = arith.constant 0 : index
        %get3A_51 = arith.constant 0 : index
        %get3A_52 = vector.load %arg9[%get3A_50, %get3A_51] : memref<128x128xf32, #tpu.memory_space<vmem>>, vector<128x1xf32>
        %add3A_53 = arith.constant 9.99999974E-6 : f32
        %add3A_54 = vector.broadcast %add3A_53 : f32 to vector<128x1xf32>
        %add3A_55 = arith.addf %sub3A_49, %add3A_54 : vector<128x1xf32>
        %rsqrt3A = math.rsqrt %add3A_55 : vector<128x1xf32>
        %mul3A_56 = arith.mulf %get3A_52, %rsqrt3A : vector<128x1xf32>
        %broadcast_in_dim3A_57 = vector.shape_cast %mul3A_56 : vector<128x1xf32> to vector<128x1xf32>
        %broadcast_in_dim3A_58 = vector.broadcast %broadcast_in_dim3A_57 : vector<128x1xf32> to vector<128x128xf32>
        %swap3A_59 = arith.constant 0 : index
        %swap3A_60 = arith.constant 0 : index
        %swap3A_61 = vector.load %arg16[%swap3A_59, %swap3A_60] : memref<128x128xf32, #tpu.memory_space<vmem>>, vector<128x128xf32>
        tpu.vector_store %arg16[%swap3A_59, %swap3A_60], %broadcast_in_dim3A_58 {strides = array<i32>} : memref<128x128xf32, #tpu.memory_space<vmem>>, vector<128x128xf32>,
        %get3A_62 = arith.constant 0 : index
        %get3A_63 = arith.constant 0 : index
        %get3A_64 = vector.load %arg10[%get3A_62, %get3A_63] : memref<128x128xf32, #tpu.memory_space<vmem>>, vector<128x1xf32>
        %mul3A_65 = arith.mulf %div3A_41, %mul3A_56 : vector<128x1xf32>
        %sub3A_66 = arith.subf %get3A_64, %mul3A_65 : vector<128x1xf32>
        %broadcast_in_dim3A_67 = vector.shape_cast %sub3A_66 : vector<128x1xf32> to vector<128x1xf32>
        %broadcast_in_dim3A_68 = vector.broadcast %broadcast_in_dim3A_67 : vector<128x1xf32> to vector<128x128xf32>
        %swap3A_69 = arith.constant 0 : index
        %swap3A_70 = arith.constant 0 : index
        %swap3A_71 = vector.load %arg17[%swap3A_69, %swap3A_70] : memref<128x128xf32, #tpu.memory_space<vmem>>, vector<128x128xf32>
        tpu.vector_store %arg17[%swap3A_69, %swap3A_70], %broadcast_in_dim3A_68 {strides = array<i32>} : memref<128x128xf32, #tpu.memory_space<vmem>>, vector<128x128xf32>,
        %broadcast_in_dim3A_72 = arith.constant 0.000000e+00 : f32
        %broadcast_in_dim3A_73 = vector.broadcast %broadcast_in_dim3A_72 : f32 to vector<128x128xf32>
        %swap3A_74 = arith.constant 0 : index
        %swap3A_75 = arith.constant 0 : index
        %swap3A_76 = vector.load %arg14[%swap3A_74, %swap3A_75] : memref<128x128xf32, #tpu.memory_space<vmem>>, vector<128x128xf32>
        tpu.vector_store %arg14[%swap3A_74, %swap3A_75], %broadcast_in_dim3A_73 {strides = array<i32>} : memref<128x128xf32, #tpu.memory_space<vmem>>, vector<128x128xf32>,
        %broadcast_in_dim3A_77 = arith.constant 0.000000e+00 : f32
        %broadcast_in_dim3A_78 = vector.broadcast %broadcast_in_dim3A_77 : f32 to vector<128x128xf32>
        %swap3A_79 = arith.constant 0 : index
        %swap3A_80 = arith.constant 0 : index
        %swap3A_81 = vector.load %arg15[%swap3A_79, %swap3A_80] : memref<128x128xf32, #tpu.memory_space<vmem>>, vector<128x128xf32>
        tpu.vector_store %arg15[%swap3A_79, %swap3A_80], %broadcast_in_dim3A_78 {strides = array<i32>} : memref<128x128xf32, #tpu.memory_space<vmem>>, vector<128x128xf32>,
      } else {
      }
      %get3A = arith.constant 0 : index
      %get3A_18 = arith.index_cast %mul3A_0 : i32 to index
      %get3A_19 = vector.load %arg13[%get3A, %get3A_18] : memref<128x10240xf32, #tpu.memory_space<vmem>>, vector<128x1024xf32>
      %get3A_20 = arith.constant 0 : index
      %get3A_21 = arith.constant 0 : index
      %get3A_22 = vector.load %arg16[%get3A_20, %get3A_21] : memref<128x128xf32, #tpu.memory_space<vmem>>, vector<128x1xf32>
      %mul3A_23 = vector.broadcast %get3A_22 : vector<128x1xf32> to vector<128x1024xf32>
      %mul3A_24 = arith.mulf %get3A_19, %mul3A_23 : vector<128x1024xf32>
      %get3A_25 = arith.constant 0 : index
      %get3A_26 = arith.constant 0 : index
      %get3A_27 = vector.load %arg17[%get3A_25, %get3A_26] : memref<128x128xf32, #tpu.memory_space<vmem>>, vector<128x1xf32>
      %add3A = vector.broadcast %get3A_27 : vector<128x1xf32> to vector<128x1024xf32>
      %add3A_28 = arith.addf %mul3A_24, %add3A : vector<128x1024xf32>
      %max3A = arith.constant 0.000000e+00 : f32
      %max3A_29 = vector.broadcast %max3A : f32 to vector<128x1024xf32>
      %max3A_30 = arith.maximumf %add3A_28, %max3A_29 : vector<128x1024xf32>
      %iota3A = tpu.iota {dimensions = array<i32: 1>} : vector<128x1024xi32>
      %mul3A_31 = arith.constant 1024 : i32
      %mul3A_32 = arith.muli %arg1, %mul3A_31 : i32
      %sub3A = arith.constant 10000 : i32
      %sub3A_33 = arith.subi %sub3A, %mul3A_32 : i32
      %lt3A = vector.broadcast %sub3A_33 : i32 to vector<128x1024xi32>
      %lt3A_34 = arith.cmpi slt, %iota3A, %lt3A : vector<128x1024xi32>
      %jit3A = arith.constant 0.000000e+00 : f32
      %broadcast_in_dim3A = vector.broadcast %jit3A : f32 to vector<128x1024xf32>
      %select_n3A = arith.select %lt3A_34, %max3A_30, %broadcast_in_dim3A : vector<128x1024xi1>, vector<128x1024xf32>
      %swap3A = arith.constant 0 : index
      %swap3A_35 = arith.constant 0 : index
      %swap3A_36 = vector.load %arg11[%swap3A, %swap3A_35] : memref<128x1024xf32, #tpu.memory_space<vmem>>, vector<128x1024xf32>
      tpu.vector_store %arg11[%swap3A, %swap3A_35], %select_n3A {strides = array<i32>} : memref<128x1024xf32, #tpu.memory_space<vmem>>, vector<128x1024xf32>,
    } else {
    }
    return
  }
  func.func @transform_0(%arg0: i32, %arg1: i32) -> (i32, i32) {
    %c0_i32 = arith.constant 0 : i32
    %c0_i32_0 = arith.constant 0 : i32
    %c0_i32_1 = arith.constant 0 : i32
    return %c0_i32, %c0_i32_0 : i32, i32
  }
  func.func @transform_1(%arg0: i32, %arg1: i32) -> (i32, i32) {
    %c0_i32 = arith.constant 0 : i32
    %c0_i32_0 = arith.constant 0 : i32
    return %c0_i32, %arg1 : i32, i32
  }
  func.func @transform_2(%arg0: i32, %arg1: i32) -> (i32, i32) {
    %c0_i32 = arith.constant 0 : i32
    %c0_i32_0 = arith.constant 0 : i32
    return %c0_i32, %arg1 : i32, i32
  }
  func.func @transform_3(%arg0: i32, %arg1: i32) -> (i32, i32) {
    %c0_i32 = arith.constant 0 : i32
    %c0_i32_0 = arith.constant 0 : i32
    %c0_i32_1 = arith.constant 0 : i32
    return %c0_i32, %c0_i32_0 : i32, i32
  }
  func.func @transform_4(%arg0: i32, %arg1: i32) -> (i32, i32) {
    %c0_i32 = arith.constant 0 : i32
    %c0_i32_0 = arith.constant 0 : i32
    %c0_i32_1 = arith.constant 0 : i32
    return %c0_i32, %c0_i32_0 : i32, i32
  }
  func.func @transform_5(%arg0: i32, %arg1: i32) -> (i32, i32) {
    %c0_i32 = arith.constant 0 : i32
    %c0_i32_0 = arith.constant 0 : i32
    %c0_i32_1 = arith.constant 0 : i32
    return %c0_i32, %c0_i32_0 : i32, i32
  }
  func.func @transform_6(%arg0: i32, %arg1: i32) -> (i32, i32) {
    %c0_i32 = arith.constant 0 : i32
    %c0_i32_0 = arith.constant 0 : i32
    %c0_i32_1 = arith.constant 0 : i32
    return %c0_i32, %c0_i32_0 : i32, i32
  }
  func.func @transform_7(%arg0: i32, %arg1: i32) -> (i32, i32) {
    %c0_i32 = arith.constant 0 : i32
    %c0_i32_0 = arith.constant 0 : i32
    %c0_i32_1 = arith.constant 0 : i32
    return %c0_i32, %c0_i32_0 : i32, i32
  }
  func.func @transform_8(%arg0: i32, %arg1: i32) -> (i32, i32) {
    %c0_i32 = arith.constant 0 : i32
    %c0_i32_0 = arith.constant 0 : i32
    %c0_i32_1 = arith.constant 0 : i32
    return %c0_i32, %c0_i32_0 : i32, i32
  }
  func.func @transform_9(%arg0: i32, %arg1: i32) -> (i32, i32) {
    %c0_i32 = arith.constant 0 : i32
    %c0_i32_0 = arith.constant 0 : i32
    return %c0_i32, %arg1 : i32, i32
  }
}

</mosaic_0001>

<sc_bundles>
// kernel: kernel.6.cloned.1.call-start
scs
__scs_entry_jumppad:
0x0: {  	(pc) =	sbr.rel $0x88, $3  }
0x1: {  	(tag) =	ssettag $0x0;
	lr =	simm.s32 $0x1  }
0x2: {  	[smem:$0x3F91] =	sst lr;
	_ =	strace $0xD0000000  }
0x3: {  	_ = 	snop  }
0x4: {  	_ = 	snop  }
0x5: {  	_ = 	snop  }
0x6: {  	_ = 	snop  }
0x7: {  	_ = 	snop  }
__scs_overlays_trampoline_lowered:
0x8: {  	[smem:$0x3FA0] =	sst s0  }
0x9: {  	[smem:$0x3FA1] =	sst s1  }
0xa: {  	[smem:$0x3FA2] =	sst s2  }
0xb: {  	[smem:$0x3FA3] =	sst s3  }
0xc: {  	[smem:$0x3FA4] =	sst s4  }
0xd: {  	[smem:$0x3FA5] =	sst s5  }
0xe: {  	[smem:$0x3FA6] =	sst s6  }
0xf: {  	[smem:$0x3FA7] =	sst s7  }
0x10: {  	[smem:$0x3FA8] =	sst s8  }
0x11: {  	[smem:$0x3FA9] =	sst s9;
	s0 =	simm.s32 @!p0 $0x0  }
0x12: {  	s1 =	sld [smem:$0x3F8F];
	s0 =	simm.s32 @p0 $0x1  }
0x13: {  	[smem:$0x3FAA] =	sst s0;
	s0 =	simm.s32 @!p1 $0x0  }
0x14: {  	s2 =	sld [smem:$0x3F8E];
	s0 =	simm.s32 @p1 $0x1  }
0x15: {  	[smem:$0x3FAB] =	sst s0;
	s0 =	simm.s32 @!p2 $0x0  }
0x16: {  	s3 =	sld [smem:$0x3FDB];
	s0 =	simm.s32 @p2 $0x1  }
0x17: {  	s4 =	simm.s32 $0x1BF5;
	[smem:$0x3FAD] =	sst s0  }
0x18: {  	s0 =	sld [smem:$0x3F90];
	_ =	swait.ge [sflag:s4], $0x0  }
0x19: {  	s7 =	sld [smem:$0x3F91]  }
0x1a: {  	s8 =	sadd.s32 $0xFFFFE003, lr  }
0x1b: {  	s9 =	sadd.s32 $0xFFFFFEF7, lr;
	s5 =	simm.s32 $0xFFFFFFFF;
	p2 =	slt.u32 s8, $0xFFFFF086  }
0x1c: {  	p1 =	slt.u32 s9, $0xF7A;
	s5 =	simm.s32 @!p2 $0x0  }
0x1d: {  	s5 =	simm.s32 @p1 $0x1;
	p0 =	seq.s32 s7, s2  }
0x1e: {  	s7 =	smul.u32 @!p0 $0xF7A, s2;
	p2 =	seq.s32 @!p0 s5, $0x0  }
0x1f: {  	s9 =	smul.u32 $0xF7A, s1;
	s8 =	simm.s32 @!p0 $0x1BF5;
	p2 =	por !p2, p0  }
0x20: {  	[sflag:s8] =	ssyncset.s32 @!p0 $0xFFFFF086;
	s6 =	sadd.s32 @!p0 s3, s7;
	s7 =	simm.s32 @!p0 $0x108  }
0x21: {  	s3 =	sadd.s32 s3, s9;
	s6 =	sadd.s32 @!p0 $0x88, s6;
	s7 =	simm.s32 @p2 $0x1082  }
0x22: {  	[simem:s7], [sflag:s8] =	dma.local @!p0 [hbm:s6], $0xF7A  }
0x23: {  	s9 =	sor.u32 $0xD0000000, s2;
	s6 =	simm.s32 $0x108;
	_ =	swait.ge @!p0 [sflag:s8], $0x0  }
0x24: {  	s3 =	sadd.s32 $0x88, s3;
	s6 =	simm.s32 @!p1 $0x1082;
	[sflag:s4] =	ssyncset.s32 $0xFFFFF086  }
0x25: {  	[simem:s6], [sflag:s4] =	dma.local [hbm:s3], $0xF7A  }
0x26: {  	[smem:$0x3F91] =	sst s1;
	(tag) =	ssettag s2;
	_ =	strace s9  }
0x27: {  	s1 =	sld [smem:$0x3FA1]  }
0x28: {  	s2 =	sld [smem:$0x3FA2]  }
0x29: {  	s4 =	sld [smem:$0x3FA4]  }
0x2a: {  	p0 =	seq.s32 s5, $0x0;
	s5 =	sld [smem:$0x3FA5]  }
0x2b: {  	s6 =	sld [smem:$0x3FA6]  }
0x2c: {  	s7 =	sld [smem:$0x3FA7]  }
0x2d: {  	s3 =	simm.s32 $0x108;
	s8 =	sld [smem:$0x3FA8]  }
0x2e: {  	s3 =	simm.s32 @!p0 $0x1082;
	s9 =	sld [smem:$0x3FA9]  }
0x2f: {  	lr =	sadd.s32 s0, s3;
	s0 =	sld [smem:$0x3FA0]  }
0x30: {  	s3 =	sld [smem:$0x3FA3]  }
0x31: {  	[smem:$0x3FAC] =	sst s10  }
0x32: {  	s10 =	sld [smem:$0x3FAA];
	_ =	sdelay $0x3  }
0x33: {  	p0 =	seq.s32 s10, $0x1;
	s10 =	sld [smem:$0x3FAC];
	_ =	sdelay $0x3  }
0x34: {  	[smem:$0x3FAC] =	sst s10  }
0x35: {  	s10 =	sld [smem:$0x3FAB];
	_ =	sdelay $0x3  }
0x36: {  	p1 =	seq.s32 s10, $0x1;
	s10 =	sld [smem:$0x3FAC];
	_ =	sdelay $0x3  }
0x37: {  	[smem:$0x3FAC] =	sst s10  }
0x38: {  	s10 =	sld [smem:$0x3FAD]  }
0x39: {  	_ = 	snop;
	(pc) =	sbr.ind lr, $3  }
0x3a: {  	_ = 	snop  }
0x3b: {  	_ = 	snop  }
0x3c: {  	p2 =	seq.s32 s10, $0x1;
	s10 =	sld [smem:$0x3FAC]  }
0x3d: {  	_ =	shalt  }
0x3e: {  	_ =	shalt  }
0x3f: {  	_ =	shalt  }
0x40: {  	_ =	shalt  }
0x41: {  	_ =	shalt  }
0x42: {  	_ =	shalt  }
0x43: {  	_ =	shalt  }
0x44: {  	_ =	shalt  }
0x45: {  	_ =	shalt  }
0x46: {  	_ =	shalt  }
0x47: {  	_ =	shalt  }
0x48: {  	_ =	shalt  }
0x49: {  	_ =	shalt  }
0x4a: {  	_ =	shalt  }
0x4b: {  	_ =	shalt  }
0x4c: {  	_ =	shalt  }
0x4d: {  	_ =	shalt  }
0x4e: {  	_ =	shalt  }
0x4f: {  	_ =	shalt  }
0x50: {  	_ =	shalt  }
0x51: {  	_ =	shalt  }
0x52: {  	_ =	shalt  }
0x53: {  	_ =	shalt  }
0x54: {  	_ =	shalt  }
0x55: {  	_ =	shalt  }
0x56: {  	_ =	shalt  }
0x57: {  	_ =	shalt  }
0x58: {  	_ =	shalt  }
0x59: {  	_ =	shalt  }
0x5a: {  	_ =	shalt  }
0x5b: {  	_ =	shalt  }
0x5c: {  	_ =	shalt  }
0x5d: {  	_ =	shalt  }
0x5e: {  	_ =	shalt  }
0x5f: {  	_ =	shalt  }
0x60: {  	_ =	shalt  }
0x61: {  	_ =	shalt  }
0x62: {  	_ =	shalt  }
0x63: {  	_ =	shalt  }
0x64: {  	_ =	shalt  }
0x65: {  	_ =	shalt  }
0x66: {  	_ =	shalt  }
0x67: {  	_ =	shalt  }
0x68: {  	_ =	shalt  }
0x69: {  	_ =	shalt  }
0x6a: {  	_ =	shalt  }
0x6b: {  	_ =	shalt  }
0x6c: {  	_ =	shalt  }
0x6d: {  	_ =	shalt  }
0x6e: {  	_ =	shalt  }
0x6f: {  	_ =	shalt  }
0x70: {  	_ =	shalt  }
0x71: {  	_ =	shalt  }
0x72: {  	_ =	shalt  }
0x73: {  	_ =	shalt  }
0x74: {  	_ =	shalt  }
0x75: {  	_ =	shalt  }
0x76: {  	_ =	shalt  }
0x77: {  	_ =	shalt  }
0x78: {  	_ =	shalt  }
0x79: {  	_ =	shalt  }
0x7a: {  	_ =	shalt  }
0x7b: {  	_ =	shalt  }
0x7c: {  	_ =	shalt  }
0x7d: {  	_ =	shalt  }
0x7e: {  	_ =	shalt  }
0x7f: {  	_ =	shalt  }
0x80: {  	_ =	shalt  }
0x81: {  	_ =	shalt  }
0x82: {  	_ =	shalt  }
0x83: {  	_ =	shalt  }
0x84: {  	_ =	shalt  }
0x85: {  	_ =	shalt  }
0x86: {  	_ =	shalt  }
0x87: {  	_ =	shalt  }
.Lfunc_end0:
.L_simem_size_0:
called_computation_lowered:
.L_overlay_start_0:
0x88: {  	s2 =	sld [smem:$0x3FD9]  }
0x89: {  	s3 =	sld [smem:$0x3FFE];
	_ =	sdelay $0x1  }
0x8a: {  	s1 =	srdreg.scid  }
0x8b: {  	s0 =	sand.u32 $0x1, s1  }
0x8c: {  	s17 =	sshll.u32 s0, $0xA;
	s2 =	sadd.s32 s3, s2  }
0x8d: {  	s2 =	sadd.s32 s2, s17  }
0x8e: {  	[smem:$0x3FB8] =	sst s2  }
0x8f: {  	_ = 	snop  }
0x90: {  	s2 =	sld [smem:$0x3FD0];
	(tm) =	ssettm $0x1  }
0x91: {  	s18 =	sld [smem:$0x3FFB];
	_ =	sdelay $0x3  }
0x92: {  	_ =	strace s18  }
0x93: {  	s3 =	sld [smem:$0x3FFC];
	_ =	sdelay $0x3  }
0x94: {  	_ =	strace s3  }
0x95: {  	s3 =	sld [smem:$0x3FFD];
	_ =	sdelay $0x3  }
0x96: {  	_ =	strace s3  }
0x97: {  	_ =	strace $0x8FFFFFFF  }
0x98: {  	s19 =	sld [smem:$0x3FDB];
	_ =	sdelay $0x1  }
0x99: {  	s4 =	simm.s32 $_scs_section_size  }
0x9a: {  	s5 =	simm.s32 $_size__tile_overlayer_lowered;
	s6 =	simm.s32 $_tile_overlayer_lowered  }
0x9b: {  	s22 =	simm.s32 $0x1BFF;
	s21 =	sshll.u32 s6, $0x1;
	s3 =	sadd.s32 s4, s19  }
0x9c: {  	s7 =	simm.s32 $0x0;
	s20 =	sshll.u32 s5, $0x1;
	s5 =	sadd.s32 s21, s3  }
0x9d: {  	[timem:s7], [sflag:s22] =	dma.local [hbm:s5], s20  }
0x9e: {  	_ =	swait.ge [sflag:s22], s20  }
0x9f: {  	s4 =	ssub.s32 $0x0, s20;
	[sflag:s22] =	ssyncset.done $0x0  }
0xa0: {  	[sflag:s22] =	ssyncadd.s32 s4;
	_ =	sdelay $0x1  }
0xa1: {  	s23 =	simm.s32 $0x1B8B  }
0xa2: {  	_ =	swait.ge [sflag:s23], $0x1  }
0xa3: {  	[sflag:s23] =	ssyncset.done $0x0  }
0xa4: {  	s25 =	simm.s32 $0x1B8E;
	s24 =	sld [smem:$0x3FFE];
	[sflag:s23] =	ssyncadd.s32 $0xFFFFFFFF  }
0xa5: {  	s26 =	simm.s32 $execute0_lowered;
	[smem:$0x3FD2] =	sst s25  }
0xa6: {  	s5 =	sshll.u32 s26, $0x1;
	_ =	strace $0x80000046;
	[dreg:$0x1] =	wrdreg $0xFFFFFFFF  }
0xa7: {  	s28 =	simm.s32 $_size_execute0_lowered;
	s3 =	sadd.s32 s3, s5;
	[dreg:$0x0] =	wrdreg $0x0  }
0xa8: {  	s5 =	sshll.u32 s28, $0x1;
	[dreg:$0x2] =	wrdreg s3  }
0xa9: {  	[dreg:$0x3] =	wrdreg s5  }
0xaa: {  	[dreg:$0x4] =	wrdreg $0xC0  }
0xab: {  	_ =	task [dreg:s7], $0x5FFFF  }
0xac: {  	[dreg:$0x1] =	wrdreg $0xFFFFFFFF  }
0xad: {  	[dreg:$0x0] =	wrdreg $0x60  }
0xae: {  	[dreg:$0x2] =	wrdreg s2  }
0xaf: {  	[dreg:$0x3] =	wrdreg s24  }
0xb0: {  	[dreg:$0x4] =	wrdreg $0x9  }
0xb1: {  	_ =	task.clear_ibuf [dreg:s7], $0x5FFFF;
	_ =	strace $0x90000046  }
0xb2: {  	s29 =	simm.s32 $0x9;
	_ =	strace $0x80000048  }
0xb3: {  	_ =	swait.ge [sflag:s29], $0x1  }
0xb4: {  	[sflag:s29] =	ssyncadd.s32 $0xFFFFFFFF  }
0xb5: {  	_ =	strace $0x90000048  }
0xb6: {  	_ =	sfence  }
0xb7: {  	s30 =	sld [smem:$0x0];
	_ =	sdelay $0x2  }
0xb8: {  	s31 =	sshll.u32 s1, $0xD;
	s1 =	sshrl.u32 s1, $0x2  }
0xb9: {  	s3 =	sand.u32 $0x4000, s31;
	s1 =	sadd.s32 s1, s30  }
0xba: {  	s0 =	sor.u32 s3, s0;
	s1 =	sshll.u32 s1, $0x11  }
0xbb: {  	s0 =	sor.u32 s1, s0  }
0xbc: {  	s0 =	sadd.s32 $0x8F2B, s0  }
0xbd: {  	[sflag:s0] =	ssyncadd.remote.s32 $0x1  }
0xbe: {  	_ =	sfence.sel $0xFFFF  }
0xbf: {  	[dreg:$0x0] =	wrdreg $0xFFFFFFFF;
	(pc) =	sbr.abs _section_cstart, $3  }
0xc0: {  	[dreg:$0x1] =	wrdreg $0xFFFFFFFF  }
0xc1: {  	_ =	task.clear_ibuf [dreg:s7], $0x2FFFF;
	_ =	strace $0x9FFFFFFF  }
0xc2: {  	(tm) =	ssettm $0x7FFFFFFF  }
0xc3: {  	_ =	shalt  }
tec
execute0_lowered:
.L_overlay_start_1:
0x0: {  	(tag) =	ssettag $0x1  }
0x1: {  	s0 =	rddreg [dreg:$0x0]  }
0x2: {  	s2 =	rddreg [dreg:$0x1]  }
0x3: {  	s1 =	simm.s32 $0x0;
	s3 =	srdreg.scid;
	s7 =	stileid.u32  }
0x4: {  	s15 =	simm.s32 $0x80;
	s16 =	simm.s32 $0x200;
	s17 =	simm.s32 $0x5  }
0x5: {  	s21 =	simm.s32 $0xA000;
	s22 =	simm.s32 $0x1;
	s23 =	simm.s32 $0x3  }
0x6: {  	s24 =	simm.s32 $0x2;
	s25 =	simm.s32 $0x4;
	s28 =	simm.s32 $0xF000  }
0x7: {  	s29 =	simm.s32 $0x11800;
	s30 =	simm.s32 $0x0;
	s4 =	sand.u32 $0x1, s3  }
0x8: {  	[smem:$0x7FF] =	sst s1;
	s3 =	sadd.s32 $0xBA00, s2;
	s5 =	sshll.u32 s4, $0x4  }
0x9: {  	_ =	strace $0x80000047;
	s6 =	ssub.s32 $0x2, s4;
	s5 =	sor.u32 s7, s5  }
0xa: {  	s4 =	sadd.s32 $0x1C00, s2;
	s31 =	sshrl.u32 s6, $0x1;
	s10 =	smul.u32 $0x1400, s5  }
0xb: {  	s5 =	sadd.s32 $0x15800, s2;
	s2 =	sadd.s32 $0x16C00, s2;
	s14 =	ssub.s32 s6, s31  }
0xc: {  	s14 =	smax.u32 s14, $0x1;
	s6 =	sadd.s32 s0, s10;
	s11 =	sor.u32 $0x10, s10  }
0xd: {  	s12 =	sor.u32 $0x20, s10;
	s13 =	sor.u32 $0x30, s10;
	s10 =	sadd.s32 s2, s10  }
0xe: {  	s7 =	sadd.s32 s0, s11;
	s8 =	sadd.s32 s0, s12;
	s9 =	sadd.s32 s0, s13  }
0xf: {  	s11 =	sadd.s32 s2, s11;
	s12 =	sadd.s32 s2, s12;
	s13 =	sadd.s32 s2, s13  }
.LBB2_1:
0x10: {  	[tilespmem:s1], [sflag:$0x5] =	stream.strided.gather [hbm4b:s6+s15], $0x2800, s16, s15, $0x38;
	[tilespmem:$0x1A400] =	vst v63  }
0x11: {  	_ =	swait.ge [sflag:s17], $0x2800  }
0x12: {  	[sflag:s17] =	ssyncset.done $0x0  }
0x13: {  	s0 =	simm.s32 $0x2800;
	[sflag:s17] =	ssyncadd.s32 $0xFFFFD800  }
0x14: {  	[tilespmem:s0], [sflag:$0x5] =	stream.strided.gather [hbm4b:s7+s15], $0x2800, s16, s15, $0x38;
	[tilespmem:$0x1A400] =	vst v63  }
0x15: {  	_ =	swait.ge [sflag:s17], $0x2800  }
0x16: {  	[sflag:s17] =	ssyncset.done $0x0  }
0x17: {  	s20 =	simm.s32 $0x5000;
	[sflag:s17] =	ssyncadd.s32 $0xFFFFD800  }
0x18: {  	[tilespmem:s20], [sflag:$0x5] =	stream.strided.gather [hbm4b:s8+s15], $0x2800, s16, s15, $0x38;
	[tilespmem:$0x1A400] =	vst v63  }
0x19: {  	_ =	swait.ge [sflag:s17], $0x2800  }
0x1a: {  	[sflag:s17] =	ssyncset.done $0x0  }
0x1b: {  	s26 =	simm.s32 $0x7800;
	[sflag:s17] =	ssyncadd.s32 $0xFFFFD800  }
0x1c: {  	[tilespmem:s26], [sflag:$0x5] =	stream.strided.gather [hbm4b:s9+s15], $0x2800, s16, s15, $0x38;
	[tilespmem:$0x1A400] =	vst v63  }
0x1d: {  	_ =	swait.ge [sflag:s17], $0x2800  }
0x1e: {  	[sflag:s17] =	ssyncset.done $0x0  }
0x1f: {  	[sflag:s17] =	ssyncadd.s32 $0xFFFFD800  }
0x20: {  	[tilespmem:s21], [sflag:$0x5] =	stream.linear.gather [hbm4b:s5+s1], $0xA000, $0x38;
	[tilespmem:$0x1A400] =	vst v63  }
0x21: {  	_ =	swait.ge [sflag:s17], $0xA000  }
0x22: {  	[sflag:s17] =	ssyncset.done $0x0  }
0x23: {  	s31 =	simm.s32 $0x0;
	[sflag:s17] =	ssyncadd.s32 $0xFFFF6000  }
.LBB2_2:
0x24: {  	s0 =	smul.u32 $0x640, s31;
	_ =	sdelay $0x1  }
0x25: {  	s18 =	simm.s32 $0x14000;
	s2 =	sadd.s32 s3, s0  }
0x26: {  	s19 =	simm.s32 $0x10;
	s20 =	simm.s32 $0x14100;
	s26 =	sadd.s32 $0x0, s2  }
.LBB2_3:
0x27: {  	[tilespmem:s18], [sflag:$0x1] =	stream.linear.gather [hbm4b:s26+s1], $0x80, $0x38;
	[tilespmem:$0x1A400] =	vst v63  }
0x28: {  	s26 =	smov.u32 s19;
	s18 =	smov.u32 s20;
	p0 =	sne.s32 s19, $0x310  }
.Ltmp0:
0x29: {  	s19 =	sadd.s32 $0x10, s19;
	(pc) =	sbr.rel @p0 .LBB2_3-.Ltmp0, $2  }
0x2a: {  	_ =	sdelay $0x2  }
0x2b: {  	s20 =	sadd.s32 $0x100, s20;
	s26 =	sadd.s32 s26, s2  }
0x2c: {  	[tilespmem:s18], [sflag:$0x1] =	stream.linear.gather [hbm4b:s26+s1], $0x80, $0x38;
	[tilespmem:$0x1A400] =	vst v63  }
0x2d: {  	s0 =	sadd.s32 s4, s0;
	s2 =	simm.s32 $0x17200  }
0x2e: {  	s18 =	simm.s32 $0x10;
	s19 =	simm.s32 $0x17300;
	s20 =	sadd.s32 $0x0, s0  }
.LBB2_5:
0x2f: {  	[tilespmem:s2], [sflag:$0x3] =	stream.linear.gather [hbm4b:s20+s1], $0x80, $0x38;
	[tilespmem:$0x1A400] =	vst v63  }
0x30: {  	s20 =	smov.u32 s18;
	s2 =	smov.u32 s19;
	p0 =	sne.s32 s18, $0x310  }
.Ltmp1:
0x31: {  	s18 =	sadd.s32 $0x10, s18;
	(pc) =	sbr.rel @p0 .LBB2_5-.Ltmp1, $2  }
0x32: {  	_ =	sdelay $0x2  }
0x33: {  	s19 =	sadd.s32 $0x100, s19;
	s20 =	sadd.s32 s20, s0  }
0x34: {  	s0 =	smul.u32 $0x3200, s31  }
0x35: {  	[tilespmem:s2], [sflag:$0x3] =	stream.linear.gather [hbm4b:s20+s1], $0x80, $0x38;
	[tilespmem:$0x1A400] =	vst v63  }
0x36: {  	s0 =	sshrl.u32 s0, $0x3  }
0x37: {  	s0 =	sadd.s32 $0x320, s0  }
0x38: {  	s18 =	simm.s32 $0x14080;
	s2 =	sadd.s32 s3, s0  }
0x39: {  	s19 =	simm.s32 $0x10;
	s20 =	simm.s32 $0x14180;
	s26 =	sadd.s32 $0x0, s2  }
.LBB2_7:
0x3a: {  	[tilespmem:s18], [sflag:$0x2] =	stream.linear.gather [hbm4b:s26+s1], $0x80, $0x38;
	[tilespmem:$0x1A400] =	vst v63  }
0x3b: {  	s26 =	smov.u32 s19;
	s18 =	smov.u32 s20;
	p0 =	sne.s32 s19, $0x310  }
.Ltmp2:
0x3c: {  	s19 =	sadd.s32 $0x10, s19;
	(pc) =	sbr.rel @p0 .LBB2_7-.Ltmp2, $2  }
0x3d: {  	_ =	sdelay $0x2  }
0x3e: {  	s20 =	sadd.s32 $0x100, s20;
	s26 =	sadd.s32 s26, s2  }
0x3f: {  	[tilespmem:s18], [sflag:$0x2] =	stream.linear.gather [hbm4b:s26+s1], $0x80, $0x38;
	[tilespmem:$0x1A400] =	vst v63  }
0x40: {  	s0 =	sadd.s32 s4, s0;
	s2 =	simm.s32 $0x17280  }
0x41: {  	s18 =	simm.s32 $0x10;
	s19 =	simm.s32 $0x17380;
	s20 =	sadd.s32 $0x0, s0  }
.LBB2_9:
0x42: {  	[tilespmem:s2], [sflag:$0x4] =	stream.linear.gather [hbm4b:s20+s1], $0x80, $0x38;
	[tilespmem:$0x1A400] =	vst v63  }
0x43: {  	s20 =	smov.u32 s18;
	s2 =	smov.u32 s19;
	p0 =	sne.s32 s18, $0x310  }
.Ltmp3:
0x44: {  	s18 =	sadd.s32 $0x10, s18;
	(pc) =	sbr.rel @p0 .LBB2_9-.Ltmp3, $2  }
0x45: {  	_ =	sdelay $0x2  }
0x46: {  	s19 =	sadd.s32 $0x100, s19;
	s20 =	sadd.s32 s20, s0  }
0x47: {  	[tilespmem:s2], [sflag:$0x4] =	stream.linear.gather [hbm4b:s20+s1], $0x80, $0x38;
	[tilespmem:$0x1A400] =	vst v63  }
0x48: {  	_ =	swait.ge [sflag:s22], $0x1900  }
0x49: {  	[sflag:s22] =	ssyncset.done $0x0  }
0x4a: {  	[sflag:s22] =	ssyncadd.s32 $0xFFFFE700  }
0x4b: {  	_ =	swait.ge [sflag:s23], $0x1900  }
0x4c: {  	[sflag:s23] =	ssyncset.done $0x0  }
0x4d: {  	s26 =	simm.s32 $0x14100;
	[sflag:s23] =	ssyncadd.s32 $0xFFFFE700  }
0x4e: {  	v0 =	vld [tilespmem:s26+$0x40]  }
0x4f: {  	v2 =	vld [tilespmem:s26+$0xFFFFFF00]  }
0x50: {  	v1 =	vld [tilespmem:s26+$0xFFFFFF40];
	_ =	sdelay $0x1  }
0x51: {  	s0 =	simm.s32 $0x17300;
	v4 =	vld [tilespmem:s26+$0x0]  }
0x52: {  	v3 =	vld [tilespmem:s0+$0x40]  }
0x53: {  	v5 =	vld [tilespmem:s0+$0xFFFFFF00]  }
0x54: {  	v9 =	vld [tilespmem:s0+$0xFFFFFF40]  }
0x55: {  	v6 =	vld.idx.msk [tilespmem:v0+s1+$0x0], $0xffff  }
0x56: {  	v10 =	vld.idx.msk [tilespmem:v2+s1+$0x0], $0xffff  }
0x57: {  	v7 =	vld.idx.msk [tilespmem:v1+s1+$0x0], $0xffff  }
0x58: {  	v12 =	vld [tilespmem:s0+$0x0];
	v8 =	vadd.s32 $0x2800, v0  }
0x59: {  	v11 =	vadd.s32 $0x2800, v2;
	v13 =	vld.idx.msk [tilespmem:v4+s1+$0x0], $0xffff  }
0x5a: {  	[tilespmem:v3+s21+$0x0] =	vst.idx.add.f32.msk $0xffff, v6  }
0x5b: {  	[tilespmem:v5+s21+$0x0] =	vst.idx.add.f32.msk $0xffff, v10  }
0x5c: {  	v10 =	vadd.s32 $0x2800, v1;
	[tilespmem:v9+s21+$0x0] =	vst.idx.add.f32.msk $0xffff, v7  }
0x5d: {  	v6 =	vld.idx.msk [tilespmem:v8+s1+$0x0], $0xffff;
	v8 =	vadd.s32 $0x2800, v3  }
0x5e: {  	v7 =	vadd.s32 $0x2800, v5;
	v11 =	vld.idx.msk [tilespmem:v11+s1+$0x0], $0xffff  }
0x5f: {  	v14 =	vadd.s32 $0x5000, v0  }
0x60: {  	v15 =	vadd.s32 $0x2800, v4;
	[tilespmem:v12+s21+$0x0] =	vst.idx.add.f32.msk $0xffff, v13  }
0x61: {  	v40 =	vadd.s32 $0x2800, v9;
	v10 =	vld.idx.msk [tilespmem:v10+s1+$0x0], $0xffff  }
0x62: {  	[tilespmem:v8+s21+$0x0] =	vst.idx.add.f32.msk $0xffff, v6;
	v6 =	vadd.s32 $0x5000, v2  }
0x63: {  	[tilespmem:v7+s21+$0x0] =	vst.idx.add.f32.msk $0xffff, v11;
	v7 =	vadd.s32 $0x5000, v1  }
0x64: {  	v39 =	vadd.s32 $0x5000, v3;
	v8 =	vld.idx.msk [tilespmem:v14+s1+$0x0], $0xffff  }
0x65: {  	v0 =	vadd.s32 $0x7800, v0;
	v15 =	vld.idx.msk [tilespmem:v15+s1+$0x0], $0xffff  }
0x66: {  	v16 =	vadd.s32 $0x2800, v12;
	[tilespmem:v40+s21+$0x0] =	vst.idx.add.f32.msk $0xffff, v10  }
0x67: {  	v11 =	vadd.s32 $0x5000, v4;
	v6 =	vld.idx.msk [tilespmem:v6+s1+$0x0], $0xffff  }
0x68: {  	v10 =	vadd.s32 $0x5000, v9;
	v7 =	vld.idx.msk [tilespmem:v7+s1+$0x0], $0xffff  }
0x69: {  	[tilespmem:v39+s21+$0x0] =	vst.idx.add.f32.msk $0xffff, v8;
	v8 =	vadd.s32 $0x5000, v5  }
0x6a: {  	v3 =	vadd.s32 $0x7800, v3;
	v0 =	vld.idx.msk [tilespmem:v0+s1+$0x0], $0xffff  }
0x6b: {  	[tilespmem:v16+s21+$0x0] =	vst.idx.add.f32.msk $0xffff, v15  }
0x6c: {  	v2 =	vadd.s32 $0x7800, v2;
	v11 =	vld.idx.msk [tilespmem:v11+s1+$0x0], $0xffff  }
0x6d: {  	v1 =	vadd.s32 $0x7800, v1;
	[tilespmem:v10+s21+$0x0] =	vst.idx.add.f32.msk $0xffff, v7  }
0x6e: {  	v41 =	vadd.s32 $0x5000, v12;
	[tilespmem:v8+s21+$0x0] =	vst.idx.add.f32.msk $0xffff, v6  }
0x6f: {  	[tilespmem:v3+s21+$0x0] =	vst.idx.add.f32.msk $0xffff, v0  }
0x70: {  	v0 =	vadd.s32 $0x7800, v4;
	v3 =	vld [tilespmem:s26+$0x50]  }
0x71: {  	v2 =	vld.idx.msk [tilespmem:v2+s1+$0x0], $0xffff;
	v4 =	vadd.s32 $0x7800, v5  }
0x72: {  	v1 =	vld.idx.msk [tilespmem:v1+s1+$0x0], $0xffff;
	v5 =	vadd.s32 $0x7800, v9  }
0x73: {  	[tilespmem:v41+s21+$0x0] =	vst.idx.add.f32.msk $0xffff, v11  }
0x74: {  	v7 =	vld [tilespmem:s0+$0x50]  }
0x75: {  	v6 =	vadd.s32 $0x7800, v12;
	v0 =	vld.idx.msk [tilespmem:v0+s1+$0x0], $0xffff  }
0x76: {  	[tilespmem:v4+s21+$0x0] =	vst.idx.add.f32.msk $0xffff, v2  }
0x77: {  	[tilespmem:v5+s21+$0x0] =	vst.idx.add.f32.msk $0xffff, v1  }
0x78: {  	v2 =	vld.idx.msk [tilespmem:v3+s1+$0x0], $0xffff  }
0x79: {  	v4 =	vld [tilespmem:s26+$0xFFFFFF10]  }
0x7a: {  	v1 =	vadd.s32 $0x2800, v3;
	[tilespmem:v6+s21+$0x0] =	vst.idx.add.f32.msk $0xffff, v0  }
0x7b: {  	v0 =	vld [tilespmem:s26+$0xFFFFFF50]  }
0x7c: {  	v5 =	vld [tilespmem:s26+$0x10]  }
0x7d: {  	[tilespmem:v7+s21+$0x0] =	vst.idx.add.f32.msk $0xffff, v2  }
0x7e: {  	v2 =	vld [tilespmem:s0+$0xFFFFFF10]  }
0x7f: {  	v6 =	vadd.s32 $0x2800, v7;
	v1 =	vld.idx.msk [tilespmem:v1+s1+$0x0], $0xffff  }
0x80: {  	v9 =	vadd.s32 $0x5000, v3;
	v10 =	vld [tilespmem:s0+$0xFFFFFF50]  }
0x81: {  	v11 =	vld [tilespmem:s0+$0x10]  }
0x82: {  	v8 =	vld.idx.msk [tilespmem:v4+s1+$0x0], $0xffff  }
0x83: {  	v42 =	vadd.s32 $0x2800, v4;
	v43 =	vld.idx.msk [tilespmem:v0+s1+$0x0], $0xffff  }
0x84: {  	[tilespmem:v6+s21+$0x0] =	vst.idx.add.f32.msk $0xffff, v1  }
0x85: {  	v1 =	vadd.s32 $0x2800, v0;
	v6 =	vld.idx.msk [tilespmem:v9+s1+$0x0], $0xffff  }
0x86: {  	v44 =	vadd.s32 $0x5000, v7;
	v9 =	vld.idx.msk [tilespmem:v5+s1+$0x0], $0xffff  }
0x87: {  	[tilespmem:v2+s21+$0x0] =	vst.idx.add.f32.msk $0xffff, v8  }
0x88: {  	v3 =	vadd.s32 $0x7800, v3;
	v8 =	vld.idx.msk [tilespmem:v42+s1+$0x0], $0xffff  }
0x89: {  	v45 =	vadd.s32 $0x2800, v5;
	[tilespmem:v10+s21+$0x0] =	vst.idx.add.f32.msk $0xffff, v43  }
0x8a: {  	v46 =	vadd.s32 $0x2800, v2;
	v1 =	vld.idx.msk [tilespmem:v1+s1+$0x0], $0xffff  }
0x8b: {  	v47 =	vadd.s32 $0x5000, v4;
	[tilespmem:v44+s21+$0x0] =	vst.idx.add.f32.msk $0xffff, v6  }
0x8c: {  	v6 =	vadd.s32 $0x7800, v7;
	[tilespmem:v11+s21+$0x0] =	vst.idx.add.f32.msk $0xffff, v9;
	v7 =	vadd.s32 $0x2800, v10  }
0x8d: {  	v3 =	vld.idx.msk [tilespmem:v3+s1+$0x0], $0xffff  }
0x8e: {  	v48 =	vadd.s32 $0x2800, v11;
	v9 =	vld.idx.msk [tilespmem:v45+s1+$0x0], $0xffff  }
0x8f: {  	[tilespmem:v46+s21+$0x0] =	vst.idx.add.f32.msk $0xffff, v8  }
0x90: {  	v8 =	vadd.s32 $0x5000, v0;
	v13 =	vld.idx.msk [tilespmem:v47+s1+$0x0], $0xffff  }
0x91: {  	v49 =	vadd.s32 $0x5000, v5;
	[tilespmem:v7+s21+$0x0] =	vst.idx.add.f32.msk $0xffff, v1  }
0x92: {  	[tilespmem:v6+s21+$0x0] =	vst.idx.add.f32.msk $0xffff, v3;
	v3 =	vadd.s32 $0x5000, v2  }
0x93: {  	[tilespmem:v48+s21+$0x0] =	vst.idx.add.f32.msk $0xffff, v9  }
0x94: {  	v1 =	vadd.s32 $0x7800, v4;
	v6 =	vld [tilespmem:s26+$0x60]  }
0x95: {  	v7 =	vadd.s32 $0x5000, v10;
	v4 =	vld.idx.msk [tilespmem:v8+s1+$0x0], $0xffff  }
0x96: {  	v9 =	vadd.s32 $0x5000, v11;
	v8 =	vld.idx.msk [tilespmem:v49+s1+$0x0], $0xffff  }
0x97: {  	v0 =	vadd.s32 $0x7800, v0;
	[tilespmem:v3+s21+$0x0] =	vst.idx.add.f32.msk $0xffff, v13  }
0x98: {  	v5 =	vadd.s32 $0x7800, v5;
	v3 =	vld [tilespmem:s0+$0x60]  }
0x99: {  	v1 =	vld.idx.msk [tilespmem:v1+s1+$0x0], $0xffff  }
0x9a: {  	[tilespmem:v7+s21+$0x0] =	vst.idx.add.f32.msk $0xffff, v4  }
0x9b: {  	v2 =	vadd.s32 $0x7800, v2;
	[tilespmem:v9+s21+$0x0] =	vst.idx.add.f32.msk $0xffff, v8  }
0x9c: {  	v7 =	vadd.s32 $0x7800, v10;
	v0 =	vld.idx.msk [tilespmem:v0+s1+$0x0], $0xffff  }
0x9d: {  	v8 =	vadd.s32 $0x7800, v11;
	v5 =	vld.idx.msk [tilespmem:v5+s1+$0x0], $0xffff;
	_ =	sdelay $0x1  }
0x9e: {  	v50 =	vld.idx.msk [tilespmem:v6+s1+$0x0], $0xffff  }
0x9f: {  	v4 =	vadd.s32 $0x2800, v6;
	[tilespmem:v2+s21+$0x0] =	vst.idx.add.f32.msk $0xffff, v1  }
0xa0: {  	[tilespmem:v7+s21+$0x0] =	vst.idx.add.f32.msk $0xffff, v0  }
0xa1: {  	[tilespmem:v8+s21+$0x0] =	vst.idx.add.f32.msk $0xffff, v5  }
0xa2: {  	v5 =	vld [tilespmem:s26+$0xFFFFFF60]  }
0xa3: {  	[tilespmem:v3+s21+$0x0] =	vst.idx.add.f32.msk $0xffff, v50  }
0xa4: {  	v1 =	vld.idx.msk [tilespmem:v4+s1+$0x0], $0xffff;
	v4 =	vadd.s32 $0x2800, v3;
	_ =	sdelay $0x1  }
0xa5: {  	v2 =	vld [tilespmem:s26+$0xFFFFFF20];
	v0 =	vadd.s32 $0x5000, v6  }
0xa6: {  	v7 =	vld [tilespmem:s26+$0x20]  }
0xa7: {  	v9 =	vld [tilespmem:s0+$0xFFFFFF60]  }
0xa8: {  	[tilespmem:v4+s21+$0x0] =	vst.idx.add.f32.msk $0xffff, v1  }
0xa9: {  	v1 =	vld [tilespmem:s0+$0xFFFFFF20]  }
0xaa: {  	v4 =	vadd.s32 $0x5000, v3;
	v0 =	vld.idx.msk [tilespmem:v0+s1+$0x0], $0xffff  }
0xab: {  	v51 =	vld.idx.msk [tilespmem:v5+s1+$0x0], $0xffff  }
0xac: {  	v6 =	vadd.s32 $0x7800, v6  }
0xad: {  	v10 =	vld [tilespmem:s0+$0x20]  }
0xae: {  	v8 =	vld.idx.msk [tilespmem:v2+s1+$0x0], $0xffff  }
0xaf: {  	v11 =	vadd.s32 $0x2800, v2;
	[tilespmem:v4+s21+$0x0] =	vst.idx.add.f32.msk $0xffff, v0  }
0xb0: {  	v0 =	vadd.s32 $0x2800, v5;
	[tilespmem:v9+s21+$0x0] =	vst.idx.add.f32.msk $0xffff, v51  }
0xb1: {  	v3 =	vadd.s32 $0x7800, v3;
	v4 =	vld.idx.msk [tilespmem:v6+s1+$0x0], $0xffff  }
0xb2: {  	v6 =	vld.idx.msk [tilespmem:v7+s1+$0x0], $0xffff  }
0xb3: {  	[tilespmem:v1+s21+$0x0] =	vst.idx.add.f32.msk $0xffff, v8  }
0xb4: {  	v8 =	vld.idx.msk [tilespmem:v11+s1+$0x0], $0xffff;
	v11 =	vadd.s32 $0x2800, v7  }
0xb5: {  	v52 =	vadd.s32 $0x2800, v1;
	v0 =	vld.idx.msk [tilespmem:v0+s1+$0x0], $0xffff  }
0xb6: {  	[tilespmem:v3+s21+$0x0] =	vst.idx.add.f32.msk $0xffff, v4  }
0xb7: {  	v53 =	vadd.s32 $0x2800, v9;
	[tilespmem:v10+s21+$0x0] =	vst.idx.add.f32.msk $0xffff, v6  }
0xb8: {  	v3 =	vadd.s32 $0x5000, v2;
	v4 =	vld [tilespmem:s26+$0x70]  }
0xb9: {  	v6 =	vadd.s32 $0x5000, v5;
	v11 =	vld.idx.msk [tilespmem:v11+s1+$0x0], $0xffff  }
0xba: {  	[tilespmem:v52+s21+$0x0] =	vst.idx.add.f32.msk $0xffff, v8;
	v8 =	vadd.s32 $0x2800, v10  }
0xbb: {  	v55 =	vld [tilespmem:s0+$0x70]  }
0xbc: {  	[tilespmem:v53+s21+$0x0] =	vst.idx.add.f32.msk $0xffff, v0;
	v0 =	vadd.s32 $0x5000, v7  }
0xbd: {  	v54 =	vadd.s32 $0x5000, v1;
	v3 =	vld.idx.msk [tilespmem:v3+s1+$0x0], $0xffff  }
0xbe: {  	v56 =	vadd.s32 $0x5000, v9;
	v6 =	vld.idx.msk [tilespmem:v6+s1+$0x0], $0xffff  }
0xbf: {  	v2 =	vadd.s32 $0x7800, v2;
	[tilespmem:v8+s21+$0x0] =	vst.idx.add.f32.msk $0xffff, v11  }
0xc0: {  	v57 =	vld.idx.msk [tilespmem:v4+s1+$0x0], $0xffff  }
0xc1: {  	v11 =	vadd.s32 $0x5000, v10;
	v0 =	vld.idx.msk [tilespmem:v0+s1+$0x0], $0xffff  }
0xc2: {  	v8 =	vadd.s32 $0x2800, v4;
	[tilespmem:v54+s21+$0x0] =	vst.idx.add.f32.msk $0xffff, v3  }
0xc3: {  	v3 =	vadd.s32 $0x7800, v5;
	[tilespmem:v56+s21+$0x0] =	vst.idx.add.f32.msk $0xffff, v6  }
0xc4: {  	v5 =	vadd.s32 $0x7800, v7;
	v2 =	vld.idx.msk [tilespmem:v2+s1+$0x0], $0xffff  }
0xc5: {  	v1 =	vadd.s32 $0x7800, v1;
	[tilespmem:v55+s21+$0x0] =	vst.idx.add.f32.msk $0xffff, v57  }
0xc6: {  	[tilespmem:v11+s21+$0x0] =	vst.idx.add.f32.msk $0xffff, v0  }
0xc7: {  	v0 =	vadd.s32 $0x2800, v55;
	v6 =	vld.idx.msk [tilespmem:v8+s1+$0x0], $0xffff  }
0xc8: {  	v7 =	vadd.s32 $0x7800, v9;
	v3 =	vld.idx.msk [tilespmem:v3+s1+$0x0], $0xffff  }
0xc9: {  	v8 =	vadd.s32 $0x7800, v10;
	v5 =	vld.idx.msk [tilespmem:v5+s1+$0x0], $0xffff  }
0xca: {  	[tilespmem:v1+s21+$0x0] =	vst.idx.add.f32.msk $0xffff, v2  }
0xcb: {  	v1 =	vld [tilespmem:s26+$0xFFFFFF30]  }
0xcc: {  	v2 =	vadd.s32 $0x5000, v4;
	[tilespmem:v0+s21+$0x0] =	vst.idx.add.f32.msk $0xffff, v6  }
0xcd: {  	[tilespmem:v7+s21+$0x0] =	vst.idx.add.f32.msk $0xffff, v3  }
0xce: {  	[tilespmem:v8+s21+$0x0] =	vst.idx.add.f32.msk $0xffff, v5  }
0xcf: {  	v0 =	vld [tilespmem:s26+$0xFFFFFF70]  }
0xd0: {  	v5 =	vld [tilespmem:s26+$0x30]  }
0xd1: {  	v3 =	vadd.s32 $0x5000, v55;
	v2 =	vld.idx.msk [tilespmem:v2+s1+$0x0], $0xffff  }
0xd2: {  	v6 =	vld [tilespmem:s0+$0xFFFFFF30]  }
0xd3: {  	v10 =	vld [tilespmem:s0+$0xFFFFFF70]  }
0xd4: {  	v4 =	vadd.s32 $0x7800, v4;
	v11 =	vld [tilespmem:s0+$0x30]  }
0xd5: {  	v7 =	vld.idx.msk [tilespmem:v1+s1+$0x0], $0xffff  }
0xd6: {  	v8 =	vadd.s32 $0x2800, v1;
	[tilespmem:v3+s21+$0x0] =	vst.idx.add.f32.msk $0xffff, v2  }
0xd7: {  	v2 =	vld.idx.msk [tilespmem:v0+s1+$0x0], $0xffff  }
0xd8: {  	v3 =	vld.idx.msk [tilespmem:v5+s1+$0x0], $0xffff  }
0xd9: {  	v9 =	vadd.s32 $0x2800, v0;
	v4 =	vld.idx.msk [tilespmem:v4+s1+$0x0], $0xffff  }
0xda: {  	v58 =	vadd.s32 $0x2800, v5;
	[tilespmem:v6+s21+$0x0] =	vst.idx.add.f32.msk $0xffff, v7  }
0xdb: {  	v7 =	vadd.s32 $0x7800, v55;
	v8 =	vld.idx.msk [tilespmem:v8+s1+$0x0], $0xffff  }
0xdc: {  	v59 =	vadd.s32 $0x2800, v6;
	[tilespmem:v10+s21+$0x0] =	vst.idx.add.f32.msk $0xffff, v2  }
0xdd: {  	v2 =	vadd.s32 $0x5000, v1;
	[tilespmem:v11+s21+$0x0] =	vst.idx.add.f32.msk $0xffff, v3  }
0xde: {  	v3 =	vadd.s32 $0x2800, v10;
	v9 =	vld.idx.msk [tilespmem:v9+s1+$0x0], $0xffff  }
0xdf: {  	v60 =	vadd.s32 $0x2800, v11;
	v12 =	vld.idx.msk [tilespmem:v58+s1+$0x0], $0xffff  }
0xe0: {  	v61 =	vadd.s32 $0x5000, v0;
	[tilespmem:v7+s21+$0x0] =	vst.idx.add.f32.msk $0xffff, v4  }
0xe1: {  	v4 =	vadd.s32 $0x5000, v5;
	[tilespmem:v59+s21+$0x0] =	vst.idx.add.f32.msk $0xffff, v8  }
0xe2: {  	v62 =	vadd.s32 $0x5000, v6;
	v63 =	vld.idx.msk [tilespmem:v2+s1+$0x0], $0xffff  }
0xe3: {  	[tilespmem:v3+s21+$0x0] =	vst.idx.add.f32.msk $0xffff, v9  }
0xe4: {  	[tilespmem:v60+s21+$0x0] =	vst.idx.add.f32.msk $0xffff, v12  }
0xe5: {  	v7 =	vadd.s32 $0x7800, v1;
	v5 =	vadd.s32 $0x7800, v5;
	v3 =	vld.idx.msk [tilespmem:v61+s1+$0x0], $0xffff  }
0xe6: {  	v1 =	vadd.s32 $0x7800, v10;
	v8 =	vadd.s32 $0x7800, v0;
	v0 =	vadd.s32 $0x7800, v6;
	v4 =	vld.idx.msk [tilespmem:v4+s1+$0x0], $0xffff  }
0xe7: {  	s2 =	simm.s32 $0x0;
	s18 =	simm.s32 $0x14300;
	v2 =	vadd.s32 $0x7800, v11;
	v9 =	vadd.s32 $0x5000, v10;
	v10 =	vadd.s32 $0x5000, v11;
	[tilespmem:v62+s21+$0x0] =	vst.idx.add.f32.msk $0xffff, v63  }
.LBB2_11:
0xe8: {  	v6 =	vld [tilespmem:s18+$0x40];
	s2 =	sadd.s32 $0x4, s2  }
0xe9: {  	v11 =	vld [tilespmem:s18+$0xFFFFFF40];
	p0 =	slt.u32 s2, $0x60  }
0xea: {  	v12 =	vld [tilespmem:s18+$0x0]  }
0xeb: {  	v13 =	vld [tilespmem:s18+$0xFFFFFF00]  }
0xec: {  	[tilespmem:v9+s21+$0x0] =	vst.idx.add.f32.msk $0xffff, v3  }
0xed: {  	s0 =	sadd.s32 $0x200, s0;
	[tilespmem:v10+s21+$0x0] =	vst.idx.add.f32.msk $0xffff, v4  }
0xee: {  	v9 =	vadd.s32 $0x2800, v11;
	v10 =	vadd.s32 $0x5000, v11;
	v14 =	vadd.s32 $0x7800, v11;
	v15 =	vld [tilespmem:s0+$0x40]  }
0xef: {  	v3 =	vld [tilespmem:s0+$0xFFFFFF00];
	v16 =	vadd.s32 $0x2800, v12;
	v17 =	vadd.s32 $0x5000, v12;
	v18 =	vadd.s32 $0x7800, v12  }
0xf0: {  	v19 =	vadd.s32 $0x2800, v13;
	v20 =	vadd.s32 $0x5000, v13;
	v21 =	vadd.s32 $0x7800, v13;
	v4 =	vld.idx.msk [tilespmem:v6+s1+$0x0], $0xffff  }
0xf1: {  	v11 =	vld.idx.msk [tilespmem:v11+s1+$0x0], $0xffff  }
0xf2: {  	v22 =	vadd.s32 $0x2800, v6;
	v12 =	vld.idx.msk [tilespmem:v12+s1+$0x0], $0xffff  }
0xf3: {  	v13 =	vld.idx.msk [tilespmem:v13+s1+$0x0], $0xffff  }
0xf4: {  	v23 =	vadd.s32 $0x2800, v3;
	v24 =	vadd.s32 $0x5000, v3;
	v25 =	vadd.s32 $0x7800, v3;
	v26 =	vld [tilespmem:s0+$0xFFFFFF40]  }
0xf5: {  	v27 =	vld [tilespmem:s0+$0x0]  }
0xf6: {  	[tilespmem:v15+s21+$0x0] =	vst.idx.add.f32.msk $0xffff, v4  }
0xf7: {  	v22 =	vld.idx.msk [tilespmem:v22+s1+$0x0], $0xffff  }
0xf8: {  	v28 =	vadd.s32 $0x2800, v15;
	v4 =	vld.idx.msk [tilespmem:v7+s1+$0x0], $0xffff  }
0xf9: {  	v29 =	vadd.s32 $0x5000, v6;
	[tilespmem:v3+s21+$0x0] =	vst.idx.add.f32.msk $0xffff, v13;
	v7 =	vadd.s32 $0x2800, v26;
	v13 =	vadd.s32 $0x5000, v26  }
0xfa: {  	v30 =	vadd.s32 $0x7800, v26;
	v19 =	vld.idx.msk [tilespmem:v19+s1+$0x0], $0xffff;
	v31 =	vadd.s32 $0x2800, v27;
	v32 =	vadd.s32 $0x5000, v27  }
0xfb: {  	v33 =	vadd.s32 $0x7800, v27;
	v3 =	vld.idx.msk [tilespmem:v8+s1+$0x0], $0xffff  }
0xfc: {  	[tilespmem:v26+s21+$0x0] =	vst.idx.add.f32.msk $0xffff, v11  }
0xfd: {  	[tilespmem:v28+s21+$0x0] =	vst.idx.add.f32.msk $0xffff, v22  }
0xfe: {  	v8 =	vld.idx.msk [tilespmem:v29+s1+$0x0], $0xffff  }
0xff: {  	v11 =	vadd.s32 $0x5000, v15;
	[tilespmem:v27+s21+$0x0] =	vst.idx.add.f32.msk $0xffff, v12  }
0x100: {  	v6 =	vadd.s32 $0x7800, v6;
	v9 =	vld.idx.msk [tilespmem:v9+s1+$0x0], $0xffff  }
0x101: {  	v12 =	vld.idx.msk [tilespmem:v16+s1+$0x0], $0xffff  }
0x102: {  	[tilespmem:v23+s21+$0x0] =	vst.idx.add.f32.msk $0xffff, v19  }
0x103: {  	v16 =	vld.idx.msk [tilespmem:v20+s1+$0x0], $0xffff  }
0x104: {  	[tilespmem:v11+s21+$0x0] =	vst.idx.add.f32.msk $0xffff, v8  }
0x105: {  	v6 =	vld.idx.msk [tilespmem:v6+s1+$0x0], $0xffff  }
0x106: {  	[tilespmem:v7+s21+$0x0] =	vst.idx.add.f32.msk $0xffff, v9;
	v7 =	vadd.s32 $0x7800, v15  }
0x107: {  	[tilespmem:v31+s21+$0x0] =	vst.idx.add.f32.msk $0xffff, v12  }
0x108: {  	v8 =	vld.idx.msk [tilespmem:v10+s1+$0x0], $0xffff  }
0x109: {  	v9 =	vld.idx.msk [tilespmem:v17+s1+$0x0], $0xffff  }
0x10a: {  	[tilespmem:v24+s21+$0x0] =	vst.idx.add.f32.msk $0xffff, v16  }
0x10b: {  	[tilespmem:v7+s21+$0x0] =	vst.idx.add.f32.msk $0xffff, v6  }
0x10c: {  	v6 =	vld [tilespmem:s18+$0x50]  }
0x10d: {  	v7 =	vld.idx.msk [tilespmem:v21+s1+$0x0], $0xffff  }
0x10e: {  	[tilespmem:v13+s21+$0x0] =	vst.idx.add.f32.msk $0xffff, v8  }
0x10f: {  	[tilespmem:v32+s21+$0x0] =	vst.idx.add.f32.msk $0xffff, v9  }
0x110: {  	v8 =	vld.idx.msk [tilespmem:v14+s1+$0x0], $0xffff  }
0x111: {  	v9 =	vld.idx.msk [tilespmem:v18+s1+$0x0], $0xffff  }
0x112: {  	v10 =	vld [tilespmem:s0+$0x50]  }
0x113: {  	[tilespmem:v25+s21+$0x0] =	vst.idx.add.f32.msk $0xffff, v7  }
0x114: {  	v7 =	vld.idx.msk [tilespmem:v6+s1+$0x0], $0xffff  }
0x115: {  	v11 =	vld [tilespmem:s18+$0xFFFFFF10]  }
0x116: {  	[tilespmem:v30+s21+$0x0] =	vst.idx.add.f32.msk $0xffff, v8;
	v8 =	vadd.s32 $0x2800, v6  }
0x117: {  	[tilespmem:v33+s21+$0x0] =	vst.idx.add.f32.msk $0xffff, v9  }
0x118: {  	v9 =	vld [tilespmem:s18+$0xFFFFFF50]  }
0x119: {  	v12 =	vld [tilespmem:s18+$0x10]  }
0x11a: {  	v13 =	vadd.s32 $0x2800, v11;
	v14 =	vadd.s32 $0x5000, v11;
	v15 =	vadd.s32 $0x7800, v11;
	[tilespmem:v10+s21+$0x0] =	vst.idx.add.f32.msk $0xffff, v7  }
0x11b: {  	v7 =	vld.idx.msk [tilespmem:v8+s1+$0x0], $0xffff  }
0x11c: {  	v16 =	vadd.s32 $0x2800, v10;
	v8 =	vld [tilespmem:s0+$0xFFFFFF10]  }
0x11d: {  	v19 =	vadd.s32 $0x5000, v6;
	v11 =	vld.idx.msk [tilespmem:v11+s1+$0x0], $0xffff;
	v17 =	vadd.s32 $0x2800, v9;
	v18 =	vadd.s32 $0x5000, v9  }
0x11e: {  	v21 =	vadd.s32 $0x7800, v9;
	v20 =	vld [tilespmem:s0+$0xFFFFFF50];
	v22 =	vadd.s32 $0x2800, v12;
	v23 =	vadd.s32 $0x5000, v12  }
0x11f: {  	v25 =	vadd.s32 $0x7800, v12;
	v24 =	vld [tilespmem:s0+$0x10]  }
0x120: {  	v9 =	vld.idx.msk [tilespmem:v9+s1+$0x0], $0xffff  }
0x121: {  	v26 =	vadd.s32 $0x2800, v8;
	v27 =	vadd.s32 $0x5000, v8;
	v28 =	vadd.s32 $0x7800, v8;
	[tilespmem:v16+s21+$0x0] =	vst.idx.add.f32.msk $0xffff, v7  }
0x122: {  	v7 =	vld.idx.msk [tilespmem:v19+s1+$0x0], $0xffff  }
0x123: {  	v29 =	vadd.s32 $0x5000, v10;
	v16 =	vadd.s32 $0x2800, v20;
	v19 =	vadd.s32 $0x5000, v20;
	v12 =	vld.idx.msk [tilespmem:v12+s1+$0x0], $0xffff  }
0x124: {  	v6 =	vadd.s32 $0x7800, v6;
	[tilespmem:v8+s21+$0x0] =	vst.idx.add.f32.msk $0xffff, v11;
	v8 =	vadd.s32 $0x2800, v24;
	v11 =	vadd.s32 $0x5000, v24  }
0x125: {  	v30 =	vadd.s32 $0x7800, v20;
	v31 =	vadd.s32 $0x7800, v24;
	v13 =	vld.idx.msk [tilespmem:v13+s1+$0x0], $0xffff  }
0x126: {  	[tilespmem:v20+s21+$0x0] =	vst.idx.add.f32.msk $0xffff, v9  }
0x127: {  	v9 =	vld.idx.msk [tilespmem:v17+s1+$0x0], $0xffff  }
0x128: {  	[tilespmem:v29+s21+$0x0] =	vst.idx.add.f32.msk $0xffff, v7  }
0x129: {  	v6 =	vld.idx.msk [tilespmem:v6+s1+$0x0], $0xffff  }
0x12a: {  	v7 =	vadd.s32 $0x7800, v10;
	[tilespmem:v24+s21+$0x0] =	vst.idx.add.f32.msk $0xffff, v12  }
0x12b: {  	v10 =	vld.idx.msk [tilespmem:v22+s1+$0x0], $0xffff  }
0x12c: {  	[tilespmem:v26+s21+$0x0] =	vst.idx.add.f32.msk $0xffff, v13  }
0x12d: {  	[tilespmem:v16+s21+$0x0] =	vst.idx.add.f32.msk $0xffff, v9  }
0x12e: {  	v9 =	vld.idx.msk [tilespmem:v14+s1+$0x0], $0xffff  }
0x12f: {  	[tilespmem:v7+s21+$0x0] =	vst.idx.add.f32.msk $0xffff, v6  }
0x130: {  	v7 =	vld [tilespmem:s18+$0x60]  }
0x131: {  	[tilespmem:v8+s21+$0x0] =	vst.idx.add.f32.msk $0xffff, v10  }
0x132: {  	v8 =	vld.idx.msk [tilespmem:v18+s1+$0x0], $0xffff  }
0x133: {  	v10 =	vld.idx.msk [tilespmem:v23+s1+$0x0], $0xffff  }
0x134: {  	[tilespmem:v27+s21+$0x0] =	vst.idx.add.f32.msk $0xffff, v9  }
0x135: {  	v9 =	vld.idx.msk [tilespmem:v15+s1+$0x0], $0xffff  }
0x136: {  	v12 =	vld [tilespmem:s0+$0x60]  }
0x137: {  	v6 =	vld.idx.msk [tilespmem:v5+s1+$0x0], $0xffff  }
0x138: {  	v5 =	vld.idx.msk [tilespmem:v7+s1+$0x0], $0xffff  }
0x139: {  	[tilespmem:v19+s21+$0x0] =	vst.idx.add.f32.msk $0xffff, v8  }
0x13a: {  	v8 =	vadd.s32 $0x2800, v7;
	[tilespmem:v11+s21+$0x0] =	vst.idx.add.f32.msk $0xffff, v10  }
0x13b: {  	v10 =	vld.idx.msk [tilespmem:v21+s1+$0x0], $0xffff  }
0x13c: {  	v11 =	vld.idx.msk [tilespmem:v25+s1+$0x0], $0xffff  }
0x13d: {  	[tilespmem:v28+s21+$0x0] =	vst.idx.add.f32.msk $0xffff, v9  }
0x13e: {  	[tilespmem:v12+s21+$0x0] =	vst.idx.add.f32.msk $0xffff, v5  }
0x13f: {  	v5 =	vld.idx.msk [tilespmem:v8+s1+$0x0], $0xffff  }
0x140: {  	v9 =	vadd.s32 $0x2800, v12;
	v8 =	vld [tilespmem:s18+$0xFFFFFF20]  }
0x141: {  	[tilespmem:v30+s21+$0x0] =	vst.idx.add.f32.msk $0xffff, v10;
	v10 =	vadd.s32 $0x5000, v7  }
0x142: {  	[tilespmem:v31+s21+$0x0] =	vst.idx.add.f32.msk $0xffff, v11  }
0x143: {  	v11 =	vld [tilespmem:s18+$0xFFFFFF60]  }
0x144: {  	v13 =	vld [tilespmem:s18+$0x20]  }
0x145: {  	v14 =	vadd.s32 $0x2800, v8;
	v15 =	vadd.s32 $0x5000, v8;
	v16 =	vadd.s32 $0x7800, v8;
	[tilespmem:v9+s21+$0x0] =	vst.idx.add.f32.msk $0xffff, v5  }
0x146: {  	v5 =	vld.idx.msk [tilespmem:v10+s1+$0x0], $0xffff  }
0x147: {  	v10 =	vadd.s32 $0x5000, v12;
	v9 =	vld [tilespmem:s0+$0xFFFFFF20]  }
0x148: {  	v7 =	vadd.s32 $0x7800, v7;
	v8 =	vld.idx.msk [tilespmem:v8+s1+$0x0], $0xffff;
	v17 =	vadd.s32 $0x2800, v11;
	v18 =	vadd.s32 $0x5000, v11  }
0x149: {  	v20 =	vadd.s32 $0x7800, v11;
	v19 =	vld [tilespmem:s0+$0xFFFFFF60];
	v21 =	vadd.s32 $0x2800, v13;
	v22 =	vadd.s32 $0x5000, v13  }
0x14a: {  	v24 =	vadd.s32 $0x7800, v13;
	v23 =	vld [tilespmem:s0+$0x20]  }
0x14b: {  	v11 =	vld.idx.msk [tilespmem:v11+s1+$0x0], $0xffff  }
0x14c: {  	v25 =	vadd.s32 $0x2800, v9;
	v26 =	vadd.s32 $0x5000, v9;
	v27 =	vadd.s32 $0x7800, v9;
	[tilespmem:v10+s21+$0x0] =	vst.idx.add.f32.msk $0xffff, v5  }
0x14d: {  	v5 =	vld.idx.msk [tilespmem:v7+s1+$0x0], $0xffff  }
0x14e: {  	v12 =	vadd.s32 $0x7800, v12;
	v7 =	vadd.s32 $0x2800, v19;
	v10 =	vadd.s32 $0x5000, v19;
	v13 =	vld.idx.msk [tilespmem:v13+s1+$0x0], $0xffff  }
0x14f: {  	[tilespmem:v9+s21+$0x0] =	vst.idx.add.f32.msk $0xffff, v8;
	v8 =	vadd.s32 $0x7800, v19;
	v9 =	vadd.s32 $0x2800, v23;
	v28 =	vadd.s32 $0x5000, v23  }
0x150: {  	v29 =	vadd.s32 $0x7800, v23;
	v14 =	vld.idx.msk [tilespmem:v14+s1+$0x0], $0xffff  }
0x151: {  	[tilespmem:v19+s21+$0x0] =	vst.idx.add.f32.msk $0xffff, v11  }
0x152: {  	v11 =	vld.idx.msk [tilespmem:v17+s1+$0x0], $0xffff  }
0x153: {  	[tilespmem:v12+s21+$0x0] =	vst.idx.add.f32.msk $0xffff, v5  }
0x154: {  	v5 =	vld [tilespmem:s18+$0x70]  }
0x155: {  	[tilespmem:v23+s21+$0x0] =	vst.idx.add.f32.msk $0xffff, v13  }
0x156: {  	v12 =	vld.idx.msk [tilespmem:v21+s1+$0x0], $0xffff  }
0x157: {  	[tilespmem:v25+s21+$0x0] =	vst.idx.add.f32.msk $0xffff, v14  }
0x158: {  	[tilespmem:v7+s21+$0x0] =	vst.idx.add.f32.msk $0xffff, v11  }
0x159: {  	v7 =	vld.idx.msk [tilespmem:v15+s1+$0x0], $0xffff  }
0x15a: {  	v11 =	vld [tilespmem:s0+$0x70]  }
0x15b: {  	v13 =	vld.idx.msk [tilespmem:v18+s1+$0x0], $0xffff  }
0x15c: {  	v14 =	vld.idx.msk [tilespmem:v5+s1+$0x0], $0xffff  }
0x15d: {  	[tilespmem:v9+s21+$0x0] =	vst.idx.add.f32.msk $0xffff, v12  }
0x15e: {  	v12 =	vadd.s32 $0x2800, v5;
	v9 =	vld.idx.msk [tilespmem:v22+s1+$0x0], $0xffff  }
0x15f: {  	[tilespmem:v26+s21+$0x0] =	vst.idx.add.f32.msk $0xffff, v7  }
0x160: {  	v7 =	vld.idx.msk [tilespmem:v16+s1+$0x0], $0xffff  }
0x161: {  	[tilespmem:v10+s21+$0x0] =	vst.idx.add.f32.msk $0xffff, v13  }
0x162: {  	[tilespmem:v11+s21+$0x0] =	vst.idx.add.f32.msk $0xffff, v14  }
0x163: {  	v10 =	vld.idx.msk [tilespmem:v12+s1+$0x0], $0xffff  }
0x164: {  	[tilespmem:v28+s21+$0x0] =	vst.idx.add.f32.msk $0xffff, v9;
	v9 =	vadd.s32 $0x2800, v11  }
0x165: {  	v13 =	vadd.s32 $0x5000, v5;
	v12 =	vld.idx.msk [tilespmem:v20+s1+$0x0], $0xffff  }
0x166: {  	v14 =	vld.idx.msk [tilespmem:v24+s1+$0x0], $0xffff  }
0x167: {  	[tilespmem:v27+s21+$0x0] =	vst.idx.add.f32.msk $0xffff, v7  }
0x168: {  	v15 =	vld [tilespmem:s18+$0xFFFFFF30]  }
0x169: {  	[tilespmem:v9+s21+$0x0] =	vst.idx.add.f32.msk $0xffff, v10  }
0x16a: {  	v9 =	vld.idx.msk [tilespmem:v13+s1+$0x0], $0xffff  }
0x16b: {  	[tilespmem:v8+s21+$0x0] =	vst.idx.add.f32.msk $0xffff, v12;
	v8 =	vadd.s32 $0x5000, v11  }
0x16c: {  	v5 =	vadd.s32 $0x7800, v5;
	[tilespmem:v29+s21+$0x0] =	vst.idx.add.f32.msk $0xffff, v14  }
0x16d: {  	v10 =	vadd.s32 $0x2800, v15;
	v12 =	vadd.s32 $0x5000, v15;
	v7 =	vadd.s32 $0x7800, v15;
	v13 =	vld [tilespmem:s18+$0xFFFFFF70]  }
0x16e: {  	v14 =	vld [tilespmem:s18+$0x30]  }
0x16f: {  	v16 =	vld [tilespmem:s0+$0xFFFFFF30]  }
0x170: {  	[tilespmem:v8+s21+$0x0] =	vst.idx.add.f32.msk $0xffff, v9  }
0x171: {  	v9 =	vld.idx.msk [tilespmem:v5+s1+$0x0], $0xffff  }
0x172: {  	v11 =	vadd.s32 $0x7800, v11;
	v15 =	vld.idx.msk [tilespmem:v15+s1+$0x0], $0xffff;
	v17 =	vadd.s32 $0x2800, v13;
	v18 =	vadd.s32 $0x5000, v13  }
0x173: {  	v8 =	vadd.s32 $0x7800, v13;
	v19 =	vld [tilespmem:s0+$0xFFFFFF70];
	v20 =	vadd.s32 $0x2800, v14;
	v21 =	vadd.s32 $0x5000, v14  }
0x174: {  	v5 =	vadd.s32 $0x7800, v14;
	v22 =	vadd.s32 $0x2800, v16;
	v23 =	vadd.s32 $0x5000, v16;
	v24 =	vld [tilespmem:s0+$0x30]  }
0x175: {  	v25 =	vadd.s32 $0x7800, v16;
	v13 =	vld.idx.msk [tilespmem:v13+s1+$0x0], $0xffff  }
0x176: {  	v14 =	vld.idx.msk [tilespmem:v14+s1+$0x0], $0xffff  }
0x177: {  	[tilespmem:v11+s21+$0x0] =	vst.idx.add.f32.msk $0xffff, v9  }
0x178: {  	[tilespmem:v16+s21+$0x0] =	vst.idx.add.f32.msk $0xffff, v15;
	v11 =	vadd.s32 $0x2800, v19;
	v9 =	vadd.s32 $0x5000, v19;
	v15 =	vadd.s32 $0x7800, v19  }
0x179: {  	v16 =	vld.idx.msk [tilespmem:v10+s1+$0x0], $0xffff;
	v26 =	vadd.s32 $0x2800, v24;
	v10 =	vadd.s32 $0x5000, v24;
	v27 =	vadd.s32 $0x7800, v24  }
0x17a: {  	[tilespmem:v0+s21+$0x0] =	vst.idx.add.f32.msk $0xffff, v4;
	v0 =	vmov v25  }
0x17b: {  	[tilespmem:v19+s21+$0x0] =	vst.idx.add.f32.msk $0xffff, v13  }
0x17c: {  	[tilespmem:v24+s21+$0x0] =	vst.idx.add.f32.msk $0xffff, v14  }
0x17d: {  	v4 =	vld.idx.msk [tilespmem:v17+s1+$0x0], $0xffff  }
0x17e: {  	v13 =	vld.idx.msk [tilespmem:v20+s1+$0x0], $0xffff  }
0x17f: {  	[tilespmem:v22+s21+$0x0] =	vst.idx.add.f32.msk $0xffff, v16  }
0x180: {  	v12 =	vld.idx.msk [tilespmem:v12+s1+$0x0], $0xffff  }
0x181: {  	[tilespmem:v1+s21+$0x0] =	vst.idx.add.f32.msk $0xffff, v3;
	v1 =	vmov v15  }
0x182: {  	[tilespmem:v2+s21+$0x0] =	vst.idx.add.f32.msk $0xffff, v6;
	v2 =	vmov v27  }
.Ltmp4:
0x183: {  	[tilespmem:v11+s21+$0x0] =	vst.idx.add.f32.msk $0xffff, v4;
	(pc) =	sbr.rel @p0 .LBB2_11-.Ltmp4, $4  }
0x184: {  	[tilespmem:v26+s21+$0x0] =	vst.idx.add.f32.msk $0xffff, v13  }
0x185: {  	v3 =	vld.idx.msk [tilespmem:v18+s1+$0x0], $0xffff  }
0x186: {  	v4 =	vld.idx.msk [tilespmem:v21+s1+$0x0], $0xffff  }
0x187: {  	s18 =	sadd.s32 $0x200, s18;
	[tilespmem:v23+s21+$0x0] =	vst.idx.add.f32.msk $0xffff, v12  }
0x188: {  	_ =	sdelay $0x3  }
0x189: {  	[tilespmem:v9+s21+$0x0] =	vst.idx.add.f32.msk $0xffff, v3  }
0x18a: {  	v3 =	vld.idx.msk [tilespmem:v7+s1+$0x0], $0xffff  }
0x18b: {  	[tilespmem:v10+s21+$0x0] =	vst.idx.add.f32.msk $0xffff, v4  }
0x18c: {  	v4 =	vld.idx.msk [tilespmem:v8+s1+$0x0], $0xffff  }
0x18d: {  	v5 =	vld.idx.msk [tilespmem:v5+s1+$0x0], $0xffff;
	_ =	sdelay $0x2  }
0x18e: {  	[tilespmem:v0+s21+$0x0] =	vst.idx.add.f32.msk $0xffff, v3  }
0x18f: {  	[tilespmem:v1+s21+$0x0] =	vst.idx.add.f32.msk $0xffff, v4  }
0x190: {  	[tilespmem:v2+s21+$0x0] =	vst.idx.add.f32.msk $0xffff, v5  }
0x191: {  	_ =	swait.ge [sflag:s24], $0x1900  }
0x192: {  	[sflag:s24] =	ssyncset.done $0x0  }
0x193: {  	[sflag:s24] =	ssyncadd.s32 $0xFFFFE700  }
0x194: {  	_ =	swait.ge [sflag:s25], $0x1900  }
0x195: {  	[sflag:s25] =	ssyncset.done $0x0  }
0x196: {  	s2 =	simm.s32 $0x14180;
	[sflag:s25] =	ssyncadd.s32 $0xFFFFE700  }
0x197: {  	v0 =	vld [tilespmem:s2+$0x40]  }
0x198: {  	v2 =	vld [tilespmem:s2+$0xFFFFFF00]  }
0x199: {  	v1 =	vld [tilespmem:s2+$0xFFFFFF40];
	_ =	sdelay $0x1  }
0x19a: {  	s0 =	simm.s32 $0x17380;
	v4 =	vld [tilespmem:s2+$0x0]  }
0x19b: {  	v3 =	vld [tilespmem:s0+$0x40]  }
0x19c: {  	v5 =	vld [tilespmem:s0+$0xFFFFFF00]  }
0x19d: {  	v9 =	vld [tilespmem:s0+$0xFFFFFF40]  }
0x19e: {  	v6 =	vld.idx.msk [tilespmem:v0+s1+$0x0], $0xffff  }
0x19f: {  	v10 =	vld.idx.msk [tilespmem:v2+s1+$0x0], $0xffff  }
0x1a0: {  	v7 =	vld.idx.msk [tilespmem:v1+s1+$0x0], $0xffff  }
0x1a1: {  	v12 =	vld [tilespmem:s0+$0x0];
	v8 =	vadd.s32 $0x2800, v0  }
0x1a2: {  	v11 =	vadd.s32 $0x2800, v2;
	v13 =	vld.idx.msk [tilespmem:v4+s1+$0x0], $0xffff  }
0x1a3: {  	[tilespmem:v3+s21+$0x0] =	vst.idx.add.f32.msk $0xffff, v6  }
0x1a4: {  	[tilespmem:v5+s21+$0x0] =	vst.idx.add.f32.msk $0xffff, v10  }
0x1a5: {  	v10 =	vadd.s32 $0x2800, v1;
	[tilespmem:v9+s21+$0x0] =	vst.idx.add.f32.msk $0xffff, v7  }
0x1a6: {  	v6 =	vld.idx.msk [tilespmem:v8+s1+$0x0], $0xffff;
	v8 =	vadd.s32 $0x2800, v3  }
0x1a7: {  	v7 =	vadd.s32 $0x2800, v5;
	v11 =	vld.idx.msk [tilespmem:v11+s1+$0x0], $0xffff  }
0x1a8: {  	v14 =	vadd.s32 $0x5000, v0  }
0x1a9: {  	v15 =	vadd.s32 $0x2800, v4;
	[tilespmem:v12+s21+$0x0] =	vst.idx.add.f32.msk $0xffff, v13  }
0x1aa: {  	v40 =	vadd.s32 $0x2800, v9;
	v10 =	vld.idx.msk [tilespmem:v10+s1+$0x0], $0xffff  }
0x1ab: {  	[tilespmem:v8+s21+$0x0] =	vst.idx.add.f32.msk $0xffff, v6;
	v6 =	vadd.s32 $0x5000, v2  }
0x1ac: {  	[tilespmem:v7+s21+$0x0] =	vst.idx.add.f32.msk $0xffff, v11;
	v7 =	vadd.s32 $0x5000, v1  }
0x1ad: {  	v39 =	vadd.s32 $0x5000, v3;
	v8 =	vld.idx.msk [tilespmem:v14+s1+$0x0], $0xffff  }
0x1ae: {  	v0 =	vadd.s32 $0x7800, v0;
	v15 =	vld.idx.msk [tilespmem:v15+s1+$0x0], $0xffff  }
0x1af: {  	v16 =	vadd.s32 $0x2800, v12;
	[tilespmem:v40+s21+$0x0] =	vst.idx.add.f32.msk $0xffff, v10  }
0x1b0: {  	v11 =	vadd.s32 $0x5000, v4;
	v6 =	vld.idx.msk [tilespmem:v6+s1+$0x0], $0xffff  }
0x1b1: {  	v10 =	vadd.s32 $0x5000, v9;
	v7 =	vld.idx.msk [tilespmem:v7+s1+$0x0], $0xffff  }
0x1b2: {  	[tilespmem:v39+s21+$0x0] =	vst.idx.add.f32.msk $0xffff, v8;
	v8 =	vadd.s32 $0x5000, v5  }
0x1b3: {  	v3 =	vadd.s32 $0x7800, v3;
	v0 =	vld.idx.msk [tilespmem:v0+s1+$0x0], $0xffff  }
0x1b4: {  	[tilespmem:v16+s21+$0x0] =	vst.idx.add.f32.msk $0xffff, v15  }
0x1b5: {  	v2 =	vadd.s32 $0x7800, v2;
	v11 =	vld.idx.msk [tilespmem:v11+s1+$0x0], $0xffff  }
0x1b6: {  	v1 =	vadd.s32 $0x7800, v1;
	[tilespmem:v10+s21+$0x0] =	vst.idx.add.f32.msk $0xffff, v7  }
0x1b7: {  	v41 =	vadd.s32 $0x5000, v12;
	[tilespmem:v8+s21+$0x0] =	vst.idx.add.f32.msk $0xffff, v6  }
0x1b8: {  	[tilespmem:v3+s21+$0x0] =	vst.idx.add.f32.msk $0xffff, v0  }
0x1b9: {  	v0 =	vadd.s32 $0x7800, v4;
	v3 =	vld [tilespmem:s2+$0x50]  }
0x1ba: {  	v2 =	vld.idx.msk [tilespmem:v2+s1+$0x0], $0xffff;
	v4 =	vadd.s32 $0x7800, v5  }
0x1bb: {  	v1 =	vld.idx.msk [tilespmem:v1+s1+$0x0], $0xffff;
	v5 =	vadd.s32 $0x7800, v9  }
0x1bc: {  	[tilespmem:v41+s21+$0x0] =	vst.idx.add.f32.msk $0xffff, v11  }
0x1bd: {  	v7 =	vld [tilespmem:s0+$0x50]  }
0x1be: {  	v6 =	vadd.s32 $0x7800, v12;
	v0 =	vld.idx.msk [tilespmem:v0+s1+$0x0], $0xffff  }
0x1bf: {  	[tilespmem:v4+s21+$0x0] =	vst.idx.add.f32.msk $0xffff, v2  }
0x1c0: {  	[tilespmem:v5+s21+$0x0] =	vst.idx.add.f32.msk $0xffff, v1  }
0x1c1: {  	v2 =	vld.idx.msk [tilespmem:v3+s1+$0x0], $0xffff  }
0x1c2: {  	v4 =	vld [tilespmem:s2+$0xFFFFFF10]  }
0x1c3: {  	v1 =	vadd.s32 $0x2800, v3;
	[tilespmem:v6+s21+$0x0] =	vst.idx.add.f32.msk $0xffff, v0  }
0x1c4: {  	v0 =	vld [tilespmem:s2+$0xFFFFFF50]  }
0x1c5: {  	v5 =	vld [tilespmem:s2+$0x10]  }
0x1c6: {  	[tilespmem:v7+s21+$0x0] =	vst.idx.add.f32.msk $0xffff, v2  }
0x1c7: {  	v2 =	vld [tilespmem:s0+$0xFFFFFF10]  }
0x1c8: {  	v6 =	vadd.s32 $0x2800, v7;
	v1 =	vld.idx.msk [tilespmem:v1+s1+$0x0], $0xffff  }
0x1c9: {  	v9 =	vadd.s32 $0x5000, v3;
	v10 =	vld [tilespmem:s0+$0xFFFFFF50]  }
0x1ca: {  	v11 =	vld [tilespmem:s0+$0x10]  }
0x1cb: {  	v8 =	vld.idx.msk [tilespmem:v4+s1+$0x0], $0xffff  }
0x1cc: {  	v42 =	vadd.s32 $0x2800, v4;
	v43 =	vld.idx.msk [tilespmem:v0+s1+$0x0], $0xffff  }
0x1cd: {  	[tilespmem:v6+s21+$0x0] =	vst.idx.add.f32.msk $0xffff, v1  }
0x1ce: {  	v1 =	vadd.s32 $0x2800, v0;
	v6 =	vld.idx.msk [tilespmem:v9+s1+$0x0], $0xffff  }
0x1cf: {  	v44 =	vadd.s32 $0x5000, v7;
	v9 =	vld.idx.msk [tilespmem:v5+s1+$0x0], $0xffff  }
0x1d0: {  	[tilespmem:v2+s21+$0x0] =	vst.idx.add.f32.msk $0xffff, v8  }
0x1d1: {  	v3 =	vadd.s32 $0x7800, v3;
	v8 =	vld.idx.msk [tilespmem:v42+s1+$0x0], $0xffff  }
0x1d2: {  	v45 =	vadd.s32 $0x2800, v5;
	[tilespmem:v10+s21+$0x0] =	vst.idx.add.f32.msk $0xffff, v43  }
0x1d3: {  	v46 =	vadd.s32 $0x2800, v2;
	v1 =	vld.idx.msk [tilespmem:v1+s1+$0x0], $0xffff  }
0x1d4: {  	v47 =	vadd.s32 $0x5000, v4;
	[tilespmem:v44+s21+$0x0] =	vst.idx.add.f32.msk $0xffff, v6  }
0x1d5: {  	v6 =	vadd.s32 $0x7800, v7;
	[tilespmem:v11+s21+$0x0] =	vst.idx.add.f32.msk $0xffff, v9;
	v7 =	vadd.s32 $0x2800, v10  }
0x1d6: {  	v3 =	vld.idx.msk [tilespmem:v3+s1+$0x0], $0xffff  }
0x1d7: {  	v48 =	vadd.s32 $0x2800, v11;
	v9 =	vld.idx.msk [tilespmem:v45+s1+$0x0], $0xffff  }
0x1d8: {  	[tilespmem:v46+s21+$0x0] =	vst.idx.add.f32.msk $0xffff, v8  }
0x1d9: {  	v8 =	vadd.s32 $0x5000, v0;
	v13 =	vld.idx.msk [tilespmem:v47+s1+$0x0], $0xffff  }
0x1da: {  	v49 =	vadd.s32 $0x5000, v5;
	[tilespmem:v7+s21+$0x0] =	vst.idx.add.f32.msk $0xffff, v1  }
0x1db: {  	[tilespmem:v6+s21+$0x0] =	vst.idx.add.f32.msk $0xffff, v3;
	v3 =	vadd.s32 $0x5000, v2  }
0x1dc: {  	[tilespmem:v48+s21+$0x0] =	vst.idx.add.f32.msk $0xffff, v9  }
0x1dd: {  	v1 =	vadd.s32 $0x7800, v4;
	v6 =	vld [tilespmem:s2+$0x60]  }
0x1de: {  	v7 =	vadd.s32 $0x5000, v10;
	v4 =	vld.idx.msk [tilespmem:v8+s1+$0x0], $0xffff  }
0x1df: {  	v9 =	vadd.s32 $0x5000, v11;
	v8 =	vld.idx.msk [tilespmem:v49+s1+$0x0], $0xffff  }
0x1e0: {  	v0 =	vadd.s32 $0x7800, v0;
	[tilespmem:v3+s21+$0x0] =	vst.idx.add.f32.msk $0xffff, v13  }
0x1e1: {  	v5 =	vadd.s32 $0x7800, v5;
	v3 =	vld [tilespmem:s0+$0x60]  }
0x1e2: {  	v1 =	vld.idx.msk [tilespmem:v1+s1+$0x0], $0xffff  }
0x1e3: {  	[tilespmem:v7+s21+$0x0] =	vst.idx.add.f32.msk $0xffff, v4  }
0x1e4: {  	v2 =	vadd.s32 $0x7800, v2;
	[tilespmem:v9+s21+$0x0] =	vst.idx.add.f32.msk $0xffff, v8  }
0x1e5: {  	v7 =	vadd.s32 $0x7800, v10;
	v0 =	vld.idx.msk [tilespmem:v0+s1+$0x0], $0xffff  }
0x1e6: {  	v8 =	vadd.s32 $0x7800, v11;
	v5 =	vld.idx.msk [tilespmem:v5+s1+$0x0], $0xffff;
	_ =	sdelay $0x1  }
0x1e7: {  	v50 =	vld.idx.msk [tilespmem:v6+s1+$0x0], $0xffff  }
0x1e8: {  	v4 =	vadd.s32 $0x2800, v6;
	[tilespmem:v2+s21+$0x0] =	vst.idx.add.f32.msk $0xffff, v1  }
0x1e9: {  	[tilespmem:v7+s21+$0x0] =	vst.idx.add.f32.msk $0xffff, v0  }
0x1ea: {  	[tilespmem:v8+s21+$0x0] =	vst.idx.add.f32.msk $0xffff, v5  }
0x1eb: {  	v5 =	vld [tilespmem:s2+$0xFFFFFF60]  }
0x1ec: {  	[tilespmem:v3+s21+$0x0] =	vst.idx.add.f32.msk $0xffff, v50  }
0x1ed: {  	v1 =	vld.idx.msk [tilespmem:v4+s1+$0x0], $0xffff;
	v4 =	vadd.s32 $0x2800, v3;
	_ =	sdelay $0x1  }
0x1ee: {  	v2 =	vld [tilespmem:s2+$0xFFFFFF20];
	v0 =	vadd.s32 $0x5000, v6  }
0x1ef: {  	v7 =	vld [tilespmem:s2+$0x20]  }
0x1f0: {  	v9 =	vld [tilespmem:s0+$0xFFFFFF60]  }
0x1f1: {  	[tilespmem:v4+s21+$0x0] =	vst.idx.add.f32.msk $0xffff, v1  }
0x1f2: {  	v1 =	vld [tilespmem:s0+$0xFFFFFF20]  }
0x1f3: {  	v4 =	vadd.s32 $0x5000, v3;
	v0 =	vld.idx.msk [tilespmem:v0+s1+$0x0], $0xffff  }
0x1f4: {  	v51 =	vld.idx.msk [tilespmem:v5+s1+$0x0], $0xffff  }
0x1f5: {  	v6 =	vadd.s32 $0x7800, v6  }
0x1f6: {  	v10 =	vld [tilespmem:s0+$0x20]  }
0x1f7: {  	v8 =	vld.idx.msk [tilespmem:v2+s1+$0x0], $0xffff  }
0x1f8: {  	v11 =	vadd.s32 $0x2800, v2;
	[tilespmem:v4+s21+$0x0] =	vst.idx.add.f32.msk $0xffff, v0  }
0x1f9: {  	v0 =	vadd.s32 $0x2800, v5;
	[tilespmem:v9+s21+$0x0] =	vst.idx.add.f32.msk $0xffff, v51  }
0x1fa: {  	v3 =	vadd.s32 $0x7800, v3;
	v4 =	vld.idx.msk [tilespmem:v6+s1+$0x0], $0xffff  }
0x1fb: {  	v6 =	vld.idx.msk [tilespmem:v7+s1+$0x0], $0xffff  }
0x1fc: {  	[tilespmem:v1+s21+$0x0] =	vst.idx.add.f32.msk $0xffff, v8  }
0x1fd: {  	v8 =	vld.idx.msk [tilespmem:v11+s1+$0x0], $0xffff;
	v11 =	vadd.s32 $0x2800, v7  }
0x1fe: {  	v52 =	vadd.s32 $0x2800, v1;
	v0 =	vld.idx.msk [tilespmem:v0+s1+$0x0], $0xffff  }
0x1ff: {  	[tilespmem:v3+s21+$0x0] =	vst.idx.add.f32.msk $0xffff, v4  }
0x200: {  	v53 =	vadd.s32 $0x2800, v9;
	[tilespmem:v10+s21+$0x0] =	vst.idx.add.f32.msk $0xffff, v6  }
0x201: {  	v3 =	vadd.s32 $0x5000, v2;
	v4 =	vld [tilespmem:s2+$0x70]  }
0x202: {  	v6 =	vadd.s32 $0x5000, v5;
	v11 =	vld.idx.msk [tilespmem:v11+s1+$0x0], $0xffff  }
0x203: {  	[tilespmem:v52+s21+$0x0] =	vst.idx.add.f32.msk $0xffff, v8;
	v8 =	vadd.s32 $0x2800, v10  }
0x204: {  	v55 =	vld [tilespmem:s0+$0x70]  }
0x205: {  	[tilespmem:v53+s21+$0x0] =	vst.idx.add.f32.msk $0xffff, v0;
	v0 =	vadd.s32 $0x5000, v7  }
0x206: {  	v54 =	vadd.s32 $0x5000, v1;
	v3 =	vld.idx.msk [tilespmem:v3+s1+$0x0], $0xffff  }
0x207: {  	v56 =	vadd.s32 $0x5000, v9;
	v6 =	vld.idx.msk [tilespmem:v6+s1+$0x0], $0xffff  }
0x208: {  	v2 =	vadd.s32 $0x7800, v2;
	[tilespmem:v8+s21+$0x0] =	vst.idx.add.f32.msk $0xffff, v11  }
0x209: {  	v57 =	vld.idx.msk [tilespmem:v4+s1+$0x0], $0xffff  }
0x20a: {  	v11 =	vadd.s32 $0x5000, v10;
	v0 =	vld.idx.msk [tilespmem:v0+s1+$0x0], $0xffff  }
0x20b: {  	v8 =	vadd.s32 $0x2800, v4;
	[tilespmem:v54+s21+$0x0] =	vst.idx.add.f32.msk $0xffff, v3  }
0x20c: {  	v3 =	vadd.s32 $0x7800, v5;
	[tilespmem:v56+s21+$0x0] =	vst.idx.add.f32.msk $0xffff, v6  }
0x20d: {  	v5 =	vadd.s32 $0x7800, v7;
	v2 =	vld.idx.msk [tilespmem:v2+s1+$0x0], $0xffff  }
0x20e: {  	v1 =	vadd.s32 $0x7800, v1;
	[tilespmem:v55+s21+$0x0] =	vst.idx.add.f32.msk $0xffff, v57  }
0x20f: {  	[tilespmem:v11+s21+$0x0] =	vst.idx.add.f32.msk $0xffff, v0  }
0x210: {  	v0 =	vadd.s32 $0x2800, v55;
	v6 =	vld.idx.msk [tilespmem:v8+s1+$0x0], $0xffff  }
0x211: {  	v7 =	vadd.s32 $0x7800, v9;
	v3 =	vld.idx.msk [tilespmem:v3+s1+$0x0], $0xffff  }
0x212: {  	v8 =	vadd.s32 $0x7800, v10;
	v5 =	vld.idx.msk [tilespmem:v5+s1+$0x0], $0xffff  }
0x213: {  	[tilespmem:v1+s21+$0x0] =	vst.idx.add.f32.msk $0xffff, v2  }
0x214: {  	v1 =	vld [tilespmem:s2+$0xFFFFFF30]  }
0x215: {  	v2 =	vadd.s32 $0x5000, v4;
	[tilespmem:v0+s21+$0x0] =	vst.idx.add.f32.msk $0xffff, v6  }
0x216: {  	[tilespmem:v7+s21+$0x0] =	vst.idx.add.f32.msk $0xffff, v3  }
0x217: {  	[tilespmem:v8+s21+$0x0] =	vst.idx.add.f32.msk $0xffff, v5  }
0x218: {  	v0 =	vld [tilespmem:s2+$0xFFFFFF70]  }
0x219: {  	v5 =	vld [tilespmem:s2+$0x30]  }
0x21a: {  	v3 =	vadd.s32 $0x5000, v55;
	v2 =	vld.idx.msk [tilespmem:v2+s1+$0x0], $0xffff  }
0x21b: {  	v6 =	vld [tilespmem:s0+$0xFFFFFF30]  }
0x21c: {  	v10 =	vld [tilespmem:s0+$0xFFFFFF70]  }
0x21d: {  	v4 =	vadd.s32 $0x7800, v4;
	v11 =	vld [tilespmem:s0+$0x30]  }
0x21e: {  	v7 =	vld.idx.msk [tilespmem:v1+s1+$0x0], $0xffff  }
0x21f: {  	v8 =	vadd.s32 $0x2800, v1;
	[tilespmem:v3+s21+$0x0] =	vst.idx.add.f32.msk $0xffff, v2  }
0x220: {  	v2 =	vld.idx.msk [tilespmem:v0+s1+$0x0], $0xffff  }
0x221: {  	v3 =	vld.idx.msk [tilespmem:v5+s1+$0x0], $0xffff  }
0x222: {  	v9 =	vadd.s32 $0x2800, v0;
	v4 =	vld.idx.msk [tilespmem:v4+s1+$0x0], $0xffff  }
0x223: {  	v58 =	vadd.s32 $0x2800, v5;
	[tilespmem:v6+s21+$0x0] =	vst.idx.add.f32.msk $0xffff, v7  }
0x224: {  	v7 =	vadd.s32 $0x7800, v55;
	v8 =	vld.idx.msk [tilespmem:v8+s1+$0x0], $0xffff  }
0x225: {  	v59 =	vadd.s32 $0x2800, v6;
	[tilespmem:v10+s21+$0x0] =	vst.idx.add.f32.msk $0xffff, v2  }
0x226: {  	v2 =	vadd.s32 $0x5000, v1;
	[tilespmem:v11+s21+$0x0] =	vst.idx.add.f32.msk $0xffff, v3  }
0x227: {  	v3 =	vadd.s32 $0x2800, v10;
	v9 =	vld.idx.msk [tilespmem:v9+s1+$0x0], $0xffff  }
0x228: {  	v60 =	vadd.s32 $0x2800, v11;
	v12 =	vld.idx.msk [tilespmem:v58+s1+$0x0], $0xffff  }
0x229: {  	v61 =	vadd.s32 $0x5000, v0;
	[tilespmem:v7+s21+$0x0] =	vst.idx.add.f32.msk $0xffff, v4  }
0x22a: {  	v4 =	vadd.s32 $0x5000, v5;
	[tilespmem:v59+s21+$0x0] =	vst.idx.add.f32.msk $0xffff, v8  }
0x22b: {  	v62 =	vadd.s32 $0x5000, v6;
	v63 =	vld.idx.msk [tilespmem:v2+s1+$0x0], $0xffff  }
0x22c: {  	[tilespmem:v3+s21+$0x0] =	vst.idx.add.f32.msk $0xffff, v9  }
0x22d: {  	[tilespmem:v60+s21+$0x0] =	vst.idx.add.f32.msk $0xffff, v12  }
0x22e: {  	v7 =	vadd.s32 $0x7800, v1;
	v5 =	vadd.s32 $0x7800, v5;
	v3 =	vld.idx.msk [tilespmem:v61+s1+$0x0], $0xffff  }
0x22f: {  	v1 =	vadd.s32 $0x7800, v10;
	v8 =	vadd.s32 $0x7800, v0;
	v0 =	vadd.s32 $0x7800, v6;
	v4 =	vld.idx.msk [tilespmem:v4+s1+$0x0], $0xffff  }
0x230: {  	s18 =	simm.s32 $0x14380;
	s2 =	simm.s32 $0x0;
	v2 =	vadd.s32 $0x7800, v11;
	v9 =	vadd.s32 $0x5000, v10;
	v10 =	vadd.s32 $0x5000, v11;
	[tilespmem:v62+s21+$0x0] =	vst.idx.add.f32.msk $0xffff, v63  }
.LBB2_13:
0x231: {  	v6 =	vld [tilespmem:s18+$0x40];
	s2 =	sadd.s32 $0x4, s2  }
0x232: {  	v11 =	vld [tilespmem:s18+$0xFFFFFF40];
	p0 =	slt.u32 s2, $0x60  }
0x233: {  	v12 =	vld [tilespmem:s18+$0x0]  }
0x234: {  	v13 =	vld [tilespmem:s18+$0xFFFFFF00]  }
0x235: {  	[tilespmem:v9+s21+$0x0] =	vst.idx.add.f32.msk $0xffff, v3  }
0x236: {  	s0 =	sadd.s32 $0x200, s0;
	[tilespmem:v10+s21+$0x0] =	vst.idx.add.f32.msk $0xffff, v4  }
0x237: {  	v9 =	vadd.s32 $0x2800, v11;
	v10 =	vadd.s32 $0x5000, v11;
	v14 =	vadd.s32 $0x7800, v11;
	v15 =	vld [tilespmem:s0+$0x40]  }
0x238: {  	v3 =	vld [tilespmem:s0+$0xFFFFFF00];
	v16 =	vadd.s32 $0x2800, v12;
	v17 =	vadd.s32 $0x5000, v12;
	v18 =	vadd.s32 $0x7800, v12  }
0x239: {  	v19 =	vadd.s32 $0x2800, v13;
	v20 =	vadd.s32 $0x5000, v13;
	v21 =	vadd.s32 $0x7800, v13;
	v4 =	vld.idx.msk [tilespmem:v6+s1+$0x0], $0xffff  }
0x23a: {  	v11 =	vld.idx.msk [tilespmem:v11+s1+$0x0], $0xffff  }
0x23b: {  	v22 =	vadd.s32 $0x2800, v6;
	v12 =	vld.idx.msk [tilespmem:v12+s1+$0x0], $0xffff  }
0x23c: {  	v13 =	vld.idx.msk [tilespmem:v13+s1+$0x0], $0xffff  }
0x23d: {  	v23 =	vadd.s32 $0x2800, v3;
	v24 =	vadd.s32 $0x5000, v3;
	v25 =	vadd.s32 $0x7800, v3;
	v26 =	vld [tilespmem:s0+$0xFFFFFF40]  }
0x23e: {  	v27 =	vld [tilespmem:s0+$0x0]  }
0x23f: {  	[tilespmem:v15+s21+$0x0] =	vst.idx.add.f32.msk $0xffff, v4  }
0x240: {  	v22 =	vld.idx.msk [tilespmem:v22+s1+$0x0], $0xffff  }
0x241: {  	v28 =	vadd.s32 $0x2800, v15;
	v4 =	vld.idx.msk [tilespmem:v7+s1+$0x0], $0xffff  }
0x242: {  	v29 =	vadd.s32 $0x5000, v6;
	[tilespmem:v3+s21+$0x0] =	vst.idx.add.f32.msk $0xffff, v13;
	v7 =	vadd.s32 $0x2800, v26;
	v13 =	vadd.s32 $0x5000, v26  }
0x243: {  	v30 =	vadd.s32 $0x7800, v26;
	v19 =	vld.idx.msk [tilespmem:v19+s1+$0x0], $0xffff;
	v31 =	vadd.s32 $0x2800, v27;
	v32 =	vadd.s32 $0x5000, v27  }
0x244: {  	v33 =	vadd.s32 $0x7800, v27;
	v3 =	vld.idx.msk [tilespmem:v8+s1+$0x0], $0xffff  }
0x245: {  	[tilespmem:v26+s21+$0x0] =	vst.idx.add.f32.msk $0xffff, v11  }
0x246: {  	[tilespmem:v28+s21+$0x0] =	vst.idx.add.f32.msk $0xffff, v22  }
0x247: {  	v8 =	vld.idx.msk [tilespmem:v29+s1+$0x0], $0xffff  }
0x248: {  	v11 =	vadd.s32 $0x5000, v15;
	[tilespmem:v27+s21+$0x0] =	vst.idx.add.f32.msk $0xffff, v12  }
0x249: {  	v6 =	vadd.s32 $0x7800, v6;
	v9 =	vld.idx.msk [tilespmem:v9+s1+$0x0], $0xffff  }
0x24a: {  	v12 =	vld.idx.msk [tilespmem:v16+s1+$0x0], $0xffff  }
0x24b: {  	[tilespmem:v23+s21+$0x0] =	vst.idx.add.f32.msk $0xffff, v19  }
0x24c: {  	v16 =	vld.idx.msk [tilespmem:v20+s1+$0x0], $0xffff  }
0x24d: {  	[tilespmem:v11+s21+$0x0] =	vst.idx.add.f32.msk $0xffff, v8  }
0x24e: {  	v6 =	vld.idx.msk [tilespmem:v6+s1+$0x0], $0xffff  }
0x24f: {  	[tilespmem:v7+s21+$0x0] =	vst.idx.add.f32.msk $0xffff, v9;
	v7 =	vadd.s32 $0x7800, v15  }
0x250: {  	[tilespmem:v31+s21+$0x0] =	vst.idx.add.f32.msk $0xffff, v12  }
0x251: {  	v8 =	vld.idx.msk [tilespmem:v10+s1+$0x0], $0xffff  }
0x252: {  	v9 =	vld.idx.msk [tilespmem:v17+s1+$0x0], $0xffff  }
0x253: {  	[tilespmem:v24+s21+$0x0] =	vst.idx.add.f32.msk $0xffff, v16  }
0x254: {  	[tilespmem:v7+s21+$0x0] =	vst.idx.add.f32.msk $0xffff, v6  }
0x255: {  	v6 =	vld [tilespmem:s18+$0x50]  }
0x256: {  	v7 =	vld.idx.msk [tilespmem:v21+s1+$0x0], $0xffff  }
0x257: {  	[tilespmem:v13+s21+$0x0] =	vst.idx.add.f32.msk $0xffff, v8  }
0x258: {  	[tilespmem:v32+s21+$0x0] =	vst.idx.add.f32.msk $0xffff, v9  }
0x259: {  	v8 =	vld.idx.msk [tilespmem:v14+s1+$0x0], $0xffff  }
0x25a: {  	v9 =	vld.idx.msk [tilespmem:v18+s1+$0x0], $0xffff  }
0x25b: {  	v10 =	vld [tilespmem:s0+$0x50]  }
0x25c: {  	[tilespmem:v25+s21+$0x0] =	vst.idx.add.f32.msk $0xffff, v7  }
0x25d: {  	v7 =	vld.idx.msk [tilespmem:v6+s1+$0x0], $0xffff  }
0x25e: {  	v11 =	vld [tilespmem:s18+$0xFFFFFF10]  }
0x25f: {  	[tilespmem:v30+s21+$0x0] =	vst.idx.add.f32.msk $0xffff, v8;
	v8 =	vadd.s32 $0x2800, v6  }
0x260: {  	[tilespmem:v33+s21+$0x0] =	vst.idx.add.f32.msk $0xffff, v9  }
0x261: {  	v9 =	vld [tilespmem:s18+$0xFFFFFF50]  }
0x262: {  	v12 =	vld [tilespmem:s18+$0x10]  }
0x263: {  	v13 =	vadd.s32 $0x2800, v11;
	v14 =	vadd.s32 $0x5000, v11;
	v15 =	vadd.s32 $0x7800, v11;
	[tilespmem:v10+s21+$0x0] =	vst.idx.add.f32.msk $0xffff, v7  }
0x264: {  	v7 =	vld.idx.msk [tilespmem:v8+s1+$0x0], $0xffff  }
0x265: {  	v16 =	vadd.s32 $0x2800, v10;
	v8 =	vld [tilespmem:s0+$0xFFFFFF10]  }
0x266: {  	v19 =	vadd.s32 $0x5000, v6;
	v11 =	vld.idx.msk [tilespmem:v11+s1+$0x0], $0xffff;
	v17 =	vadd.s32 $0x2800, v9;
	v18 =	vadd.s32 $0x5000, v9  }
0x267: {  	v21 =	vadd.s32 $0x7800, v9;
	v20 =	vld [tilespmem:s0+$0xFFFFFF50];
	v22 =	vadd.s32 $0x2800, v12;
	v23 =	vadd.s32 $0x5000, v12  }
0x268: {  	v25 =	vadd.s32 $0x7800, v12;
	v24 =	vld [tilespmem:s0+$0x10]  }
0x269: {  	v9 =	vld.idx.msk [tilespmem:v9+s1+$0x0], $0xffff  }
0x26a: {  	v26 =	vadd.s32 $0x2800, v8;
	v27 =	vadd.s32 $0x5000, v8;
	v28 =	vadd.s32 $0x7800, v8;
	[tilespmem:v16+s21+$0x0] =	vst.idx.add.f32.msk $0xffff, v7  }
0x26b: {  	v7 =	vld.idx.msk [tilespmem:v19+s1+$0x0], $0xffff  }
0x26c: {  	v29 =	vadd.s32 $0x5000, v10;
	v16 =	vadd.s32 $0x2800, v20;
	v19 =	vadd.s32 $0x5000, v20;
	v12 =	vld.idx.msk [tilespmem:v12+s1+$0x0], $0xffff  }
0x26d: {  	v6 =	vadd.s32 $0x7800, v6;
	[tilespmem:v8+s21+$0x0] =	vst.idx.add.f32.msk $0xffff, v11;
	v8 =	vadd.s32 $0x2800, v24;
	v11 =	vadd.s32 $0x5000, v24  }
0x26e: {  	v30 =	vadd.s32 $0x7800, v20;
	v31 =	vadd.s32 $0x7800, v24;
	v13 =	vld.idx.msk [tilespmem:v13+s1+$0x0], $0xffff  }
0x26f: {  	[tilespmem:v20+s21+$0x0] =	vst.idx.add.f32.msk $0xffff, v9  }
0x270: {  	v9 =	vld.idx.msk [tilespmem:v17+s1+$0x0], $0xffff  }
0x271: {  	[tilespmem:v29+s21+$0x0] =	vst.idx.add.f32.msk $0xffff, v7  }
0x272: {  	v6 =	vld.idx.msk [tilespmem:v6+s1+$0x0], $0xffff  }
0x273: {  	v7 =	vadd.s32 $0x7800, v10;
	[tilespmem:v24+s21+$0x0] =	vst.idx.add.f32.msk $0xffff, v12  }
0x274: {  	v10 =	vld.idx.msk [tilespmem:v22+s1+$0x0], $0xffff  }
0x275: {  	[tilespmem:v26+s21+$0x0] =	vst.idx.add.f32.msk $0xffff, v13  }
0x276: {  	[tilespmem:v16+s21+$0x0] =	vst.idx.add.f32.msk $0xffff, v9  }
0x277: {  	v9 =	vld.idx.msk [tilespmem:v14+s1+$0x0], $0xffff  }
0x278: {  	[tilespmem:v7+s21+$0x0] =	vst.idx.add.f32.msk $0xffff, v6  }
0x279: {  	v7 =	vld [tilespmem:s18+$0x60]  }
0x27a: {  	[tilespmem:v8+s21+$0x0] =	vst.idx.add.f32.msk $0xffff, v10  }
0x27b: {  	v8 =	vld.idx.msk [tilespmem:v18+s1+$0x0], $0xffff  }
0x27c: {  	v10 =	vld.idx.msk [tilespmem:v23+s1+$0x0], $0xffff  }
0x27d: {  	[tilespmem:v27+s21+$0x0] =	vst.idx.add.f32.msk $0xffff, v9  }
0x27e: {  	v9 =	vld.idx.msk [tilespmem:v15+s1+$0x0], $0xffff  }
0x27f: {  	v12 =	vld [tilespmem:s0+$0x60]  }
0x280: {  	v6 =	vld.idx.msk [tilespmem:v5+s1+$0x0], $0xffff  }
0x281: {  	v5 =	vld.idx.msk [tilespmem:v7+s1+$0x0], $0xffff  }
0x282: {  	[tilespmem:v19+s21+$0x0] =	vst.idx.add.f32.msk $0xffff, v8  }
0x283: {  	v8 =	vadd.s32 $0x2800, v7;
	[tilespmem:v11+s21+$0x0] =	vst.idx.add.f32.msk $0xffff, v10  }
0x284: {  	v10 =	vld.idx.msk [tilespmem:v21+s1+$0x0], $0xffff  }
0x285: {  	v11 =	vld.idx.msk [tilespmem:v25+s1+$0x0], $0xffff  }
0x286: {  	[tilespmem:v28+s21+$0x0] =	vst.idx.add.f32.msk $0xffff, v9  }
0x287: {  	[tilespmem:v12+s21+$0x0] =	vst.idx.add.f32.msk $0xffff, v5  }
0x288: {  	v5 =	vld.idx.msk [tilespmem:v8+s1+$0x0], $0xffff  }
0x289: {  	v9 =	vadd.s32 $0x2800, v12;
	v8 =	vld [tilespmem:s18+$0xFFFFFF20]  }
0x28a: {  	[tilespmem:v30+s21+$0x0] =	vst.idx.add.f32.msk $0xffff, v10;
	v10 =	vadd.s32 $0x5000, v7  }
0x28b: {  	[tilespmem:v31+s21+$0x0] =	vst.idx.add.f32.msk $0xffff, v11  }
0x28c: {  	v11 =	vld [tilespmem:s18+$0xFFFFFF60]  }
0x28d: {  	v13 =	vld [tilespmem:s18+$0x20]  }
0x28e: {  	v14 =	vadd.s32 $0x2800, v8;
	v15 =	vadd.s32 $0x5000, v8;
	v16 =	vadd.s32 $0x7800, v8;
	[tilespmem:v9+s21+$0x0] =	vst.idx.add.f32.msk $0xffff, v5  }
0x28f: {  	v5 =	vld.idx.msk [tilespmem:v10+s1+$0x0], $0xffff  }
0x290: {  	v10 =	vadd.s32 $0x5000, v12;
	v9 =	vld [tilespmem:s0+$0xFFFFFF20]  }
0x291: {  	v7 =	vadd.s32 $0x7800, v7;
	v8 =	vld.idx.msk [tilespmem:v8+s1+$0x0], $0xffff;
	v17 =	vadd.s32 $0x2800, v11;
	v18 =	vadd.s32 $0x5000, v11  }
0x292: {  	v20 =	vadd.s32 $0x7800, v11;
	v19 =	vld [tilespmem:s0+$0xFFFFFF60];
	v21 =	vadd.s32 $0x2800, v13;
	v22 =	vadd.s32 $0x5000, v13  }
0x293: {  	v24 =	vadd.s32 $0x7800, v13;
	v23 =	vld [tilespmem:s0+$0x20]  }
0x294: {  	v11 =	vld.idx.msk [tilespmem:v11+s1+$0x0], $0xffff  }
0x295: {  	v25 =	vadd.s32 $0x2800, v9;
	v26 =	vadd.s32 $0x5000, v9;
	v27 =	vadd.s32 $0x7800, v9;
	[tilespmem:v10+s21+$0x0] =	vst.idx.add.f32.msk $0xffff, v5  }
0x296: {  	v5 =	vld.idx.msk [tilespmem:v7+s1+$0x0], $0xffff  }
0x297: {  	v12 =	vadd.s32 $0x7800, v12;
	v7 =	vadd.s32 $0x2800, v19;
	v10 =	vadd.s32 $0x5000, v19;
	v13 =	vld.idx.msk [tilespmem:v13+s1+$0x0], $0xffff  }
0x298: {  	[tilespmem:v9+s21+$0x0] =	vst.idx.add.f32.msk $0xffff, v8;
	v8 =	vadd.s32 $0x7800, v19;
	v9 =	vadd.s32 $0x2800, v23;
	v28 =	vadd.s32 $0x5000, v23  }
0x299: {  	v29 =	vadd.s32 $0x7800, v23;
	v14 =	vld.idx.msk [tilespmem:v14+s1+$0x0], $0xffff  }
0x29a: {  	[tilespmem:v19+s21+$0x0] =	vst.idx.add.f32.msk $0xffff, v11  }
0x29b: {  	v11 =	vld.idx.msk [tilespmem:v17+s1+$0x0], $0xffff  }
0x29c: {  	[tilespmem:v12+s21+$0x0] =	vst.idx.add.f32.msk $0xffff, v5  }
0x29d: {  	v5 =	vld [tilespmem:s18+$0x70]  }
0x29e: {  	[tilespmem:v23+s21+$0x0] =	vst.idx.add.f32.msk $0xffff, v13  }
0x29f: {  	v12 =	vld.idx.msk [tilespmem:v21+s1+$0x0], $0xffff  }
0x2a0: {  	[tilespmem:v25+s21+$0x0] =	vst.idx.add.f32.msk $0xffff, v14  }
0x2a1: {  	[tilespmem:v7+s21+$0x0] =	vst.idx.add.f32.msk $0xffff, v11  }
0x2a2: {  	v7 =	vld.idx.msk [tilespmem:v15+s1+$0x0], $0xffff  }
0x2a3: {  	v11 =	vld [tilespmem:s0+$0x70]  }
0x2a4: {  	v13 =	vld.idx.msk [tilespmem:v18+s1+$0x0], $0xffff  }
0x2a5: {  	v14 =	vld.idx.msk [tilespmem:v5+s1+$0x0], $0xffff  }
0x2a6: {  	[tilespmem:v9+s21+$0x0] =	vst.idx.add.f32.msk $0xffff, v12  }
0x2a7: {  	v12 =	vadd.s32 $0x2800, v5;
	v9 =	vld.idx.msk [tilespmem:v22+s1+$0x0], $0xffff  }
0x2a8: {  	[tilespmem:v26+s21+$0x0] =	vst.idx.add.f32.msk $0xffff, v7  }
0x2a9: {  	v7 =	vld.idx.msk [tilespmem:v16+s1+$0x0], $0xffff  }
0x2aa: {  	[tilespmem:v10+s21+$0x0] =	vst.idx.add.f32.msk $0xffff, v13  }
0x2ab: {  	[tilespmem:v11+s21+$0x0] =	vst.idx.add.f32.msk $0xffff, v14  }
0x2ac: {  	v10 =	vld.idx.msk [tilespmem:v12+s1+$0x0], $0xffff  }
0x2ad: {  	[tilespmem:v28+s21+$0x0] =	vst.idx.add.f32.msk $0xffff, v9;
	v9 =	vadd.s32 $0x2800, v11  }
0x2ae: {  	v13 =	vadd.s32 $0x5000, v5;
	v12 =	vld.idx.msk [tilespmem:v20+s1+$0x0], $0xffff  }
0x2af: {  	v14 =	vld.idx.msk [tilespmem:v24+s1+$0x0], $0xffff  }
0x2b0: {  	[tilespmem:v27+s21+$0x0] =	vst.idx.add.f32.msk $0xffff, v7  }
0x2b1: {  	v15 =	vld [tilespmem:s18+$0xFFFFFF30]  }
0x2b2: {  	[tilespmem:v9+s21+$0x0] =	vst.idx.add.f32.msk $0xffff, v10  }
0x2b3: {  	v9 =	vld.idx.msk [tilespmem:v13+s1+$0x0], $0xffff  }
0x2b4: {  	[tilespmem:v8+s21+$0x0] =	vst.idx.add.f32.msk $0xffff, v12;
	v8 =	vadd.s32 $0x5000, v11  }
0x2b5: {  	v5 =	vadd.s32 $0x7800, v5;
	[tilespmem:v29+s21+$0x0] =	vst.idx.add.f32.msk $0xffff, v14  }
0x2b6: {  	v10 =	vadd.s32 $0x2800, v15;
	v12 =	vadd.s32 $0x5000, v15;
	v7 =	vadd.s32 $0x7800, v15;
	v13 =	vld [tilespmem:s18+$0xFFFFFF70]  }
0x2b7: {  	v14 =	vld [tilespmem:s18+$0x30]  }
0x2b8: {  	v16 =	vld [tilespmem:s0+$0xFFFFFF30]  }
0x2b9: {  	[tilespmem:v8+s21+$0x0] =	vst.idx.add.f32.msk $0xffff, v9  }
0x2ba: {  	v9 =	vld.idx.msk [tilespmem:v5+s1+$0x0], $0xffff  }
0x2bb: {  	v11 =	vadd.s32 $0x7800, v11;
	v15 =	vld.idx.msk [tilespmem:v15+s1+$0x0], $0xffff;
	v17 =	vadd.s32 $0x2800, v13;
	v18 =	vadd.s32 $0x5000, v13  }
0x2bc: {  	v8 =	vadd.s32 $0x7800, v13;
	v19 =	vld [tilespmem:s0+$0xFFFFFF70];
	v20 =	vadd.s32 $0x2800, v14;
	v21 =	vadd.s32 $0x5000, v14  }
0x2bd: {  	v5 =	vadd.s32 $0x7800, v14;
	v22 =	vadd.s32 $0x2800, v16;
	v23 =	vadd.s32 $0x5000, v16;
	v24 =	vld [tilespmem:s0+$0x30]  }
0x2be: {  	v25 =	vadd.s32 $0x7800, v16;
	v13 =	vld.idx.msk [tilespmem:v13+s1+$0x0], $0xffff  }
0x2bf: {  	v14 =	vld.idx.msk [tilespmem:v14+s1+$0x0], $0xffff  }
0x2c0: {  	[tilespmem:v11+s21+$0x0] =	vst.idx.add.f32.msk $0xffff, v9  }
0x2c1: {  	[tilespmem:v16+s21+$0x0] =	vst.idx.add.f32.msk $0xffff, v15;
	v11 =	vadd.s32 $0x2800, v19;
	v9 =	vadd.s32 $0x5000, v19;
	v15 =	vadd.s32 $0x7800, v19  }
0x2c2: {  	v16 =	vld.idx.msk [tilespmem:v10+s1+$0x0], $0xffff;
	v26 =	vadd.s32 $0x2800, v24;
	v10 =	vadd.s32 $0x5000, v24;
	v27 =	vadd.s32 $0x7800, v24  }
0x2c3: {  	[tilespmem:v0+s21+$0x0] =	vst.idx.add.f32.msk $0xffff, v4;
	v0 =	vmov v25  }
0x2c4: {  	[tilespmem:v19+s21+$0x0] =	vst.idx.add.f32.msk $0xffff, v13  }
0x2c5: {  	[tilespmem:v24+s21+$0x0] =	vst.idx.add.f32.msk $0xffff, v14  }
0x2c6: {  	v4 =	vld.idx.msk [tilespmem:v17+s1+$0x0], $0xffff  }
0x2c7: {  	v13 =	vld.idx.msk [tilespmem:v20+s1+$0x0], $0xffff  }
0x2c8: {  	[tilespmem:v22+s21+$0x0] =	vst.idx.add.f32.msk $0xffff, v16  }
0x2c9: {  	v12 =	vld.idx.msk [tilespmem:v12+s1+$0x0], $0xffff  }
0x2ca: {  	[tilespmem:v1+s21+$0x0] =	vst.idx.add.f32.msk $0xffff, v3;
	v1 =	vmov v15  }
0x2cb: {  	[tilespmem:v2+s21+$0x0] =	vst.idx.add.f32.msk $0xffff, v6;
	v2 =	vmov v27  }
.Ltmp5:
0x2cc: {  	[tilespmem:v11+s21+$0x0] =	vst.idx.add.f32.msk $0xffff, v4;
	(pc) =	sbr.rel @p0 .LBB2_13-.Ltmp5, $4  }
0x2cd: {  	[tilespmem:v26+s21+$0x0] =	vst.idx.add.f32.msk $0xffff, v13  }
0x2ce: {  	v3 =	vld.idx.msk [tilespmem:v18+s1+$0x0], $0xffff  }
0x2cf: {  	v4 =	vld.idx.msk [tilespmem:v21+s1+$0x0], $0xffff  }
0x2d0: {  	s18 =	sadd.s32 $0x200, s18;
	[tilespmem:v23+s21+$0x0] =	vst.idx.add.f32.msk $0xffff, v12  }
0x2d1: {  	_ =	sdelay $0x3  }
0x2d2: {  	v62 =	vld.idx.msk [tilespmem:v7+s1+$0x0], $0xffff  }
0x2d3: {  	[tilespmem:v9+s21+$0x0] =	vst.idx.add.f32.msk $0xffff, v3  }
0x2d4: {  	[tilespmem:v10+s21+$0x0] =	vst.idx.add.f32.msk $0xffff, v4  }
0x2d5: {  	s31 =	sadd.s32 $0x1, s31;
	v63 =	vld.idx.msk [tilespmem:v8+s1+$0x0], $0xffff  }
0x2d6: {  	p0 =	sne.s32 s31, $0x19;
	v5 =	vld.idx.msk [tilespmem:v5+s1+$0x0], $0xffff  }
.Ltmp6:
0x2d7: {  	_ = 	snop;
	(pc) =	sbr.rel @p0 .LBB2_2-.Ltmp6, $4  }
0x2d8: {  	_ = 	snop  }
0x2d9: {  	[tilespmem:v0+s21+$0x0] =	vst.idx.add.f32.msk $0xffff, v62  }
0x2da: {  	[tilespmem:v1+s21+$0x0] =	vst.idx.add.f32.msk $0xffff, v63  }
0x2db: {  	[tilespmem:v2+s21+$0x0] =	vst.idx.add.f32.msk $0xffff, v5  }
0x2dc: {  	[hbm4b:s10+s15] =	stream.strided.scatter [tilespmem:s21], [sflag:$0x5], $0x2800, s16, s15, $0x38;
	[tilespmem:$0x1A400] =	vst v63  }
0x2dd: {  	_ =	swait.ge [sflag:s17], $0x2800  }
0x2de: {  	[sflag:s17] =	ssyncset.done $0x0  }
0x2df: {  	s0 =	simm.s32 $0xC800;
	[sflag:s17] =	ssyncadd.s32 $0xFFFFD800  }
0x2e0: {  	[hbm4b:s11+s15] =	stream.strided.scatter [tilespmem:s0], [sflag:$0x5], $0x2800, s16, s15, $0x38;
	[tilespmem:$0x1A400] =	vst v63  }
0x2e1: {  	_ =	swait.ge [sflag:s17], $0x2800  }
0x2e2: {  	[sflag:s17] =	ssyncset.done $0x0  }
0x2e3: {  	[sflag:s17] =	ssyncadd.s32 $0xFFFFD800  }
0x2e4: {  	[hbm4b:s12+s15] =	stream.strided.scatter [tilespmem:s28], [sflag:$0x5], $0x2800, s16, s15, $0x38;
	[tilespmem:$0x1A400] =	vst v63  }
0x2e5: {  	s30 =	sadd.s32 $0x1, s30;
	_ =	swait.ge [sflag:s17], $0x2800  }
0x2e6: {  	p0 =	sne.s32 s30, s14;
	[sflag:s17] =	ssyncset.done $0x0  }
.Ltmp7:
0x2e7: {  	[sflag:s17] =	ssyncadd.s32 $0xFFFFD800;
	(pc) =	sbr.rel @p0 .LBB2_1-.Ltmp7, $4  }
0x2e8: {  	[hbm4b:s13+s15] =	stream.strided.scatter [tilespmem:s29], [sflag:$0x5], $0x2800, s16, s15, $0x38;
	[tilespmem:$0x1A400] =	vst v63  }
0x2e9: {  	_ =	swait.ge [sflag:s17], $0x2800  }
0x2ea: {  	[sflag:s17] =	ssyncset.done $0x0  }
0x2eb: {  	[sflag:s17] =	ssyncadd.s32 $0xFFFFD800  }
0x2ec: {  	_ =	sfence.sel $0x180000  }
0x2ed: {  	[bflag:$0x0] =	sbarrier.arrive $0xFFFF  }
0x2ee: {  	_ =	strace $0x90000047  }
0x2ef: {  	s0 =	stileid.u32;
	[bflag:$0x2] =	sbarrier.arrive $0xFFFF  }
0x2f0: {  	p0 =	sne.s32 s0, $0x0;
	s0 =	rddreg [dreg:$0x2]  }
0x2f1: {  	s0 =	sadd.s32 @!p0 $0x100000, s0  }
0x2f2: {  	[sflag:s0] =	ssyncadd.tile.s32 @!p0 $0x1;
	_ =	shalt  }
.Lfunc_end2:
_tile_overlayer_lowered:
.L_overlay_start_2:
0x2f3: {  	(tag) =	ssettag $0x2  }
0x2f4: {  	s0 =	rddreg [dreg:$0x0];
	s2 =	stileid.u32  }
0x2f5: {  	s1 =	rddreg [dreg:$0x1];
	p0 =	sne.s32 s2, $0x0  }
0x2f6: {  	s3 =	rddreg [dreg:$0x2];
	[bflag:$0x3] =	sbarrier.arrive $0xFFFF;
	s2 =	simm.s32 @!p0 $0x1C05  }
0x2f7: {  	[timem:s3], [sflag:s2] =	dma.local @!p0 [hbm:s0], s1  }
0x2f8: {  	s0 =	simm.s32 @!p0 $0x5  }
0x2f9: {  	_ =	swait.ge @!p0 [sflag:s0], s1  }
0x2fa: {  	s1 =	ssub.s32 @!p0 $0x0, s1;
	[sflag:s0] =	ssyncset.done @!p0 $0x0  }
0x2fb: {  	[sflag:s0] =	ssyncadd.s32 @!p0 s1  }
0x2fc: {  	[bflag:$0x3] =	sbarrier.arrive $0xFFFF  }
0x2fd: {  	_ =	shalt  }

// kernel: kernel.9.cloned.1.call-start
scs
__scs_entry_jumppad:
0x0: {  	(pc) =	sbr.rel $0x88, $3  }
0x1: {  	(tag) =	ssettag $0x0;
	lr =	simm.s32 $0x1  }
0x2: {  	[smem:$0x3F91] =	sst lr;
	_ =	strace $0xD0000000  }
0x3: {  	_ = 	snop  }
0x4: {  	_ = 	snop  }
0x5: {  	_ = 	snop  }
0x6: {  	_ = 	snop  }
0x7: {  	_ = 	snop  }
__scs_overlays_trampoline_lowered:
0x8: {  	[smem:$0x3FA0] =	sst s0  }
0x9: {  	[smem:$0x3FA1] =	sst s1  }
0xa: {  	[smem:$0x3FA2] =	sst s2  }
0xb: {  	[smem:$0x3FA3] =	sst s3  }
0xc: {  	[smem:$0x3FA4] =	sst s4  }
0xd: {  	[smem:$0x3FA5] =	sst s5  }
0xe: {  	[smem:$0x3FA6] =	sst s6  }
0xf: {  	[smem:$0x3FA7] =	sst s7  }
0x10: {  	[smem:$0x3FA8] =	sst s8  }
0x11: {  	[smem:$0x3FA9] =	sst s9;
	s0 =	simm.s32 @!p0 $0x0  }
0x12: {  	s1 =	sld [smem:$0x3F8F];
	s0 =	simm.s32 @p0 $0x1  }
0x13: {  	[smem:$0x3FAA] =	sst s0;
	s0 =	simm.s32 @!p1 $0x0  }
0x14: {  	s2 =	sld [smem:$0x3F8E];
	s0 =	simm.s32 @p1 $0x1  }
0x15: {  	[smem:$0x3FAB] =	sst s0;
	s0 =	simm.s32 @!p2 $0x0  }
0x16: {  	s3 =	sld [smem:$0x3FDB];
	s0 =	simm.s32 @p2 $0x1  }
0x17: {  	s4 =	simm.s32 $0x1BF5;
	[smem:$0x3FAD] =	sst s0  }
0x18: {  	s0 =	sld [smem:$0x3F90];
	_ =	swait.ge [sflag:s4], $0x0  }
0x19: {  	s7 =	sld [smem:$0x3F91]  }
0x1a: {  	s8 =	sadd.s32 $0xFFFFE003, lr  }
0x1b: {  	s9 =	sadd.s32 $0xFFFFFEF7, lr;
	s5 =	simm.s32 $0xFFFFFFFF;
	p2 =	slt.u32 s8, $0xFFFFF086  }
0x1c: {  	p1 =	slt.u32 s9, $0xF7A;
	s5 =	simm.s32 @!p2 $0x0  }
0x1d: {  	s5 =	simm.s32 @p1 $0x1;
	p0 =	seq.s32 s7, s2  }
0x1e: {  	s7 =	smul.u32 @!p0 $0xF7A, s2;
	p2 =	seq.s32 @!p0 s5, $0x0  }
0x1f: {  	s9 =	smul.u32 $0xF7A, s1;
	s8 =	simm.s32 @!p0 $0x1BF5;
	p2 =	por !p2, p0  }
0x20: {  	[sflag:s8] =	ssyncset.s32 @!p0 $0xFFFFF086;
	s6 =	sadd.s32 @!p0 s3, s7;
	s7 =	simm.s32 @!p0 $0x108  }
0x21: {  	s3 =	sadd.s32 s3, s9;
	s6 =	sadd.s32 @!p0 $0x88, s6;
	s7 =	simm.s32 @p2 $0x1082  }
0x22: {  	[simem:s7], [sflag:s8] =	dma.local @!p0 [hbm:s6], $0xF7A  }
0x23: {  	s9 =	sor.u32 $0xD0000000, s2;
	s6 =	simm.s32 $0x108;
	_ =	swait.ge @!p0 [sflag:s8], $0x0  }
0x24: {  	s3 =	sadd.s32 $0x88, s3;
	s6 =	simm.s32 @!p1 $0x1082;
	[sflag:s4] =	ssyncset.s32 $0xFFFFF086  }
0x25: {  	[simem:s6], [sflag:s4] =	dma.local [hbm:s3], $0xF7A  }
0x26: {  	[smem:$0x3F91] =	sst s1;
	(tag) =	ssettag s2;
	_ =	strace s9  }
0x27: {  	s1 =	sld [smem:$0x3FA1]  }
0x28: {  	s2 =	sld [smem:$0x3FA2]  }
0x29: {  	s4 =	sld [smem:$0x3FA4]  }
0x2a: {  	p0 =	seq.s32 s5, $0x0;
	s5 =	sld [smem:$0x3FA5]  }
0x2b: {  	s6 =	sld [smem:$0x3FA6]  }
0x2c: {  	s7 =	sld [smem:$0x3FA7]  }
0x2d: {  	s3 =	simm.s32 $0x108;
	s8 =	sld [smem:$0x3FA8]  }
0x2e: {  	s3 =	simm.s32 @!p0 $0x1082;
	s9 =	sld [smem:$0x3FA9]  }
0x2f: {  	lr =	sadd.s32 s0, s3;
	s0 =	sld [smem:$0x3FA0]  }
0x30: {  	s3 =	sld [smem:$0x3FA3]  }
0x31: {  	[smem:$0x3FAC] =	sst s10  }
0x32: {  	s10 =	sld [smem:$0x3FAA];
	_ =	sdelay $0x3  }
0x33: {  	p0 =	seq.s32 s10, $0x1;
	s10 =	sld [smem:$0x3FAC];
	_ =	sdelay $0x3  }
0x34: {  	[smem:$0x3FAC] =	sst s10  }
0x35: {  	s10 =	sld [smem:$0x3FAB];
	_ =	sdelay $0x3  }
0x36: {  	p1 =	seq.s32 s10, $0x1;
	s10 =	sld [smem:$0x3FAC];
	_ =	sdelay $0x3  }
0x37: {  	[smem:$0x3FAC] =	sst s10  }
0x38: {  	s10 =	sld [smem:$0x3FAD]  }
0x39: {  	_ = 	snop;
	(pc) =	sbr.ind lr, $3  }
0x3a: {  	_ = 	snop  }
0x3b: {  	_ = 	snop  }
0x3c: {  	p2 =	seq.s32 s10, $0x1;
	s10 =	sld [smem:$0x3FAC]  }
0x3d: {  	_ =	shalt  }
0x3e: {  	_ =	shalt  }
0x3f: {  	_ =	shalt  }
0x40: {  	_ =	shalt  }
0x41: {  	_ =	shalt  }
0x42: {  	_ =	shalt  }
0x43: {  	_ =	shalt  }
0x44: {  	_ =	shalt  }
0x45: {  	_ =	shalt  }
0x46: {  	_ =	shalt  }
0x47: {  	_ =	shalt  }
0x48: {  	_ =	shalt  }
0x49: {  	_ =	shalt  }
0x4a: {  	_ =	shalt  }
0x4b: {  	_ =	shalt  }
0x4c: {  	_ =	shalt  }
0x4d: {  	_ =	shalt  }
0x4e: {  	_ =	shalt  }
0x4f: {  	_ =	shalt  }
0x50: {  	_ =	shalt  }
0x51: {  	_ =	shalt  }
0x52: {  	_ =	shalt  }
0x53: {  	_ =	shalt  }
0x54: {  	_ =	shalt  }
0x55: {  	_ =	shalt  }
0x56: {  	_ =	shalt  }
0x57: {  	_ =	shalt  }
0x58: {  	_ =	shalt  }
0x59: {  	_ =	shalt  }
0x5a: {  	_ =	shalt  }
0x5b: {  	_ =	shalt  }
0x5c: {  	_ =	shalt  }
0x5d: {  	_ =	shalt  }
0x5e: {  	_ =	shalt  }
0x5f: {  	_ =	shalt  }
0x60: {  	_ =	shalt  }
0x61: {  	_ =	shalt  }
0x62: {  	_ =	shalt  }
0x63: {  	_ =	shalt  }
0x64: {  	_ =	shalt  }
0x65: {  	_ =	shalt  }
0x66: {  	_ =	shalt  }
0x67: {  	_ =	shalt  }
0x68: {  	_ =	shalt  }
0x69: {  	_ =	shalt  }
0x6a: {  	_ =	shalt  }
0x6b: {  	_ =	shalt  }
0x6c: {  	_ =	shalt  }
0x6d: {  	_ =	shalt  }
0x6e: {  	_ =	shalt  }
0x6f: {  	_ =	shalt  }
0x70: {  	_ =	shalt  }
0x71: {  	_ =	shalt  }
0x72: {  	_ =	shalt  }
0x73: {  	_ =	shalt  }
0x74: {  	_ =	shalt  }
0x75: {  	_ =	shalt  }
0x76: {  	_ =	shalt  }
0x77: {  	_ =	shalt  }
0x78: {  	_ =	shalt  }
0x79: {  	_ =	shalt  }
0x7a: {  	_ =	shalt  }
0x7b: {  	_ =	shalt  }
0x7c: {  	_ =	shalt  }
0x7d: {  	_ =	shalt  }
0x7e: {  	_ =	shalt  }
0x7f: {  	_ =	shalt  }
0x80: {  	_ =	shalt  }
0x81: {  	_ =	shalt  }
0x82: {  	_ =	shalt  }
0x83: {  	_ =	shalt  }
0x84: {  	_ =	shalt  }
0x85: {  	_ =	shalt  }
0x86: {  	_ =	shalt  }
0x87: {  	_ =	shalt  }
.Lfunc_end0:
.L_simem_size_0:
called_computation.1_lowered:
.L_overlay_start_0:
0x88: {  	s2 =	sld [smem:$0x3FD9]  }
0x89: {  	s3 =	sld [smem:$0x3FFE];
	_ =	sdelay $0x1  }
0x8a: {  	s1 =	srdreg.scid  }
0x8b: {  	s0 =	sand.u32 $0x1, s1  }
0x8c: {  	s17 =	sshll.u32 s0, $0xA;
	s2 =	sadd.s32 s3, s2  }
0x8d: {  	s2 =	sadd.s32 s2, s17  }
0x8e: {  	[smem:$0x3FB8] =	sst s2  }
0x8f: {  	_ = 	snop  }
0x90: {  	s2 =	sld [smem:$0x3FD0];
	(tm) =	ssettm $0x1  }
0x91: {  	s18 =	sld [smem:$0x3FFB];
	_ =	sdelay $0x3  }
0x92: {  	_ =	strace s18  }
0x93: {  	s3 =	sld [smem:$0x3FFC];
	_ =	sdelay $0x3  }
0x94: {  	_ =	strace s3  }
0x95: {  	s3 =	sld [smem:$0x3FFD];
	_ =	sdelay $0x3  }
0x96: {  	_ =	strace s3  }
0x97: {  	_ =	strace $0x8FFFFFFF  }
0x98: {  	s19 =	sld [smem:$0x3FDB];
	_ =	sdelay $0x1  }
0x99: {  	s4 =	simm.s32 $_scs_section_size  }
0x9a: {  	s5 =	simm.s32 $_size__tile_overlayer_lowered;
	s6 =	simm.s32 $_tile_overlayer_lowered  }
0x9b: {  	s22 =	simm.s32 $0x1BFF;
	s21 =	sshll.u32 s6, $0x1;
	s3 =	sadd.s32 s4, s19  }
0x9c: {  	s7 =	simm.s32 $0x0;
	s20 =	sshll.u32 s5, $0x1;
	s5 =	sadd.s32 s21, s3  }
0x9d: {  	[timem:s7], [sflag:s22] =	dma.local [hbm:s5], s20  }
0x9e: {  	_ =	swait.ge [sflag:s22], s20  }
0x9f: {  	s4 =	ssub.s32 $0x0, s20;
	[sflag:s22] =	ssyncset.done $0x0  }
0xa0: {  	[sflag:s22] =	ssyncadd.s32 s4;
	_ =	sdelay $0x1  }
0xa1: {  	s23 =	simm.s32 $0x1B8B  }
0xa2: {  	_ =	swait.ge [sflag:s23], $0x1  }
0xa3: {  	[sflag:s23] =	ssyncset.done $0x0  }
0xa4: {  	s25 =	simm.s32 $0x1B8E;
	s24 =	sld [smem:$0x3FFE];
	[sflag:s23] =	ssyncadd.s32 $0xFFFFFFFF  }
0xa5: {  	s26 =	simm.s32 $execute0_lowered;
	[smem:$0x3FD2] =	sst s25  }
0xa6: {  	s5 =	sshll.u32 s26, $0x1;
	_ =	strace $0x80000049;
	[dreg:$0x1] =	wrdreg $0xFFFFFFFF  }
0xa7: {  	s28 =	simm.s32 $_size_execute0_lowered;
	s3 =	sadd.s32 s3, s5;
	[dreg:$0x0] =	wrdreg $0x0  }
0xa8: {  	s5 =	sshll.u32 s28, $0x1;
	[dreg:$0x2] =	wrdreg s3  }
0xa9: {  	[dreg:$0x3] =	wrdreg s5  }
0xaa: {  	[dreg:$0x4] =	wrdreg $0xC0  }
0xab: {  	_ =	task [dreg:s7], $0x5FFFF  }
0xac: {  	[dreg:$0x1] =	wrdreg $0xFFFFFFFF  }
0xad: {  	[dreg:$0x0] =	wrdreg $0x60  }
0xae: {  	[dreg:$0x2] =	wrdreg s2  }
0xaf: {  	[dreg:$0x3] =	wrdreg s24  }
0xb0: {  	[dreg:$0x4] =	wrdreg $0x9  }
0xb1: {  	_ =	task.clear_ibuf [dreg:s7], $0x5FFFF;
	_ =	strace $0x90000049  }
0xb2: {  	s29 =	simm.s32 $0x9;
	_ =	strace $0x8000004B  }
0xb3: {  	_ =	swait.ge [sflag:s29], $0x1  }
0xb4: {  	[sflag:s29] =	ssyncadd.s32 $0xFFFFFFFF  }
0xb5: {  	_ =	strace $0x9000004B  }
0xb6: {  	_ =	sfence  }
0xb7: {  	s30 =	sld [smem:$0x0];
	_ =	sdelay $0x2  }
0xb8: {  	s31 =	sshll.u32 s1, $0xD;
	s1 =	sshrl.u32 s1, $0x2  }
0xb9: {  	s3 =	sand.u32 $0x4000, s31;
	s1 =	sadd.s32 s1, s30  }
0xba: {  	s0 =	sor.u32 s3, s0;
	s1 =	sshll.u32 s1, $0x11  }
0xbb: {  	s0 =	sor.u32 s1, s0  }
0xbc: {  	s0 =	sadd.s32 $0x8F2B, s0  }
0xbd: {  	[sflag:s0] =	ssyncadd.remote.s32 $0x1  }
0xbe: {  	_ =	sfence.sel $0xFFFF  }
0xbf: {  	[dreg:$0x0] =	wrdreg $0xFFFFFFFF;
	(pc) =	sbr.abs _section_cstart, $3  }
0xc0: {  	[dreg:$0x1] =	wrdreg $0xFFFFFFFF  }
0xc1: {  	_ =	task.clear_ibuf [dreg:s7], $0x2FFFF;
	_ =	strace $0x9FFFFFFF  }
0xc2: {  	(tm) =	ssettm $0x7FFFFFFF  }
0xc3: {  	_ =	shalt  }
tec
execute0_lowered:
.L_overlay_start_1:
0x0: {  	(tag) =	ssettag $0x1  }
0x1: {  	s0 =	rddreg [dreg:$0x0]  }
0x2: {  	s2 =	rddreg [dreg:$0x1]  }
0x3: {  	s1 =	simm.s32 $0x0;
	s3 =	srdreg.scid;
	s7 =	stileid.u32  }
0x4: {  	s15 =	simm.s32 $0x80;
	s16 =	simm.s32 $0x200;
	s17 =	simm.s32 $0x5  }
0x5: {  	s21 =	simm.s32 $0xA000;
	s22 =	simm.s32 $0x1;
	s23 =	simm.s32 $0x3  }
0x6: {  	s24 =	simm.s32 $0x2;
	s25 =	simm.s32 $0x4;
	s28 =	simm.s32 $0xF000  }
0x7: {  	s29 =	simm.s32 $0x11800;
	s30 =	simm.s32 $0x0;
	s4 =	sand.u32 $0x1, s3  }
0x8: {  	[smem:$0x7FF] =	sst s1;
	s3 =	sadd.s32 $0xBA00, s2;
	s5 =	sshll.u32 s4, $0x4  }
0x9: {  	_ =	strace $0x8000004A;
	s6 =	ssub.s32 $0x2, s4;
	s5 =	sor.u32 s7, s5  }
0xa: {  	s4 =	sadd.s32 $0x1C00, s2;
	s31 =	sshrl.u32 s6, $0x1;
	s10 =	smul.u32 $0x1400, s5  }
0xb: {  	s5 =	sadd.s32 $0x15800, s2;
	s2 =	sadd.s32 $0x16C00, s2;
	s14 =	ssub.s32 s6, s31  }
0xc: {  	s14 =	smax.u32 s14, $0x1;
	s6 =	sadd.s32 s0, s10;
	s11 =	sor.u32 $0x10, s10  }
0xd: {  	s12 =	sor.u32 $0x20, s10;
	s13 =	sor.u32 $0x30, s10;
	s10 =	sadd.s32 s2, s10  }
0xe: {  	s7 =	sadd.s32 s0, s11;
	s8 =	sadd.s32 s0, s12;
	s9 =	sadd.s32 s0, s13  }
0xf: {  	s11 =	sadd.s32 s2, s11;
	s12 =	sadd.s32 s2, s12;
	s13 =	sadd.s32 s2, s13  }
.LBB2_1:
0x10: {  	[tilespmem:s1], [sflag:$0x5] =	stream.strided.gather [hbm4b:s6+s15], $0x2800, s16, s15, $0x38;
	[tilespmem:$0x1A400] =	vst v63  }
0x11: {  	_ =	swait.ge [sflag:s17], $0x2800  }
0x12: {  	[sflag:s17] =	ssyncset.done $0x0  }
0x13: {  	s0 =	simm.s32 $0x2800;
	[sflag:s17] =	ssyncadd.s32 $0xFFFFD800  }
0x14: {  	[tilespmem:s0], [sflag:$0x5] =	stream.strided.gather [hbm4b:s7+s15], $0x2800, s16, s15, $0x38;
	[tilespmem:$0x1A400] =	vst v63  }
0x15: {  	_ =	swait.ge [sflag:s17], $0x2800  }
0x16: {  	[sflag:s17] =	ssyncset.done $0x0  }
0x17: {  	s20 =	simm.s32 $0x5000;
	[sflag:s17] =	ssyncadd.s32 $0xFFFFD800  }
0x18: {  	[tilespmem:s20], [sflag:$0x5] =	stream.strided.gather [hbm4b:s8+s15], $0x2800, s16, s15, $0x38;
	[tilespmem:$0x1A400] =	vst v63  }
0x19: {  	_ =	swait.ge [sflag:s17], $0x2800  }
0x1a: {  	[sflag:s17] =	ssyncset.done $0x0  }
0x1b: {  	s26 =	simm.s32 $0x7800;
	[sflag:s17] =	ssyncadd.s32 $0xFFFFD800  }
0x1c: {  	[tilespmem:s26], [sflag:$0x5] =	stream.strided.gather [hbm4b:s9+s15], $0x2800, s16, s15, $0x38;
	[tilespmem:$0x1A400] =	vst v63  }
0x1d: {  	_ =	swait.ge [sflag:s17], $0x2800  }
0x1e: {  	[sflag:s17] =	ssyncset.done $0x0  }
0x1f: {  	[sflag:s17] =	ssyncadd.s32 $0xFFFFD800  }
0x20: {  	[tilespmem:s21], [sflag:$0x5] =	stream.linear.gather [hbm4b:s5+s1], $0xA000, $0x38;
	[tilespmem:$0x1A400] =	vst v63  }
0x21: {  	_ =	swait.ge [sflag:s17], $0xA000  }
0x22: {  	[sflag:s17] =	ssyncset.done $0x0  }
0x23: {  	s31 =	simm.s32 $0x0;
	[sflag:s17] =	ssyncadd.s32 $0xFFFF6000  }
.LBB2_2:
0x24: {  	s0 =	smul.u32 $0x640, s31;
	_ =	sdelay $0x1  }
0x25: {  	s18 =	simm.s32 $0x14000;
	s2 =	sadd.s32 s3, s0  }
0x26: {  	s19 =	simm.s32 $0x10;
	s20 =	simm.s32 $0x14100;
	s26 =	sadd.s32 $0x0, s2  }
.LBB2_3:
0x27: {  	[tilespmem:s18], [sflag:$0x1] =	stream.linear.gather [hbm4b:s26+s1], $0x80, $0x38;
	[tilespmem:$0x1A400] =	vst v63  }
0x28: {  	s26 =	smov.u32 s19;
	s18 =	smov.u32 s20;
	p0 =	sne.s32 s19, $0x310  }
.Ltmp0:
0x29: {  	s19 =	sadd.s32 $0x10, s19;
	(pc) =	sbr.rel @p0 .LBB2_3-.Ltmp0, $2  }
0x2a: {  	_ =	sdelay $0x2  }
0x2b: {  	s20 =	sadd.s32 $0x100, s20;
	s26 =	sadd.s32 s26, s2  }
0x2c: {  	[tilespmem:s18], [sflag:$0x1] =	stream.linear.gather [hbm4b:s26+s1], $0x80, $0x38;
	[tilespmem:$0x1A400] =	vst v63  }
0x2d: {  	s0 =	sadd.s32 s4, s0;
	s2 =	simm.s32 $0x17200  }
0x2e: {  	s18 =	simm.s32 $0x10;
	s19 =	simm.s32 $0x17300;
	s20 =	sadd.s32 $0x0, s0  }
.LBB2_5:
0x2f: {  	[tilespmem:s2], [sflag:$0x3] =	stream.linear.gather [hbm4b:s20+s1], $0x80, $0x38;
	[tilespmem:$0x1A400] =	vst v63  }
0x30: {  	s20 =	smov.u32 s18;
	s2 =	smov.u32 s19;
	p0 =	sne.s32 s18, $0x310  }
.Ltmp1:
0x31: {  	s18 =	sadd.s32 $0x10, s18;
	(pc) =	sbr.rel @p0 .LBB2_5-.Ltmp1, $2  }
0x32: {  	_ =	sdelay $0x2  }
0x33: {  	s19 =	sadd.s32 $0x100, s19;
	s20 =	sadd.s32 s20, s0  }
0x34: {  	s0 =	smul.u32 $0x3200, s31  }
0x35: {  	[tilespmem:s2], [sflag:$0x3] =	stream.linear.gather [hbm4b:s20+s1], $0x80, $0x38;
	[tilespmem:$0x1A400] =	vst v63  }
0x36: {  	s0 =	sshrl.u32 s0, $0x3  }
0x37: {  	s0 =	sadd.s32 $0x320, s0  }
0x38: {  	s18 =	simm.s32 $0x14080;
	s2 =	sadd.s32 s3, s0  }
0x39: {  	s19 =	simm.s32 $0x10;
	s20 =	simm.s32 $0x14180;
	s26 =	sadd.s32 $0x0, s2  }
.LBB2_7:
0x3a: {  	[tilespmem:s18], [sflag:$0x2] =	stream.linear.gather [hbm4b:s26+s1], $0x80, $0x38;
	[tilespmem:$0x1A400] =	vst v63  }
0x3b: {  	s26 =	smov.u32 s19;
	s18 =	smov.u32 s20;
	p0 =	sne.s32 s19, $0x310  }
.Ltmp2:
0x3c: {  	s19 =	sadd.s32 $0x10, s19;
	(pc) =	sbr.rel @p0 .LBB2_7-.Ltmp2, $2  }
0x3d: {  	_ =	sdelay $0x2  }
0x3e: {  	s20 =	sadd.s32 $0x100, s20;
	s26 =	sadd.s32 s26, s2  }
0x3f: {  	[tilespmem:s18], [sflag:$0x2] =	stream.linear.gather [hbm4b:s26+s1], $0x80, $0x38;
	[tilespmem:$0x1A400] =	vst v63  }
0x40: {  	s0 =	sadd.s32 s4, s0;
	s2 =	simm.s32 $0x17280  }
0x41: {  	s18 =	simm.s32 $0x10;
	s19 =	simm.s32 $0x17380;
	s20 =	sadd.s32 $0x0, s0  }
.LBB2_9:
0x42: {  	[tilespmem:s2], [sflag:$0x4] =	stream.linear.gather [hbm4b:s20+s1], $0x80, $0x38;
	[tilespmem:$0x1A400] =	vst v63  }
0x43: {  	s20 =	smov.u32 s18;
	s2 =	smov.u32 s19;
	p0 =	sne.s32 s18, $0x310  }
.Ltmp3:
0x44: {  	s18 =	sadd.s32 $0x10, s18;
	(pc) =	sbr.rel @p0 .LBB2_9-.Ltmp3, $2  }
0x45: {  	_ =	sdelay $0x2  }
0x46: {  	s19 =	sadd.s32 $0x100, s19;
	s20 =	sadd.s32 s20, s0  }
0x47: {  	[tilespmem:s2], [sflag:$0x4] =	stream.linear.gather [hbm4b:s20+s1], $0x80, $0x38;
	[tilespmem:$0x1A400] =	vst v63  }
0x48: {  	_ =	swait.ge [sflag:s22], $0x1900  }
0x49: {  	[sflag:s22] =	ssyncset.done $0x0  }
0x4a: {  	[sflag:s22] =	ssyncadd.s32 $0xFFFFE700  }
0x4b: {  	_ =	swait.ge [sflag:s23], $0x1900  }
0x4c: {  	[sflag:s23] =	ssyncset.done $0x0  }
0x4d: {  	s26 =	simm.s32 $0x14100;
	[sflag:s23] =	ssyncadd.s32 $0xFFFFE700  }
0x4e: {  	v0 =	vld [tilespmem:s26+$0x40]  }
0x4f: {  	v2 =	vld [tilespmem:s26+$0xFFFFFF00]  }
0x50: {  	v1 =	vld [tilespmem:s26+$0xFFFFFF40];
	_ =	sdelay $0x1  }
0x51: {  	s0 =	simm.s32 $0x17300;
	v4 =	vld [tilespmem:s26+$0x0]  }
0x52: {  	v3 =	vld [tilespmem:s0+$0x40]  }
0x53: {  	v5 =	vld [tilespmem:s0+$0xFFFFFF00]  }
0x54: {  	v9 =	vld [tilespmem:s0+$0xFFFFFF40]  }
0x55: {  	v6 =	vld.idx.msk [tilespmem:v0+s1+$0x0], $0xffff  }
0x56: {  	v10 =	vld.idx.msk [tilespmem:v2+s1+$0x0], $0xffff  }
0x57: {  	v7 =	vld.idx.msk [tilespmem:v1+s1+$0x0], $0xffff  }
0x58: {  	v12 =	vld [tilespmem:s0+$0x0];
	v8 =	vadd.s32 $0x2800, v0  }
0x59: {  	v11 =	vadd.s32 $0x2800, v2;
	v13 =	vld.idx.msk [tilespmem:v4+s1+$0x0], $0xffff  }
0x5a: {  	[tilespmem:v3+s21+$0x0] =	vst.idx.add.f32.msk $0xffff, v6  }
0x5b: {  	[tilespmem:v5+s21+$0x0] =	vst.idx.add.f32.msk $0xffff, v10  }
0x5c: {  	v10 =	vadd.s32 $0x2800, v1;
	[tilespmem:v9+s21+$0x0] =	vst.idx.add.f32.msk $0xffff, v7  }
0x5d: {  	v6 =	vld.idx.msk [tilespmem:v8+s1+$0x0], $0xffff;
	v8 =	vadd.s32 $0x2800, v3  }
0x5e: {  	v7 =	vadd.s32 $0x2800, v5;
	v11 =	vld.idx.msk [tilespmem:v11+s1+$0x0], $0xffff  }
0x5f: {  	v14 =	vadd.s32 $0x5000, v0  }
0x60: {  	v15 =	vadd.s32 $0x2800, v4;
	[tilespmem:v12+s21+$0x0] =	vst.idx.add.f32.msk $0xffff, v13  }
0x61: {  	v40 =	vadd.s32 $0x2800, v9;
	v10 =	vld.idx.msk [tilespmem:v10+s1+$0x0], $0xffff  }
0x62: {  	[tilespmem:v8+s21+$0x0] =	vst.idx.add.f32.msk $0xffff, v6;
	v6 =	vadd.s32 $0x5000, v2  }
0x63: {  	[tilespmem:v7+s21+$0x0] =	vst.idx.add.f32.msk $0xffff, v11;
	v7 =	vadd.s32 $0x5000, v1  }
0x64: {  	v39 =	vadd.s32 $0x5000, v3;
	v8 =	vld.idx.msk [tilespmem:v14+s1+$0x0], $0xffff  }
0x65: {  	v0 =	vadd.s32 $0x7800, v0;
	v15 =	vld.idx.msk [tilespmem:v15+s1+$0x0], $0xffff  }
0x66: {  	v16 =	vadd.s32 $0x2800, v12;
	[tilespmem:v40+s21+$0x0] =	vst.idx.add.f32.msk $0xffff, v10  }
0x67: {  	v11 =	vadd.s32 $0x5000, v4;
	v6 =	vld.idx.msk [tilespmem:v6+s1+$0x0], $0xffff  }
0x68: {  	v10 =	vadd.s32 $0x5000, v9;
	v7 =	vld.idx.msk [tilespmem:v7+s1+$0x0], $0xffff  }
0x69: {  	[tilespmem:v39+s21+$0x0] =	vst.idx.add.f32.msk $0xffff, v8;
	v8 =	vadd.s32 $0x5000, v5  }
0x6a: {  	v3 =	vadd.s32 $0x7800, v3;
	v0 =	vld.idx.msk [tilespmem:v0+s1+$0x0], $0xffff  }
0x6b: {  	[tilespmem:v16+s21+$0x0] =	vst.idx.add.f32.msk $0xffff, v15  }
0x6c: {  	v2 =	vadd.s32 $0x7800, v2;
	v11 =	vld.idx.msk [tilespmem:v11+s1+$0x0], $0xffff  }
0x6d: {  	v1 =	vadd.s32 $0x7800, v1;
	[tilespmem:v10+s21+$0x0] =	vst.idx.add.f32.msk $0xffff, v7  }
0x6e: {  	v41 =	vadd.s32 $0x5000, v12;
	[tilespmem:v8+s21+$0x0] =	vst.idx.add.f32.msk $0xffff, v6  }
0x6f: {  	[tilespmem:v3+s21+$0x0] =	vst.idx.add.f32.msk $0xffff, v0  }
0x70: {  	v0 =	vadd.s32 $0x7800, v4;
	v3 =	vld [tilespmem:s26+$0x50]  }
0x71: {  	v2 =	vld.idx.msk [tilespmem:v2+s1+$0x0], $0xffff;
	v4 =	vadd.s32 $0x7800, v5  }
0x72: {  	v1 =	vld.idx.msk [tilespmem:v1+s1+$0x0], $0xffff;
	v5 =	vadd.s32 $0x7800, v9  }
0x73: {  	[tilespmem:v41+s21+$0x0] =	vst.idx.add.f32.msk $0xffff, v11  }
0x74: {  	v7 =	vld [tilespmem:s0+$0x50]  }
0x75: {  	v6 =	vadd.s32 $0x7800, v12;
	v0 =	vld.idx.msk [tilespmem:v0+s1+$0x0], $0xffff  }
0x76: {  	[tilespmem:v4+s21+$0x0] =	vst.idx.add.f32.msk $0xffff, v2  }
0x77: {  	[tilespmem:v5+s21+$0x0] =	vst.idx.add.f32.msk $0xffff, v1  }
0x78: {  	v2 =	vld.idx.msk [tilespmem:v3+s1+$0x0], $0xffff  }
0x79: {  	v4 =	vld [tilespmem:s26+$0xFFFFFF10]  }
0x7a: {  	v1 =	vadd.s32 $0x2800, v3;
	[tilespmem:v6+s21+$0x0] =	vst.idx.add.f32.msk $0xffff, v0  }
0x7b: {  	v0 =	vld [tilespmem:s26+$0xFFFFFF50]  }
0x7c: {  	v5 =	vld [tilespmem:s26+$0x10]  }
0x7d: {  	[tilespmem:v7+s21+$0x0] =	vst.idx.add.f32.msk $0xffff, v2  }
0x7e: {  	v2 =	vld [tilespmem:s0+$0xFFFFFF10]  }
0x7f: {  	v6 =	vadd.s32 $0x2800, v7;
	v1 =	vld.idx.msk [tilespmem:v1+s1+$0x0], $0xffff  }
0x80: {  	v9 =	vadd.s32 $0x5000, v3;
	v10 =	vld [tilespmem:s0+$0xFFFFFF50]  }
0x81: {  	v11 =	vld [tilespmem:s0+$0x10]  }
0x82: {  	v8 =	vld.idx.msk [tilespmem:v4+s1+$0x0], $0xffff  }
0x83: {  	v42 =	vadd.s32 $0x2800, v4;
	v43 =	vld.idx.msk [tilespmem:v0+s1+$0x0], $0xffff  }
0x84: {  	[tilespmem:v6+s21+$0x0] =	vst.idx.add.f32.msk $0xffff, v1  }
0x85: {  	v1 =	vadd.s32 $0x2800, v0;
	v6 =	vld.idx.msk [tilespmem:v9+s1+$0x0], $0xffff  }
0x86: {  	v44 =	vadd.s32 $0x5000, v7;
	v9 =	vld.idx.msk [tilespmem:v5+s1+$0x0], $0xffff  }
0x87: {  	[tilespmem:v2+s21+$0x0] =	vst.idx.add.f32.msk $0xffff, v8  }
0x88: {  	v3 =	vadd.s32 $0x7800, v3;
	v8 =	vld.idx.msk [tilespmem:v42+s1+$0x0], $0xffff  }
0x89: {  	v45 =	vadd.s32 $0x2800, v5;
	[tilespmem:v10+s21+$0x0] =	vst.idx.add.f32.msk $0xffff, v43  }
0x8a: {  	v46 =	vadd.s32 $0x2800, v2;
	v1 =	vld.idx.msk [tilespmem:v1+s1+$0x0], $0xffff  }
0x8b: {  	v47 =	vadd.s32 $0x5000, v4;
	[tilespmem:v44+s21+$0x0] =	vst.idx.add.f32.msk $0xffff, v6  }
0x8c: {  	v6 =	vadd.s32 $0x7800, v7;
	[tilespmem:v11+s21+$0x0] =	vst.idx.add.f32.msk $0xffff, v9;
	v7 =	vadd.s32 $0x2800, v10  }
0x8d: {  	v3 =	vld.idx.msk [tilespmem:v3+s1+$0x0], $0xffff  }
0x8e: {  	v48 =	vadd.s32 $0x2800, v11;
	v9 =	vld.idx.msk [tilespmem:v45+s1+$0x0], $0xffff  }
0x8f: {  	[tilespmem:v46+s21+$0x0] =	vst.idx.add.f32.msk $0xffff, v8  }
0x90: {  	v8 =	vadd.s32 $0x5000, v0;
	v13 =	vld.idx.msk [tilespmem:v47+s1+$0x0], $0xffff  }
0x91: {  	v49 =	vadd.s32 $0x5000, v5;
	[tilespmem:v7+s21+$0x0] =	vst.idx.add.f32.msk $0xffff, v1  }
0x92: {  	[tilespmem:v6+s21+$0x0] =	vst.idx.add.f32.msk $0xffff, v3;
	v3 =	vadd.s32 $0x5000, v2  }
0x93: {  	[tilespmem:v48+s21+$0x0] =	vst.idx.add.f32.msk $0xffff, v9  }
0x94: {  	v1 =	vadd.s32 $0x7800, v4;
	v6 =	vld [tilespmem:s26+$0x60]  }
0x95: {  	v7 =	vadd.s32 $0x5000, v10;
	v4 =	vld.idx.msk [tilespmem:v8+s1+$0x0], $0xffff  }
0x96: {  	v9 =	vadd.s32 $0x5000, v11;
	v8 =	vld.idx.msk [tilespmem:v49+s1+$0x0], $0xffff  }
0x97: {  	v0 =	vadd.s32 $0x7800, v0;
	[tilespmem:v3+s21+$0x0] =	vst.idx.add.f32.msk $0xffff, v13  }
0x98: {  	v5 =	vadd.s32 $0x7800, v5;
	v3 =	vld [tilespmem:s0+$0x60]  }
0x99: {  	v1 =	vld.idx.msk [tilespmem:v1+s1+$0x0], $0xffff  }
0x9a: {  	[tilespmem:v7+s21+$0x0] =	vst.idx.add.f32.msk $0xffff, v4  }
0x9b: {  	v2 =	vadd.s32 $0x7800, v2;
	[tilespmem:v9+s21+$0x0] =	vst.idx.add.f32.msk $0xffff, v8  }
0x9c: {  	v7 =	vadd.s32 $0x7800, v10;
	v0 =	vld.idx.msk [tilespmem:v0+s1+$0x0], $0xffff  }
0x9d: {  	v8 =	vadd.s32 $0x7800, v11;
	v5 =	vld.idx.msk [tilespmem:v5+s1+$0x0], $0xffff;
	_ =	sdelay $0x1  }
0x9e: {  	v50 =	vld.idx.msk [tilespmem:v6+s1+$0x0], $0xffff  }
0x9f: {  	v4 =	vadd.s32 $0x2800, v6;
	[tilespmem:v2+s21+$0x0] =	vst.idx.add.f32.msk $0xffff, v1  }
0xa0: {  	[tilespmem:v7+s21+$0x0] =	vst.idx.add.f32.msk $0xffff, v0  }
0xa1: {  	[tilespmem:v8+s21+$0x0] =	vst.idx.add.f32.msk $0xffff, v5  }
0xa2: {  	v5 =	vld [tilespmem:s26+$0xFFFFFF60]  }
0xa3: {  	[tilespmem:v3+s21+$0x0] =	vst.idx.add.f32.msk $0xffff, v50  }
0xa4: {  	v1 =	vld.idx.msk [tilespmem:v4+s1+$0x0], $0xffff;
	v4 =	vadd.s32 $0x2800, v3;
	_ =	sdelay $0x1  }
0xa5: {  	v2 =	vld [tilespmem:s26+$0xFFFFFF20];
	v0 =	vadd.s32 $0x5000, v6  }
0xa6: {  	v7 =	vld [tilespmem:s26+$0x20]  }
0xa7: {  	v9 =	vld [tilespmem:s0+$0xFFFFFF60]  }
0xa8: {  	[tilespmem:v4+s21+$0x0] =	vst.idx.add.f32.msk $0xffff, v1  }
0xa9: {  	v1 =	vld [tilespmem:s0+$0xFFFFFF20]  }
0xaa: {  	v4 =	vadd.s32 $0x5000, v3;
	v0 =	vld.idx.msk [tilespmem:v0+s1+$0x0], $0xffff  }
0xab: {  	v51 =	vld.idx.msk [tilespmem:v5+s1+$0x0], $0xffff  }
0xac: {  	v6 =	vadd.s32 $0x7800, v6  }
0xad: {  	v10 =	vld [tilespmem:s0+$0x20]  }
0xae: {  	v8 =	vld.idx.msk [tilespmem:v2+s1+$0x0], $0xffff  }
0xaf: {  	v11 =	vadd.s32 $0x2800, v2;
	[tilespmem:v4+s21+$0x0] =	vst.idx.add.f32.msk $0xffff, v0  }
0xb0: {  	v0 =	vadd.s32 $0x2800, v5;
	[tilespmem:v9+s21+$0x0] =	vst.idx.add.f32.msk $0xffff, v51  }
0xb1: {  	v3 =	vadd.s32 $0x7800, v3;
	v4 =	vld.idx.msk [tilespmem:v6+s1+$0x0], $0xffff  }
0xb2: {  	v6 =	vld.idx.msk [tilespmem:v7+s1+$0x0], $0xffff  }
0xb3: {  	[tilespmem:v1+s21+$0x0] =	vst.idx.add.f32.msk $0xffff, v8  }
0xb4: {  	v8 =	vld.idx.msk [tilespmem:v11+s1+$0x0], $0xffff;
	v11 =	vadd.s32 $0x2800, v7  }
0xb5: {  	v52 =	vadd.s32 $0x2800, v1;
	v0 =	vld.idx.msk [tilespmem:v0+s1+$0x0], $0xffff  }
0xb6: {  	[tilespmem:v3+s21+$0x0] =	vst.idx.add.f32.msk $0xffff, v4  }
0xb7: {  	v53 =	vadd.s32 $0x2800, v9;
	[tilespmem:v10+s21+$0x0] =	vst.idx.add.f32.msk $0xffff, v6  }
0xb8: {  	v3 =	vadd.s32 $0x5000, v2;
	v4 =	vld [tilespmem:s26+$0x70]  }
0xb9: {  	v6 =	vadd.s32 $0x5000, v5;
	v11 =	vld.idx.msk [tilespmem:v11+s1+$0x0], $0xffff  }
0xba: {  	[tilespmem:v52+s21+$0x0] =	vst.idx.add.f32.msk $0xffff, v8;
	v8 =	vadd.s32 $0x2800, v10  }
0xbb: {  	v55 =	vld [tilespmem:s0+$0x70]  }
0xbc: {  	[tilespmem:v53+s21+$0x0] =	vst.idx.add.f32.msk $0xffff, v0;
	v0 =	vadd.s32 $0x5000, v7  }
0xbd: {  	v54 =	vadd.s32 $0x5000, v1;
	v3 =	vld.idx.msk [tilespmem:v3+s1+$0x0], $0xffff  }
0xbe: {  	v56 =	vadd.s32 $0x5000, v9;
	v6 =	vld.idx.msk [tilespmem:v6+s1+$0x0], $0xffff  }
0xbf: {  	v2 =	vadd.s32 $0x7800, v2;
	[tilespmem:v8+s21+$0x0] =	vst.idx.add.f32.msk $0xffff, v11  }
0xc0: {  	v57 =	vld.idx.msk [tilespmem:v4+s1+$0x0], $0xffff  }
0xc1: {  	v11 =	vadd.s32 $0x5000, v10;
	v0 =	vld.idx.msk [tilespmem:v0+s1+$0x0], $0xffff  }
0xc2: {  	v8 =	vadd.s32 $0x2800, v4;
	[tilespmem:v54+s21+$0x0] =	vst.idx.add.f32.msk $0xffff, v3  }
0xc3: {  	v3 =	vadd.s32 $0x7800, v5;
	[tilespmem:v56+s21+$0x0] =	vst.idx.add.f32.msk $0xffff, v6  }
0xc4: {  	v5 =	vadd.s32 $0x7800, v7;
	v2 =	vld.idx.msk [tilespmem:v2+s1+$0x0], $0xffff  }
0xc5: {  	v1 =	vadd.s32 $0x7800, v1;
	[tilespmem:v55+s21+$0x0] =	vst.idx.add.f32.msk $0xffff, v57  }
0xc6: {  	[tilespmem:v11+s21+$0x0] =	vst.idx.add.f32.msk $0xffff, v0  }
0xc7: {  	v0 =	vadd.s32 $0x2800, v55;
	v6 =	vld.idx.msk [tilespmem:v8+s1+$0x0], $0xffff  }
0xc8: {  	v7 =	vadd.s32 $0x7800, v9;
	v3 =	vld.idx.msk [tilespmem:v3+s1+$0x0], $0xffff  }
0xc9: {  	v8 =	vadd.s32 $0x7800, v10;
	v5 =	vld.idx.msk [tilespmem:v5+s1+$0x0], $0xffff  }
0xca: {  	[tilespmem:v1+s21+$0x0] =	vst.idx.add.f32.msk $0xffff, v2  }
0xcb: {  	v1 =	vld [tilespmem:s26+$0xFFFFFF30]  }
0xcc: {  	v2 =	vadd.s32 $0x5000, v4;
	[tilespmem:v0+s21+$0x0] =	vst.idx.add.f32.msk $0xffff, v6  }
0xcd: {  	[tilespmem:v7+s21+$0x0] =	vst.idx.add.f32.msk $0xffff, v3  }
0xce: {  	[tilespmem:v8+s21+$0x0] =	vst.idx.add.f32.msk $0xffff, v5  }
0xcf: {  	v0 =	vld [tilespmem:s26+$0xFFFFFF70]  }
0xd0: {  	v5 =	vld [tilespmem:s26+$0x30]  }
0xd1: {  	v3 =	vadd.s32 $0x5000, v55;
	v2 =	vld.idx.msk [tilespmem:v2+s1+$0x0], $0xffff  }
0xd2: {  	v6 =	vld [tilespmem:s0+$0xFFFFFF30]  }
0xd3: {  	v10 =	vld [tilespmem:s0+$0xFFFFFF70]  }
0xd4: {  	v4 =	vadd.s32 $0x7800, v4;
	v11 =	vld [tilespmem:s0+$0x30]  }
0xd5: {  	v7 =	vld.idx.msk [tilespmem:v1+s1+$0x0], $0xffff  }
0xd6: {  	v8 =	vadd.s32 $0x2800, v1;
	[tilespmem:v3+s21+$0x0] =	vst.idx.add.f32.msk $0xffff, v2  }
0xd7: {  	v2 =	vld.idx.msk [tilespmem:v0+s1+$0x0], $0xffff  }
0xd8: {  	v3 =	vld.idx.msk [tilespmem:v5+s1+$0x0], $0xffff  }
0xd9: {  	v9 =	vadd.s32 $0x2800, v0;
	v4 =	vld.idx.msk [tilespmem:v4+s1+$0x0], $0xffff  }
0xda: {  	v58 =	vadd.s32 $0x2800, v5;
	[tilespmem:v6+s21+$0x0] =	vst.idx.add.f32.msk $0xffff, v7  }
0xdb: {  	v7 =	vadd.s32 $0x7800, v55;
	v8 =	vld.idx.msk [tilespmem:v8+s1+$0x0], $0xffff  }
0xdc: {  	v59 =	vadd.s32 $0x2800, v6;
	[tilespmem:v10+s21+$0x0] =	vst.idx.add.f32.msk $0xffff, v2  }
0xdd: {  	v2 =	vadd.s32 $0x5000, v1;
	[tilespmem:v11+s21+$0x0] =	vst.idx.add.f32.msk $0xffff, v3  }
0xde: {  	v3 =	vadd.s32 $0x2800, v10;
	v9 =	vld.idx.msk [tilespmem:v9+s1+$0x0], $0xffff  }
0xdf: {  	v60 =	vadd.s32 $0x2800, v11;
	v12 =	vld.idx.msk [tilespmem:v58+s1+$0x0], $0xffff  }
0xe0: {  	v61 =	vadd.s32 $0x5000, v0;
	[tilespmem:v7+s21+$0x0] =	vst.idx.add.f32.msk $0xffff, v4  }
0xe1: {  	v4 =	vadd.s32 $0x5000, v5;
	[tilespmem:v59+s21+$0x0] =	vst.idx.add.f32.msk $0xffff, v8  }
0xe2: {  	v62 =	vadd.s32 $0x5000, v6;
	v63 =	vld.idx.msk [tilespmem:v2+s1+$0x0], $0xffff  }
0xe3: {  	[tilespmem:v3+s21+$0x0] =	vst.idx.add.f32.msk $0xffff, v9  }
0xe4: {  	[tilespmem:v60+s21+$0x0] =	vst.idx.add.f32.msk $0xffff, v12  }
0xe5: {  	v7 =	vadd.s32 $0x7800, v1;
	v5 =	vadd.s32 $0x7800, v5;
	v3 =	vld.idx.msk [tilespmem:v61+s1+$0x0], $0xffff  }
0xe6: {  	v1 =	vadd.s32 $0x7800, v10;
	v8 =	vadd.s32 $0x7800, v0;
	v0 =	vadd.s32 $0x7800, v6;
	v4 =	vld.idx.msk [tilespmem:v4+s1+$0x0], $0xffff  }
0xe7: {  	s2 =	simm.s32 $0x0;
	s18 =	simm.s32 $0x14300;
	v2 =	vadd.s32 $0x7800, v11;
	v9 =	vadd.s32 $0x5000, v10;
	v10 =	vadd.s32 $0x5000, v11;
	[tilespmem:v62+s21+$0x0] =	vst.idx.add.f32.msk $0xffff, v63  }
.LBB2_11:
0xe8: {  	v6 =	vld [tilespmem:s18+$0x40];
	s2 =	sadd.s32 $0x4, s2  }
0xe9: {  	v11 =	vld [tilespmem:s18+$0xFFFFFF40];
	p0 =	slt.u32 s2, $0x60  }
0xea: {  	v12 =	vld [tilespmem:s18+$0x0]  }
0xeb: {  	v13 =	vld [tilespmem:s18+$0xFFFFFF00]  }
0xec: {  	[tilespmem:v9+s21+$0x0] =	vst.idx.add.f32.msk $0xffff, v3  }
0xed: {  	s0 =	sadd.s32 $0x200, s0;
	[tilespmem:v10+s21+$0x0] =	vst.idx.add.f32.msk $0xffff, v4  }
0xee: {  	v9 =	vadd.s32 $0x2800, v11;
	v10 =	vadd.s32 $0x5000, v11;
	v14 =	vadd.s32 $0x7800, v11;
	v15 =	vld [tilespmem:s0+$0x40]  }
0xef: {  	v3 =	vld [tilespmem:s0+$0xFFFFFF00];
	v16 =	vadd.s32 $0x2800, v12;
	v17 =	vadd.s32 $0x5000, v12;
	v18 =	vadd.s32 $0x7800, v12  }
0xf0: {  	v19 =	vadd.s32 $0x2800, v13;
	v20 =	vadd.s32 $0x5000, v13;
	v21 =	vadd.s32 $0x7800, v13;
	v4 =	vld.idx.msk [tilespmem:v6+s1+$0x0], $0xffff  }
0xf1: {  	v11 =	vld.idx.msk [tilespmem:v11+s1+$0x0], $0xffff  }
0xf2: {  	v22 =	vadd.s32 $0x2800, v6;
	v12 =	vld.idx.msk [tilespmem:v12+s1+$0x0], $0xffff  }
0xf3: {  	v13 =	vld.idx.msk [tilespmem:v13+s1+$0x0], $0xffff  }
0xf4: {  	v23 =	vadd.s32 $0x2800, v3;
	v24 =	vadd.s32 $0x5000, v3;
	v25 =	vadd.s32 $0x7800, v3;
	v26 =	vld [tilespmem:s0+$0xFFFFFF40]  }
0xf5: {  	v27 =	vld [tilespmem:s0+$0x0]  }
0xf6: {  	[tilespmem:v15+s21+$0x0] =	vst.idx.add.f32.msk $0xffff, v4  }
0xf7: {  	v22 =	vld.idx.msk [tilespmem:v22+s1+$0x0], $0xffff  }
0xf8: {  	v28 =	vadd.s32 $0x2800, v15;
	v4 =	vld.idx.msk [tilespmem:v7+s1+$0x0], $0xffff  }
0xf9: {  	v29 =	vadd.s32 $0x5000, v6;
	[tilespmem:v3+s21+$0x0] =	vst.idx.add.f32.msk $0xffff, v13;
	v7 =	vadd.s32 $0x2800, v26;
	v13 =	vadd.s32 $0x5000, v26  }
0xfa: {  	v30 =	vadd.s32 $0x7800, v26;
	v19 =	vld.idx.msk [tilespmem:v19+s1+$0x0], $0xffff;
	v31 =	vadd.s32 $0x2800, v27;
	v32 =	vadd.s32 $0x5000, v27  }
0xfb: {  	v33 =	vadd.s32 $0x7800, v27;
	v3 =	vld.idx.msk [tilespmem:v8+s1+$0x0], $0xffff  }
0xfc: {  	[tilespmem:v26+s21+$0x0] =	vst.idx.add.f32.msk $0xffff, v11  }
0xfd: {  	[tilespmem:v28+s21+$0x0] =	vst.idx.add.f32.msk $0xffff, v22  }
0xfe: {  	v8 =	vld.idx.msk [tilespmem:v29+s1+$0x0], $0xffff  }
0xff: {  	v11 =	vadd.s32 $0x5000, v15;
	[tilespmem:v27+s21+$0x0] =	vst.idx.add.f32.msk $0xffff, v12  }
0x100: {  	v6 =	vadd.s32 $0x7800, v6;
	v9 =	vld.idx.msk [tilespmem:v9+s1+$0x0], $0xffff  }
0x101: {  	v12 =	vld.idx.msk [tilespmem:v16+s1+$0x0], $0xffff  }
0x102: {  	[tilespmem:v23+s21+$0x0] =	vst.idx.add.f32.msk $0xffff, v19  }
0x103: {  	v16 =	vld.idx.msk [tilespmem:v20+s1+$0x0], $0xffff  }
0x104: {  	[tilespmem:v11+s21+$0x0] =	vst.idx.add.f32.msk $0xffff, v8  }
0x105: {  	v6 =	vld.idx.msk [tilespmem:v6+s1+$0x0], $0xffff  }
0x106: {  	[tilespmem:v7+s21+$0x0] =	vst.idx.add.f32.msk $0xffff, v9;
	v7 =	vadd.s32 $0x7800, v15  }
0x107: {  	[tilespmem:v31+s21+$0x0] =	vst.idx.add.f32.msk $0xffff, v12  }
0x108: {  	v8 =	vld.idx.msk [tilespmem:v10+s1+$0x0], $0xffff  }
0x109: {  	v9 =	vld.idx.msk [tilespmem:v17+s1+$0x0], $0xffff  }
0x10a: {  	[tilespmem:v24+s21+$0x0] =	vst.idx.add.f32.msk $0xffff, v16  }
0x10b: {  	[tilespmem:v7+s21+$0x0] =	vst.idx.add.f32.msk $0xffff, v6  }
0x10c: {  	v6 =	vld [tilespmem:s18+$0x50]  }
0x10d: {  	v7 =	vld.idx.msk [tilespmem:v21+s1+$0x0], $0xffff  }
0x10e: {  	[tilespmem:v13+s21+$0x0] =	vst.idx.add.f32.msk $0xffff, v8  }
0x10f: {  	[tilespmem:v32+s21+$0x0] =	vst.idx.add.f32.msk $0xffff, v9  }
0x110: {  	v8 =	vld.idx.msk [tilespmem:v14+s1+$0x0], $0xffff  }
0x111: {  	v9 =	vld.idx.msk [tilespmem:v18+s1+$0x0], $0xffff  }
0x112: {  	v10 =	vld [tilespmem:s0+$0x50]  }
0x113: {  	[tilespmem:v25+s21+$0x0] =	vst.idx.add.f32.msk $0xffff, v7  }
0x114: {  	v7 =	vld.idx.msk [tilespmem:v6+s1+$0x0], $0xffff  }
0x115: {  	v11 =	vld [tilespmem:s18+$0xFFFFFF10]  }
0x116: {  	[tilespmem:v30+s21+$0x0] =	vst.idx.add.f32.msk $0xffff, v8;
	v8 =	vadd.s32 $0x2800, v6  }
0x117: {  	[tilespmem:v33+s21+$0x0] =	vst.idx.add.f32.msk $0xffff, v9  }
0x118: {  	v9 =	vld [tilespmem:s18+$0xFFFFFF50]  }
0x119: {  	v12 =	vld [tilespmem:s18+$0x10]  }
0x11a: {  	v13 =	vadd.s32 $0x2800, v11;
	v14 =	vadd.s32 $0x5000, v11;
	v15 =	vadd.s32 $0x7800, v11;
	[tilespmem:v10+s21+$0x0] =	vst.idx.add.f32.msk $0xffff, v7  }
0x11b: {  	v7 =	vld.idx.msk [tilespmem:v8+s1+$0x0], $0xffff  }
0x11c: {  	v16 =	vadd.s32 $0x2800, v10;
	v8 =	vld [tilespmem:s0+$0xFFFFFF10]  }
0x11d: {  	v19 =	vadd.s32 $0x5000, v6;
	v11 =	vld.idx.msk [tilespmem:v11+s1+$0x0], $0xffff;
	v17 =	vadd.s32 $0x2800, v9;
	v18 =	vadd.s32 $0x5000, v9  }
0x11e: {  	v21 =	vadd.s32 $0x7800, v9;
	v20 =	vld [tilespmem:s0+$0xFFFFFF50];
	v22 =	vadd.s32 $0x2800, v12;
	v23 =	vadd.s32 $0x5000, v12  }
0x11f: {  	v25 =	vadd.s32 $0x7800, v12;
	v24 =	vld [tilespmem:s0+$0x10]  }
0x120: {  	v9 =	vld.idx.msk [tilespmem:v9+s1+$0x0], $0xffff  }
0x121: {  	v26 =	vadd.s32 $0x2800, v8;
	v27 =	vadd.s32 $0x5000, v8;
	v28 =	vadd.s32 $0x7800, v8;
	[tilespmem:v16+s21+$0x0] =	vst.idx.add.f32.msk $0xffff, v7  }
0x122: {  	v7 =	vld.idx.msk [tilespmem:v19+s1+$0x0], $0xffff  }
0x123: {  	v29 =	vadd.s32 $0x5000, v10;
	v16 =	vadd.s32 $0x2800, v20;
	v19 =	vadd.s32 $0x5000, v20;
	v12 =	vld.idx.msk [tilespmem:v12+s1+$0x0], $0xffff  }
0x124: {  	v6 =	vadd.s32 $0x7800, v6;
	[tilespmem:v8+s21+$0x0] =	vst.idx.add.f32.msk $0xffff, v11;
	v8 =	vadd.s32 $0x2800, v24;
	v11 =	vadd.s32 $0x5000, v24  }
0x125: {  	v30 =	vadd.s32 $0x7800, v20;
	v31 =	vadd.s32 $0x7800, v24;
	v13 =	vld.idx.msk [tilespmem:v13+s1+$0x0], $0xffff  }
0x126: {  	[tilespmem:v20+s21+$0x0] =	vst.idx.add.f32.msk $0xffff, v9  }
0x127: {  	v9 =	vld.idx.msk [tilespmem:v17+s1+$0x0], $0xffff  }
0x128: {  	[tilespmem:v29+s21+$0x0] =	vst.idx.add.f32.msk $0xffff, v7  }
0x129: {  	v6 =	vld.idx.msk [tilespmem:v6+s1+$0x0], $0xffff  }
0x12a: {  	v7 =	vadd.s32 $0x7800, v10;
	[tilespmem:v24+s21+$0x0] =	vst.idx.add.f32.msk $0xffff, v12  }
0x12b: {  	v10 =	vld.idx.msk [tilespmem:v22+s1+$0x0], $0xffff  }
0x12c: {  	[tilespmem:v26+s21+$0x0] =	vst.idx.add.f32.msk $0xffff, v13  }
0x12d: {  	[tilespmem:v16+s21+$0x0] =	vst.idx.add.f32.msk $0xffff, v9  }
0x12e: {  	v9 =	vld.idx.msk [tilespmem:v14+s1+$0x0], $0xffff  }
0x12f: {  	[tilespmem:v7+s21+$0x0] =	vst.idx.add.f32.msk $0xffff, v6  }
0x130: {  	v7 =	vld [tilespmem:s18+$0x60]  }
0x131: {  	[tilespmem:v8+s21+$0x0] =	vst.idx.add.f32.msk $0xffff, v10  }
0x132: {  	v8 =	vld.idx.msk [tilespmem:v18+s1+$0x0], $0xffff  }
0x133: {  	v10 =	vld.idx.msk [tilespmem:v23+s1+$0x0], $0xffff  }
0x134: {  	[tilespmem:v27+s21+$0x0] =	vst.idx.add.f32.msk $0xffff, v9  }
0x135: {  	v9 =	vld.idx.msk [tilespmem:v15+s1+$0x0], $0xffff  }
0x136: {  	v12 =	vld [tilespmem:s0+$0x60]  }
0x137: {  	v6 =	vld.idx.msk [tilespmem:v5+s1+$0x0], $0xffff  }
0x138: {  	v5 =	vld.idx.msk [tilespmem:v7+s1+$0x0], $0xffff  }
0x139: {  	[tilespmem:v19+s21+$0x0] =	vst.idx.add.f32.msk $0xffff, v8  }
0x13a: {  	v8 =	vadd.s32 $0x2800, v7;
	[tilespmem:v11+s21+$0x0] =	vst.idx.add.f32.msk $0xffff, v10  }
0x13b: {  	v10 =	vld.idx.msk [tilespmem:v21+s1+$0x0], $0xffff  }
0x13c: {  	v11 =	vld.idx.msk [tilespmem:v25+s1+$0x0], $0xffff  }
0x13d: {  	[tilespmem:v28+s21+$0x0] =	vst.idx.add.f32.msk $0xffff, v9  }
0x13e: {  	[tilespmem:v12+s21+$0x0] =	vst.idx.add.f32.msk $0xffff, v5  }
0x13f: {  	v5 =	vld.idx.msk [tilespmem:v8+s1+$0x0], $0xffff  }
0x140: {  	v9 =	vadd.s32 $0x2800, v12;
	v8 =	vld [tilespmem:s18+$0xFFFFFF20]  }
0x141: {  	[tilespmem:v30+s21+$0x0] =	vst.idx.add.f32.msk $0xffff, v10;
	v10 =	vadd.s32 $0x5000, v7  }
0x142: {  	[tilespmem:v31+s21+$0x0] =	vst.idx.add.f32.msk $0xffff, v11  }
0x143: {  	v11 =	vld [tilespmem:s18+$0xFFFFFF60]  }
0x144: {  	v13 =	vld [tilespmem:s18+$0x20]  }
0x145: {  	v14 =	vadd.s32 $0x2800, v8;
	v15 =	vadd.s32 $0x5000, v8;
	v16 =	vadd.s32 $0x7800, v8;
	[tilespmem:v9+s21+$0x0] =	vst.idx.add.f32.msk $0xffff, v5  }
0x146: {  	v5 =	vld.idx.msk [tilespmem:v10+s1+$0x0], $0xffff  }
0x147: {  	v10 =	vadd.s32 $0x5000, v12;
	v9 =	vld [tilespmem:s0+$0xFFFFFF20]  }
0x148: {  	v7 =	vadd.s32 $0x7800, v7;
	v8 =	vld.idx.msk [tilespmem:v8+s1+$0x0], $0xffff;
	v17 =	vadd.s32 $0x2800, v11;
	v18 =	vadd.s32 $0x5000, v11  }
0x149: {  	v20 =	vadd.s32 $0x7800, v11;
	v19 =	vld [tilespmem:s0+$0xFFFFFF60];
	v21 =	vadd.s32 $0x2800, v13;
	v22 =	vadd.s32 $0x5000, v13  }
0x14a: {  	v24 =	vadd.s32 $0x7800, v13;
	v23 =	vld [tilespmem:s0+$0x20]  }
0x14b: {  	v11 =	vld.idx.msk [tilespmem:v11+s1+$0x0], $0xffff  }
0x14c: {  	v25 =	vadd.s32 $0x2800, v9;
	v26 =	vadd.s32 $0x5000, v9;
	v27 =	vadd.s32 $0x7800, v9;
	[tilespmem:v10+s21+$0x0] =	vst.idx.add.f32.msk $0xffff, v5  }
0x14d: {  	v5 =	vld.idx.msk [tilespmem:v7+s1+$0x0], $0xffff  }
0x14e: {  	v12 =	vadd.s32 $0x7800, v12;
	v7 =	vadd.s32 $0x2800, v19;
	v10 =	vadd.s32 $0x5000, v19;
	v13 =	vld.idx.msk [tilespmem:v13+s1+$0x0], $0xffff  }
0x14f: {  	[tilespmem:v9+s21+$0x0] =	vst.idx.add.f32.msk $0xffff, v8;
	v8 =	vadd.s32 $0x7800, v19;
	v9 =	vadd.s32 $0x2800, v23;
	v28 =	vadd.s32 $0x5000, v23  }
0x150: {  	v29 =	vadd.s32 $0x7800, v23;
	v14 =	vld.idx.msk [tilespmem:v14+s1+$0x0], $0xffff  }
0x151: {  	[tilespmem:v19+s21+$0x0] =	vst.idx.add.f32.msk $0xffff, v11  }
0x152: {  	v11 =	vld.idx.msk [tilespmem:v17+s1+$0x0], $0xffff  }
0x153: {  	[tilespmem:v12+s21+$0x0] =	vst.idx.add.f32.msk $0xffff, v5  }
0x154: {  	v5 =	vld [tilespmem:s18+$0x70]  }
0x155: {  	[tilespmem:v23+s21+$0x0] =	vst.idx.add.f32.msk $0xffff, v13  }
0x156: {  	v12 =	vld.idx.msk [tilespmem:v21+s1+$0x0], $0xffff  }
0x157: {  	[tilespmem:v25+s21+$0x0] =	vst.idx.add.f32.msk $0xffff, v14  }
0x158: {  	[tilespmem:v7+s21+$0x0] =	vst.idx.add.f32.msk $0xffff, v11  }
0x159: {  	v7 =	vld.idx.msk [tilespmem:v15+s1+$0x0], $0xffff  }
0x15a: {  	v11 =	vld [tilespmem:s0+$0x70]  }
0x15b: {  	v13 =	vld.idx.msk [tilespmem:v18+s1+$0x0], $0xffff  }
0x15c: {  	v14 =	vld.idx.msk [tilespmem:v5+s1+$0x0], $0xffff  }
0x15d: {  	[tilespmem:v9+s21+$0x0] =	vst.idx.add.f32.msk $0xffff, v12  }
0x15e: {  	v12 =	vadd.s32 $0x2800, v5;
	v9 =	vld.idx.msk [tilespmem:v22+s1+$0x0], $0xffff  }
0x15f: {  	[tilespmem:v26+s21+$0x0] =	vst.idx.add.f32.msk $0xffff, v7  }
0x160: {  	v7 =	vld.idx.msk [tilespmem:v16+s1+$0x0], $0xffff  }
0x161: {  	[tilespmem:v10+s21+$0x0] =	vst.idx.add.f32.msk $0xffff, v13  }
0x162: {  	[tilespmem:v11+s21+$0x0] =	vst.idx.add.f32.msk $0xffff, v14  }
0x163: {  	v10 =	vld.idx.msk [tilespmem:v12+s1+$0x0], $0xffff  }
0x164: {  	[tilespmem:v28+s21+$0x0] =	vst.idx.add.f32.msk $0xffff, v9;
	v9 =	vadd.s32 $0x2800, v11  }
0x165: {  	v13 =	vadd.s32 $0x5000, v5;
	v12 =	vld.idx.msk [tilespmem:v20+s1+$0x0], $0xffff  }
0x166: {  	v14 =	vld.idx.msk [tilespmem:v24+s1+$0x0], $0xffff  }
0x167: {  	[tilespmem:v27+s21+$0x0] =	vst.idx.add.f32.msk $0xffff, v7  }
0x168: {  	v15 =	vld [tilespmem:s18+$0xFFFFFF30]  }
0x169: {  	[tilespmem:v9+s21+$0x0] =	vst.idx.add.f32.msk $0xffff, v10  }
0x16a: {  	v9 =	vld.idx.msk [tilespmem:v13+s1+$0x0], $0xffff  }
0x16b: {  	[tilespmem:v8+s21+$0x0] =	vst.idx.add.f32.msk $0xffff, v12;
	v8 =	vadd.s32 $0x5000, v11  }
0x16c: {  	v5 =	vadd.s32 $0x7800, v5;
	[tilespmem:v29+s21+$0x0] =	vst.idx.add.f32.msk $0xffff, v14  }
0x16d: {  	v10 =	vadd.s32 $0x2800, v15;
	v12 =	vadd.s32 $0x5000, v15;
	v7 =	vadd.s32 $0x7800, v15;
	v13 =	vld [tilespmem:s18+$0xFFFFFF70]  }
0x16e: {  	v14 =	vld [tilespmem:s18+$0x30]  }
0x16f: {  	v16 =	vld [tilespmem:s0+$0xFFFFFF30]  }
0x170: {  	[tilespmem:v8+s21+$0x0] =	vst.idx.add.f32.msk $0xffff, v9  }
0x171: {  	v9 =	vld.idx.msk [tilespmem:v5+s1+$0x0], $0xffff  }
0x172: {  	v11 =	vadd.s32 $0x7800, v11;
	v15 =	vld.idx.msk [tilespmem:v15+s1+$0x0], $0xffff;
	v17 =	vadd.s32 $0x2800, v13;
	v18 =	vadd.s32 $0x5000, v13  }
0x173: {  	v8 =	vadd.s32 $0x7800, v13;
	v19 =	vld [tilespmem:s0+$0xFFFFFF70];
	v20 =	vadd.s32 $0x2800, v14;
	v21 =	vadd.s32 $0x5000, v14  }
0x174: {  	v5 =	vadd.s32 $0x7800, v14;
	v22 =	vadd.s32 $0x2800, v16;
	v23 =	vadd.s32 $0x5000, v16;
	v24 =	vld [tilespmem:s0+$0x30]  }
0x175: {  	v25 =	vadd.s32 $0x7800, v16;
	v13 =	vld.idx.msk [tilespmem:v13+s1+$0x0], $0xffff  }
0x176: {  	v14 =	vld.idx.msk [tilespmem:v14+s1+$0x0], $0xffff  }
0x177: {  	[tilespmem:v11+s21+$0x0] =	vst.idx.add.f32.msk $0xffff, v9  }
0x178: {  	[tilespmem:v16+s21+$0x0] =	vst.idx.add.f32.msk $0xffff, v15;
	v11 =	vadd.s32 $0x2800, v19;
	v9 =	vadd.s32 $0x5000, v19;
	v15 =	vadd.s32 $0x7800, v19  }
0x179: {  	v16 =	vld.idx.msk [tilespmem:v10+s1+$0x0], $0xffff;
	v26 =	vadd.s32 $0x2800, v24;
	v10 =	vadd.s32 $0x5000, v24;
	v27 =	vadd.s32 $0x7800, v24  }
0x17a: {  	[tilespmem:v0+s21+$0x0] =	vst.idx.add.f32.msk $0xffff, v4;
	v0 =	vmov v25  }
0x17b: {  	[tilespmem:v19+s21+$0x0] =	vst.idx.add.f32.msk $0xffff, v13  }
0x17c: {  	[tilespmem:v24+s21+$0x0] =	vst.idx.add.f32.msk $0xffff, v14  }
0x17d: {  	v4 =	vld.idx.msk [tilespmem:v17+s1+$0x0], $0xffff  }
0x17e: {  	v13 =	vld.idx.msk [tilespmem:v20+s1+$0x0], $0xffff  }
0x17f: {  	[tilespmem:v22+s21+$0x0] =	vst.idx.add.f32.msk $0xffff, v16  }
0x180: {  	v12 =	vld.idx.msk [tilespmem:v12+s1+$0x0], $0xffff  }
0x181: {  	[tilespmem:v1+s21+$0x0] =	vst.idx.add.f32.msk $0xffff, v3;
	v1 =	vmov v15  }
0x182: {  	[tilespmem:v2+s21+$0x0] =	vst.idx.add.f32.msk $0xffff, v6;
	v2 =	vmov v27  }
.Ltmp4:
0x183: {  	[tilespmem:v11+s21+$0x0] =	vst.idx.add.f32.msk $0xffff, v4;
	(pc) =	sbr.rel @p0 .LBB2_11-.Ltmp4, $4  }
0x184: {  	[tilespmem:v26+s21+$0x0] =	vst.idx.add.f32.msk $0xffff, v13  }
0x185: {  	v3 =	vld.idx.msk [tilespmem:v18+s1+$0x0], $0xffff  }
0x186: {  	v4 =	vld.idx.msk [tilespmem:v21+s1+$0x0], $0xffff  }
0x187: {  	s18 =	sadd.s32 $0x200, s18;
	[tilespmem:v23+s21+$0x0] =	vst.idx.add.f32.msk $0xffff, v12  }
0x188: {  	_ =	sdelay $0x3  }
0x189: {  	[tilespmem:v9+s21+$0x0] =	vst.idx.add.f32.msk $0xffff, v3  }
0x18a: {  	v3 =	vld.idx.msk [tilespmem:v7+s1+$0x0], $0xffff  }
0x18b: {  	[tilespmem:v10+s21+$0x0] =	vst.idx.add.f32.msk $0xffff, v4  }
0x18c: {  	v4 =	vld.idx.msk [tilespmem:v8+s1+$0x0], $0xffff  }
0x18d: {  	v5 =	vld.idx.msk [tilespmem:v5+s1+$0x0], $0xffff;
	_ =	sdelay $0x2  }
0x18e: {  	[tilespmem:v0+s21+$0x0] =	vst.idx.add.f32.msk $0xffff, v3  }
0x18f: {  	[tilespmem:v1+s21+$0x0] =	vst.idx.add.f32.msk $0xffff, v4  }
0x190: {  	[tilespmem:v2+s21+$0x0] =	vst.idx.add.f32.msk $0xffff, v5  }
0x191: {  	_ =	swait.ge [sflag:s24], $0x1900  }
0x192: {  	[sflag:s24] =	ssyncset.done $0x0  }
0x193: {  	[sflag:s24] =	ssyncadd.s32 $0xFFFFE700  }
0x194: {  	_ =	swait.ge [sflag:s25], $0x1900  }
0x195: {  	[sflag:s25] =	ssyncset.done $0x0  }
0x196: {  	s2 =	simm.s32 $0x14180;
	[sflag:s25] =	ssyncadd.s32 $0xFFFFE700  }
0x197: {  	v0 =	vld [tilespmem:s2+$0x40]  }
0x198: {  	v2 =	vld [tilespmem:s2+$0xFFFFFF00]  }
0x199: {  	v1 =	vld [tilespmem:s2+$0xFFFFFF40];
	_ =	sdelay $0x1  }
0x19a: {  	s0 =	simm.s32 $0x17380;
	v4 =	vld [tilespmem:s2+$0x0]  }
0x19b: {  	v3 =	vld [tilespmem:s0+$0x40]  }
0x19c: {  	v5 =	vld [tilespmem:s0+$0xFFFFFF00]  }
0x19d: {  	v9 =	vld [tilespmem:s0+$0xFFFFFF40]  }
0x19e: {  	v6 =	vld.idx.msk [tilespmem:v0+s1+$0x0], $0xffff  }
0x19f: {  	v10 =	vld.idx.msk [tilespmem:v2+s1+$0x0], $0xffff  }
0x1a0: {  	v7 =	vld.idx.msk [tilespmem:v1+s1+$0x0], $0xffff  }
0x1a1: {  	v12 =	vld [tilespmem:s0+$0x0];
	v8 =	vadd.s32 $0x2800, v0  }
0x1a2: {  	v11 =	vadd.s32 $0x2800, v2;
	v13 =	vld.idx.msk [tilespmem:v4+s1+$0x0], $0xffff  }
0x1a3: {  	[tilespmem:v3+s21+$0x0] =	vst.idx.add.f32.msk $0xffff, v6  }
0x1a4: {  	[tilespmem:v5+s21+$0x0] =	vst.idx.add.f32.msk $0xffff, v10  }
0x1a5: {  	v10 =	vadd.s32 $0x2800, v1;
	[tilespmem:v9+s21+$0x0] =	vst.idx.add.f32.msk $0xffff, v7  }
0x1a6: {  	v6 =	vld.idx.msk [tilespmem:v8+s1+$0x0], $0xffff;
	v8 =	vadd.s32 $0x2800, v3  }
0x1a7: {  	v7 =	vadd.s32 $0x2800, v5;
	v11 =	vld.idx.msk [tilespmem:v11+s1+$0x0], $0xffff  }
0x1a8: {  	v14 =	vadd.s32 $0x5000, v0  }
0x1a9: {  	v15 =	vadd.s32 $0x2800, v4;
	[tilespmem:v12+s21+$0x0] =	vst.idx.add.f32.msk $0xffff, v13  }
0x1aa: {  	v40 =	vadd.s32 $0x2800, v9;
	v10 =	vld.idx.msk [tilespmem:v10+s1+$0x0], $0xffff  }
0x1ab: {  	[tilespmem:v8+s21+$0x0] =	vst.idx.add.f32.msk $0xffff, v6;
	v6 =	vadd.s32 $0x5000, v2  }
0x1ac: {  	[tilespmem:v7+s21+$0x0] =	vst.idx.add.f32.msk $0xffff, v11;
	v7 =	vadd.s32 $0x5000, v1  }
0x1ad: {  	v39 =	vadd.s32 $0x5000, v3;
	v8 =	vld.idx.msk [tilespmem:v14+s1+$0x0], $0xffff  }
0x1ae: {  	v0 =	vadd.s32 $0x7800, v0;
	v15 =	vld.idx.msk [tilespmem:v15+s1+$0x0], $0xffff  }
0x1af: {  	v16 =	vadd.s32 $0x2800, v12;
	[tilespmem:v40+s21+$0x0] =	vst.idx.add.f32.msk $0xffff, v10  }
0x1b0: {  	v11 =	vadd.s32 $0x5000, v4;
	v6 =	vld.idx.msk [tilespmem:v6+s1+$0x0], $0xffff  }
0x1b1: {  	v10 =	vadd.s32 $0x5000, v9;
	v7 =	vld.idx.msk [tilespmem:v7+s1+$0x0], $0xffff  }
0x1b2: {  	[tilespmem:v39+s21+$0x0] =	vst.idx.add.f32.msk $0xffff, v8;
	v8 =	vadd.s32 $0x5000, v5  }
0x1b3: {  	v3 =	vadd.s32 $0x7800, v3;
	v0 =	vld.idx.msk [tilespmem:v0+s1+$0x0], $0xffff  }
0x1b4: {  	[tilespmem:v16+s21+$0x0] =	vst.idx.add.f32.msk $0xffff, v15  }
0x1b5: {  	v2 =	vadd.s32 $0x7800, v2;
	v11 =	vld.idx.msk [tilespmem:v11+s1+$0x0], $0xffff  }
0x1b6: {  	v1 =	vadd.s32 $0x7800, v1;
	[tilespmem:v10+s21+$0x0] =	vst.idx.add.f32.msk $0xffff, v7  }
0x1b7: {  	v41 =	vadd.s32 $0x5000, v12;
	[tilespmem:v8+s21+$0x0] =	vst.idx.add.f32.msk $0xffff, v6  }
0x1b8: {  	[tilespmem:v3+s21+$0x0] =	vst.idx.add.f32.msk $0xffff, v0  }
0x1b9: {  	v0 =	vadd.s32 $0x7800, v4;
	v3 =	vld [tilespmem:s2+$0x50]  }
0x1ba: {  	v2 =	vld.idx.msk [tilespmem:v2+s1+$0x0], $0xffff;
	v4 =	vadd.s32 $0x7800, v5  }
0x1bb: {  	v1 =	vld.idx.msk [tilespmem:v1+s1+$0x0], $0xffff;
	v5 =	vadd.s32 $0x7800, v9  }
0x1bc: {  	[tilespmem:v41+s21+$0x0] =	vst.idx.add.f32.msk $0xffff, v11  }
0x1bd: {  	v7 =	vld [tilespmem:s0+$0x50]  }
0x1be: {  	v6 =	vadd.s32 $0x7800, v12;
	v0 =	vld.idx.msk [tilespmem:v0+s1+$0x0], $0xffff  }
0x1bf: {  	[tilespmem:v4+s21+$0x0] =	vst.idx.add.f32.msk $0xffff, v2  }
0x1c0: {  	[tilespmem:v5+s21+$0x0] =	vst.idx.add.f32.msk $0xffff, v1  }
0x1c1: {  	v2 =	vld.idx.msk [tilespmem:v3+s1+$0x0], $0xffff  }
0x1c2: {  	v4 =	vld [tilespmem:s2+$0xFFFFFF10]  }
0x1c3: {  	v1 =	vadd.s32 $0x2800, v3;
	[tilespmem:v6+s21+$0x0] =	vst.idx.add.f32.msk $0xffff, v0  }
0x1c4: {  	v0 =	vld [tilespmem:s2+$0xFFFFFF50]  }
0x1c5: {  	v5 =	vld [tilespmem:s2+$0x10]  }
0x1c6: {  	[tilespmem:v7+s21+$0x0] =	vst.idx.add.f32.msk $0xffff, v2  }
0x1c7: {  	v2 =	vld [tilespmem:s0+$0xFFFFFF10]  }
0x1c8: {  	v6 =	vadd.s32 $0x2800, v7;
	v1 =	vld.idx.msk [tilespmem:v1+s1+$0x0], $0xffff  }
0x1c9: {  	v9 =	vadd.s32 $0x5000, v3;
	v10 =	vld [tilespmem:s0+$0xFFFFFF50]  }
0x1ca: {  	v11 =	vld [tilespmem:s0+$0x10]  }
0x1cb: {  	v8 =	vld.idx.msk [tilespmem:v4+s1+$0x0], $0xffff  }
0x1cc: {  	v42 =	vadd.s32 $0x2800, v4;
	v43 =	vld.idx.msk [tilespmem:v0+s1+$0x0], $0xffff  }
0x1cd: {  	[tilespmem:v6+s21+$0x0] =	vst.idx.add.f32.msk $0xffff, v1  }
0x1ce: {  	v1 =	vadd.s32 $0x2800, v0;
	v6 =	vld.idx.msk [tilespmem:v9+s1+$0x0], $0xffff  }
0x1cf: {  	v44 =	vadd.s32 $0x5000, v7;
	v9 =	vld.idx.msk [tilespmem:v5+s1+$0x0], $0xffff  }
0x1d0: {  	[tilespmem:v2+s21+$0x0] =	vst.idx.add.f32.msk $0xffff, v8  }
0x1d1: {  	v3 =	vadd.s32 $0x7800, v3;
	v8 =	vld.idx.msk [tilespmem:v42+s1+$0x0], $0xffff  }
0x1d2: {  	v45 =	vadd.s32 $0x2800, v5;
	[tilespmem:v10+s21+$0x0] =	vst.idx.add.f32.msk $0xffff, v43  }
0x1d3: {  	v46 =	vadd.s32 $0x2800, v2;
	v1 =	vld.idx.msk [tilespmem:v1+s1+$0x0], $0xffff  }
0x1d4: {  	v47 =	vadd.s32 $0x5000, v4;
	[tilespmem:v44+s21+$0x0] =	vst.idx.add.f32.msk $0xffff, v6  }
0x1d5: {  	v6 =	vadd.s32 $0x7800, v7;
	[tilespmem:v11+s21+$0x0] =	vst.idx.add.f32.msk $0xffff, v9;
	v7 =	vadd.s32 $0x2800, v10  }
0x1d6: {  	v3 =	vld.idx.msk [tilespmem:v3+s1+$0x0], $0xffff  }
0x1d7: {  	v48 =	vadd.s32 $0x2800, v11;
	v9 =	vld.idx.msk [tilespmem:v45+s1+$0x0], $0xffff  }
0x1d8: {  	[tilespmem:v46+s21+$0x0] =	vst.idx.add.f32.msk $0xffff, v8  }
0x1d9: {  	v8 =	vadd.s32 $0x5000, v0;
	v13 =	vld.idx.msk [tilespmem:v47+s1+$0x0], $0xffff  }
0x1da: {  	v49 =	vadd.s32 $0x5000, v5;
	[tilespmem:v7+s21+$0x0] =	vst.idx.add.f32.msk $0xffff, v1  }
0x1db: {  	[tilespmem:v6+s21+$0x0] =	vst.idx.add.f32.msk $0xffff, v3;
	v3 =	vadd.s32 $0x5000, v2  }
0x1dc: {  	[tilespmem:v48+s21+$0x0] =	vst.idx.add.f32.msk $0xffff, v9  }
0x1dd: {  	v1 =	vadd.s32 $0x7800, v4;
	v6 =	vld [tilespmem:s2+$0x60]  }
0x1de: {  	v7 =	vadd.s32 $0x5000, v10;
	v4 =	vld.idx.msk [tilespmem:v8+s1+$0x0], $0xffff  }
0x1df: {  	v9 =	vadd.s32 $0x5000, v11;
	v8 =	vld.idx.msk [tilespmem:v49+s1+$0x0], $0xffff  }
0x1e0: {  	v0 =	vadd.s32 $0x7800, v0;
	[tilespmem:v3+s21+$0x0] =	vst.idx.add.f32.msk $0xffff, v13  }
0x1e1: {  	v5 =	vadd.s32 $0x7800, v5;
	v3 =	vld [tilespmem:s0+$0x60]  }
0x1e2: {  	v1 =	vld.idx.msk [tilespmem:v1+s1+$0x0], $0xffff  }
0x1e3: {  	[tilespmem:v7+s21+$0x0] =	vst.idx.add.f32.msk $0xffff, v4  }
0x1e4: {  	v2 =	vadd.s32 $0x7800, v2;
	[tilespmem:v9+s21+$0x0] =	vst.idx.add.f32.msk $0xffff, v8  }
0x1e5: {  	v7 =	vadd.s32 $0x7800, v10;
	v0 =	vld.idx.msk [tilespmem:v0+s1+$0x0], $0xffff  }
0x1e6: {  	v8 =	vadd.s32 $0x7800, v11;
	v5 =	vld.idx.msk [tilespmem:v5+s1+$0x0], $0xffff;
	_ =	sdelay $0x1  }
0x1e7: {  	v50 =	vld.idx.msk [tilespmem:v6+s1+$0x0], $0xffff  }
0x1e8: {  	v4 =	vadd.s32 $0x2800, v6;
	[tilespmem:v2+s21+$0x0] =	vst.idx.add.f32.msk $0xffff, v1  }
0x1e9: {  	[tilespmem:v7+s21+$0x0] =	vst.idx.add.f32.msk $0xffff, v0  }
0x1ea: {  	[tilespmem:v8+s21+$0x0] =	vst.idx.add.f32.msk $0xffff, v5  }
0x1eb: {  	v5 =	vld [tilespmem:s2+$0xFFFFFF60]  }
0x1ec: {  	[tilespmem:v3+s21+$0x0] =	vst.idx.add.f32.msk $0xffff, v50  }
0x1ed: {  	v1 =	vld.idx.msk [tilespmem:v4+s1+$0x0], $0xffff;
	v4 =	vadd.s32 $0x2800, v3;
	_ =	sdelay $0x1  }
0x1ee: {  	v2 =	vld [tilespmem:s2+$0xFFFFFF20];
	v0 =	vadd.s32 $0x5000, v6  }
0x1ef: {  	v7 =	vld [tilespmem:s2+$0x20]  }
0x1f0: {  	v9 =	vld [tilespmem:s0+$0xFFFFFF60]  }
0x1f1: {  	[tilespmem:v4+s21+$0x0] =	vst.idx.add.f32.msk $0xffff, v1  }
0x1f2: {  	v1 =	vld [tilespmem:s0+$0xFFFFFF20]  }
0x1f3: {  	v4 =	vadd.s32 $0x5000, v3;
	v0 =	vld.idx.msk [tilespmem:v0+s1+$0x0], $0xffff  }
0x1f4: {  	v51 =	vld.idx.msk [tilespmem:v5+s1+$0x0], $0xffff  }
0x1f5: {  	v6 =	vadd.s32 $0x7800, v6  }
0x1f6: {  	v10 =	vld [tilespmem:s0+$0x20]  }
0x1f7: {  	v8 =	vld.idx.msk [tilespmem:v2+s1+$0x0], $0xffff  }
0x1f8: {  	v11 =	vadd.s32 $0x2800, v2;
	[tilespmem:v4+s21+$0x0] =	vst.idx.add.f32.msk $0xffff, v0  }
0x1f9: {  	v0 =	vadd.s32 $0x2800, v5;
	[tilespmem:v9+s21+$0x0] =	vst.idx.add.f32.msk $0xffff, v51  }
0x1fa: {  	v3 =	vadd.s32 $0x7800, v3;
	v4 =	vld.idx.msk [tilespmem:v6+s1+$0x0], $0xffff  }
0x1fb: {  	v6 =	vld.idx.msk [tilespmem:v7+s1+$0x0], $0xffff  }
0x1fc: {  	[tilespmem:v1+s21+$0x0] =	vst.idx.add.f32.msk $0xffff, v8  }
0x1fd: {  	v8 =	vld.idx.msk [tilespmem:v11+s1+$0x0], $0xffff;
	v11 =	vadd.s32 $0x2800, v7  }
0x1fe: {  	v52 =	vadd.s32 $0x2800, v1;
	v0 =	vld.idx.msk [tilespmem:v0+s1+$0x0], $0xffff  }
0x1ff: {  	[tilespmem:v3+s21+$0x0] =	vst.idx.add.f32.msk $0xffff, v4  }
0x200: {  	v53 =	vadd.s32 $0x2800, v9;
	[tilespmem:v10+s21+$0x0] =	vst.idx.add.f32.msk $0xffff, v6  }
0x201: {  	v3 =	vadd.s32 $0x5000, v2;
	v4 =	vld [tilespmem:s2+$0x70]  }
0x202: {  	v6 =	vadd.s32 $0x5000, v5;
	v11 =	vld.idx.msk [tilespmem:v11+s1+$0x0], $0xffff  }
0x203: {  	[tilespmem:v52+s21+$0x0] =	vst.idx.add.f32.msk $0xffff, v8;
	v8 =	vadd.s32 $0x2800, v10  }
0x204: {  	v55 =	vld [tilespmem:s0+$0x70]  }
0x205: {  	[tilespmem:v53+s21+$0x0] =	vst.idx.add.f32.msk $0xffff, v0;
	v0 =	vadd.s32 $0x5000, v7  }
0x206: {  	v54 =	vadd.s32 $0x5000, v1;
	v3 =	vld.idx.msk [tilespmem:v3+s1+$0x0], $0xffff  }
0x207: {  	v56 =	vadd.s32 $0x5000, v9;
	v6 =	vld.idx.msk [tilespmem:v6+s1+$0x0], $0xffff  }
0x208: {  	v2 =	vadd.s32 $0x7800, v2;
	[tilespmem:v8+s21+$0x0] =	vst.idx.add.f32.msk $0xffff, v11  }
0x209: {  	v57 =	vld.idx.msk [tilespmem:v4+s1+$0x0], $0xffff  }
0x20a: {  	v11 =	vadd.s32 $0x5000, v10;
	v0 =	vld.idx.msk [tilespmem:v0+s1+$0x0], $0xffff  }
0x20b: {  	v8 =	vadd.s32 $0x2800, v4;
	[tilespmem:v54+s21+$0x0] =	vst.idx.add.f32.msk $0xffff, v3  }
0x20c: {  	v3 =	vadd.s32 $0x7800, v5;
	[tilespmem:v56+s21+$0x0] =	vst.idx.add.f32.msk $0xffff, v6  }
0x20d: {  	v5 =	vadd.s32 $0x7800, v7;
	v2 =	vld.idx.msk [tilespmem:v2+s1+$0x0], $0xffff  }
0x20e: {  	v1 =	vadd.s32 $0x7800, v1;
	[tilespmem:v55+s21+$0x0] =	vst.idx.add.f32.msk $0xffff, v57  }
0x20f: {  	[tilespmem:v11+s21+$0x0] =	vst.idx.add.f32.msk $0xffff, v0  }
0x210: {  	v0 =	vadd.s32 $0x2800, v55;
	v6 =	vld.idx.msk [tilespmem:v8+s1+$0x0], $0xffff  }
0x211: {  	v7 =	vadd.s32 $0x7800, v9;
	v3 =	vld.idx.msk [tilespmem:v3+s1+$0x0], $0xffff  }
0x212: {  	v8 =	vadd.s32 $0x7800, v10;
	v5 =	vld.idx.msk [tilespmem:v5+s1+$0x0], $0xffff  }
0x213: {  	[tilespmem:v1+s21+$0x0] =	vst.idx.add.f32.msk $0xffff, v2  }
0x214: {  	v1 =	vld [tilespmem:s2+$0xFFFFFF30]  }
0x215: {  	v2 =	vadd.s32 $0x5000, v4;
	[tilespmem:v0+s21+$0x0] =	vst.idx.add.f32.msk $0xffff, v6  }
0x216: {  	[tilespmem:v7+s21+$0x0] =	vst.idx.add.f32.msk $0xffff, v3  }
0x217: {  	[tilespmem:v8+s21+$0x0] =	vst.idx.add.f32.msk $0xffff, v5  }
0x218: {  	v0 =	vld [tilespmem:s2+$0xFFFFFF70]  }
0x219: {  	v5 =	vld [tilespmem:s2+$0x30]  }
0x21a: {  	v3 =	vadd.s32 $0x5000, v55;
	v2 =	vld.idx.msk [tilespmem:v2+s1+$0x0], $0xffff  }
0x21b: {  	v6 =	vld [tilespmem:s0+$0xFFFFFF30]  }
0x21c: {  	v10 =	vld [tilespmem:s0+$0xFFFFFF70]  }
0x21d: {  	v4 =	vadd.s32 $0x7800, v4;
	v11 =	vld [tilespmem:s0+$0x30]  }
0x21e: {  	v7 =	vld.idx.msk [tilespmem:v1+s1+$0x0], $0xffff  }
0x21f: {  	v8 =	vadd.s32 $0x2800, v1;
	[tilespmem:v3+s21+$0x0] =	vst.idx.add.f32.msk $0xffff, v2  }
0x220: {  	v2 =	vld.idx.msk [tilespmem:v0+s1+$0x0], $0xffff  }
0x221: {  	v3 =	vld.idx.msk [tilespmem:v5+s1+$0x0], $0xffff  }
0x222: {  	v9 =	vadd.s32 $0x2800, v0;
	v4 =	vld.idx.msk [tilespmem:v4+s1+$0x0], $0xffff  }
0x223: {  	v58 =	vadd.s32 $0x2800, v5;
	[tilespmem:v6+s21+$0x0] =	vst.idx.add.f32.msk $0xffff, v7  }
0x224: {  	v7 =	vadd.s32 $0x7800, v55;
	v8 =	vld.idx.msk [tilespmem:v8+s1+$0x0], $0xffff  }
0x225: {  	v59 =	vadd.s32 $0x2800, v6;
	[tilespmem:v10+s21+$0x0] =	vst.idx.add.f32.msk $0xffff, v2  }
0x226: {  	v2 =	vadd.s32 $0x5000, v1;
	[tilespmem:v11+s21+$0x0] =	vst.idx.add.f32.msk $0xffff, v3  }
0x227: {  	v3 =	vadd.s32 $0x2800, v10;
	v9 =	vld.idx.msk [tilespmem:v9+s1+$0x0], $0xffff  }
0x228: {  	v60 =	vadd.s32 $0x2800, v11;
	v12 =	vld.idx.msk [tilespmem:v58+s1+$0x0], $0xffff  }
0x229: {  	v61 =	vadd.s32 $0x5000, v0;
	[tilespmem:v7+s21+$0x0] =	vst.idx.add.f32.msk $0xffff, v4  }
0x22a: {  	v4 =	vadd.s32 $0x5000, v5;
	[tilespmem:v59+s21+$0x0] =	vst.idx.add.f32.msk $0xffff, v8  }
0x22b: {  	v62 =	vadd.s32 $0x5000, v6;
	v63 =	vld.idx.msk [tilespmem:v2+s1+$0x0], $0xffff  }
0x22c: {  	[tilespmem:v3+s21+$0x0] =	vst.idx.add.f32.msk $0xffff, v9  }
0x22d: {  	[tilespmem:v60+s21+$0x0] =	vst.idx.add.f32.msk $0xffff, v12  }
0x22e: {  	v7 =	vadd.s32 $0x7800, v1;
	v5 =	vadd.s32 $0x7800, v5;
	v3 =	vld.idx.msk [tilespmem:v61+s1+$0x0], $0xffff  }
0x22f: {  	v1 =	vadd.s32 $0x7800, v10;
	v8 =	vadd.s32 $0x7800, v0;
	v0 =	vadd.s32 $0x7800, v6;
	v4 =	vld.idx.msk [tilespmem:v4+s1+$0x0], $0xffff  }
0x230: {  	s18 =	simm.s32 $0x14380;
	s2 =	simm.s32 $0x0;
	v2 =	vadd.s32 $0x7800, v11;
	v9 =	vadd.s32 $0x5000, v10;
	v10 =	vadd.s32 $0x5000, v11;
	[tilespmem:v62+s21+$0x0] =	vst.idx.add.f32.msk $0xffff, v63  }
.LBB2_13:
0x231: {  	v6 =	vld [tilespmem:s18+$0x40];
	s2 =	sadd.s32 $0x4, s2  }
0x232: {  	v11 =	vld [tilespmem:s18+$0xFFFFFF40];
	p0 =	slt.u32 s2, $0x60  }
0x233: {  	v12 =	vld [tilespmem:s18+$0x0]  }
0x234: {  	v13 =	vld [tilespmem:s18+$0xFFFFFF00]  }
0x235: {  	[tilespmem:v9+s21+$0x0] =	vst.idx.add.f32.msk $0xffff, v3  }
0x236: {  	s0 =	sadd.s32 $0x200, s0;
	[tilespmem:v10+s21+$0x0] =	vst.idx.add.f32.msk $0xffff, v4  }
0x237: {  	v9 =	vadd.s32 $0x2800, v11;
	v10 =	vadd.s32 $0x5000, v11;
	v14 =	vadd.s32 $0x7800, v11;
	v15 =	vld [tilespmem:s0+$0x40]  }
0x238: {  	v3 =	vld [tilespmem:s0+$0xFFFFFF00];
	v16 =	vadd.s32 $0x2800, v12;
	v17 =	vadd.s32 $0x5000, v12;
	v18 =	vadd.s32 $0x7800, v12  }
0x239: {  	v19 =	vadd.s32 $0x2800, v13;
	v20 =	vadd.s32 $0x5000, v13;
	v21 =	vadd.s32 $0x7800, v13;
	v4 =	vld.idx.msk [tilespmem:v6+s1+$0x0], $0xffff  }
0x23a: {  	v11 =	vld.idx.msk [tilespmem:v11+s1+$0x0], $0xffff  }
0x23b: {  	v22 =	vadd.s32 $0x2800, v6;
	v12 =	vld.idx.msk [tilespmem:v12+s1+$0x0], $0xffff  }
0x23c: {  	v13 =	vld.idx.msk [tilespmem:v13+s1+$0x0], $0xffff  }
0x23d: {  	v23 =	vadd.s32 $0x2800, v3;
	v24 =	vadd.s32 $0x5000, v3;
	v25 =	vadd.s32 $0x7800, v3;
	v26 =	vld [tilespmem:s0+$0xFFFFFF40]  }
0x23e: {  	v27 =	vld [tilespmem:s0+$0x0]  }
0x23f: {  	[tilespmem:v15+s21+$0x0] =	vst.idx.add.f32.msk $0xffff, v4  }
0x240: {  	v22 =	vld.idx.msk [tilespmem:v22+s1+$0x0], $0xffff  }
0x241: {  	v28 =	vadd.s32 $0x2800, v15;
	v4 =	vld.idx.msk [tilespmem:v7+s1+$0x0], $0xffff  }
0x242: {  	v29 =	vadd.s32 $0x5000, v6;
	[tilespmem:v3+s21+$0x0] =	vst.idx.add.f32.msk $0xffff, v13;
	v7 =	vadd.s32 $0x2800, v26;
	v13 =	vadd.s32 $0x5000, v26  }
0x243: {  	v30 =	vadd.s32 $0x7800, v26;
	v19 =	vld.idx.msk [tilespmem:v19+s1+$0x0], $0xffff;
	v31 =	vadd.s32 $0x2800, v27;
	v32 =	vadd.s32 $0x5000, v27  }
0x244: {  	v33 =	vadd.s32 $0x7800, v27;
	v3 =	vld.idx.msk [tilespmem:v8+s1+$0x0], $0xffff  }
0x245: {  	[tilespmem:v26+s21+$0x0] =	vst.idx.add.f32.msk $0xffff, v11  }
0x246: {  	[tilespmem:v28+s21+$0x0] =	vst.idx.add.f32.msk $0xffff, v22  }
0x247: {  	v8 =	vld.idx.msk [tilespmem:v29+s1+$0x0], $0xffff  }
0x248: {  	v11 =	vadd.s32 $0x5000, v15;
	[tilespmem:v27+s21+$0x0] =	vst.idx.add.f32.msk $0xffff, v12  }
0x249: {  	v6 =	vadd.s32 $0x7800, v6;
	v9 =	vld.idx.msk [tilespmem:v9+s1+$0x0], $0xffff  }
0x24a: {  	v12 =	vld.idx.msk [tilespmem:v16+s1+$0x0], $0xffff  }
0x24b: {  	[tilespmem:v23+s21+$0x0] =	vst.idx.add.f32.msk $0xffff, v19  }
0x24c: {  	v16 =	vld.idx.msk [tilespmem:v20+s1+$0x0], $0xffff  }
0x24d: {  	[tilespmem:v11+s21+$0x0] =	vst.idx.add.f32.msk $0xffff, v8  }
0x24e: {  	v6 =	vld.idx.msk [tilespmem:v6+s1+$0x0], $0xffff  }
0x24f: {  	[tilespmem:v7+s21+$0x0] =	vst.idx.add.f32.msk $0xffff, v9;
	v7 =	vadd.s32 $0x7800, v15  }
0x250: {  	[tilespmem:v31+s21+$0x0] =	vst.idx.add.f32.msk $0xffff, v12  }
0x251: {  	v8 =	vld.idx.msk [tilespmem:v10+s1+$0x0], $0xffff  }
0x252: {  	v9 =	vld.idx.msk [tilespmem:v17+s1+$0x0], $0xffff  }
0x253: {  	[tilespmem:v24+s21+$0x0] =	vst.idx.add.f32.msk $0xffff, v16  }
0x254: {  	[tilespmem:v7+s21+$0x0] =	vst.idx.add.f32.msk $0xffff, v6  }
0x255: {  	v6 =	vld [tilespmem:s18+$0x50]  }
0x256: {  	v7 =	vld.idx.msk [tilespmem:v21+s1+$0x0], $0xffff  }
0x257: {  	[tilespmem:v13+s21+$0x0] =	vst.idx.add.f32.msk $0xffff, v8  }
0x258: {  	[tilespmem:v32+s21+$0x0] =	vst.idx.add.f32.msk $0xffff, v9  }
0x259: {  	v8 =	vld.idx.msk [tilespmem:v14+s1+$0x0], $0xffff  }
0x25a: {  	v9 =	vld.idx.msk [tilespmem:v18+s1+$0x0], $0xffff  }
0x25b: {  	v10 =	vld [tilespmem:s0+$0x50]  }
0x25c: {  	[tilespmem:v25+s21+$0x0] =	vst.idx.add.f32.msk $0xffff, v7  }
0x25d: {  	v7 =	vld.idx.msk [tilespmem:v6+s1+$0x0], $0xffff  }
0x25e: {  	v11 =	vld [tilespmem:s18+$0xFFFFFF10]  }
0x25f: {  	[tilespmem:v30+s21+$0x0] =	vst.idx.add.f32.msk $0xffff, v8;
	v8 =	vadd.s32 $0x2800, v6  }
0x260: {  	[tilespmem:v33+s21+$0x0] =	vst.idx.add.f32.msk $0xffff, v9  }
0x261: {  	v9 =	vld [tilespmem:s18+$0xFFFFFF50]  }
0x262: {  	v12 =	vld [tilespmem:s18+$0x10]  }
0x263: {  	v13 =	vadd.s32 $0x2800, v11;
	v14 =	vadd.s32 $0x5000, v11;
	v15 =	vadd.s32 $0x7800, v11;
	[tilespmem:v10+s21+$0x0] =	vst.idx.add.f32.msk $0xffff, v7  }
0x264: {  	v7 =	vld.idx.msk [tilespmem:v8+s1+$0x0], $0xffff  }
0x265: {  	v16 =	vadd.s32 $0x2800, v10;
	v8 =	vld [tilespmem:s0+$0xFFFFFF10]  }
0x266: {  	v19 =	vadd.s32 $0x5000, v6;
	v11 =	vld.idx.msk [tilespmem:v11+s1+$0x0], $0xffff;
	v17 =	vadd.s32 $0x2800, v9;
	v18 =	vadd.s32 $0x5000, v9  }
0x267: {  	v21 =	vadd.s32 $0x7800, v9;
	v20 =	vld [tilespmem:s0+$0xFFFFFF50];
	v22 =	vadd.s32 $0x2800, v12;
	v23 =	vadd.s32 $0x5000, v12  }
0x268: {  	v25 =	vadd.s32 $0x7800, v12;
	v24 =	vld [tilespmem:s0+$0x10]  }
0x269: {  	v9 =	vld.idx.msk [tilespmem:v9+s1+$0x0], $0xffff  }
0x26a: {  	v26 =	vadd.s32 $0x2800, v8;
	v27 =	vadd.s32 $0x5000, v8;
	v28 =	vadd.s32 $0x7800, v8;
	[tilespmem:v16+s21+$0x0] =	vst.idx.add.f32.msk $0xffff, v7  }
0x26b: {  	v7 =	vld.idx.msk [tilespmem:v19+s1+$0x0], $0xffff  }
0x26c: {  	v29 =	vadd.s32 $0x5000, v10;
	v16 =	vadd.s32 $0x2800, v20;
	v19 =	vadd.s32 $0x5000, v20;
	v12 =	vld.idx.msk [tilespmem:v12+s1+$0x0], $0xffff  }
0x26d: {  	v6 =	vadd.s32 $0x7800, v6;
	[tilespmem:v8+s21+$0x0] =	vst.idx.add.f32.msk $0xffff, v11;
	v8 =	vadd.s32 $0x2800, v24;
	v11 =	vadd.s32 $0x5000, v24  }
0x26e: {  	v30 =	vadd.s32 $0x7800, v20;
	v31 =	vadd.s32 $0x7800, v24;
	v13 =	vld.idx.msk [tilespmem:v13+s1+$0x0], $0xffff  }
0x26f: {  	[tilespmem:v20+s21+$0x0] =	vst.idx.add.f32.msk $0xffff, v9  }
0x270: {  	v9 =	vld.idx.msk [tilespmem:v17+s1+$0x0], $0xffff  }
0x271: {  	[tilespmem:v29+s21+$0x0] =	vst.idx.add.f32.msk $0xffff, v7  }
0x272: {  	v6 =	vld.idx.msk [tilespmem:v6+s1+$0x0], $0xffff  }
0x273: {  	v7 =	vadd.s32 $0x7800, v10;
	[tilespmem:v24+s21+$0x0] =	vst.idx.add.f32.msk $0xffff, v12  }
0x274: {  	v10 =	vld.idx.msk [tilespmem:v22+s1+$0x0], $0xffff  }
0x275: {  	[tilespmem:v26+s21+$0x0] =	vst.idx.add.f32.msk $0xffff, v13  }
0x276: {  	[tilespmem:v16+s21+$0x0] =	vst.idx.add.f32.msk $0xffff, v9  }
0x277: {  	v9 =	vld.idx.msk [tilespmem:v14+s1+$0x0], $0xffff  }
0x278: {  	[tilespmem:v7+s21+$0x0] =	vst.idx.add.f32.msk $0xffff, v6  }
0x279: {  	v7 =	vld [tilespmem:s18+$0x60]  }
0x27a: {  	[tilespmem:v8+s21+$0x0] =	vst.idx.add.f32.msk $0xffff, v10  }
0x27b: {  	v8 =	vld.idx.msk [tilespmem:v18+s1+$0x0], $0xffff  }
0x27c: {  	v10 =	vld.idx.msk [tilespmem:v23+s1+$0x0], $0xffff  }
0x27d: {  	[tilespmem:v27+s21+$0x0] =	vst.idx.add.f32.msk $0xffff, v9  }
0x27e: {  	v9 =	vld.idx.msk [tilespmem:v15+s1+$0x0], $0xffff  }
0x27f: {  	v12 =	vld [tilespmem:s0+$0x60]  }
0x280: {  	v6 =	vld.idx.msk [tilespmem:v5+s1+$0x0], $0xffff  }
0x281: {  	v5 =	vld.idx.msk [tilespmem:v7+s1+$0x0], $0xffff  }
0x282: {  	[tilespmem:v19+s21+$0x0] =	vst.idx.add.f32.msk $0xffff, v8  }
0x283: {  	v8 =	vadd.s32 $0x2800, v7;
	[tilespmem:v11+s21+$0x0] =	vst.idx.add.f32.msk $0xffff, v10  }
0x284: {  	v10 =	vld.idx.msk [tilespmem:v21+s1+$0x0], $0xffff  }
0x285: {  	v11 =	vld.idx.msk [tilespmem:v25+s1+$0x0], $0xffff  }
0x286: {  	[tilespmem:v28+s21+$0x0] =	vst.idx.add.f32.msk $0xffff, v9  }
0x287: {  	[tilespmem:v12+s21+$0x0] =	vst.idx.add.f32.msk $0xffff, v5  }
0x288: {  	v5 =	vld.idx.msk [tilespmem:v8+s1+$0x0], $0xffff  }
0x289: {  	v9 =	vadd.s32 $0x2800, v12;
	v8 =	vld [tilespmem:s18+$0xFFFFFF20]  }
0x28a: {  	[tilespmem:v30+s21+$0x0] =	vst.idx.add.f32.msk $0xffff, v10;
	v10 =	vadd.s32 $0x5000, v7  }
0x28b: {  	[tilespmem:v31+s21+$0x0] =	vst.idx.add.f32.msk $0xffff, v11  }
0x28c: {  	v11 =	vld [tilespmem:s18+$0xFFFFFF60]  }
0x28d: {  	v13 =	vld [tilespmem:s18+$0x20]  }
0x28e: {  	v14 =	vadd.s32 $0x2800, v8;
	v15 =	vadd.s32 $0x5000, v8;
	v16 =	vadd.s32 $0x7800, v8;
	[tilespmem:v9+s21+$0x0] =	vst.idx.add.f32.msk $0xffff, v5  }
0x28f: {  	v5 =	vld.idx.msk [tilespmem:v10+s1+$0x0], $0xffff  }
0x290: {  	v10 =	vadd.s32 $0x5000, v12;
	v9 =	vld [tilespmem:s0+$0xFFFFFF20]  }
0x291: {  	v7 =	vadd.s32 $0x7800, v7;
	v8 =	vld.idx.msk [tilespmem:v8+s1+$0x0], $0xffff;
	v17 =	vadd.s32 $0x2800, v11;
	v18 =	vadd.s32 $0x5000, v11  }
0x292: {  	v20 =	vadd.s32 $0x7800, v11;
	v19 =	vld [tilespmem:s0+$0xFFFFFF60];
	v21 =	vadd.s32 $0x2800, v13;
	v22 =	vadd.s32 $0x5000, v13  }
0x293: {  	v24 =	vadd.s32 $0x7800, v13;
	v23 =	vld [tilespmem:s0+$0x20]  }
0x294: {  	v11 =	vld.idx.msk [tilespmem:v11+s1+$0x0], $0xffff  }
0x295: {  	v25 =	vadd.s32 $0x2800, v9;
	v26 =	vadd.s32 $0x5000, v9;
	v27 =	vadd.s32 $0x7800, v9;
	[tilespmem:v10+s21+$0x0] =	vst.idx.add.f32.msk $0xffff, v5  }
0x296: {  	v5 =	vld.idx.msk [tilespmem:v7+s1+$0x0], $0xffff  }
0x297: {  	v12 =	vadd.s32 $0x7800, v12;
	v7 =	vadd.s32 $0x2800, v19;
	v10 =	vadd.s32 $0x5000, v19;
	v13 =	vld.idx.msk [tilespmem:v13+s1+$0x0], $0xffff  }
0x298: {  	[tilespmem:v9+s21+$0x0] =	vst.idx.add.f32.msk $0xffff, v8;
	v8 =	vadd.s32 $0x7800, v19;
	v9 =	vadd.s32 $0x2800, v23;
	v28 =	vadd.s32 $0x5000, v23  }
0x299: {  	v29 =	vadd.s32 $0x7800, v23;
	v14 =	vld.idx.msk [tilespmem:v14+s1+$0x0], $0xffff  }
0x29a: {  	[tilespmem:v19+s21+$0x0] =	vst.idx.add.f32.msk $0xffff, v11  }
0x29b: {  	v11 =	vld.idx.msk [tilespmem:v17+s1+$0x0], $0xffff  }
0x29c: {  	[tilespmem:v12+s21+$0x0] =	vst.idx.add.f32.msk $0xffff, v5  }
0x29d: {  	v5 =	vld [tilespmem:s18+$0x70]  }
0x29e: {  	[tilespmem:v23+s21+$0x0] =	vst.idx.add.f32.msk $0xffff, v13  }
0x29f: {  	v12 =	vld.idx.msk [tilespmem:v21+s1+$0x0], $0xffff  }
0x2a0: {  	[tilespmem:v25+s21+$0x0] =	vst.idx.add.f32.msk $0xffff, v14  }
0x2a1: {  	[tilespmem:v7+s21+$0x0] =	vst.idx.add.f32.msk $0xffff, v11  }
0x2a2: {  	v7 =	vld.idx.msk [tilespmem:v15+s1+$0x0], $0xffff  }
0x2a3: {  	v11 =	vld [tilespmem:s0+$0x70]  }
0x2a4: {  	v13 =	vld.idx.msk [tilespmem:v18+s1+$0x0], $0xffff  }
0x2a5: {  	v14 =	vld.idx.msk [tilespmem:v5+s1+$0x0], $0xffff  }
0x2a6: {  	[tilespmem:v9+s21+$0x0] =	vst.idx.add.f32.msk $0xffff, v12  }
0x2a7: {  	v12 =	vadd.s32 $0x2800, v5;
	v9 =	vld.idx.msk [tilespmem:v22+s1+$0x0], $0xffff  }
0x2a8: {  	[tilespmem:v26+s21+$0x0] =	vst.idx.add.f32.msk $0xffff, v7  }
0x2a9: {  	v7 =	vld.idx.msk [tilespmem:v16+s1+$0x0], $0xffff  }
0x2aa: {  	[tilespmem:v10+s21+$0x0] =	vst.idx.add.f32.msk $0xffff, v13  }
0x2ab: {  	[tilespmem:v11+s21+$0x0] =	vst.idx.add.f32.msk $0xffff, v14  }
0x2ac: {  	v10 =	vld.idx.msk [tilespmem:v12+s1+$0x0], $0xffff  }
0x2ad: {  	[tilespmem:v28+s21+$0x0] =	vst.idx.add.f32.msk $0xffff, v9;
	v9 =	vadd.s32 $0x2800, v11  }
0x2ae: {  	v13 =	vadd.s32 $0x5000, v5;
	v12 =	vld.idx.msk [tilespmem:v20+s1+$0x0], $0xffff  }
0x2af: {  	v14 =	vld.idx.msk [tilespmem:v24+s1+$0x0], $0xffff  }
0x2b0: {  	[tilespmem:v27+s21+$0x0] =	vst.idx.add.f32.msk $0xffff, v7  }
0x2b1: {  	v15 =	vld [tilespmem:s18+$0xFFFFFF30]  }
0x2b2: {  	[tilespmem:v9+s21+$0x0] =	vst.idx.add.f32.msk $0xffff, v10  }
0x2b3: {  	v9 =	vld.idx.msk [tilespmem:v13+s1+$0x0], $0xffff  }
0x2b4: {  	[tilespmem:v8+s21+$0x0] =	vst.idx.add.f32.msk $0xffff, v12;
	v8 =	vadd.s32 $0x5000, v11  }
0x2b5: {  	v5 =	vadd.s32 $0x7800, v5;
	[tilespmem:v29+s21+$0x0] =	vst.idx.add.f32.msk $0xffff, v14  }
0x2b6: {  	v10 =	vadd.s32 $0x2800, v15;
	v12 =	vadd.s32 $0x5000, v15;
	v7 =	vadd.s32 $0x7800, v15;
	v13 =	vld [tilespmem:s18+$0xFFFFFF70]  }
0x2b7: {  	v14 =	vld [tilespmem:s18+$0x30]  }
0x2b8: {  	v16 =	vld [tilespmem:s0+$0xFFFFFF30]  }
0x2b9: {  	[tilespmem:v8+s21+$0x0] =	vst.idx.add.f32.msk $0xffff, v9  }
0x2ba: {  	v9 =	vld.idx.msk [tilespmem:v5+s1+$0x0], $0xffff  }
0x2bb: {  	v11 =	vadd.s32 $0x7800, v11;
	v15 =	vld.idx.msk [tilespmem:v15+s1+$0x0], $0xffff;
	v17 =	vadd.s32 $0x2800, v13;
	v18 =	vadd.s32 $0x5000, v13  }
0x2bc: {  	v8 =	vadd.s32 $0x7800, v13;
	v19 =	vld [tilespmem:s0+$0xFFFFFF70];
	v20 =	vadd.s32 $0x2800, v14;
	v21 =	vadd.s32 $0x5000, v14  }
0x2bd: {  	v5 =	vadd.s32 $0x7800, v14;
	v22 =	vadd.s32 $0x2800, v16;
	v23 =	vadd.s32 $0x5000, v16;
	v24 =	vld [tilespmem:s0+$0x30]  }
0x2be: {  	v25 =	vadd.s32 $0x7800, v16;
	v13 =	vld.idx.msk [tilespmem:v13+s1+$0x0], $0xffff  }
0x2bf: {  	v14 =	vld.idx.msk [tilespmem:v14+s1+$0x0], $0xffff  }
0x2c0: {  	[tilespmem:v11+s21+$0x0] =	vst.idx.add.f32.msk $0xffff, v9  }
0x2c1: {  	[tilespmem:v16+s21+$0x0] =	vst.idx.add.f32.msk $0xffff, v15;
	v11 =	vadd.s32 $0x2800, v19;
	v9 =	vadd.s32 $0x5000, v19;
	v15 =	vadd.s32 $0x7800, v19  }
0x2c2: {  	v16 =	vld.idx.msk [tilespmem:v10+s1+$0x0], $0xffff;
	v26 =	vadd.s32 $0x2800, v24;
	v10 =	vadd.s32 $0x5000, v24;
	v27 =	vadd.s32 $0x7800, v24  }
0x2c3: {  	[tilespmem:v0+s21+$0x0] =	vst.idx.add.f32.msk $0xffff, v4;
	v0 =	vmov v25  }
0x2c4: {  	[tilespmem:v19+s21+$0x0] =	vst.idx.add.f32.msk $0xffff, v13  }
0x2c5: {  	[tilespmem:v24+s21+$0x0] =	vst.idx.add.f32.msk $0xffff, v14  }
0x2c6: {  	v4 =	vld.idx.msk [tilespmem:v17+s1+$0x0], $0xffff  }
0x2c7: {  	v13 =	vld.idx.msk [tilespmem:v20+s1+$0x0], $0xffff  }
0x2c8: {  	[tilespmem:v22+s21+$0x0] =	vst.idx.add.f32.msk $0xffff, v16  }
0x2c9: {  	v12 =	vld.idx.msk [tilespmem:v12+s1+$0x0], $0xffff  }
0x2ca: {  	[tilespmem:v1+s21+$0x0] =	vst.idx.add.f32.msk $0xffff, v3;
	v1 =	vmov v15  }
0x2cb: {  	[tilespmem:v2+s21+$0x0] =	vst.idx.add.f32.msk $0xffff, v6;
	v2 =	vmov v27  }
.Ltmp5:
0x2cc: {  	[tilespmem:v11+s21+$0x0] =	vst.idx.add.f32.msk $0xffff, v4;
	(pc) =	sbr.rel @p0 .LBB2_13-.Ltmp5, $4  }
0x2cd: {  	[tilespmem:v26+s21+$0x0] =	vst.idx.add.f32.msk $0xffff, v13  }
0x2ce: {  	v3 =	vld.idx.msk [tilespmem:v18+s1+$0x0], $0xffff  }
0x2cf: {  	v4 =	vld.idx.msk [tilespmem:v21+s1+$0x0], $0xffff  }
0x2d0: {  	s18 =	sadd.s32 $0x200, s18;
	[tilespmem:v23+s21+$0x0] =	vst.idx.add.f32.msk $0xffff, v12  }
0x2d1: {  	_ =	sdelay $0x3  }
0x2d2: {  	v62 =	vld.idx.msk [tilespmem:v7+s1+$0x0], $0xffff  }
0x2d3: {  	[tilespmem:v9+s21+$0x0] =	vst.idx.add.f32.msk $0xffff, v3  }
0x2d4: {  	[tilespmem:v10+s21+$0x0] =	vst.idx.add.f32.msk $0xffff, v4  }
0x2d5: {  	s31 =	sadd.s32 $0x1, s31;
	v63 =	vld.idx.msk [tilespmem:v8+s1+$0x0], $0xffff  }
0x2d6: {  	p0 =	sne.s32 s31, $0x19;
	v5 =	vld.idx.msk [tilespmem:v5+s1+$0x0], $0xffff  }
.Ltmp6:
0x2d7: {  	_ = 	snop;
	(pc) =	sbr.rel @p0 .LBB2_2-.Ltmp6, $4  }
0x2d8: {  	_ = 	snop  }
0x2d9: {  	[tilespmem:v0+s21+$0x0] =	vst.idx.add.f32.msk $0xffff, v62  }
0x2da: {  	[tilespmem:v1+s21+$0x0] =	vst.idx.add.f32.msk $0xffff, v63  }
0x2db: {  	[tilespmem:v2+s21+$0x0] =	vst.idx.add.f32.msk $0xffff, v5  }
0x2dc: {  	[hbm4b:s10+s15] =	stream.strided.scatter [tilespmem:s21], [sflag:$0x5], $0x2800, s16, s15, $0x38;
	[tilespmem:$0x1A400] =	vst v63  }
0x2dd: {  	_ =	swait.ge [sflag:s17], $0x2800  }
0x2de: {  	[sflag:s17] =	ssyncset.done $0x0  }
0x2df: {  	s0 =	simm.s32 $0xC800;
	[sflag:s17] =	ssyncadd.s32 $0xFFFFD800  }
0x2e0: {  	[hbm4b:s11+s15] =	stream.strided.scatter [tilespmem:s0], [sflag:$0x5], $0x2800, s16, s15, $0x38;
	[tilespmem:$0x1A400] =	vst v63  }
0x2e1: {  	_ =	swait.ge [sflag:s17], $0x2800  }
0x2e2: {  	[sflag:s17] =	ssyncset.done $0x0  }
0x2e3: {  	[sflag:s17] =	ssyncadd.s32 $0xFFFFD800  }
0x2e4: {  	[hbm4b:s12+s15] =	stream.strided.scatter [tilespmem:s28], [sflag:$0x5], $0x2800, s16, s15, $0x38;
	[tilespmem:$0x1A400] =	vst v63  }
0x2e5: {  	s30 =	sadd.s32 $0x1, s30;
	_ =	swait.ge [sflag:s17], $0x2800  }
0x2e6: {  	p0 =	sne.s32 s30, s14;
	[sflag:s17] =	ssyncset.done $0x0  }
.Ltmp7:
0x2e7: {  	[sflag:s17] =	ssyncadd.s32 $0xFFFFD800;
	(pc) =	sbr.rel @p0 .LBB2_1-.Ltmp7, $4  }
0x2e8: {  	[hbm4b:s13+s15] =	stream.strided.scatter [tilespmem:s29], [sflag:$0x5], $0x2800, s16, s15, $0x38;
	[tilespmem:$0x1A400] =	vst v63  }
0x2e9: {  	_ =	swait.ge [sflag:s17], $0x2800  }
0x2ea: {  	[sflag:s17] =	ssyncset.done $0x0  }
0x2eb: {  	[sflag:s17] =	ssyncadd.s32 $0xFFFFD800  }
0x2ec: {  	_ =	sfence.sel $0x180000  }
0x2ed: {  	[bflag:$0x0] =	sbarrier.arrive $0xFFFF  }
0x2ee: {  	_ =	strace $0x9000004A  }
0x2ef: {  	s0 =	stileid.u32;
	[bflag:$0x2] =	sbarrier.arrive $0xFFFF  }
0x2f0: {  	p0 =	sne.s32 s0, $0x0;
	s0 =	rddreg [dreg:$0x2]  }
0x2f1: {  	s0 =	sadd.s32 @!p0 $0x100000, s0  }
0x2f2: {  	[sflag:s0] =	ssyncadd.tile.s32 @!p0 $0x1;
	_ =	shalt  }
.Lfunc_end2:
_tile_overlayer_lowered:
.L_overlay_start_2:
0x2f3: {  	(tag) =	ssettag $0x2  }
0x2f4: {  	s0 =	rddreg [dreg:$0x0];
	s2 =	stileid.u32  }
0x2f5: {  	s1 =	rddreg [dreg:$0x1];
	p0 =	sne.s32 s2, $0x0  }
0x2f6: {  	s3 =	rddreg [dreg:$0x2];
	[bflag:$0x3] =	sbarrier.arrive $0xFFFF;
	s2 =	simm.s32 @!p0 $0x1C05  }
0x2f7: {  	[timem:s3], [sflag:s2] =	dma.local @!p0 [hbm:s0], s1  }
0x2f8: {  	s0 =	simm.s32 @!p0 $0x5  }
0x2f9: {  	_ =	swait.ge @!p0 [sflag:s0], s1  }
0x2fa: {  	s1 =	ssub.s32 @!p0 $0x0, s1;
	[sflag:s0] =	ssyncset.done @!p0 $0x0  }
0x2fb: {  	[sflag:s0] =	ssyncadd.s32 @!p0 s1  }
0x2fc: {  	[bflag:$0x3] =	sbarrier.arrive $0xFFFF  }
0x2fd: {  	_ =	shalt  }

</sc_bundles>
